<compile_context>
chip_gen: v7x
topology: tpu7x:2x2x1
jax: 0.10.2.dev20260603
libtpu: 0.0.44.dev20260713+nightly
codegen_flags: <defaults>
</compile_context>

<pallas_src>
import functools

import jax
import jax.numpy as jnp
from jax import lax
from jax.experimental import pallas as pl
from jax.experimental.pallas import tpu as pltpu
from jax.experimental.pallas import tpu_sc as plsc

_B, _S, _D = 2, 2048, 64
_K_MAX = 64
_NT = 32
_QPT = _S // _NT
_NB = 1 << 15
_BM = _NB - 1
_NB2 = 1 << 14
_BM2 = _NB2 - 1
_NCHUNK = _S // 16



def _sig_block(q_ref, k_ref, w0_ref, w1_ref, qsig, ksig):
    w0 = w0_ref[...]
    w1 = w1_ref[...]
    lane = lax.broadcasted_iota(jnp.int32, (_D, 4), 0)
    grp = lax.broadcasted_iota(jnp.int32, (_D, 4), 1)
    sel = (lane // 16) == grp
    pows = jnp.where(sel, (1 << jnp.mod(lane, 16)).astype(jnp.float32), 0.0)

    def sigs(x):
        proj0 = lax.dot_general(x[:, :32], w0, (((1,), (0,)), ((), ())))
        proj1 = lax.dot_general(x[:, 32:], w1, (((1,), (0,)), ((), ())))
        bits = (x > 0).astype(jnp.float32)
        halves = lax.dot_general(bits, pows, (((1,), (0,)), ((), ())))
        m = jnp.concatenate([proj0, proj1, halves], axis=1)
        mt = jnp.transpose(m)
        h = jnp.mod(jnp.floor(mt[:8] / 4.0), 32.0).astype(jnp.int32)
        hv = mt[8:].astype(jnp.int32)
        c0 = hv[0:1] | (hv[1:2] << 16)
        c1 = hv[2:3] | (hv[3:4] << 16)
        return jnp.concatenate([h, c0, c1], axis=0)

    for b in range(_B):
        qsig[b] = sigs(q_ref[b])
        ksig[b] = sigs(k_ref[b])


def _signatures(query_up, key_up, W0, W1):
    sig_sd = jax.ShapeDtypeStruct((_B, 10, _S), jnp.int32)
    return pl.pallas_call(
        _sig_block,
        out_shape=[sig_sd, sig_sd],
    )(query_up, key_up, W0, W1)



def _splat(i):
    return jnp.full((16,), i, jnp.int32)


def _sread(ref, *idx):
    return plsc.load_gather(ref, [_splat(i) for i in idx])[0]


def _sc_join(qsig, ksig, query_up, key_up):
    mesh = plsc.VectorSubcoreMesh(core_axis_name="c", subcore_axis_name="s")

    @functools.partial(
        pl.kernel,
        mesh=mesh,
        compiler_params=pltpu.CompilerParams(needs_layout_passes=False),
        out_type=jax.ShapeDtypeStruct((_B, _S, _K_MAX), jnp.int32),
        scratch_types=[
            pltpu.VMEM((_NB,), jnp.int32),
            pltpu.VMEM((_NB2,), jnp.int32),
            pltpu.VMEM((2, _S), jnp.int32),
            pltpu.VMEM((10, 2 * _QPT), jnp.int32),
            pltpu.VMEM((10, 2 * _QPT), jnp.int32),
            pltpu.VMEM((8, 128), jnp.int32),
            pltpu.VMEM((1, _D), jnp.float32),
            pltpu.VMEM((1, _D), jnp.float32),
            pltpu.VMEM((_QPT, _K_MAX), jnp.float32),
            pltpu.VMEM((_QPT, _K_MAX), jnp.float32),
            pltpu.VMEM((_QPT, _K_MAX), jnp.int32),
            pltpu.VMEM((_QPT, _K_MAX), jnp.int32),
            pltpu.VMEM((_QPT,), jnp.int32),
            pltpu.SemaphoreType.DMA,
            pltpu.SemaphoreType.DMA,
            pltpu.SemaphoreType.DMA,
        ],
    )
    def join(qsig_h, ksig_h, q_h, k_h, out_h,
             pres, pres2, kv, qv0, qv1, khwin, qrow, krow,
             lsc0, lsc1, lidx0, lidx1, lcnt,
             semk, semq, semo):
        wid = lax.axis_index("s") * 2 + lax.axis_index("c")
        base = wid * _QPT
        abase = (wid // 2) * (2 * _QPT)
        qoff = (wid % 2) * _QPT
        zeros16 = jnp.zeros((16,), jnp.int32)
        lane0 = lax.broadcasted_iota(jnp.int32, (16,), 0) == 0

        qvs = (qv0, qv1)
        lscs = (lsc0, lsc1)
        lidxs = (lidx0, lidx1)

        def swrite(ref, val, *idx):
            plsc.store_scatter(ref, [_splat(i) for i in idx],
                               jnp.full((16,), val), mask=lane0)

        def insert(lsc, lidx, qi, kk, sc, cnt):
            def pcond(p):
                pm = jnp.minimum(p, _K_MAX - 1)
                sp = _sread(lsc, qi, pm)
                ip = _sread(lidx, qi, pm)
                return (p < cnt) & ((sp > sc) | ((sp == sc) & (ip < kk)))

            pos = lax.while_loop(pcond, lambda p: p + 1, jnp.int32(0))

            @pl.when(pos < _K_MAX)
            def _():
                end = jnp.minimum(cnt, _K_MAX - 1)

                def sbody(j):
                    swrite(lsc, _sread(lsc, qi, j - 1), qi, j)
                    swrite(lidx, _sread(lidx, qi, j - 1), qi, j)
                    return j - 1

                lax.while_loop(lambda j: j > pos, sbody, end)
                swrite(lsc, sc, qi, pos)
                swrite(lidx, kk, qi, pos)
                swrite(lcnt, jnp.minimum(cnt + 1, _K_MAX), qi)

        def scan_keys(b, g, qi, qcode_s):
            qv = qvs[b]
            lsc, lidx = lscs[b], lidxs[b]
            qsp = _splat(qcode_s)
            qh = [_splat(_sread(qv, 4 * g + h, qoff + qi)) for h in range(4)]

            def process_chunk(ci):
                o = ci * 16
                ao = pl.multiple_of((ci // 8) * 128, 128)
                off = (ci % 8) * 16
                pltpu.sync_copy(
                    ksig_h.at[b, pl.ds(0, 8), pl.ds(ao, 128)], khwin)
                code_eq = kv[g, pl.ds(o, 16)] == qsp
                hm = ((khwin[4 * g, pl.ds(off, 16)] == qh[0])
                      | (khwin[4 * g + 1, pl.ds(off, 16)] == qh[1])
                      | (khwin[4 * g + 2, pl.ds(off, 16)] == qh[2])
                      | (khwin[4 * g + 3, pl.ds(off, 16)] == qh[3]))
                cand = code_eq & hm

                @pl.when(jnp.max(jnp.where(cand, 1, 0)) > 0)
                def _():
                    def perk(j, _):
                        kk = o + j
                        ceq = _sread(kv, g, kk) == qcode_s
                        hms = ((_sread(khwin, 4 * g, off + j) == qh[0][0])
                               | (_sread(khwin, 4 * g + 1, off + j)
                                  == qh[1][0])
                               | (_sread(khwin, 4 * g + 2, off + j)
                                  == qh[2][0])
                               | (_sread(khwin, 4 * g + 3, off + j)
                                  == qh[3][0]))

                        @pl.when(ceq & hms)
                        def _():
                            cnt = _sread(lcnt, qi)
                            lane = lax.broadcasted_iota(jnp.int32, (16,), 0)
                            dup = jnp.int32(0)
                            for cc in range(_K_MAX // 16):
                                row = lidx[qi, pl.ds(cc * 16, 16)]
                                valid = (cc * 16 + lane) < _splat(cnt)
                                dup = dup | jnp.max(jnp.where(
                                    (row == kk) & valid, 1, 0))

                            @pl.when(dup == 0)
                            def _():
                                pltpu.sync_copy(
                                    k_h.at[b, pl.ds(kk, 1), :], krow)
                                pltpu.sync_copy(
                                    q_h.at[b, pl.ds(base + qi, 1), :], qrow)
                                sc = jnp.float32(0.0)
                                for r in range(_D // 16):
                                    sc = sc + jnp.sum(
                                        qrow[0, pl.ds(r * 16, 16)]
                                        * krow[0, pl.ds(r * 16, 16)])
                                insert(lsc, lidx, qi, kk, sc, cnt)

                        return 0

                    lax.fori_loop(0, 16, perk, 0)

            def next_match(start):
                @plsc.parallel_loop(start, _NCHUNK, carry=jnp.int32(_NCHUNK),
                                    unroll=4)
                def first(ci, acc):
                    eq = kv[g, pl.ds(ci * 16, 16)] == qsp
                    hit = jnp.max(jnp.where(eq, 1, 0))
                    return jnp.minimum(acc, jnp.where(hit > 0, ci, _NCHUNK))

                return first

            def wbody(start):
                f = next_match(start)

                @pl.when(f < _NCHUNK)
                def _():
                    process_chunk(f)

                return jnp.where(f < _NCHUNK, f + 1, jnp.int32(_NCHUNK))

            lax.while_loop(lambda s: s < _NCHUNK, wbody, jnp.int32(0))

        wk = pltpu.async_copy(ksig_h.at[0, pl.ds(8, 2)], kv, semk)
        wq = [pltpu.async_copy(qsig_h.at[b, :, pl.ds(abase, 2 * _QPT)],
                               qvs[b], semq)
              for b in range(_B)]

        @plsc.parallel_loop(0, _NB, step=16, unroll=8)
        def _(i):
            pres[pl.ds(i, 16)] = zeros16

        @plsc.parallel_loop(0, _NB2, step=16, unroll=8)
        def _(i):
            pres2[pl.ds(i, 16)] = zeros16

        wq[0].wait()
        wq[1].wait()

        out_waits = []
        for b in range(_B):
            qv = qvs[b]
            lsc, lidx = lscs[b], lidxs[b]

            for c in range(_QPT // 16):
                lcnt[pl.ds(c * 16, 16)] = zeros16
            wk.wait()

            def per_group(g, _, b=b, kv=kv, qv=qv):
                epoch = _splat(1 + 2 * b + g)

                @plsc.parallel_loop(0, _S, step=16, unroll=8)
                def _(ci):
                    ch = kv[g, pl.ds(ci, 16)]
                    plsc.store_scatter(pres, [ch & _BM], epoch)
                    h2 = lax.shift_right_logical(ch, 18) & _BM2
                    plsc.store_scatter(pres2, [h2], epoch)

                def per_qc(qc, _):
                    qcodes = qv[8 + g, pl.ds(qoff + qc * 16, 16)]
                    hits = plsc.load_gather(pres, [qcodes & _BM])
                    h2 = lax.shift_right_logical(qcodes, 18) & _BM2
                    hits2 = plsc.load_gather(pres2, [h2])
                    both = (hits == epoch) & (hits2 == epoch)

                    @pl.when(jnp.max(jnp.where(both, 1, 0)) > 0)
                    def _():
                        def perq(l, _):
                            qi = qc * 16 + l
                            qcode_s = _sread(qv, 8 + g, qoff + qi)
                            hit1 = _sread(pres, qcode_s & _BM) == epoch[0]
                            h2s = lax.shift_right_logical(
                                qcode_s, 18) & _BM2
                            hit2 = _sread(pres2, h2s) == epoch[0]

                            @pl.when(hit1 & hit2)
                            def _():
                                scan_keys(b, g, qi, qcode_s)

                            return 0

                        lax.fori_loop(0, 16, perq, 0)

                    return 0

                lax.fori_loop(0, _QPT // 16, per_qc, 0)
                return 0

            lax.fori_loop(0, 2, per_group, 0)

            if b == 0:
                wk = pltpu.async_copy(ksig_h.at[1, pl.ds(8, 2)], kv, semk)

            lane = lax.broadcasted_iota(jnp.int32, (16,), 0)

            @plsc.parallel_loop(0, _QPT, unroll=2)
            def _(r):
                cnt = _splat(_sread(lcnt, r))
                for c in range(_K_MAX // 16):
                    sv = lsc[r, pl.ds(c * 16, 16)]
                    iv = lidx[r, pl.ds(c * 16, 16)]
                    keep = ((c * 16 + lane) < cnt) & (
                        sv > jnp.float32(-1e8))
                    lidx[r, pl.ds(c * 16, 16)] = jnp.where(keep, iv, -1)
            out_waits.append(pltpu.async_copy(
                lidx, out_h.at[b, pl.ds(base, _QPT), :], semo))

        for w in out_waits:
            w.wait()

    return join(qsig, ksig, query_up, key_up)


def kernel(query_up, key_up, W0, W1, head_idx=0):
    qsig, ksig = _signatures(query_up, key_up, W0, W1)
    return _sc_join(qsig, ksig, query_up, key_up)

# --- scband reference (transcript-rebuilt; emitter-appended) ---
"""Pipeline reference for scband-candidate-finder-33294586479004 (READ-ONLY COPY).

The authoritative reference and input builder live on the scoring server;
editing this copy changes nothing except your own understanding.
"""

import jax, jax.numpy as jnp
import numpy as np

B, S, D = 2, 2048, 64
GROUPS = [(0, 32), (32, 64)]
K_MAX = 64
LSH_BUCKETS = 32
LSH_BANDWIDTH = 4.0
N_HASHES = 4
PREFIX_LEN = 3


def setup_inputs(seed: int = 0) -> dict:
    key = jax.random.key(seed)
    k1, k2, k3, k4 = jax.random.split(key, 4)
    query_up = jax.random.normal(k1, (B, S, D), dtype=jnp.float32)
    key_up = jax.random.normal(k2, (B, S, D), dtype=jnp.float32)
    # LSH random projection weights, one table per dim group (n_lsh_hashes projections each)
    W0 = jax.random.normal(k3, (32, N_HASHES), dtype=jnp.float32)
    W1 = jax.random.normal(k4, (32, N_HASHES), dtype=jnp.float32)
    return {"query_up": query_up, "key_up": key_up, "W0": W0, "W1": W1, "head_idx": 0}


def _lsh_hash(x, W):
    # multi-hash LSH: floor(x @ W / bandwidth) mod buckets -> [B, S, n_hashes]
    return jnp.mod(jnp.floor(jnp.einsum('bsd,dh->bsh', x, W) / LSH_BANDWIDTH), LSH_BUCKETS).astype(jnp.int32)


def _pack_bits(b):
    # pack binary vector (last axis, <=62 bits) into a single int64 code
    nbits = b.shape[-1]
    pows = (2 ** jnp.arange(nbits, dtype=jnp.int32))
    return jnp.sum(b.astype(jnp.int32) * pows, axis=-1).astype(jnp.int64)


def reference(query_up, key_up, W0, W1, head_idx=0):
    Ws = [W0, W1]
    mask = jnp.zeros((B, S, S), dtype=bool)
    for gi, (s, e) in enumerate(GROUPS):
        qg = query_up[:, :, s:e]
        kg = key_up[:, :, s:e]
        # LSH matching: any of the n_lsh_hashes hash values equal
        qh = _lsh_hash(qg, Ws[gi])
        kh = _lsh_hash(kg, Ws[gi])
        lsh_match = (qh[:, :, None, :] == kh[:, None, :, :]).any(axis=-1)
        # binary quantize (x > 0)
        qb = (qg > 0)
        kb = (kg > 0)
        # Wu-Manber: prefix (first wu_manber_prefix_len bits) match
        q_pref = _pack_bits(qb[:, :, :PREFIX_LEN])
        k_pref = _pack_bits(kb[:, :, :PREFIX_LEN])
        wm_match = (q_pref[:, :, None] == k_pref[:, None, :])
        # Trie (stride-chunked full binary code) match == exact binary code equality
        q_code_lo = _pack_bits(qb[:, :, :16])
        q_code_hi = _pack_bits(qb[:, :, 16:])
        k_code_lo = _pack_bits(kb[:, :, :16])
        k_code_hi = _pack_bits(kb[:, :, 16:])
        trie_match = (q_code_lo[:, :, None] == k_code_lo[:, None, :]) & (q_code_hi[:, :, None] == k_code_hi[:, None, :])
        # candidates for this dim group = LSH AND Wu-Manber AND Trie; merge (union) across groups
        mask = mask | (lsh_match & wm_match & trie_match)
    # select_top_k_candidates: similarity = k . q, keep top k_max among candidates
    scores = jnp.einsum('bqd,bkd->bqk', query_up, key_up)
    masked = jnp.where(mask, scores, jnp.float32(-1e9))
    vals, idx = jax.lax.top_k(masked, K_MAX)
    candidates = jnp.where(vals > -1e8, idx, -1)
    return candidates

if __name__ == "__main__":
    import jax
    _d = setup_inputs()
    print(jax.jit(kernel)(*tuple(_d.values())))

</pallas_src>

<mosaic_0001>
#map = affine_map<(d0, d1) -> (0, 0, 0)>
module attributes {stable_mosaic.version = 14 : i64} {
  func.func @join(%arg0: i32, %arg1: i32, %arg2: memref<2x10x2048xi32, #tpu.memory_space<hbm>>, %arg3: memref<2x10x2048xi32, #tpu.memory_space<hbm>>, %arg4: memref<2x2048x64xf32, #tpu.memory_space<hbm>>, %arg5: memref<2x2048x64xf32, #tpu.memory_space<hbm>>, %arg6: memref<2x2048x64xi32, #tpu.memory_space<hbm>>, %arg7: memref<32768xi32, #tpu.memory_space<vmem>>, %arg8: memref<16384xi32, #tpu.memory_space<vmem>>, %arg9: memref<2x2048xi32, #tpu.memory_space<vmem>>, %arg10: memref<10x128xi32, #tpu.memory_space<vmem>>, %arg11: memref<10x128xi32, #tpu.memory_space<vmem>>, %arg12: memref<8x128xi32, #tpu.memory_space<vmem>>, %arg13: memref<1x64xf32, #tpu.memory_space<vmem>>, %arg14: memref<1x64xf32, #tpu.memory_space<vmem>>, %arg15: memref<64x64xf32, #tpu.memory_space<vmem>>, %arg16: memref<64x64xf32, #tpu.memory_space<vmem>>, %arg17: memref<64x64xi32, #tpu.memory_space<vmem>>, %arg18: memref<64x64xi32, #tpu.memory_space<vmem>>, %arg19: memref<64xi32, #tpu.memory_space<vmem>>, %arg20: memref<!tpu.dma_semaphore, #tpu.memory_space<semaphore_mem>>, %arg21: memref<!tpu.dma_semaphore, #tpu.memory_space<semaphore_mem>>, %arg22: memref<!tpu.dma_semaphore, #tpu.memory_space<semaphore_mem>>) attributes {dimension_semantics = [#tpu.dimension_semantics<core_parallel>, #tpu.dimension_semantics<subcore_parallel>], iteration_bounds = array<i64: 2, 16>, scalar_prefetch = 0 : i64, scratch_operands = 16 : i64, tpu.core_type = #tpu.core_type<sc_vector_subcore>, window_params = [{transform_indices = #map}, {transform_indices = #map}, {transform_indices = #map}, {transform_indices = #map}, {transform_indices = #map}]} {
    %mul3A = arith.constant 2 : i32
    %mul3A_0 = arith.muli %arg1, %mul3A : i32
    %add3A = arith.addi %mul3A_0, %arg0 : i32
    %mul3A_1 = arith.constant 64 : i32
    %mul3A_2 = arith.muli %add3A, %mul3A_1 : i32
    %jit3A = arith.constant 2 : i32
    %div3A = arith.divsi %add3A, %jit3A : i32
    %sign3A = arith.constant 0 : i32
    %sign3A_3 = arith.cmpi sgt, %add3A, %sign3A : i32
    %sign3A_4 = arith.extui %sign3A_3 : i1 to i32
    %sign3A_5 = arith.constant 0 : i32
    %sign3A_6 = arith.cmpi slt, %add3A, %sign3A_5 : i32
    %sign3A_7 = arith.extui %sign3A_6 : i1 to i32
    %sign3A_8 = arith.subi %sign3A_4, %sign3A_7 : i32
    %sign3A_9 = arith.constant 0 : i32
    %sign3A_10 = arith.cmpi sgt, %jit3A, %sign3A_9 : i32
    %sign3A_11 = arith.extui %sign3A_10 : i1 to i32
    %sign3A_12 = arith.constant 0 : i32
    %sign3A_13 = arith.cmpi slt, %jit3A, %sign3A_12 : i32
    %sign3A_14 = arith.extui %sign3A_13 : i1 to i32
    %sign3A_15 = arith.subi %sign3A_11, %sign3A_14 : i32
    %ne3A = arith.cmpi ne, %sign3A_8, %sign3A_15 : i32
    %rem3A = arith.remsi %add3A, %jit3A : i32
    %ne3A_16 = arith.constant 0 : i32
    %ne3A_17 = arith.cmpi ne, %rem3A, %ne3A_16 : i32
    %and3A = arith.andi %ne3A, %ne3A_17 : i1
    %sub3A = arith.constant 1 : i32
    %sub3A_18 = arith.subi %div3A, %sub3A : i32
    %select_n3A = arith.select %and3A, %sub3A_18, %div3A : i32
    %mul3A_19 = arith.constant 128 : i32
    %mul3A_20 = arith.muli %select_n3A, %mul3A_19 : i32
    %jit3A_21 = arith.constant 2 : i32
    %eq3A = arith.constant 0 : i32
    %eq3A_22 = arith.cmpi eq, %jit3A_21, %eq3A : i32
    %jit3A_23 = arith.constant 1 : i32
    %select_n3A_24 = arith.select %eq3A_22, %jit3A_23, %jit3A_21 : i32
    %rem3A_25 = arith.remsi %add3A, %select_n3A_24 : i32
    %ne3A_26 = arith.constant 0 : i32
    %ne3A_27 = arith.cmpi ne, %rem3A_25, %ne3A_26 : i32
    %lt3A = arith.constant 0 : i32
    %lt3A_28 = arith.cmpi slt, %rem3A_25, %lt3A : i32
    %lt3A_29 = arith.constant 0 : i32
    %lt3A_30 = arith.cmpi slt, %select_n3A_24, %lt3A_29 : i32
    %ne3A_31 = arith.xori %lt3A_28, %lt3A_30 : i1
    %and3A_32 = arith.andi %ne3A_31, %ne3A_27 : i1
    %add3A_33 = arith.addi %rem3A_25, %select_n3A_24 : i32
    %select_n3A_34 = arith.select %and3A_32, %add3A_33, %rem3A_25 : i32
    %mul3A_35 = arith.constant 64 : i32
    %mul3A_36 = arith.muli %select_n3A_34, %mul3A_35 : i32
    %broadcast_in_dim3A = arith.constant 0 : i32
    %broadcast_in_dim3A_37 = vector.broadcast %broadcast_in_dim3A : i32 to vector<16xi32>
    %iota3A = tpu.iota {dimensions = array<i32: 0>} : vector<16xi32>
    %eq3A_38 = arith.constant 0 : i32
    %eq3A_39 = vector.broadcast %eq3A_38 : i32 to vector<16xi32>
    %eq3A_40 = arith.cmpi eq, %iota3A, %eq3A_39 : vector<16xi32>
    %dma_start3A = arith.constant 0 : i32
    %dma_start3A_41 = arith.constant 8 : i32
    %dma_start3A_42 = arith.constant 0 : i32
    %dma_start3A_43 = tpu.memref_slice %arg3[%dma_start3A, %dma_start3A_41, %dma_start3A_42] : memref<2x10x2048xi32, #tpu.memory_space<hbm>> -> memref<1x2x2048xi32, #tpu.memory_space<hbm>>
    %dma_start3A_44 = tpu.memref_squeeze %dma_start3A_43 : memref<1x2x2048xi32, #tpu.memory_space<hbm>> -> memref<2x2048xi32, #tpu.memory_space<hbm>>
    %dma_start3A_45 = arith.constant 8 : i32
    %dma_start3A_46 = arith.constant 0 : i32
    %dma_start3A_47 = tpu.memref_slice %arg3[%dma_start3A, %dma_start3A_45, %dma_start3A_46] : memref<2x10x2048xi32, #tpu.memory_space<hbm>> -> memref<1x2x2048xi32, #tpu.memory_space<hbm>>
    %dma_start3A_48 = tpu.memref_squeeze %dma_start3A_47 : memref<1x2x2048xi32, #tpu.memory_space<hbm>> -> memref<2x2048xi32, #tpu.memory_space<hbm>>
    tpu.enqueue_dma source(%dma_start3A_48 : memref<2x2048xi32, #tpu.memory_space<hbm>>) target(%arg9 : memref<2x2048xi32, #tpu.memory_space<vmem>>) target_semaphore(%arg20 : memref<!tpu.dma_semaphore, #tpu.memory_space<semaphore_mem>>)
    %dma_start3A_49 = arith.constant 0 : i32
    %dma_start3A_50 = arith.constant 0 : i32
    %dma_start3A_51 = tpu.memref_slice %arg2[%dma_start3A_49, %dma_start3A_50, %mul3A_20] : memref<2x10x2048xi32, #tpu.memory_space<hbm>> -> memref<1x10x128xi32, #tpu.memory_space<hbm>>
    %dma_start3A_52 = tpu.memref_squeeze %dma_start3A_51 : memref<1x10x128xi32, #tpu.memory_space<hbm>> -> memref<10x128xi32, #tpu.memory_space<hbm>>
    %dma_start3A_53 = arith.constant 0 : i32
    %dma_start3A_54 = tpu.memref_slice %arg2[%dma_start3A_49, %dma_start3A_53, %mul3A_20] : memref<2x10x2048xi32, #tpu.memory_space<hbm>> -> memref<1x10x128xi32, #tpu.memory_space<hbm>>
    %dma_start3A_55 = tpu.memref_squeeze %dma_start3A_54 : memref<1x10x128xi32, #tpu.memory_space<hbm>> -> memref<10x128xi32, #tpu.memory_space<hbm>>
    tpu.enqueue_dma source(%dma_start3A_55 : memref<10x128xi32, #tpu.memory_space<hbm>>) target(%arg10 : memref<10x128xi32, #tpu.memory_space<vmem>>) target_semaphore(%arg21 : memref<!tpu.dma_semaphore, #tpu.memory_space<semaphore_mem>>)
    %dma_start3A_56 = arith.constant 1 : i32
    %dma_start3A_57 = arith.constant 0 : i32
    %dma_start3A_58 = tpu.memref_slice %arg2[%dma_start3A_56, %dma_start3A_57, %mul3A_20] : memref<2x10x2048xi32, #tpu.memory_space<hbm>> -> memref<1x10x128xi32, #tpu.memory_space<hbm>>
    %dma_start3A_59 = tpu.memref_squeeze %dma_start3A_58 : memref<1x10x128xi32, #tpu.memory_space<hbm>> -> memref<10x128xi32, #tpu.memory_space<hbm>>
    %dma_start3A_60 = arith.constant 0 : i32
    %dma_start3A_61 = tpu.memref_slice %arg2[%dma_start3A_56, %dma_start3A_60, %mul3A_20] : memref<2x10x2048xi32, #tpu.memory_space<hbm>> -> memref<1x10x128xi32, #tpu.memory_space<hbm>>
    %dma_start3A_62 = tpu.memref_squeeze %dma_start3A_61 : memref<1x10x128xi32, #tpu.memory_space<hbm>> -> memref<10x128xi32, #tpu.memory_space<hbm>>
    tpu.enqueue_dma source(%dma_start3A_62 : memref<10x128xi32, #tpu.memory_space<hbm>>) target(%arg11 : memref<10x128xi32, #tpu.memory_space<vmem>>) target_semaphore(%arg21 : memref<!tpu.dma_semaphore, #tpu.memory_space<semaphore_mem>>)
    %parallel_loop3A = arith.constant 0 : i32
    %parallel_loop3A_63 = arith.constant 32768 : i32
    %parallel_loop3A_64 = arith.constant 16 : i32
    scf.for %parallel_loop3A_172 = %parallel_loop3A to %parallel_loop3A_63 step %parallel_loop3A_64  : i32 {
      %parallel_loop3A_173 = arith.index_cast %parallel_loop3A_172 : i32 to index
      %parallel_loop3A_174 = tpu.vector_load %arg7[%parallel_loop3A_173] {strides = array<i32>} : memref<32768xi32, #tpu.memory_space<vmem>>, vector<16xi32>,
      tpu.vector_store %arg7[%parallel_loop3A_173], %broadcast_in_dim3A_37 {strides = array<i32>} : memref<32768xi32, #tpu.memory_space<vmem>>, vector<16xi32>,
    } {sc.loop_unroll_factor = 8 : i64, sc.parallel_access}
    %parallel_loop3A_65 = arith.constant 0 : i32
    %parallel_loop3A_66 = arith.constant 16384 : i32
    %parallel_loop3A_67 = arith.constant 16 : i32
    scf.for %parallel_loop3A_172 = %parallel_loop3A_65 to %parallel_loop3A_66 step %parallel_loop3A_67  : i32 {
      %parallel_loop3A_173 = arith.index_cast %parallel_loop3A_172 : i32 to index
      %parallel_loop3A_174 = tpu.vector_load %arg8[%parallel_loop3A_173] {strides = array<i32>} : memref<16384xi32, #tpu.memory_space<vmem>>, vector<16xi32>,
      tpu.vector_store %arg8[%parallel_loop3A_173], %broadcast_in_dim3A_37 {strides = array<i32>} : memref<16384xi32, #tpu.memory_space<vmem>>, vector<16xi32>,
    } {sc.loop_unroll_factor = 8 : i64, sc.parallel_access}
    %dma_wait3A = arith.constant 0 : i32
    %dma_wait3A_68 = arith.constant 0 : i32
    %dma_wait3A_69 = tpu.memref_slice %arg2[%dma_wait3A, %dma_wait3A_68, %mul3A_20] : memref<2x10x2048xi32, #tpu.memory_space<hbm>> -> memref<1x10x128xi32, #tpu.memory_space<hbm>>
    %dma_wait3A_70 = tpu.memref_squeeze %dma_wait3A_69 : memref<1x10x128xi32, #tpu.memory_space<hbm>> -> memref<10x128xi32, #tpu.memory_space<hbm>>
    %dma_wait3A_71 = arith.constant 0 : i32
    %dma_wait3A_72 = tpu.memref_slice %arg2[%dma_wait3A, %dma_wait3A_71, %mul3A_20] : memref<2x10x2048xi32, #tpu.memory_space<hbm>> -> memref<1x10x128xi32, #tpu.memory_space<hbm>>
    %dma_wait3A_73 = tpu.memref_squeeze %dma_wait3A_72 : memref<1x10x128xi32, #tpu.memory_space<hbm>> -> memref<10x128xi32, #tpu.memory_space<hbm>>
    tpu.wait_dma2 semaphore(%arg21 : memref<!tpu.dma_semaphore, #tpu.memory_space<semaphore_mem>>) src(%dma_wait3A_73 : memref<10x128xi32, #tpu.memory_space<hbm>>) dst(%arg10 : memref<10x128xi32, #tpu.memory_space<vmem>>)
    %dma_wait3A_74 = arith.constant 1 : i32
    %dma_wait3A_75 = arith.constant 0 : i32
    %dma_wait3A_76 = tpu.memref_slice %arg2[%dma_wait3A_74, %dma_wait3A_75, %mul3A_20] : memref<2x10x2048xi32, #tpu.memory_space<hbm>> -> memref<1x10x128xi32, #tpu.memory_space<hbm>>
    %dma_wait3A_77 = tpu.memref_squeeze %dma_wait3A_76 : memref<1x10x128xi32, #tpu.memory_space<hbm>> -> memref<10x128xi32, #tpu.memory_space<hbm>>
    %dma_wait3A_78 = arith.constant 0 : i32
    %dma_wait3A_79 = tpu.memref_slice %arg2[%dma_wait3A_74, %dma_wait3A_78, %mul3A_20] : memref<2x10x2048xi32, #tpu.memory_space<hbm>> -> memref<1x10x128xi32, #tpu.memory_space<hbm>>
    %dma_wait3A_80 = tpu.memref_squeeze %dma_wait3A_79 : memref<1x10x128xi32, #tpu.memory_space<hbm>> -> memref<10x128xi32, #tpu.memory_space<hbm>>
    tpu.wait_dma2 semaphore(%arg21 : memref<!tpu.dma_semaphore, #tpu.memory_space<semaphore_mem>>) src(%dma_wait3A_80 : memref<10x128xi32, #tpu.memory_space<hbm>>) dst(%arg11 : memref<10x128xi32, #tpu.memory_space<vmem>>)
    %swap3A = arith.constant 0 : index
    %swap3A_81 = tpu.vector_load %arg19[%swap3A] {strides = array<i32>} : memref<64xi32, #tpu.memory_space<vmem>>, vector<16xi32>,
    tpu.vector_store %arg19[%swap3A], %broadcast_in_dim3A_37 {strides = array<i32>} : memref<64xi32, #tpu.memory_space<vmem>>, vector<16xi32>,
    %swap3A_82 = arith.constant 16 : index
    %swap3A_83 = tpu.vector_load %arg19[%swap3A_82] {strides = array<i32>} : memref<64xi32, #tpu.memory_space<vmem>>, vector<16xi32>,
    tpu.vector_store %arg19[%swap3A_82], %broadcast_in_dim3A_37 {strides = array<i32>} : memref<64xi32, #tpu.memory_space<vmem>>, vector<16xi32>,
    %swap3A_84 = arith.constant 32 : index
    %swap3A_85 = tpu.vector_load %arg19[%swap3A_84] {strides = array<i32>} : memref<64xi32, #tpu.memory_space<vmem>>, vector<16xi32>,
    tpu.vector_store %arg19[%swap3A_84], %broadcast_in_dim3A_37 {strides = array<i32>} : memref<64xi32, #tpu.memory_space<vmem>>, vector<16xi32>,
    %swap3A_86 = arith.constant 48 : index
    %swap3A_87 = tpu.vector_load %arg19[%swap3A_86] {strides = array<i32>} : memref<64xi32, #tpu.memory_space<vmem>>, vector<16xi32>,
    tpu.vector_store %arg19[%swap3A_86], %broadcast_in_dim3A_37 {strides = array<i32>} : memref<64xi32, #tpu.memory_space<vmem>>, vector<16xi32>,
    %dma_wait3A_88 = arith.constant 0 : i32
    %dma_wait3A_89 = arith.constant 8 : i32
    %dma_wait3A_90 = arith.constant 0 : i32
    %dma_wait3A_91 = tpu.memref_slice %arg3[%dma_wait3A_88, %dma_wait3A_89, %dma_wait3A_90] : memref<2x10x2048xi32, #tpu.memory_space<hbm>> -> memref<1x2x2048xi32, #tpu.memory_space<hbm>>
    %dma_wait3A_92 = tpu.memref_squeeze %dma_wait3A_91 : memref<1x2x2048xi32, #tpu.memory_space<hbm>> -> memref<2x2048xi32, #tpu.memory_space<hbm>>
    %dma_wait3A_93 = arith.constant 8 : i32
    %dma_wait3A_94 = arith.constant 0 : i32
    %dma_wait3A_95 = tpu.memref_slice %arg3[%dma_wait3A_88, %dma_wait3A_93, %dma_wait3A_94] : memref<2x10x2048xi32, #tpu.memory_space<hbm>> -> memref<1x2x2048xi32, #tpu.memory_space<hbm>>
    %dma_wait3A_96 = tpu.memref_squeeze %dma_wait3A_95 : memref<1x2x2048xi32, #tpu.memory_space<hbm>> -> memref<2x2048xi32, #tpu.memory_space<hbm>>
    tpu.wait_dma2 semaphore(%arg20 : memref<!tpu.dma_semaphore, #tpu.memory_space<semaphore_mem>>) src(%dma_wait3A_96 : memref<2x2048xi32, #tpu.memory_space<hbm>>) dst(%arg9 : memref<2x2048xi32, #tpu.memory_space<vmem>>)
    %scan3A = arith.constant 0 : i32
    %scan3A_97 = arith.constant 0 : i32
    %scan3A_98 = arith.constant 2 : i32
    %scan3A_99 = arith.addi %scan3A_97, %scan3A_98 : i32
    %scan3A_100 = arith.constant 1 : i32
    %scan3A_101 = scf.for %scan3A_172 = %scan3A_97 to %scan3A_99 step %scan3A_100 iter_args(%scan3A_173 = %scan3A) -> (i32)  : i32 {
      %add3A_174 = arith.constant 1 : i32
      %add3A_175 = arith.addi %add3A_174, %scan3A_172 : i32
      %broadcast_in_dim3A_176 = vector.broadcast %add3A_175 : i32 to vector<16xi32>
      %parallel_loop3A_177 = arith.constant 0 : i32
      %parallel_loop3A_178 = arith.constant 2048 : i32
      %parallel_loop3A_179 = arith.constant 16 : i32
      scf.for %parallel_loop3A_188 = %parallel_loop3A_177 to %parallel_loop3A_178 step %parallel_loop3A_179  : i32 {
        %parallel_loop3A_189 = arith.index_cast %scan3A_172 : i32 to index
        %parallel_loop3A_190 = arith.index_cast %parallel_loop3A_188 : i32 to index
        %parallel_loop3A_191 = tpu.vector_load %arg9[%parallel_loop3A_189, %parallel_loop3A_190] {strides = array<i32>} : memref<2x2048xi32, #tpu.memory_space<vmem>>, vector<16xi32>,
        %parallel_loop3A_192 = arith.constant 32767 : i32
        %parallel_loop3A_193 = vector.broadcast %parallel_loop3A_192 : i32 to vector<16xi32>
        %parallel_loop3A_194 = arith.andi %parallel_loop3A_191, %parallel_loop3A_193 : vector<16xi32>
        tpu.vector_store_idx %arg7[%parallel_loop3A_194], %broadcast_in_dim3A_176 : memref<32768xi32, #tpu.memory_space<vmem>>[vector<16xi32>], vector<16xi32>,
        %parallel_loop3A_195 = arith.constant 18 : i32
        %parallel_loop3A_196 = vector.broadcast %parallel_loop3A_195 : i32 to vector<16xi32>
        %parallel_loop3A_197 = arith.shrui %parallel_loop3A_191, %parallel_loop3A_196 : vector<16xi32>
        %parallel_loop3A_198 = arith.constant 16383 : i32
        %parallel_loop3A_199 = vector.broadcast %parallel_loop3A_198 : i32 to vector<16xi32>
        %parallel_loop3A_200 = arith.andi %parallel_loop3A_197, %parallel_loop3A_199 : vector<16xi32>
        tpu.vector_store_idx %arg8[%parallel_loop3A_200], %broadcast_in_dim3A_176 : memref<16384xi32, #tpu.memory_space<vmem>>[vector<16xi32>], vector<16xi32>,
      } {sc.loop_unroll_factor = 8 : i64, sc.parallel_access}
      %scan3A_180 = arith.constant 0 : i32
      %scan3A_181 = arith.constant 0 : i32
      %scan3A_182 = arith.constant 4 : i32
      %scan3A_183 = arith.addi %scan3A_181, %scan3A_182 : i32
      %scan3A_184 = arith.constant 1 : i32
      %scan3A_185 = scf.for %scan3A_188 = %scan3A_181 to %scan3A_183 step %scan3A_184 iter_args(%scan3A_189 = %scan3A_180) -> (i32)  : i32 {
        %add3A_190 = arith.constant 8 : i32
        %add3A_191 = arith.addi %add3A_190, %scan3A_172 : i32
        %mul3A_192 = arith.constant 16 : i32
        %mul3A_193 = arith.muli %scan3A_188, %mul3A_192 : i32
        %add3A_194 = arith.addi %mul3A_36, %mul3A_193 : i32
        %get3A = arith.index_cast %add3A_191 : i32 to index
        %get3A_195 = arith.index_cast %add3A_194 : i32 to index
        %get3A_196 = tpu.vector_load %arg10[%get3A, %get3A_195] {strides = array<i32>} : memref<10x128xi32, #tpu.memory_space<vmem>>, vector<16xi32>,
        %and3A_197 = arith.constant 32767 : i32
        %and3A_198 = vector.broadcast %and3A_197 : i32 to vector<16xi32>
        %and3A_199 = arith.andi %get3A_196, %and3A_198 : vector<16xi32>
        %gather3A = tpu.vector_load_idx %arg7[%and3A_199] : memref<32768xi32, #tpu.memory_space<vmem>>[vector<16xi32>], vector<16xi32>,
        %shift_right_logical3A = arith.constant 18 : i32
        %shift_right_logical3A_200 = vector.broadcast %shift_right_logical3A : i32 to vector<16xi32>
        %shift_right_logical3A_201 = arith.shrui %get3A_196, %shift_right_logical3A_200 : vector<16xi32>
        %and3A_202 = arith.constant 16383 : i32
        %and3A_203 = vector.broadcast %and3A_202 : i32 to vector<16xi32>
        %and3A_204 = arith.andi %shift_right_logical3A_201, %and3A_203 : vector<16xi32>
        %gather3A_205 = tpu.vector_load_idx %arg8[%and3A_204] : memref<16384xi32, #tpu.memory_space<vmem>>[vector<16xi32>], vector<16xi32>,
        %eq3A_206 = arith.cmpi eq, %gather3A, %broadcast_in_dim3A_176 : vector<16xi32>
        %eq3A_207 = arith.cmpi eq, %gather3A_205, %broadcast_in_dim3A_176 : vector<16xi32>
        %and3A_208 = arith.andi %eq3A_206, %eq3A_207 : vector<16xi1>
        %jit3A_209 = arith.constant 1 : i32
        %jit3A_210 = arith.constant 0 : i32
        %broadcast_in_dim3A_211 = vector.broadcast %jit3A_209 : i32 to vector<16xi32>
        %broadcast_in_dim3A_212 = vector.broadcast %jit3A_210 : i32 to vector<16xi32>
        %select_n3A_213 = arith.select %and3A_208, %broadcast_in_dim3A_211, %broadcast_in_dim3A_212 : vector<16xi1>, vector<16xi32>
        %reduce_max3A = arith.constant true
        %reduce_max3A_214 = vector.broadcast %reduce_max3A : i1 to vector<16xi1>
        %reduce_max3A_215 = arith.constant -2147483648 : i32
        %reduce_max3A_216 = vector.broadcast %reduce_max3A_215 : i32 to vector<16xi32>
        %reduce_max3A_217 = arith.xori %select_n3A_213, %reduce_max3A_216 : vector<16xi32>
        %reduce_max3A_218 = tpu.scan <max>, %reduce_max3A_217 masked %reduce_max3A_214 : vector<16xi32>, vector<16xi1> -> vector<16xi32>
        %reduce_max3A_219 = arith.xori %reduce_max3A_218, %reduce_max3A_216 : vector<16xi32>
        %reduce_max3A_220 = vector.extract %reduce_max3A_219[15] : i32 from vector<16xi32>
        %gt3A = arith.constant 0 : i32
        %gt3A_221 = arith.cmpi sgt, %reduce_max3A_220, %gt3A : i32
        %convert_element_type3A = arith.extui %gt3A_221 : i1 to i32
        %cond3A = arith.constant 0 : i32
        %cond3A_222 = arith.cmpi ne, %convert_element_type3A, %cond3A : i32
        scf.if %cond3A_222 {
          %scan3A_224 = arith.constant 0 : i32
          %scan3A_225 = arith.constant 0 : i32
          %scan3A_226 = arith.constant 16 : i32
          %scan3A_227 = arith.addi %scan3A_225, %scan3A_226 : i32
          %scan3A_228 = arith.constant 1 : i32
          %scan3A_229 = scf.for %scan3A_231 = %scan3A_225 to %scan3A_227 step %scan3A_228 iter_args(%scan3A_232 = %scan3A_224) -> (i32)  : i32 {
            %mul3A_233 = arith.constant 16 : i32
            %mul3A_234 = arith.muli %scan3A_188, %mul3A_233 : i32
            %add3A_235 = arith.addi %mul3A_234, %scan3A_231 : i32
            %add3A_236 = arith.constant 8 : i32
            %add3A_237 = arith.addi %add3A_236, %scan3A_172 : i32
            %add3A_238 = arith.addi %mul3A_36, %add3A_235 : i32
            %broadcast_in_dim3A_239 = vector.broadcast %add3A_237 : i32 to vector<16xi32>
            %broadcast_in_dim3A_240 = vector.broadcast %add3A_238 : i32 to vector<16xi32>
            %gather3A_241 = tpu.vector_load_idx %arg10[%broadcast_in_dim3A_239, %broadcast_in_dim3A_240] : memref<10x128xi32, #tpu.memory_space<vmem>>[vector<16xi32>, vector<16xi32>], vector<16xi32>,
            %slice3A = vector.extract_strided_slice %gather3A_241 {offsets = [0], sizes = [1], strides = [1]} : vector<16xi32> to vector<1xi32>
            %squeeze3A = vector.extract %slice3A[0] : i32 from vector<1xi32>
            %and3A_242 = arith.constant 32767 : i32
            %and3A_243 = arith.andi %squeeze3A, %and3A_242 : i32
            %broadcast_in_dim3A_244 = vector.broadcast %and3A_243 : i32 to vector<16xi32>
            %gather3A_245 = tpu.vector_load_idx %arg7[%broadcast_in_dim3A_244] : memref<32768xi32, #tpu.memory_space<vmem>>[vector<16xi32>], vector<16xi32>,
            %slice3A_246 = vector.extract_strided_slice %gather3A_245 {offsets = [0], sizes = [1], strides = [1]} : vector<16xi32> to vector<1xi32>
            %squeeze3A_247 = vector.extract %slice3A_246[0] : i32 from vector<1xi32>
            %slice3A_248 = vector.extract_strided_slice %broadcast_in_dim3A_176 {offsets = [0], sizes = [1], strides = [1]} : vector<16xi32> to vector<1xi32>
            %squeeze3A_249 = vector.extract %slice3A_248[0] : i32 from vector<1xi32>
            %eq3A_250 = arith.cmpi eq, %squeeze3A_247, %squeeze3A_249 : i32
            %shift_right_logical3A_251 = arith.constant 18 : i32
            %shift_right_logical3A_252 = arith.shrui %squeeze3A, %shift_right_logical3A_251 : i32
            %and3A_253 = arith.constant 16383 : i32
            %and3A_254 = arith.andi %shift_right_logical3A_252, %and3A_253 : i32
            %broadcast_in_dim3A_255 = vector.broadcast %and3A_254 : i32 to vector<16xi32>
            %gather3A_256 = tpu.vector_load_idx %arg8[%broadcast_in_dim3A_255] : memref<16384xi32, #tpu.memory_space<vmem>>[vector<16xi32>], vector<16xi32>,
            %slice3A_257 = vector.extract_strided_slice %gather3A_256 {offsets = [0], sizes = [1], strides = [1]} : vector<16xi32> to vector<1xi32>
            %squeeze3A_258 = vector.extract %slice3A_257[0] : i32 from vector<1xi32>
            %slice3A_259 = vector.extract_strided_slice %broadcast_in_dim3A_176 {offsets = [0], sizes = [1], strides = [1]} : vector<16xi32> to vector<1xi32>
            %squeeze3A_260 = vector.extract %slice3A_259[0] : i32 from vector<1xi32>
            %eq3A_261 = arith.cmpi eq, %squeeze3A_258, %squeeze3A_260 : i32
            %and3A_262 = arith.andi %eq3A_250, %eq3A_261 : i1
            %convert_element_type3A_263 = arith.extui %and3A_262 : i1 to i32
            %cond3A_264 = arith.constant 0 : i32
            %cond3A_265 = arith.cmpi ne, %convert_element_type3A_263, %cond3A_264 : i32
            scf.if %cond3A_265 {
              %broadcast_in_dim3A_267 = vector.broadcast %squeeze3A : i32 to vector<16xi32>
              %mul3A_268 = arith.constant 4 : i32
              %mul3A_269 = arith.muli %mul3A_268, %scan3A_172 : i32
              %add3A_270 = arith.constant 0 : i32
              %add3A_271 = arith.addi %mul3A_269, %add3A_270 : i32
              %add3A_272 = arith.addi %mul3A_36, %add3A_235 : i32
              %broadcast_in_dim3A_273 = vector.broadcast %add3A_271 : i32 to vector<16xi32>
              %broadcast_in_dim3A_274 = vector.broadcast %add3A_272 : i32 to vector<16xi32>
              %gather3A_275 = tpu.vector_load_idx %arg10[%broadcast_in_dim3A_273, %broadcast_in_dim3A_274] : memref<10x128xi32, #tpu.memory_space<vmem>>[vector<16xi32>, vector<16xi32>], vector<16xi32>,
              %slice3A_276 = vector.extract_strided_slice %gather3A_275 {offsets = [0], sizes = [1], strides = [1]} : vector<16xi32> to vector<1xi32>
              %squeeze3A_277 = vector.extract %slice3A_276[0] : i32 from vector<1xi32>
              %broadcast_in_dim3A_278 = vector.broadcast %squeeze3A_277 : i32 to vector<16xi32>
              %mul3A_279 = arith.constant 4 : i32
              %mul3A_280 = arith.muli %mul3A_279, %scan3A_172 : i32
              %add3A_281 = arith.constant 1 : i32
              %add3A_282 = arith.addi %mul3A_280, %add3A_281 : i32
              %add3A_283 = arith.addi %mul3A_36, %add3A_235 : i32
              %broadcast_in_dim3A_284 = vector.broadcast %add3A_282 : i32 to vector<16xi32>
              %broadcast_in_dim3A_285 = vector.broadcast %add3A_283 : i32 to vector<16xi32>
              %gather3A_286 = tpu.vector_load_idx %arg10[%broadcast_in_dim3A_284, %broadcast_in_dim3A_285] : memref<10x128xi32, #tpu.memory_space<vmem>>[vector<16xi32>, vector<16xi32>], vector<16xi32>,
              %slice3A_287 = vector.extract_strided_slice %gather3A_286 {offsets = [0], sizes = [1], strides = [1]} : vector<16xi32> to vector<1xi32>
              %squeeze3A_288 = vector.extract %slice3A_287[0] : i32 from vector<1xi32>
              %broadcast_in_dim3A_289 = vector.broadcast %squeeze3A_288 : i32 to vector<16xi32>
              %mul3A_290 = arith.constant 4 : i32
              %mul3A_291 = arith.muli %mul3A_290, %scan3A_172 : i32
              %add3A_292 = arith.constant 2 : i32
              %add3A_293 = arith.addi %mul3A_291, %add3A_292 : i32
              %add3A_294 = arith.addi %mul3A_36, %add3A_235 : i32
              %broadcast_in_dim3A_295 = vector.broadcast %add3A_293 : i32 to vector<16xi32>
              %broadcast_in_dim3A_296 = vector.broadcast %add3A_294 : i32 to vector<16xi32>
              %gather3A_297 = tpu.vector_load_idx %arg10[%broadcast_in_dim3A_295, %broadcast_in_dim3A_296] : memref<10x128xi32, #tpu.memory_space<vmem>>[vector<16xi32>, vector<16xi32>], vector<16xi32>,
              %slice3A_298 = vector.extract_strided_slice %gather3A_297 {offsets = [0], sizes = [1], strides = [1]} : vector<16xi32> to vector<1xi32>
              %squeeze3A_299 = vector.extract %slice3A_298[0] : i32 from vector<1xi32>
              %broadcast_in_dim3A_300 = vector.broadcast %squeeze3A_299 : i32 to vector<16xi32>
              %mul3A_301 = arith.constant 4 : i32
              %mul3A_302 = arith.muli %mul3A_301, %scan3A_172 : i32
              %add3A_303 = arith.constant 3 : i32
              %add3A_304 = arith.addi %mul3A_302, %add3A_303 : i32
              %add3A_305 = arith.addi %mul3A_36, %add3A_235 : i32
              %broadcast_in_dim3A_306 = vector.broadcast %add3A_304 : i32 to vector<16xi32>
              %broadcast_in_dim3A_307 = vector.broadcast %add3A_305 : i32 to vector<16xi32>
              %gather3A_308 = tpu.vector_load_idx %arg10[%broadcast_in_dim3A_306, %broadcast_in_dim3A_307] : memref<10x128xi32, #tpu.memory_space<vmem>>[vector<16xi32>, vector<16xi32>], vector<16xi32>,
              %slice3A_309 = vector.extract_strided_slice %gather3A_308 {offsets = [0], sizes = [1], strides = [1]} : vector<16xi32> to vector<1xi32>
              %squeeze3A_310 = vector.extract %slice3A_309[0] : i32 from vector<1xi32>
              %broadcast_in_dim3A_311 = vector.broadcast %squeeze3A_310 : i32 to vector<16xi32>
              %while3A = arith.constant 0 : i32
              %while3A_312 = scf.while (%while3A_313 = %while3A) : (i32) -> i32 {
                %lt3A_314 = arith.constant 128 : i32
                %lt3A_315 = arith.cmpi slt, %while3A_313, %lt3A_314 : i32
                scf.condition(%lt3A_315) %while3A_313 : i32
              } do {
              ^bb0(%while3A_313: i32):
                %parallel_loop3A_314 = arith.constant 128 : i32
                %parallel_loop3A_315 = arith.constant 1 : i32
                %parallel_loop3A_316 = arith.constant 128 : i32
                %parallel_loop3A_317 = scf.for %parallel_loop3A_329 = %while3A_313 to %parallel_loop3A_314 step %parallel_loop3A_315 iter_args(%parallel_loop3A_330 = %parallel_loop3A_316) -> (i32)  : i32 {
                  %parallel_loop3A_331 = arith.constant 16 : i32
                  %parallel_loop3A_332 = arith.muli %parallel_loop3A_329, %parallel_loop3A_331 : i32
                  %parallel_loop3A_333 = arith.index_cast %scan3A_172 : i32 to index
                  %parallel_loop3A_334 = arith.index_cast %parallel_loop3A_332 : i32 to index
                  %parallel_loop3A_335 = tpu.vector_load %arg9[%parallel_loop3A_333, %parallel_loop3A_334] {strides = array<i32>} : memref<2x2048xi32, #tpu.memory_space<vmem>>, vector<16xi32>,
                  %parallel_loop3A_336 = arith.cmpi eq, %parallel_loop3A_335, %broadcast_in_dim3A_267 : vector<16xi32>
                  %parallel_loop3A_337 = arith.constant 1 : i32
                  %parallel_loop3A_338 = arith.constant 0 : i32
                  %parallel_loop3A_339 = vector.broadcast %parallel_loop3A_337 : i32 to vector<16xi32>
                  %parallel_loop3A_340 = vector.broadcast %parallel_loop3A_338 : i32 to vector<16xi32>
                  %parallel_loop3A_341 = arith.select %parallel_loop3A_336, %parallel_loop3A_339, %parallel_loop3A_340 : vector<16xi1>, vector<16xi32>
                  %parallel_loop3A_342 = arith.constant true
                  %parallel_loop3A_343 = vector.broadcast %parallel_loop3A_342 : i1 to vector<16xi1>
                  %parallel_loop3A_344 = arith.constant -2147483648 : i32
                  %parallel_loop3A_345 = vector.broadcast %parallel_loop3A_344 : i32 to vector<16xi32>
                  %parallel_loop3A_346 = arith.xori %parallel_loop3A_341, %parallel_loop3A_345 : vector<16xi32>
                  %parallel_loop3A_347 = tpu.scan <max>, %parallel_loop3A_346 masked %parallel_loop3A_343 : vector<16xi32>, vector<16xi1> -> vector<16xi32>
                  %parallel_loop3A_348 = arith.xori %parallel_loop3A_347, %parallel_loop3A_345 : vector<16xi32>
                  %parallel_loop3A_349 = vector.extract %parallel_loop3A_348[15] : i32 from vector<16xi32>
                  %parallel_loop3A_350 = arith.constant 0 : i32
                  %parallel_loop3A_351 = arith.cmpi sgt, %parallel_loop3A_349, %parallel_loop3A_350 : i32
                  %parallel_loop3A_352 = arith.constant 128 : i32
                  %parallel_loop3A_353 = arith.select %parallel_loop3A_351, %parallel_loop3A_329, %parallel_loop3A_352 : i32
                  %parallel_loop3A_354 = arith.minsi %parallel_loop3A_330, %parallel_loop3A_353 : i32
                  scf.yield %parallel_loop3A_354 : i32
                } {sc.loop_unroll_factor = 4 : i64, sc.parallel_access}
                %lt3A_318 = arith.constant 128 : i32
                %lt3A_319 = arith.cmpi slt, %parallel_loop3A_317, %lt3A_318 : i32
                %convert_element_type3A_320 = arith.extui %lt3A_319 : i1 to i32
                %cond3A_321 = arith.constant 0 : i32
                %cond3A_322 = arith.cmpi ne, %convert_element_type3A_320, %cond3A_321 : i32
                scf.if %cond3A_322 {
                  %mul3A_329 = arith.constant 16 : i32
                  %mul3A_330 = arith.muli %parallel_loop3A_317, %mul3A_329 : i32
                  %jit3A_331 = arith.constant 8 : i32
                  %div3A_332 = arith.divsi %parallel_loop3A_317, %jit3A_331 : i32
                  %sign3A_333 = arith.constant 0 : i32
                  %sign3A_334 = arith.cmpi sgt, %parallel_loop3A_317, %sign3A_333 : i32
                  %sign3A_335 = arith.extui %sign3A_334 : i1 to i32
                  %sign3A_336 = arith.constant 0 : i32
                  %sign3A_337 = arith.cmpi slt, %parallel_loop3A_317, %sign3A_336 : i32
                  %sign3A_338 = arith.extui %sign3A_337 : i1 to i32
                  %sign3A_339 = arith.subi %sign3A_335, %sign3A_338 : i32
                  %sign3A_340 = arith.constant 0 : i32
                  %sign3A_341 = arith.cmpi sgt, %jit3A_331, %sign3A_340 : i32
                  %sign3A_342 = arith.extui %sign3A_341 : i1 to i32
                  %sign3A_343 = arith.constant 0 : i32
                  %sign3A_344 = arith.cmpi slt, %jit3A_331, %sign3A_343 : i32
                  %sign3A_345 = arith.extui %sign3A_344 : i1 to i32
                  %sign3A_346 = arith.subi %sign3A_342, %sign3A_345 : i32
                  %ne3A_347 = arith.cmpi ne, %sign3A_339, %sign3A_346 : i32
                  %rem3A_348 = arith.remsi %parallel_loop3A_317, %jit3A_331 : i32
                  %ne3A_349 = arith.constant 0 : i32
                  %ne3A_350 = arith.cmpi ne, %rem3A_348, %ne3A_349 : i32
                  %and3A_351 = arith.andi %ne3A_347, %ne3A_350 : i1
                  %sub3A_352 = arith.constant 1 : i32
                  %sub3A_353 = arith.subi %div3A_332, %sub3A_352 : i32
                  %select_n3A_354 = arith.select %and3A_351, %sub3A_353, %div3A_332 : i32
                  %mul3A_355 = arith.constant 128 : i32
                  %mul3A_356 = arith.muli %select_n3A_354, %mul3A_355 : i32
                  %multiple_of3A = tpu.assume_multiple %mul3A_356, 128 : i32
                  %jit3A_357 = arith.constant 8 : i32
                  %eq3A_358 = arith.constant 0 : i32
                  %eq3A_359 = arith.cmpi eq, %jit3A_357, %eq3A_358 : i32
                  %jit3A_360 = arith.constant 1 : i32
                  %select_n3A_361 = arith.select %eq3A_359, %jit3A_360, %jit3A_357 : i32
                  %rem3A_362 = arith.remsi %parallel_loop3A_317, %select_n3A_361 : i32
                  %ne3A_363 = arith.constant 0 : i32
                  %ne3A_364 = arith.cmpi ne, %rem3A_362, %ne3A_363 : i32
                  %lt3A_365 = arith.constant 0 : i32
                  %lt3A_366 = arith.cmpi slt, %rem3A_362, %lt3A_365 : i32
                  %lt3A_367 = arith.constant 0 : i32
                  %lt3A_368 = arith.cmpi slt, %select_n3A_361, %lt3A_367 : i32
                  %ne3A_369 = arith.xori %lt3A_366, %lt3A_368 : i1
                  %and3A_370 = arith.andi %ne3A_369, %ne3A_364 : i1
                  %add3A_371 = arith.addi %rem3A_362, %select_n3A_361 : i32
                  %select_n3A_372 = arith.select %and3A_370, %add3A_371, %rem3A_362 : i32
                  %mul3A_373 = arith.constant 16 : i32
                  %mul3A_374 = arith.muli %select_n3A_372, %mul3A_373 : i32
                  %run_scoped3A = arith.constant 0 : i32
                  "tpu.region"() ({
                    %run_scoped3A_430 = tpu.sem_alloc : memref<!tpu.dma_semaphore, #tpu.memory_space<semaphore_mem>>
                    %dma_start3A_431 = arith.constant 0 : i32
                    %dma_start3A_432 = tpu.memref_slice %arg3[%run_scoped3A, %dma_start3A_431, %multiple_of3A] : memref<2x10x2048xi32, #tpu.memory_space<hbm>> -> memref<1x8x128xi32, #tpu.memory_space<hbm>>
                    %dma_start3A_433 = tpu.memref_squeeze %dma_start3A_432 : memref<1x8x128xi32, #tpu.memory_space<hbm>> -> memref<8x128xi32, #tpu.memory_space<hbm>>
                    %dma_start3A_434 = arith.constant 0 : i32
                    %dma_start3A_435 = tpu.memref_slice %arg3[%run_scoped3A, %dma_start3A_434, %multiple_of3A] : memref<2x10x2048xi32, #tpu.memory_space<hbm>> -> memref<1x8x128xi32, #tpu.memory_space<hbm>>
                    %dma_start3A_436 = tpu.memref_squeeze %dma_start3A_435 : memref<1x8x128xi32, #tpu.memory_space<hbm>> -> memref<8x128xi32, #tpu.memory_space<hbm>>
                    tpu.enqueue_dma source(%dma_start3A_436 : memref<8x128xi32, #tpu.memory_space<hbm>>) target(%arg12 : memref<8x128xi32, #tpu.memory_space<vmem>>) target_semaphore(%run_scoped3A_430 : memref<!tpu.dma_semaphore, #tpu.memory_space<semaphore_mem>>)
                    %dma_wait3A_437 = arith.constant 0 : i32
                    %dma_wait3A_438 = tpu.memref_slice %arg3[%run_scoped3A, %dma_wait3A_437, %multiple_of3A] : memref<2x10x2048xi32, #tpu.memory_space<hbm>> -> memref<1x8x128xi32, #tpu.memory_space<hbm>>
                    %dma_wait3A_439 = tpu.memref_squeeze %dma_wait3A_438 : memref<1x8x128xi32, #tpu.memory_space<hbm>> -> memref<8x128xi32, #tpu.memory_space<hbm>>
                    %dma_wait3A_440 = arith.constant 0 : i32
                    %dma_wait3A_441 = tpu.memref_slice %arg3[%run_scoped3A, %dma_wait3A_440, %multiple_of3A] : memref<2x10x2048xi32, #tpu.memory_space<hbm>> -> memref<1x8x128xi32, #tpu.memory_space<hbm>>
                    %dma_wait3A_442 = tpu.memref_squeeze %dma_wait3A_441 : memref<1x8x128xi32, #tpu.memory_space<hbm>> -> memref<8x128xi32, #tpu.memory_space<hbm>>
                    tpu.wait_dma2 semaphore(%run_scoped3A_430 : memref<!tpu.dma_semaphore, #tpu.memory_space<semaphore_mem>>) src(%dma_wait3A_442 : memref<8x128xi32, #tpu.memory_space<hbm>>) dst(%arg12 : memref<8x128xi32, #tpu.memory_space<vmem>>)
                    tpu.yield
                  }) : () -> ()
                  %get3A_375 = arith.index_cast %scan3A_172 : i32 to index
                  %get3A_376 = arith.index_cast %mul3A_330 : i32 to index
                  %get3A_377 = tpu.vector_load %arg9[%get3A_375, %get3A_376] {strides = array<i32>} : memref<2x2048xi32, #tpu.memory_space<vmem>>, vector<16xi32>,
                  %eq3A_378 = arith.cmpi eq, %get3A_377, %broadcast_in_dim3A_267 : vector<16xi32>
                  %mul3A_379 = arith.constant 4 : i32
                  %mul3A_380 = arith.muli %mul3A_379, %scan3A_172 : i32
                  %get3A_381 = arith.index_cast %mul3A_380 : i32 to index
                  %get3A_382 = arith.index_cast %mul3A_374 : i32 to index
                  %get3A_383 = tpu.vector_load %arg12[%get3A_381, %get3A_382] {strides = array<i32>} : memref<8x128xi32, #tpu.memory_space<vmem>>, vector<16xi32>,
                  %eq3A_384 = arith.cmpi eq, %get3A_383, %broadcast_in_dim3A_278 : vector<16xi32>
                  %mul3A_385 = arith.constant 4 : i32
                  %mul3A_386 = arith.muli %mul3A_385, %scan3A_172 : i32
                  %add3A_387 = arith.constant 1 : i32
                  %add3A_388 = arith.addi %mul3A_386, %add3A_387 : i32
                  %get3A_389 = arith.index_cast %add3A_388 : i32 to index
                  %get3A_390 = arith.index_cast %mul3A_374 : i32 to index
                  %get3A_391 = tpu.vector_load %arg12[%get3A_389, %get3A_390] {strides = array<i32>} : memref<8x128xi32, #tpu.memory_space<vmem>>, vector<16xi32>,
                  %eq3A_392 = arith.cmpi eq, %get3A_391, %broadcast_in_dim3A_289 : vector<16xi32>
                  %or3A = arith.ori %eq3A_384, %eq3A_392 : vector<16xi1>
                  %mul3A_393 = arith.constant 4 : i32
                  %mul3A_394 = arith.muli %mul3A_393, %scan3A_172 : i32
                  %add3A_395 = arith.constant 2 : i32
                  %add3A_396 = arith.addi %mul3A_394, %add3A_395 : i32
                  %get3A_397 = arith.index_cast %add3A_396 : i32 to index
                  %get3A_398 = arith.index_cast %mul3A_374 : i32 to index
                  %get3A_399 = tpu.vector_load %arg12[%get3A_397, %get3A_398] {strides = array<i32>} : memref<8x128xi32, #tpu.memory_space<vmem>>, vector<16xi32>,
                  %eq3A_400 = arith.cmpi eq, %get3A_399, %broadcast_in_dim3A_300 : vector<16xi32>
                  %or3A_401 = arith.ori %or3A, %eq3A_400 : vector<16xi1>
                  %mul3A_402 = arith.constant 4 : i32
                  %mul3A_403 = arith.muli %mul3A_402, %scan3A_172 : i32
                  %add3A_404 = arith.constant 3 : i32
                  %add3A_405 = arith.addi %mul3A_403, %add3A_404 : i32
                  %get3A_406 = arith.index_cast %add3A_405 : i32 to index
                  %get3A_407 = arith.index_cast %mul3A_374 : i32 to index
                  %get3A_408 = tpu.vector_load %arg12[%get3A_406, %get3A_407] {strides = array<i32>} : memref<8x128xi32, #tpu.memory_space<vmem>>, vector<16xi32>,
                  %eq3A_409 = arith.cmpi eq, %get3A_408, %broadcast_in_dim3A_311 : vector<16xi32>
                  %or3A_410 = arith.ori %or3A_401, %eq3A_409 : vector<16xi1>
                  %and3A_411 = arith.andi %eq3A_378, %or3A_410 : vector<16xi1>
                  %jit3A_412 = arith.constant 1 : i32
                  %jit3A_413 = arith.constant 0 : i32
                  %broadcast_in_dim3A_414 = vector.broadcast %jit3A_412 : i32 to vector<16xi32>
                  %broadcast_in_dim3A_415 = vector.broadcast %jit3A_413 : i32 to vector<16xi32>
                  %select_n3A_416 = arith.select %and3A_411, %broadcast_in_dim3A_414, %broadcast_in_dim3A_415 : vector<16xi1>, vector<16xi32>
                  %reduce_max3A_417 = arith.constant true
                  %reduce_max3A_418 = vector.broadcast %reduce_max3A_417 : i1 to vector<16xi1>
                  %reduce_max3A_419 = arith.constant -2147483648 : i32
                  %reduce_max3A_420 = vector.broadcast %reduce_max3A_419 : i32 to vector<16xi32>
                  %reduce_max3A_421 = arith.xori %select_n3A_416, %reduce_max3A_420 : vector<16xi32>
                  %reduce_max3A_422 = tpu.scan <max>, %reduce_max3A_421 masked %reduce_max3A_418 : vector<16xi32>, vector<16xi1> -> vector<16xi32>
                  %reduce_max3A_423 = arith.xori %reduce_max3A_422, %reduce_max3A_420 : vector<16xi32>
                  %reduce_max3A_424 = vector.extract %reduce_max3A_423[15] : i32 from vector<16xi32>
                  %gt3A_425 = arith.constant 0 : i32
                  %gt3A_426 = arith.cmpi sgt, %reduce_max3A_424, %gt3A_425 : i32
                  %convert_element_type3A_427 = arith.extui %gt3A_426 : i1 to i32
                  %cond3A_428 = arith.constant 0 : i32
                  %cond3A_429 = arith.cmpi ne, %convert_element_type3A_427, %cond3A_428 : i32
                  scf.if %cond3A_429 {
                    %scan3A_430 = arith.constant 0 : i32
                    %scan3A_431 = arith.constant 0 : i32
                    %scan3A_432 = arith.constant 16 : i32
                    %scan3A_433 = arith.addi %scan3A_431, %scan3A_432 : i32
                    %scan3A_434 = arith.constant 1 : i32
                    %scan3A_435 = scf.for %scan3A_437 = %scan3A_431 to %scan3A_433 step %scan3A_434 iter_args(%scan3A_438 = %scan3A_430) -> (i32)  : i32 {
                      %add3A_439 = arith.addi %mul3A_330, %scan3A_437 : i32
                      %broadcast_in_dim3A_440 = vector.broadcast %scan3A_172 : i32 to vector<16xi32>
                      %broadcast_in_dim3A_441 = vector.broadcast %add3A_439 : i32 to vector<16xi32>
                      %gather3A_442 = tpu.vector_load_idx %arg9[%broadcast_in_dim3A_440, %broadcast_in_dim3A_441] : memref<2x2048xi32, #tpu.memory_space<vmem>>[vector<16xi32>, vector<16xi32>], vector<16xi32>,
                      %slice3A_443 = vector.extract_strided_slice %gather3A_442 {offsets = [0], sizes = [1], strides = [1]} : vector<16xi32> to vector<1xi32>
                      %squeeze3A_444 = vector.extract %slice3A_443[0] : i32 from vector<1xi32>
                      %eq3A_445 = arith.cmpi eq, %squeeze3A_444, %squeeze3A : i32
                      %mul3A_446 = arith.constant 4 : i32
                      %mul3A_447 = arith.muli %mul3A_446, %scan3A_172 : i32
                      %add3A_448 = arith.addi %mul3A_374, %scan3A_437 : i32
                      %broadcast_in_dim3A_449 = vector.broadcast %mul3A_447 : i32 to vector<16xi32>
                      %broadcast_in_dim3A_450 = vector.broadcast %add3A_448 : i32 to vector<16xi32>
                      %gather3A_451 = tpu.vector_load_idx %arg12[%broadcast_in_dim3A_449, %broadcast_in_dim3A_450] : memref<8x128xi32, #tpu.memory_space<vmem>>[vector<16xi32>, vector<16xi32>], vector<16xi32>,
                      %slice3A_452 = vector.extract_strided_slice %gather3A_451 {offsets = [0], sizes = [1], strides = [1]} : vector<16xi32> to vector<1xi32>
                      %squeeze3A_453 = vector.extract %slice3A_452[0] : i32 from vector<1xi32>
                      %slice3A_454 = vector.extract_strided_slice %broadcast_in_dim3A_278 {offsets = [0], sizes = [1], strides = [1]} : vector<16xi32> to vector<1xi32>
                      %squeeze3A_455 = vector.extract %slice3A_454[0] : i32 from vector<1xi32>
                      %eq3A_456 = arith.cmpi eq, %squeeze3A_453, %squeeze3A_455 : i32
                      %mul3A_457 = arith.constant 4 : i32
                      %mul3A_458 = arith.muli %mul3A_457, %scan3A_172 : i32
                      %add3A_459 = arith.constant 1 : i32
                      %add3A_460 = arith.addi %mul3A_458, %add3A_459 : i32
                      %add3A_461 = arith.addi %mul3A_374, %scan3A_437 : i32
                      %broadcast_in_dim3A_462 = vector.broadcast %add3A_460 : i32 to vector<16xi32>
                      %broadcast_in_dim3A_463 = vector.broadcast %add3A_461 : i32 to vector<16xi32>
                      %gather3A_464 = tpu.vector_load_idx %arg12[%broadcast_in_dim3A_462, %broadcast_in_dim3A_463] : memref<8x128xi32, #tpu.memory_space<vmem>>[vector<16xi32>, vector<16xi32>], vector<16xi32>,
                      %slice3A_465 = vector.extract_strided_slice %gather3A_464 {offsets = [0], sizes = [1], strides = [1]} : vector<16xi32> to vector<1xi32>
                      %squeeze3A_466 = vector.extract %slice3A_465[0] : i32 from vector<1xi32>
                      %slice3A_467 = vector.extract_strided_slice %broadcast_in_dim3A_289 {offsets = [0], sizes = [1], strides = [1]} : vector<16xi32> to vector<1xi32>
                      %squeeze3A_468 = vector.extract %slice3A_467[0] : i32 from vector<1xi32>
                      %eq3A_469 = arith.cmpi eq, %squeeze3A_466, %squeeze3A_468 : i32
                      %or3A_470 = arith.ori %eq3A_456, %eq3A_469 : i1
                      %mul3A_471 = arith.constant 4 : i32
                      %mul3A_472 = arith.muli %mul3A_471, %scan3A_172 : i32
                      %add3A_473 = arith.constant 2 : i32
                      %add3A_474 = arith.addi %mul3A_472, %add3A_473 : i32
                      %add3A_475 = arith.addi %mul3A_374, %scan3A_437 : i32
                      %broadcast_in_dim3A_476 = vector.broadcast %add3A_474 : i32 to vector<16xi32>
                      %broadcast_in_dim3A_477 = vector.broadcast %add3A_475 : i32 to vector<16xi32>
                      %gather3A_478 = tpu.vector_load_idx %arg12[%broadcast_in_dim3A_476, %broadcast_in_dim3A_477] : memref<8x128xi32, #tpu.memory_space<vmem>>[vector<16xi32>, vector<16xi32>], vector<16xi32>,
                      %slice3A_479 = vector.extract_strided_slice %gather3A_478 {offsets = [0], sizes = [1], strides = [1]} : vector<16xi32> to vector<1xi32>
                      %squeeze3A_480 = vector.extract %slice3A_479[0] : i32 from vector<1xi32>
                      %slice3A_481 = vector.extract_strided_slice %broadcast_in_dim3A_300 {offsets = [0], sizes = [1], strides = [1]} : vector<16xi32> to vector<1xi32>
                      %squeeze3A_482 = vector.extract %slice3A_481[0] : i32 from vector<1xi32>
                      %eq3A_483 = arith.cmpi eq, %squeeze3A_480, %squeeze3A_482 : i32
                      %or3A_484 = arith.ori %or3A_470, %eq3A_483 : i1
                      %mul3A_485 = arith.constant 4 : i32
                      %mul3A_486 = arith.muli %mul3A_485, %scan3A_172 : i32
                      %add3A_487 = arith.constant 3 : i32
                      %add3A_488 = arith.addi %mul3A_486, %add3A_487 : i32
                      %add3A_489 = arith.addi %mul3A_374, %scan3A_437 : i32
                      %broadcast_in_dim3A_490 = vector.broadcast %add3A_488 : i32 to vector<16xi32>
                      %broadcast_in_dim3A_491 = vector.broadcast %add3A_489 : i32 to vector<16xi32>
                      %gather3A_492 = tpu.vector_load_idx %arg12[%broadcast_in_dim3A_490, %broadcast_in_dim3A_491] : memref<8x128xi32, #tpu.memory_space<vmem>>[vector<16xi32>, vector<16xi32>], vector<16xi32>,
                      %slice3A_493 = vector.extract_strided_slice %gather3A_492 {offsets = [0], sizes = [1], strides = [1]} : vector<16xi32> to vector<1xi32>
                      %squeeze3A_494 = vector.extract %slice3A_493[0] : i32 from vector<1xi32>
                      %slice3A_495 = vector.extract_strided_slice %broadcast_in_dim3A_311 {offsets = [0], sizes = [1], strides = [1]} : vector<16xi32> to vector<1xi32>
                      %squeeze3A_496 = vector.extract %slice3A_495[0] : i32 from vector<1xi32>
                      %eq3A_497 = arith.cmpi eq, %squeeze3A_494, %squeeze3A_496 : i32
                      %or3A_498 = arith.ori %or3A_484, %eq3A_497 : i1
                      %and3A_499 = arith.andi %eq3A_445, %or3A_498 : i1
                      %convert_element_type3A_500 = arith.extui %and3A_499 : i1 to i32
                      %cond3A_501 = arith.constant 0 : i32
                      %cond3A_502 = arith.cmpi ne, %convert_element_type3A_500, %cond3A_501 : i32
                      scf.if %cond3A_502 {
                        %broadcast_in_dim3A_504 = vector.broadcast %add3A_235 : i32 to vector<16xi32>
                        %gather3A_505 = tpu.vector_load_idx %arg19[%broadcast_in_dim3A_504] : memref<64xi32, #tpu.memory_space<vmem>>[vector<16xi32>], vector<16xi32>,
                        %slice3A_506 = vector.extract_strided_slice %gather3A_505 {offsets = [0], sizes = [1], strides = [1]} : vector<16xi32> to vector<1xi32>
                        %squeeze3A_507 = vector.extract %slice3A_506[0] : i32 from vector<1xi32>
                        %iota3A_508 = tpu.iota {dimensions = array<i32: 0>} : vector<16xi32>
                        %get3A_509 = arith.index_cast %add3A_235 : i32 to index
                        %get3A_510 = arith.constant 0 : index
                        %get3A_511 = tpu.vector_load %arg17[%get3A_509, %get3A_510] {strides = array<i32>} : memref<64x64xi32, #tpu.memory_space<vmem>>, vector<16xi32>,
                        %add3A_512 = arith.constant 0 : i32
                        %add3A_513 = vector.broadcast %add3A_512 : i32 to vector<16xi32>
                        %add3A_514 = arith.addi %add3A_513, %iota3A_508 : vector<16xi32>
                        %broadcast_in_dim3A_515 = vector.broadcast %squeeze3A_507 : i32 to vector<16xi32>
                        %lt3A_516 = arith.cmpi slt, %add3A_514, %broadcast_in_dim3A_515 : vector<16xi32>
                        %eq3A_517 = vector.broadcast %add3A_439 : i32 to vector<16xi32>
                        %eq3A_518 = arith.cmpi eq, %get3A_511, %eq3A_517 : vector<16xi32>
                        %and3A_519 = arith.andi %eq3A_518, %lt3A_516 : vector<16xi1>
                        %jit3A_520 = arith.constant 1 : i32
                        %jit3A_521 = arith.constant 0 : i32
                        %broadcast_in_dim3A_522 = vector.broadcast %jit3A_520 : i32 to vector<16xi32>
                        %broadcast_in_dim3A_523 = vector.broadcast %jit3A_521 : i32 to vector<16xi32>
                        %select_n3A_524 = arith.select %and3A_519, %broadcast_in_dim3A_522, %broadcast_in_dim3A_523 : vector<16xi1>, vector<16xi32>
                        %reduce_max3A_525 = arith.constant true
                        %reduce_max3A_526 = vector.broadcast %reduce_max3A_525 : i1 to vector<16xi1>
                        %reduce_max3A_527 = arith.constant -2147483648 : i32
                        %reduce_max3A_528 = vector.broadcast %reduce_max3A_527 : i32 to vector<16xi32>
                        %reduce_max3A_529 = arith.xori %select_n3A_524, %reduce_max3A_528 : vector<16xi32>
                        %reduce_max3A_530 = tpu.scan <max>, %reduce_max3A_529 masked %reduce_max3A_526 : vector<16xi32>, vector<16xi1> -> vector<16xi32>
                        %reduce_max3A_531 = arith.xori %reduce_max3A_530, %reduce_max3A_528 : vector<16xi32>
                        %reduce_max3A_532 = vector.extract %reduce_max3A_531[15] : i32 from vector<16xi32>
                        %or3A_533 = arith.constant 0 : i32
                        %or3A_534 = arith.ori %or3A_533, %reduce_max3A_532 : i32
                        %get3A_535 = arith.index_cast %add3A_235 : i32 to index
                        %get3A_536 = arith.constant 16 : index
                        %get3A_537 = tpu.vector_load %arg17[%get3A_535, %get3A_536] {strides = array<i32>} : memref<64x64xi32, #tpu.memory_space<vmem>>, vector<16xi32>,
                        %add3A_538 = arith.constant 16 : i32
                        %add3A_539 = vector.broadcast %add3A_538 : i32 to vector<16xi32>
                        %add3A_540 = arith.addi %add3A_539, %iota3A_508 : vector<16xi32>
                        %broadcast_in_dim3A_541 = vector.broadcast %squeeze3A_507 : i32 to vector<16xi32>
                        %lt3A_542 = arith.cmpi slt, %add3A_540, %broadcast_in_dim3A_541 : vector<16xi32>
                        %eq3A_543 = vector.broadcast %add3A_439 : i32 to vector<16xi32>
                        %eq3A_544 = arith.cmpi eq, %get3A_537, %eq3A_543 : vector<16xi32>
                        %and3A_545 = arith.andi %eq3A_544, %lt3A_542 : vector<16xi1>
                        %jit3A_546 = arith.constant 1 : i32
                        %jit3A_547 = arith.constant 0 : i32
                        %broadcast_in_dim3A_548 = vector.broadcast %jit3A_546 : i32 to vector<16xi32>
                        %broadcast_in_dim3A_549 = vector.broadcast %jit3A_547 : i32 to vector<16xi32>
                        %select_n3A_550 = arith.select %and3A_545, %broadcast_in_dim3A_548, %broadcast_in_dim3A_549 : vector<16xi1>, vector<16xi32>
                        %reduce_max3A_551 = arith.constant true
                        %reduce_max3A_552 = vector.broadcast %reduce_max3A_551 : i1 to vector<16xi1>
                        %reduce_max3A_553 = arith.constant -2147483648 : i32
                        %reduce_max3A_554 = vector.broadcast %reduce_max3A_553 : i32 to vector<16xi32>
                        %reduce_max3A_555 = arith.xori %select_n3A_550, %reduce_max3A_554 : vector<16xi32>
                        %reduce_max3A_556 = tpu.scan <max>, %reduce_max3A_555 masked %reduce_max3A_552 : vector<16xi32>, vector<16xi1> -> vector<16xi32>
                        %reduce_max3A_557 = arith.xori %reduce_max3A_556, %reduce_max3A_554 : vector<16xi32>
                        %reduce_max3A_558 = vector.extract %reduce_max3A_557[15] : i32 from vector<16xi32>
                        %or3A_559 = arith.ori %or3A_534, %reduce_max3A_558 : i32
                        %get3A_560 = arith.index_cast %add3A_235 : i32 to index
                        %get3A_561 = arith.constant 32 : index
                        %get3A_562 = tpu.vector_load %arg17[%get3A_560, %get3A_561] {strides = array<i32>} : memref<64x64xi32, #tpu.memory_space<vmem>>, vector<16xi32>,
                        %add3A_563 = arith.constant 32 : i32
                        %add3A_564 = vector.broadcast %add3A_563 : i32 to vector<16xi32>
                        %add3A_565 = arith.addi %add3A_564, %iota3A_508 : vector<16xi32>
                        %broadcast_in_dim3A_566 = vector.broadcast %squeeze3A_507 : i32 to vector<16xi32>
                        %lt3A_567 = arith.cmpi slt, %add3A_565, %broadcast_in_dim3A_566 : vector<16xi32>
                        %eq3A_568 = vector.broadcast %add3A_439 : i32 to vector<16xi32>
                        %eq3A_569 = arith.cmpi eq, %get3A_562, %eq3A_568 : vector<16xi32>
                        %and3A_570 = arith.andi %eq3A_569, %lt3A_567 : vector<16xi1>
                        %jit3A_571 = arith.constant 1 : i32
                        %jit3A_572 = arith.constant 0 : i32
                        %broadcast_in_dim3A_573 = vector.broadcast %jit3A_571 : i32 to vector<16xi32>
                        %broadcast_in_dim3A_574 = vector.broadcast %jit3A_572 : i32 to vector<16xi32>
                        %select_n3A_575 = arith.select %and3A_570, %broadcast_in_dim3A_573, %broadcast_in_dim3A_574 : vector<16xi1>, vector<16xi32>
                        %reduce_max3A_576 = arith.constant true
                        %reduce_max3A_577 = vector.broadcast %reduce_max3A_576 : i1 to vector<16xi1>
                        %reduce_max3A_578 = arith.constant -2147483648 : i32
                        %reduce_max3A_579 = vector.broadcast %reduce_max3A_578 : i32 to vector<16xi32>
                        %reduce_max3A_580 = arith.xori %select_n3A_575, %reduce_max3A_579 : vector<16xi32>
                        %reduce_max3A_581 = tpu.scan <max>, %reduce_max3A_580 masked %reduce_max3A_577 : vector<16xi32>, vector<16xi1> -> vector<16xi32>
                        %reduce_max3A_582 = arith.xori %reduce_max3A_581, %reduce_max3A_579 : vector<16xi32>
                        %reduce_max3A_583 = vector.extract %reduce_max3A_582[15] : i32 from vector<16xi32>
                        %or3A_584 = arith.ori %or3A_559, %reduce_max3A_583 : i32
                        %get3A_585 = arith.index_cast %add3A_235 : i32 to index
                        %get3A_586 = arith.constant 48 : index
                        %get3A_587 = tpu.vector_load %arg17[%get3A_585, %get3A_586] {strides = array<i32>} : memref<64x64xi32, #tpu.memory_space<vmem>>, vector<16xi32>,
                        %add3A_588 = arith.constant 48 : i32
                        %add3A_589 = vector.broadcast %add3A_588 : i32 to vector<16xi32>
                        %add3A_590 = arith.addi %add3A_589, %iota3A_508 : vector<16xi32>
                        %broadcast_in_dim3A_591 = vector.broadcast %squeeze3A_507 : i32 to vector<16xi32>
                        %lt3A_592 = arith.cmpi slt, %add3A_590, %broadcast_in_dim3A_591 : vector<16xi32>
                        %eq3A_593 = vector.broadcast %add3A_439 : i32 to vector<16xi32>
                        %eq3A_594 = arith.cmpi eq, %get3A_587, %eq3A_593 : vector<16xi32>
                        %and3A_595 = arith.andi %eq3A_594, %lt3A_592 : vector<16xi1>
                        %jit3A_596 = arith.constant 1 : i32
                        %jit3A_597 = arith.constant 0 : i32
                        %broadcast_in_dim3A_598 = vector.broadcast %jit3A_596 : i32 to vector<16xi32>
                        %broadcast_in_dim3A_599 = vector.broadcast %jit3A_597 : i32 to vector<16xi32>
                        %select_n3A_600 = arith.select %and3A_595, %broadcast_in_dim3A_598, %broadcast_in_dim3A_599 : vector<16xi1>, vector<16xi32>
                        %reduce_max3A_601 = arith.constant true
                        %reduce_max3A_602 = vector.broadcast %reduce_max3A_601 : i1 to vector<16xi1>
                        %reduce_max3A_603 = arith.constant -2147483648 : i32
                        %reduce_max3A_604 = vector.broadcast %reduce_max3A_603 : i32 to vector<16xi32>
                        %reduce_max3A_605 = arith.xori %select_n3A_600, %reduce_max3A_604 : vector<16xi32>
                        %reduce_max3A_606 = tpu.scan <max>, %reduce_max3A_605 masked %reduce_max3A_602 : vector<16xi32>, vector<16xi1> -> vector<16xi32>
                        %reduce_max3A_607 = arith.xori %reduce_max3A_606, %reduce_max3A_604 : vector<16xi32>
                        %reduce_max3A_608 = vector.extract %reduce_max3A_607[15] : i32 from vector<16xi32>
                        %or3A_609 = arith.ori %or3A_584, %reduce_max3A_608 : i32
                        %eq3A_610 = arith.constant 0 : i32
                        %eq3A_611 = arith.cmpi eq, %or3A_609, %eq3A_610 : i32
                        %convert_element_type3A_612 = arith.extui %eq3A_611 : i1 to i32
                        %cond3A_613 = arith.constant 0 : i32
                        %cond3A_614 = arith.cmpi ne, %convert_element_type3A_612, %cond3A_613 : i32
                        scf.if %cond3A_614 {
                          %run_scoped3A_615 = arith.constant 0 : i32
                          "tpu.region"() ({
                            %run_scoped3A_681 = tpu.sem_alloc : memref<!tpu.dma_semaphore, #tpu.memory_space<semaphore_mem>>
                            %dma_start3A_682 = arith.constant 0 : i32
                            %dma_start3A_683 = tpu.memref_slice %arg5[%run_scoped3A_615, %add3A_439, %dma_start3A_682] : memref<2x2048x64xf32, #tpu.memory_space<hbm>> -> memref<1x1x64xf32, #tpu.memory_space<hbm>>
                            %dma_start3A_684 = tpu.memref_squeeze %dma_start3A_683 : memref<1x1x64xf32, #tpu.memory_space<hbm>> -> memref<1x64xf32, #tpu.memory_space<hbm>>
                            %dma_start3A_685 = arith.constant 0 : i32
                            %dma_start3A_686 = tpu.memref_slice %arg5[%run_scoped3A_615, %add3A_439, %dma_start3A_685] : memref<2x2048x64xf32, #tpu.memory_space<hbm>> -> memref<1x1x64xf32, #tpu.memory_space<hbm>>
                            %dma_start3A_687 = tpu.memref_squeeze %dma_start3A_686 : memref<1x1x64xf32, #tpu.memory_space<hbm>> -> memref<1x64xf32, #tpu.memory_space<hbm>>
                            tpu.enqueue_dma source(%dma_start3A_687 : memref<1x64xf32, #tpu.memory_space<hbm>>) target(%arg14 : memref<1x64xf32, #tpu.memory_space<vmem>>) target_semaphore(%run_scoped3A_681 : memref<!tpu.dma_semaphore, #tpu.memory_space<semaphore_mem>>)
                            %dma_wait3A_688 = arith.constant 0 : i32
                            %dma_wait3A_689 = tpu.memref_slice %arg5[%run_scoped3A_615, %add3A_439, %dma_wait3A_688] : memref<2x2048x64xf32, #tpu.memory_space<hbm>> -> memref<1x1x64xf32, #tpu.memory_space<hbm>>
                            %dma_wait3A_690 = tpu.memref_squeeze %dma_wait3A_689 : memref<1x1x64xf32, #tpu.memory_space<hbm>> -> memref<1x64xf32, #tpu.memory_space<hbm>>
                            %dma_wait3A_691 = arith.constant 0 : i32
                            %dma_wait3A_692 = tpu.memref_slice %arg5[%run_scoped3A_615, %add3A_439, %dma_wait3A_691] : memref<2x2048x64xf32, #tpu.memory_space<hbm>> -> memref<1x1x64xf32, #tpu.memory_space<hbm>>
                            %dma_wait3A_693 = tpu.memref_squeeze %dma_wait3A_692 : memref<1x1x64xf32, #tpu.memory_space<hbm>> -> memref<1x64xf32, #tpu.memory_space<hbm>>
                            tpu.wait_dma2 semaphore(%run_scoped3A_681 : memref<!tpu.dma_semaphore, #tpu.memory_space<semaphore_mem>>) src(%dma_wait3A_693 : memref<1x64xf32, #tpu.memory_space<hbm>>) dst(%arg14 : memref<1x64xf32, #tpu.memory_space<vmem>>)
                            tpu.yield
                          }) : () -> ()
                          %add3A_616 = arith.addi %mul3A_2, %add3A_235 : i32
                          %run_scoped3A_617 = arith.constant 0 : i32
                          "tpu.region"() ({
                            %run_scoped3A_681 = tpu.sem_alloc : memref<!tpu.dma_semaphore, #tpu.memory_space<semaphore_mem>>
                            %dma_start3A_682 = arith.constant 0 : i32
                            %dma_start3A_683 = tpu.memref_slice %arg4[%run_scoped3A_617, %add3A_616, %dma_start3A_682] : memref<2x2048x64xf32, #tpu.memory_space<hbm>> -> memref<1x1x64xf32, #tpu.memory_space<hbm>>
                            %dma_start3A_684 = tpu.memref_squeeze %dma_start3A_683 : memref<1x1x64xf32, #tpu.memory_space<hbm>> -> memref<1x64xf32, #tpu.memory_space<hbm>>
                            %dma_start3A_685 = arith.constant 0 : i32
                            %dma_start3A_686 = tpu.memref_slice %arg4[%run_scoped3A_617, %add3A_616, %dma_start3A_685] : memref<2x2048x64xf32, #tpu.memory_space<hbm>> -> memref<1x1x64xf32, #tpu.memory_space<hbm>>
                            %dma_start3A_687 = tpu.memref_squeeze %dma_start3A_686 : memref<1x1x64xf32, #tpu.memory_space<hbm>> -> memref<1x64xf32, #tpu.memory_space<hbm>>
                            tpu.enqueue_dma source(%dma_start3A_687 : memref<1x64xf32, #tpu.memory_space<hbm>>) target(%arg13 : memref<1x64xf32, #tpu.memory_space<vmem>>) target_semaphore(%run_scoped3A_681 : memref<!tpu.dma_semaphore, #tpu.memory_space<semaphore_mem>>)
                            %dma_wait3A_688 = arith.constant 0 : i32
                            %dma_wait3A_689 = tpu.memref_slice %arg4[%run_scoped3A_617, %add3A_616, %dma_wait3A_688] : memref<2x2048x64xf32, #tpu.memory_space<hbm>> -> memref<1x1x64xf32, #tpu.memory_space<hbm>>
                            %dma_wait3A_690 = tpu.memref_squeeze %dma_wait3A_689 : memref<1x1x64xf32, #tpu.memory_space<hbm>> -> memref<1x64xf32, #tpu.memory_space<hbm>>
                            %dma_wait3A_691 = arith.constant 0 : i32
                            %dma_wait3A_692 = tpu.memref_slice %arg4[%run_scoped3A_617, %add3A_616, %dma_wait3A_691] : memref<2x2048x64xf32, #tpu.memory_space<hbm>> -> memref<1x1x64xf32, #tpu.memory_space<hbm>>
                            %dma_wait3A_693 = tpu.memref_squeeze %dma_wait3A_692 : memref<1x1x64xf32, #tpu.memory_space<hbm>> -> memref<1x64xf32, #tpu.memory_space<hbm>>
                            tpu.wait_dma2 semaphore(%run_scoped3A_681 : memref<!tpu.dma_semaphore, #tpu.memory_space<semaphore_mem>>) src(%dma_wait3A_693 : memref<1x64xf32, #tpu.memory_space<hbm>>) dst(%arg13 : memref<1x64xf32, #tpu.memory_space<vmem>>)
                            tpu.yield
                          }) : () -> ()
                          %get3A_618 = arith.constant 0 : i32
                          %get3A_619 = arith.index_cast %get3A_618 : i32 to index
                          %get3A_620 = arith.constant 0 : index
                          %get3A_621 = tpu.vector_load %arg13[%get3A_619, %get3A_620] {strides = array<i32>} : memref<1x64xf32, #tpu.memory_space<vmem>>, vector<16xf32>,
                          %get3A_622 = arith.constant 0 : i32
                          %get3A_623 = arith.index_cast %get3A_622 : i32 to index
                          %get3A_624 = arith.constant 0 : index
                          %get3A_625 = tpu.vector_load %arg14[%get3A_623, %get3A_624] {strides = array<i32>} : memref<1x64xf32, #tpu.memory_space<vmem>>, vector<16xf32>,
                          %mul3A_626 = arith.mulf %get3A_621, %get3A_625 : vector<16xf32>
                          %reduce_sum3A = arith.constant true
                          %reduce_sum3A_627 = vector.broadcast %reduce_sum3A : i1 to vector<16xi1>
                          %reduce_sum3A_628 = tpu.scan <sum>, %mul3A_626 masked %reduce_sum3A_627 : vector<16xf32>, vector<16xi1> -> vector<16xf32>
                          %reduce_sum3A_629 = vector.extract %reduce_sum3A_628[15] : f32 from vector<16xf32>
                          %add3A_630 = arith.constant 0.000000e+00 : f32
                          %add3A_631 = arith.addf %add3A_630, %reduce_sum3A_629 : f32
                          %get3A_632 = arith.constant 0 : i32
                          %get3A_633 = arith.index_cast %get3A_632 : i32 to index
                          %get3A_634 = arith.constant 16 : index
                          %get3A_635 = tpu.vector_load %arg13[%get3A_633, %get3A_634] {strides = array<i32>} : memref<1x64xf32, #tpu.memory_space<vmem>>, vector<16xf32>,
                          %get3A_636 = arith.constant 0 : i32
                          %get3A_637 = arith.index_cast %get3A_636 : i32 to index
                          %get3A_638 = arith.constant 16 : index
                          %get3A_639 = tpu.vector_load %arg14[%get3A_637, %get3A_638] {strides = array<i32>} : memref<1x64xf32, #tpu.memory_space<vmem>>, vector<16xf32>,
                          %mul3A_640 = arith.mulf %get3A_635, %get3A_639 : vector<16xf32>
                          %reduce_sum3A_641 = arith.constant true
                          %reduce_sum3A_642 = vector.broadcast %reduce_sum3A_641 : i1 to vector<16xi1>
                          %reduce_sum3A_643 = tpu.scan <sum>, %mul3A_640 masked %reduce_sum3A_642 : vector<16xf32>, vector<16xi1> -> vector<16xf32>
                          %reduce_sum3A_644 = vector.extract %reduce_sum3A_643[15] : f32 from vector<16xf32>
                          %add3A_645 = arith.addf %add3A_631, %reduce_sum3A_644 : f32
                          %get3A_646 = arith.constant 0 : i32
                          %get3A_647 = arith.index_cast %get3A_646 : i32 to index
                          %get3A_648 = arith.constant 32 : index
                          %get3A_649 = tpu.vector_load %arg13[%get3A_647, %get3A_648] {strides = array<i32>} : memref<1x64xf32, #tpu.memory_space<vmem>>, vector<16xf32>,
                          %get3A_650 = arith.constant 0 : i32
                          %get3A_651 = arith.index_cast %get3A_650 : i32 to index
                          %get3A_652 = arith.constant 32 : index
                          %get3A_653 = tpu.vector_load %arg14[%get3A_651, %get3A_652] {strides = array<i32>} : memref<1x64xf32, #tpu.memory_space<vmem>>, vector<16xf32>,
                          %mul3A_654 = arith.mulf %get3A_649, %get3A_653 : vector<16xf32>
                          %reduce_sum3A_655 = arith.constant true
                          %reduce_sum3A_656 = vector.broadcast %reduce_sum3A_655 : i1 to vector<16xi1>
                          %reduce_sum3A_657 = tpu.scan <sum>, %mul3A_654 masked %reduce_sum3A_656 : vector<16xf32>, vector<16xi1> -> vector<16xf32>
                          %reduce_sum3A_658 = vector.extract %reduce_sum3A_657[15] : f32 from vector<16xf32>
                          %add3A_659 = arith.addf %add3A_645, %reduce_sum3A_658 : f32
                          %get3A_660 = arith.constant 0 : i32
                          %get3A_661 = arith.index_cast %get3A_660 : i32 to index
                          %get3A_662 = arith.constant 48 : index
                          %get3A_663 = tpu.vector_load %arg13[%get3A_661, %get3A_662] {strides = array<i32>} : memref<1x64xf32, #tpu.memory_space<vmem>>, vector<16xf32>,
                          %get3A_664 = arith.constant 0 : i32
                          %get3A_665 = arith.index_cast %get3A_664 : i32 to index
                          %get3A_666 = arith.constant 48 : index
                          %get3A_667 = tpu.vector_load %arg14[%get3A_665, %get3A_666] {strides = array<i32>} : memref<1x64xf32, #tpu.memory_space<vmem>>, vector<16xf32>,
                          %mul3A_668 = arith.mulf %get3A_663, %get3A_667 : vector<16xf32>
                          %reduce_sum3A_669 = arith.constant true
                          %reduce_sum3A_670 = vector.broadcast %reduce_sum3A_669 : i1 to vector<16xi1>
                          %reduce_sum3A_671 = tpu.scan <sum>, %mul3A_668 masked %reduce_sum3A_670 : vector<16xf32>, vector<16xi1> -> vector<16xf32>
                          %reduce_sum3A_672 = vector.extract %reduce_sum3A_671[15] : f32 from vector<16xf32>
                          %add3A_673 = arith.addf %add3A_659, %reduce_sum3A_672 : f32
                          %while3A_674 = arith.constant 0 : i32
                          %while3A_675 = scf.while (%while3A_681 = %while3A_674) : (i32) -> i32 {
                            %min3A = arith.constant 63 : i32
                            %min3A_682 = arith.minsi %while3A_681, %min3A : i32
                            %broadcast_in_dim3A_683 = vector.broadcast %add3A_235 : i32 to vector<16xi32>
                            %broadcast_in_dim3A_684 = vector.broadcast %min3A_682 : i32 to vector<16xi32>
                            %gather3A_685 = tpu.vector_load_idx %arg15[%broadcast_in_dim3A_683, %broadcast_in_dim3A_684] : memref<64x64xf32, #tpu.memory_space<vmem>>[vector<16xi32>, vector<16xi32>], vector<16xf32>,
                            %slice3A_686 = vector.extract_strided_slice %gather3A_685 {offsets = [0], sizes = [1], strides = [1]} : vector<16xf32> to vector<1xf32>
                            %squeeze3A_687 = vector.extract %slice3A_686[0] : f32 from vector<1xf32>
                            %broadcast_in_dim3A_688 = vector.broadcast %add3A_235 : i32 to vector<16xi32>
                            %broadcast_in_dim3A_689 = vector.broadcast %min3A_682 : i32 to vector<16xi32>
                            %gather3A_690 = tpu.vector_load_idx %arg17[%broadcast_in_dim3A_688, %broadcast_in_dim3A_689] : memref<64x64xi32, #tpu.memory_space<vmem>>[vector<16xi32>, vector<16xi32>], vector<16xi32>,
                            %slice3A_691 = vector.extract_strided_slice %gather3A_690 {offsets = [0], sizes = [1], strides = [1]} : vector<16xi32> to vector<1xi32>
                            %squeeze3A_692 = vector.extract %slice3A_691[0] : i32 from vector<1xi32>
                            %lt3A_693 = arith.cmpi slt, %while3A_681, %squeeze3A_507 : i32
                            %gt3A_694 = arith.cmpf ogt, %squeeze3A_687, %add3A_673 : f32
                            %eq3A_695 = arith.cmpf oeq, %squeeze3A_687, %add3A_673 : f32
                            %lt3A_696 = arith.cmpi slt, %squeeze3A_692, %add3A_439 : i32
                            %and3A_697 = arith.andi %eq3A_695, %lt3A_696 : i1
                            %or3A_698 = arith.ori %gt3A_694, %and3A_697 : i1
                            %and3A_699 = arith.andi %lt3A_693, %or3A_698 : i1
                            scf.condition(%and3A_699) %while3A_681 : i32
                          } do {
                          ^bb0(%while3A_681: i32):
                            %add3A_682 = arith.constant 1 : i32
                            %add3A_683 = arith.addi %while3A_681, %add3A_682 : i32
                            scf.yield %add3A_683 : i32
                          }
                          %lt3A_676 = arith.constant 64 : i32
                          %lt3A_677 = arith.cmpi slt, %while3A_675, %lt3A_676 : i32
                          %convert_element_type3A_678 = arith.extui %lt3A_677 : i1 to i32
                          %cond3A_679 = arith.constant 0 : i32
                          %cond3A_680 = arith.cmpi ne, %convert_element_type3A_678, %cond3A_679 : i32
                          scf.if %cond3A_680 {
                            %min3A = arith.constant 63 : i32
                            %min3A_681 = arith.minsi %squeeze3A_507, %min3A : i32
                            %while3A_682 = scf.while (%while3A_695 = %min3A_681) : (i32) -> i32 {
                              %gt3A_696 = arith.cmpi sgt, %while3A_695, %while3A_675 : i32
                              scf.condition(%gt3A_696) %while3A_695 : i32
                            } do {
                            ^bb0(%while3A_695: i32):
                              %sub3A_696 = arith.constant 1 : i32
                              %sub3A_697 = arith.subi %while3A_695, %sub3A_696 : i32
                              %broadcast_in_dim3A_698 = vector.broadcast %add3A_235 : i32 to vector<16xi32>
                              %broadcast_in_dim3A_699 = vector.broadcast %sub3A_697 : i32 to vector<16xi32>
                              %gather3A_700 = tpu.vector_load_idx %arg15[%broadcast_in_dim3A_698, %broadcast_in_dim3A_699] : memref<64x64xf32, #tpu.memory_space<vmem>>[vector<16xi32>, vector<16xi32>], vector<16xf32>,
                              %slice3A_701 = vector.extract_strided_slice %gather3A_700 {offsets = [0], sizes = [1], strides = [1]} : vector<16xf32> to vector<1xf32>
                              %squeeze3A_702 = vector.extract %slice3A_701[0] : f32 from vector<1xf32>
                              %broadcast_in_dim3A_703 = vector.broadcast %add3A_235 : i32 to vector<16xi32>
                              %broadcast_in_dim3A_704 = vector.broadcast %while3A_695 : i32 to vector<16xi32>
                              %broadcast_in_dim3A_705 = vector.broadcast %squeeze3A_702 : f32 to vector<16xf32>
                              tpu.vector_store_idx %arg15[%broadcast_in_dim3A_703, %broadcast_in_dim3A_704], %broadcast_in_dim3A_705 masked %eq3A_40 : memref<64x64xf32, #tpu.memory_space<vmem>>[vector<16xi32>, vector<16xi32>], vector<16xf32>, vector<16xi1>
                              %sub3A_706 = arith.constant 1 : i32
                              %sub3A_707 = arith.subi %while3A_695, %sub3A_706 : i32
                              %broadcast_in_dim3A_708 = vector.broadcast %add3A_235 : i32 to vector<16xi32>
                              %broadcast_in_dim3A_709 = vector.broadcast %sub3A_707 : i32 to vector<16xi32>
                              %gather3A_710 = tpu.vector_load_idx %arg17[%broadcast_in_dim3A_708, %broadcast_in_dim3A_709] : memref<64x64xi32, #tpu.memory_space<vmem>>[vector<16xi32>, vector<16xi32>], vector<16xi32>,
                              %slice3A_711 = vector.extract_strided_slice %gather3A_710 {offsets = [0], sizes = [1], strides = [1]} : vector<16xi32> to vector<1xi32>
                              %squeeze3A_712 = vector.extract %slice3A_711[0] : i32 from vector<1xi32>
                              %broadcast_in_dim3A_713 = vector.broadcast %add3A_235 : i32 to vector<16xi32>
                              %broadcast_in_dim3A_714 = vector.broadcast %while3A_695 : i32 to vector<16xi32>
                              %broadcast_in_dim3A_715 = vector.broadcast %squeeze3A_712 : i32 to vector<16xi32>
                              tpu.vector_store_idx %arg17[%broadcast_in_dim3A_713, %broadcast_in_dim3A_714], %broadcast_in_dim3A_715 masked %eq3A_40 : memref<64x64xi32, #tpu.memory_space<vmem>>[vector<16xi32>, vector<16xi32>], vector<16xi32>, vector<16xi1>
                              %sub3A_716 = arith.constant 1 : i32
                              %sub3A_717 = arith.subi %while3A_695, %sub3A_716 : i32
                              scf.yield %sub3A_717 : i32
                            }
                            %broadcast_in_dim3A_683 = vector.broadcast %add3A_235 : i32 to vector<16xi32>
                            %broadcast_in_dim3A_684 = vector.broadcast %while3A_675 : i32 to vector<16xi32>
                            %broadcast_in_dim3A_685 = vector.broadcast %add3A_673 : f32 to vector<16xf32>
                            tpu.vector_store_idx %arg15[%broadcast_in_dim3A_683, %broadcast_in_dim3A_684], %broadcast_in_dim3A_685 masked %eq3A_40 : memref<64x64xf32, #tpu.memory_space<vmem>>[vector<16xi32>, vector<16xi32>], vector<16xf32>, vector<16xi1>
                            %broadcast_in_dim3A_686 = vector.broadcast %add3A_235 : i32 to vector<16xi32>
                            %broadcast_in_dim3A_687 = vector.broadcast %while3A_675 : i32 to vector<16xi32>
                            %broadcast_in_dim3A_688 = vector.broadcast %add3A_439 : i32 to vector<16xi32>
                            tpu.vector_store_idx %arg17[%broadcast_in_dim3A_686, %broadcast_in_dim3A_687], %broadcast_in_dim3A_688 masked %eq3A_40 : memref<64x64xi32, #tpu.memory_space<vmem>>[vector<16xi32>, vector<16xi32>], vector<16xi32>, vector<16xi1>
                            %add3A_689 = arith.constant 1 : i32
                            %add3A_690 = arith.addi %squeeze3A_507, %add3A_689 : i32
                            %min3A_691 = arith.constant 64 : i32
                            %min3A_692 = arith.minsi %add3A_690, %min3A_691 : i32
                            %broadcast_in_dim3A_693 = vector.broadcast %add3A_235 : i32 to vector<16xi32>
                            %broadcast_in_dim3A_694 = vector.broadcast %min3A_692 : i32 to vector<16xi32>
                            tpu.vector_store_idx %arg19[%broadcast_in_dim3A_693], %broadcast_in_dim3A_694 masked %eq3A_40 : memref<64xi32, #tpu.memory_space<vmem>>[vector<16xi32>], vector<16xi32>, vector<16xi1>
                          } else {
                          }
                        } else {
                        }
                      } else {
                      }
                      %scan3A_503 = arith.constant 0 : i32
                      scf.yield %scan3A_503 : i32
                    }
                    %scan3A_436 = arith.constant 16 : i32
                  } else {
                  }
                } else {
                }
                %lt3A_323 = arith.constant 128 : i32
                %lt3A_324 = arith.cmpi slt, %parallel_loop3A_317, %lt3A_323 : i32
                %add3A_325 = arith.constant 1 : i32
                %add3A_326 = arith.addi %parallel_loop3A_317, %add3A_325 : i32
                %jit3A_327 = arith.constant 128 : i32
                %select_n3A_328 = arith.select %lt3A_324, %add3A_326, %jit3A_327 : i32
                scf.yield %select_n3A_328 : i32
              }
            } else {
            }
            %scan3A_266 = arith.constant 0 : i32
            scf.yield %scan3A_266 : i32
          }
          %scan3A_230 = arith.constant 16 : i32
        } else {
        }
        %scan3A_223 = arith.constant 0 : i32
        scf.yield %scan3A_223 : i32
      }
      %scan3A_186 = arith.constant 4 : i32
      %scan3A_187 = arith.constant 0 : i32
      scf.yield %scan3A_187 : i32
    }
    %scan3A_102 = arith.constant 2 : i32
    %dma_start3A_103 = arith.constant 1 : i32
    %dma_start3A_104 = arith.constant 8 : i32
    %dma_start3A_105 = arith.constant 0 : i32
    %dma_start3A_106 = tpu.memref_slice %arg3[%dma_start3A_103, %dma_start3A_104, %dma_start3A_105] : memref<2x10x2048xi32, #tpu.memory_space<hbm>> -> memref<1x2x2048xi32, #tpu.memory_space<hbm>>
    %dma_start3A_107 = tpu.memref_squeeze %dma_start3A_106 : memref<1x2x2048xi32, #tpu.memory_space<hbm>> -> memref<2x2048xi32, #tpu.memory_space<hbm>>
    %dma_start3A_108 = arith.constant 8 : i32
    %dma_start3A_109 = arith.constant 0 : i32
    %dma_start3A_110 = tpu.memref_slice %arg3[%dma_start3A_103, %dma_start3A_108, %dma_start3A_109] : memref<2x10x2048xi32, #tpu.memory_space<hbm>> -> memref<1x2x2048xi32, #tpu.memory_space<hbm>>
    %dma_start3A_111 = tpu.memref_squeeze %dma_start3A_110 : memref<1x2x2048xi32, #tpu.memory_space<hbm>> -> memref<2x2048xi32, #tpu.memory_space<hbm>>
    tpu.enqueue_dma source(%dma_start3A_111 : memref<2x2048xi32, #tpu.memory_space<hbm>>) target(%arg9 : memref<2x2048xi32, #tpu.memory_space<vmem>>) target_semaphore(%arg20 : memref<!tpu.dma_semaphore, #tpu.memory_space<semaphore_mem>>)
    %iota3A_112 = tpu.iota {dimensions = array<i32: 0>} : vector<16xi32>
    %parallel_loop3A_113 = arith.constant 0 : i32
    %parallel_loop3A_114 = arith.constant 64 : i32
    %parallel_loop3A_115 = arith.constant 1 : i32
    scf.for %parallel_loop3A_172 = %parallel_loop3A_113 to %parallel_loop3A_114 step %parallel_loop3A_115  : i32 {
      %parallel_loop3A_173 = vector.broadcast %parallel_loop3A_172 : i32 to vector<16xi32>
      %parallel_loop3A_174 = tpu.vector_load_idx %arg19[%parallel_loop3A_173] : memref<64xi32, #tpu.memory_space<vmem>>[vector<16xi32>], vector<16xi32>,
      %parallel_loop3A_175 = vector.extract_strided_slice %parallel_loop3A_174 {offsets = [0], sizes = [1], strides = [1]} : vector<16xi32> to vector<1xi32>
      %parallel_loop3A_176 = vector.extract %parallel_loop3A_175[0] : i32 from vector<1xi32>
      %parallel_loop3A_177 = vector.broadcast %parallel_loop3A_176 : i32 to vector<16xi32>
      %parallel_loop3A_178 = arith.index_cast %parallel_loop3A_172 : i32 to index
      %parallel_loop3A_179 = arith.constant 0 : index
      %parallel_loop3A_180 = tpu.vector_load %arg15[%parallel_loop3A_178, %parallel_loop3A_179] {strides = array<i32>} : memref<64x64xf32, #tpu.memory_space<vmem>>, vector<16xf32>,
      %parallel_loop3A_181 = arith.index_cast %parallel_loop3A_172 : i32 to index
      %parallel_loop3A_182 = arith.constant 0 : index
      %parallel_loop3A_183 = tpu.vector_load %arg17[%parallel_loop3A_181, %parallel_loop3A_182] {strides = array<i32>} : memref<64x64xi32, #tpu.memory_space<vmem>>, vector<16xi32>,
      %parallel_loop3A_184 = arith.constant 0 : i32
      %parallel_loop3A_185 = vector.broadcast %parallel_loop3A_184 : i32 to vector<16xi32>
      %parallel_loop3A_186 = arith.addi %parallel_loop3A_185, %iota3A_112 : vector<16xi32>
      %parallel_loop3A_187 = arith.cmpi slt, %parallel_loop3A_186, %parallel_loop3A_177 : vector<16xi32>
      %parallel_loop3A_188 = arith.constant -1.000000e+08 : f32
      %parallel_loop3A_189 = vector.broadcast %parallel_loop3A_188 : f32 to vector<16xf32>
      %parallel_loop3A_190 = arith.cmpf ogt, %parallel_loop3A_180, %parallel_loop3A_189 : vector<16xf32>
      %parallel_loop3A_191 = arith.andi %parallel_loop3A_187, %parallel_loop3A_190 : vector<16xi1>
      %parallel_loop3A_192 = arith.constant -1 : i32
      %parallel_loop3A_193 = vector.broadcast %parallel_loop3A_192 : i32 to vector<16xi32>
      %parallel_loop3A_194 = arith.select %parallel_loop3A_191, %parallel_loop3A_183, %parallel_loop3A_193 : vector<16xi1>, vector<16xi32>
      %parallel_loop3A_195 = arith.index_cast %parallel_loop3A_172 : i32 to index
      %parallel_loop3A_196 = arith.constant 0 : index
      %parallel_loop3A_197 = tpu.vector_load %arg17[%parallel_loop3A_195, %parallel_loop3A_196] {strides = array<i32>} : memref<64x64xi32, #tpu.memory_space<vmem>>, vector<16xi32>,
      tpu.vector_store %arg17[%parallel_loop3A_195, %parallel_loop3A_196], %parallel_loop3A_194 {strides = array<i32>} : memref<64x64xi32, #tpu.memory_space<vmem>>, vector<16xi32>,
      %parallel_loop3A_198 = arith.index_cast %parallel_loop3A_172 : i32 to index
      %parallel_loop3A_199 = arith.constant 16 : index
      %parallel_loop3A_200 = tpu.vector_load %arg15[%parallel_loop3A_198, %parallel_loop3A_199] {strides = array<i32>} : memref<64x64xf32, #tpu.memory_space<vmem>>, vector<16xf32>,
      %parallel_loop3A_201 = arith.index_cast %parallel_loop3A_172 : i32 to index
      %parallel_loop3A_202 = arith.constant 16 : index
      %parallel_loop3A_203 = tpu.vector_load %arg17[%parallel_loop3A_201, %parallel_loop3A_202] {strides = array<i32>} : memref<64x64xi32, #tpu.memory_space<vmem>>, vector<16xi32>,
      %parallel_loop3A_204 = arith.constant 16 : i32
      %parallel_loop3A_205 = vector.broadcast %parallel_loop3A_204 : i32 to vector<16xi32>
      %parallel_loop3A_206 = arith.addi %parallel_loop3A_205, %iota3A_112 : vector<16xi32>
      %parallel_loop3A_207 = arith.cmpi slt, %parallel_loop3A_206, %parallel_loop3A_177 : vector<16xi32>
      %parallel_loop3A_208 = arith.constant -1.000000e+08 : f32
      %parallel_loop3A_209 = vector.broadcast %parallel_loop3A_208 : f32 to vector<16xf32>
      %parallel_loop3A_210 = arith.cmpf ogt, %parallel_loop3A_200, %parallel_loop3A_209 : vector<16xf32>
      %parallel_loop3A_211 = arith.andi %parallel_loop3A_207, %parallel_loop3A_210 : vector<16xi1>
      %parallel_loop3A_212 = arith.constant -1 : i32
      %parallel_loop3A_213 = vector.broadcast %parallel_loop3A_212 : i32 to vector<16xi32>
      %parallel_loop3A_214 = arith.select %parallel_loop3A_211, %parallel_loop3A_203, %parallel_loop3A_213 : vector<16xi1>, vector<16xi32>
      %parallel_loop3A_215 = arith.index_cast %parallel_loop3A_172 : i32 to index
      %parallel_loop3A_216 = arith.constant 16 : index
      %parallel_loop3A_217 = tpu.vector_load %arg17[%parallel_loop3A_215, %parallel_loop3A_216] {strides = array<i32>} : memref<64x64xi32, #tpu.memory_space<vmem>>, vector<16xi32>,
      tpu.vector_store %arg17[%parallel_loop3A_215, %parallel_loop3A_216], %parallel_loop3A_214 {strides = array<i32>} : memref<64x64xi32, #tpu.memory_space<vmem>>, vector<16xi32>,
      %parallel_loop3A_218 = arith.index_cast %parallel_loop3A_172 : i32 to index
      %parallel_loop3A_219 = arith.constant 32 : index
      %parallel_loop3A_220 = tpu.vector_load %arg15[%parallel_loop3A_218, %parallel_loop3A_219] {strides = array<i32>} : memref<64x64xf32, #tpu.memory_space<vmem>>, vector<16xf32>,
      %parallel_loop3A_221 = arith.index_cast %parallel_loop3A_172 : i32 to index
      %parallel_loop3A_222 = arith.constant 32 : index
      %parallel_loop3A_223 = tpu.vector_load %arg17[%parallel_loop3A_221, %parallel_loop3A_222] {strides = array<i32>} : memref<64x64xi32, #tpu.memory_space<vmem>>, vector<16xi32>,
      %parallel_loop3A_224 = arith.constant 32 : i32
      %parallel_loop3A_225 = vector.broadcast %parallel_loop3A_224 : i32 to vector<16xi32>
      %parallel_loop3A_226 = arith.addi %parallel_loop3A_225, %iota3A_112 : vector<16xi32>
      %parallel_loop3A_227 = arith.cmpi slt, %parallel_loop3A_226, %parallel_loop3A_177 : vector<16xi32>
      %parallel_loop3A_228 = arith.constant -1.000000e+08 : f32
      %parallel_loop3A_229 = vector.broadcast %parallel_loop3A_228 : f32 to vector<16xf32>
      %parallel_loop3A_230 = arith.cmpf ogt, %parallel_loop3A_220, %parallel_loop3A_229 : vector<16xf32>
      %parallel_loop3A_231 = arith.andi %parallel_loop3A_227, %parallel_loop3A_230 : vector<16xi1>
      %parallel_loop3A_232 = arith.constant -1 : i32
      %parallel_loop3A_233 = vector.broadcast %parallel_loop3A_232 : i32 to vector<16xi32>
      %parallel_loop3A_234 = arith.select %parallel_loop3A_231, %parallel_loop3A_223, %parallel_loop3A_233 : vector<16xi1>, vector<16xi32>
      %parallel_loop3A_235 = arith.index_cast %parallel_loop3A_172 : i32 to index
      %parallel_loop3A_236 = arith.constant 32 : index
      %parallel_loop3A_237 = tpu.vector_load %arg17[%parallel_loop3A_235, %parallel_loop3A_236] {strides = array<i32>} : memref<64x64xi32, #tpu.memory_space<vmem>>, vector<16xi32>,
      tpu.vector_store %arg17[%parallel_loop3A_235, %parallel_loop3A_236], %parallel_loop3A_234 {strides = array<i32>} : memref<64x64xi32, #tpu.memory_space<vmem>>, vector<16xi32>,
      %parallel_loop3A_238 = arith.index_cast %parallel_loop3A_172 : i32 to index
      %parallel_loop3A_239 = arith.constant 48 : index
      %parallel_loop3A_240 = tpu.vector_load %arg15[%parallel_loop3A_238, %parallel_loop3A_239] {strides = array<i32>} : memref<64x64xf32, #tpu.memory_space<vmem>>, vector<16xf32>,
      %parallel_loop3A_241 = arith.index_cast %parallel_loop3A_172 : i32 to index
      %parallel_loop3A_242 = arith.constant 48 : index
      %parallel_loop3A_243 = tpu.vector_load %arg17[%parallel_loop3A_241, %parallel_loop3A_242] {strides = array<i32>} : memref<64x64xi32, #tpu.memory_space<vmem>>, vector<16xi32>,
      %parallel_loop3A_244 = arith.constant 48 : i32
      %parallel_loop3A_245 = vector.broadcast %parallel_loop3A_244 : i32 to vector<16xi32>
      %parallel_loop3A_246 = arith.addi %parallel_loop3A_245, %iota3A_112 : vector<16xi32>
      %parallel_loop3A_247 = arith.cmpi slt, %parallel_loop3A_246, %parallel_loop3A_177 : vector<16xi32>
      %parallel_loop3A_248 = arith.constant -1.000000e+08 : f32
      %parallel_loop3A_249 = vector.broadcast %parallel_loop3A_248 : f32 to vector<16xf32>
      %parallel_loop3A_250 = arith.cmpf ogt, %parallel_loop3A_240, %parallel_loop3A_249 : vector<16xf32>
      %parallel_loop3A_251 = arith.andi %parallel_loop3A_247, %parallel_loop3A_250 : vector<16xi1>
      %parallel_loop3A_252 = arith.constant -1 : i32
      %parallel_loop3A_253 = vector.broadcast %parallel_loop3A_252 : i32 to vector<16xi32>
      %parallel_loop3A_254 = arith.select %parallel_loop3A_251, %parallel_loop3A_243, %parallel_loop3A_253 : vector<16xi1>, vector<16xi32>
      %parallel_loop3A_255 = arith.index_cast %parallel_loop3A_172 : i32 to index
      %parallel_loop3A_256 = arith.constant 48 : index
      %parallel_loop3A_257 = tpu.vector_load %arg17[%parallel_loop3A_255, %parallel_loop3A_256] {strides = array<i32>} : memref<64x64xi32, #tpu.memory_space<vmem>>, vector<16xi32>,
      tpu.vector_store %arg17[%parallel_loop3A_255, %parallel_loop3A_256], %parallel_loop3A_254 {strides = array<i32>} : memref<64x64xi32, #tpu.memory_space<vmem>>, vector<16xi32>,
    } {sc.loop_unroll_factor = 2 : i64, sc.parallel_access}
    %dma_start3A_116 = arith.constant 0 : i32
    %dma_start3A_117 = arith.constant 0 : i32
    %dma_start3A_118 = tpu.memref_slice %arg6[%dma_start3A_116, %mul3A_2, %dma_start3A_117] : memref<2x2048x64xi32, #tpu.memory_space<hbm>> -> memref<1x64x64xi32, #tpu.memory_space<hbm>>
    %dma_start3A_119 = tpu.memref_squeeze %dma_start3A_118 : memref<1x64x64xi32, #tpu.memory_space<hbm>> -> memref<64x64xi32, #tpu.memory_space<hbm>>
    %dma_start3A_120 = arith.constant 0 : i32
    %dma_start3A_121 = tpu.memref_slice %arg6[%dma_start3A_116, %mul3A_2, %dma_start3A_120] : memref<2x2048x64xi32, #tpu.memory_space<hbm>> -> memref<1x64x64xi32, #tpu.memory_space<hbm>>
    %dma_start3A_122 = tpu.memref_squeeze %dma_start3A_121 : memref<1x64x64xi32, #tpu.memory_space<hbm>> -> memref<64x64xi32, #tpu.memory_space<hbm>>
    tpu.enqueue_dma source(%arg17 : memref<64x64xi32, #tpu.memory_space<vmem>>) target(%dma_start3A_122 : memref<64x64xi32, #tpu.memory_space<hbm>>) target_semaphore(%arg22 : memref<!tpu.dma_semaphore, #tpu.memory_space<semaphore_mem>>)
    %swap3A_123 = arith.constant 0 : index
    %swap3A_124 = tpu.vector_load %arg19[%swap3A_123] {strides = array<i32>} : memref<64xi32, #tpu.memory_space<vmem>>, vector<16xi32>,
    tpu.vector_store %arg19[%swap3A_123], %broadcast_in_dim3A_37 {strides = array<i32>} : memref<64xi32, #tpu.memory_space<vmem>>, vector<16xi32>,
    %swap3A_125 = arith.constant 16 : index
    %swap3A_126 = tpu.vector_load %arg19[%swap3A_125] {strides = array<i32>} : memref<64xi32, #tpu.memory_space<vmem>>, vector<16xi32>,
    tpu.vector_store %arg19[%swap3A_125], %broadcast_in_dim3A_37 {strides = array<i32>} : memref<64xi32, #tpu.memory_space<vmem>>, vector<16xi32>,
    %swap3A_127 = arith.constant 32 : index
    %swap3A_128 = tpu.vector_load %arg19[%swap3A_127] {strides = array<i32>} : memref<64xi32, #tpu.memory_space<vmem>>, vector<16xi32>,
    tpu.vector_store %arg19[%swap3A_127], %broadcast_in_dim3A_37 {strides = array<i32>} : memref<64xi32, #tpu.memory_space<vmem>>, vector<16xi32>,
    %swap3A_129 = arith.constant 48 : index
    %swap3A_130 = tpu.vector_load %arg19[%swap3A_129] {strides = array<i32>} : memref<64xi32, #tpu.memory_space<vmem>>, vector<16xi32>,
    tpu.vector_store %arg19[%swap3A_129], %broadcast_in_dim3A_37 {strides = array<i32>} : memref<64xi32, #tpu.memory_space<vmem>>, vector<16xi32>,
    %dma_wait3A_131 = arith.constant 1 : i32
    %dma_wait3A_132 = arith.constant 8 : i32
    %dma_wait3A_133 = arith.constant 0 : i32
    %dma_wait3A_134 = tpu.memref_slice %arg3[%dma_wait3A_131, %dma_wait3A_132, %dma_wait3A_133] : memref<2x10x2048xi32, #tpu.memory_space<hbm>> -> memref<1x2x2048xi32, #tpu.memory_space<hbm>>
    %dma_wait3A_135 = tpu.memref_squeeze %dma_wait3A_134 : memref<1x2x2048xi32, #tpu.memory_space<hbm>> -> memref<2x2048xi32, #tpu.memory_space<hbm>>
    %dma_wait3A_136 = arith.constant 8 : i32
    %dma_wait3A_137 = arith.constant 0 : i32
    %dma_wait3A_138 = tpu.memref_slice %arg3[%dma_wait3A_131, %dma_wait3A_136, %dma_wait3A_137] : memref<2x10x2048xi32, #tpu.memory_space<hbm>> -> memref<1x2x2048xi32, #tpu.memory_space<hbm>>
    %dma_wait3A_139 = tpu.memref_squeeze %dma_wait3A_138 : memref<1x2x2048xi32, #tpu.memory_space<hbm>> -> memref<2x2048xi32, #tpu.memory_space<hbm>>
    tpu.wait_dma2 semaphore(%arg20 : memref<!tpu.dma_semaphore, #tpu.memory_space<semaphore_mem>>) src(%dma_wait3A_139 : memref<2x2048xi32, #tpu.memory_space<hbm>>) dst(%arg9 : memref<2x2048xi32, #tpu.memory_space<vmem>>)
    %scan3A_140 = arith.constant 0 : i32
    %scan3A_141 = arith.constant 0 : i32
    %scan3A_142 = arith.constant 2 : i32
    %scan3A_143 = arith.addi %scan3A_141, %scan3A_142 : i32
    %scan3A_144 = arith.constant 1 : i32
    %scan3A_145 = scf.for %scan3A_172 = %scan3A_141 to %scan3A_143 step %scan3A_144 iter_args(%scan3A_173 = %scan3A_140) -> (i32)  : i32 {
      %add3A_174 = arith.constant 3 : i32
      %add3A_175 = arith.addi %add3A_174, %scan3A_172 : i32
      %broadcast_in_dim3A_176 = vector.broadcast %add3A_175 : i32 to vector<16xi32>
      %parallel_loop3A_177 = arith.constant 0 : i32
      %parallel_loop3A_178 = arith.constant 2048 : i32
      %parallel_loop3A_179 = arith.constant 16 : i32
      scf.for %parallel_loop3A_188 = %parallel_loop3A_177 to %parallel_loop3A_178 step %parallel_loop3A_179  : i32 {
        %parallel_loop3A_189 = arith.index_cast %scan3A_172 : i32 to index
        %parallel_loop3A_190 = arith.index_cast %parallel_loop3A_188 : i32 to index
        %parallel_loop3A_191 = tpu.vector_load %arg9[%parallel_loop3A_189, %parallel_loop3A_190] {strides = array<i32>} : memref<2x2048xi32, #tpu.memory_space<vmem>>, vector<16xi32>,
        %parallel_loop3A_192 = arith.constant 32767 : i32
        %parallel_loop3A_193 = vector.broadcast %parallel_loop3A_192 : i32 to vector<16xi32>
        %parallel_loop3A_194 = arith.andi %parallel_loop3A_191, %parallel_loop3A_193 : vector<16xi32>
        tpu.vector_store_idx %arg7[%parallel_loop3A_194], %broadcast_in_dim3A_176 : memref<32768xi32, #tpu.memory_space<vmem>>[vector<16xi32>], vector<16xi32>,
        %parallel_loop3A_195 = arith.constant 18 : i32
        %parallel_loop3A_196 = vector.broadcast %parallel_loop3A_195 : i32 to vector<16xi32>
        %parallel_loop3A_197 = arith.shrui %parallel_loop3A_191, %parallel_loop3A_196 : vector<16xi32>
        %parallel_loop3A_198 = arith.constant 16383 : i32
        %parallel_loop3A_199 = vector.broadcast %parallel_loop3A_198 : i32 to vector<16xi32>
        %parallel_loop3A_200 = arith.andi %parallel_loop3A_197, %parallel_loop3A_199 : vector<16xi32>
        tpu.vector_store_idx %arg8[%parallel_loop3A_200], %broadcast_in_dim3A_176 : memref<16384xi32, #tpu.memory_space<vmem>>[vector<16xi32>], vector<16xi32>,
      } {sc.loop_unroll_factor = 8 : i64, sc.parallel_access}
      %scan3A_180 = arith.constant 0 : i32
      %scan3A_181 = arith.constant 0 : i32
      %scan3A_182 = arith.constant 4 : i32
      %scan3A_183 = arith.addi %scan3A_181, %scan3A_182 : i32
      %scan3A_184 = arith.constant 1 : i32
      %scan3A_185 = scf.for %scan3A_188 = %scan3A_181 to %scan3A_183 step %scan3A_184 iter_args(%scan3A_189 = %scan3A_180) -> (i32)  : i32 {
        %add3A_190 = arith.constant 8 : i32
        %add3A_191 = arith.addi %add3A_190, %scan3A_172 : i32
        %mul3A_192 = arith.constant 16 : i32
        %mul3A_193 = arith.muli %scan3A_188, %mul3A_192 : i32
        %add3A_194 = arith.addi %mul3A_36, %mul3A_193 : i32
        %get3A = arith.index_cast %add3A_191 : i32 to index
        %get3A_195 = arith.index_cast %add3A_194 : i32 to index
        %get3A_196 = tpu.vector_load %arg11[%get3A, %get3A_195] {strides = array<i32>} : memref<10x128xi32, #tpu.memory_space<vmem>>, vector<16xi32>,
        %and3A_197 = arith.constant 32767 : i32
        %and3A_198 = vector.broadcast %and3A_197 : i32 to vector<16xi32>
        %and3A_199 = arith.andi %get3A_196, %and3A_198 : vector<16xi32>
        %gather3A = tpu.vector_load_idx %arg7[%and3A_199] : memref<32768xi32, #tpu.memory_space<vmem>>[vector<16xi32>], vector<16xi32>,
        %shift_right_logical3A = arith.constant 18 : i32
        %shift_right_logical3A_200 = vector.broadcast %shift_right_logical3A : i32 to vector<16xi32>
        %shift_right_logical3A_201 = arith.shrui %get3A_196, %shift_right_logical3A_200 : vector<16xi32>
        %and3A_202 = arith.constant 16383 : i32
        %and3A_203 = vector.broadcast %and3A_202 : i32 to vector<16xi32>
        %and3A_204 = arith.andi %shift_right_logical3A_201, %and3A_203 : vector<16xi32>
        %gather3A_205 = tpu.vector_load_idx %arg8[%and3A_204] : memref<16384xi32, #tpu.memory_space<vmem>>[vector<16xi32>], vector<16xi32>,
        %eq3A_206 = arith.cmpi eq, %gather3A, %broadcast_in_dim3A_176 : vector<16xi32>
        %eq3A_207 = arith.cmpi eq, %gather3A_205, %broadcast_in_dim3A_176 : vector<16xi32>
        %and3A_208 = arith.andi %eq3A_206, %eq3A_207 : vector<16xi1>
        %jit3A_209 = arith.constant 1 : i32
        %jit3A_210 = arith.constant 0 : i32
        %broadcast_in_dim3A_211 = vector.broadcast %jit3A_209 : i32 to vector<16xi32>
        %broadcast_in_dim3A_212 = vector.broadcast %jit3A_210 : i32 to vector<16xi32>
        %select_n3A_213 = arith.select %and3A_208, %broadcast_in_dim3A_211, %broadcast_in_dim3A_212 : vector<16xi1>, vector<16xi32>
        %reduce_max3A = arith.constant true
        %reduce_max3A_214 = vector.broadcast %reduce_max3A : i1 to vector<16xi1>
        %reduce_max3A_215 = arith.constant -2147483648 : i32
        %reduce_max3A_216 = vector.broadcast %reduce_max3A_215 : i32 to vector<16xi32>
        %reduce_max3A_217 = arith.xori %select_n3A_213, %reduce_max3A_216 : vector<16xi32>
        %reduce_max3A_218 = tpu.scan <max>, %reduce_max3A_217 masked %reduce_max3A_214 : vector<16xi32>, vector<16xi1> -> vector<16xi32>
        %reduce_max3A_219 = arith.xori %reduce_max3A_218, %reduce_max3A_216 : vector<16xi32>
        %reduce_max3A_220 = vector.extract %reduce_max3A_219[15] : i32 from vector<16xi32>
        %gt3A = arith.constant 0 : i32
        %gt3A_221 = arith.cmpi sgt, %reduce_max3A_220, %gt3A : i32
        %convert_element_type3A = arith.extui %gt3A_221 : i1 to i32
        %cond3A = arith.constant 0 : i32
        %cond3A_222 = arith.cmpi ne, %convert_element_type3A, %cond3A : i32
        scf.if %cond3A_222 {
          %scan3A_224 = arith.constant 0 : i32
          %scan3A_225 = arith.constant 0 : i32
          %scan3A_226 = arith.constant 16 : i32
          %scan3A_227 = arith.addi %scan3A_225, %scan3A_226 : i32
          %scan3A_228 = arith.constant 1 : i32
          %scan3A_229 = scf.for %scan3A_231 = %scan3A_225 to %scan3A_227 step %scan3A_228 iter_args(%scan3A_232 = %scan3A_224) -> (i32)  : i32 {
            %mul3A_233 = arith.constant 16 : i32
            %mul3A_234 = arith.muli %scan3A_188, %mul3A_233 : i32
            %add3A_235 = arith.addi %mul3A_234, %scan3A_231 : i32
            %add3A_236 = arith.constant 8 : i32
            %add3A_237 = arith.addi %add3A_236, %scan3A_172 : i32
            %add3A_238 = arith.addi %mul3A_36, %add3A_235 : i32
            %broadcast_in_dim3A_239 = vector.broadcast %add3A_237 : i32 to vector<16xi32>
            %broadcast_in_dim3A_240 = vector.broadcast %add3A_238 : i32 to vector<16xi32>
            %gather3A_241 = tpu.vector_load_idx %arg11[%broadcast_in_dim3A_239, %broadcast_in_dim3A_240] : memref<10x128xi32, #tpu.memory_space<vmem>>[vector<16xi32>, vector<16xi32>], vector<16xi32>,
            %slice3A = vector.extract_strided_slice %gather3A_241 {offsets = [0], sizes = [1], strides = [1]} : vector<16xi32> to vector<1xi32>
            %squeeze3A = vector.extract %slice3A[0] : i32 from vector<1xi32>
            %and3A_242 = arith.constant 32767 : i32
            %and3A_243 = arith.andi %squeeze3A, %and3A_242 : i32
            %broadcast_in_dim3A_244 = vector.broadcast %and3A_243 : i32 to vector<16xi32>
            %gather3A_245 = tpu.vector_load_idx %arg7[%broadcast_in_dim3A_244] : memref<32768xi32, #tpu.memory_space<vmem>>[vector<16xi32>], vector<16xi32>,
            %slice3A_246 = vector.extract_strided_slice %gather3A_245 {offsets = [0], sizes = [1], strides = [1]} : vector<16xi32> to vector<1xi32>
            %squeeze3A_247 = vector.extract %slice3A_246[0] : i32 from vector<1xi32>
            %slice3A_248 = vector.extract_strided_slice %broadcast_in_dim3A_176 {offsets = [0], sizes = [1], strides = [1]} : vector<16xi32> to vector<1xi32>
            %squeeze3A_249 = vector.extract %slice3A_248[0] : i32 from vector<1xi32>
            %eq3A_250 = arith.cmpi eq, %squeeze3A_247, %squeeze3A_249 : i32
            %shift_right_logical3A_251 = arith.constant 18 : i32
            %shift_right_logical3A_252 = arith.shrui %squeeze3A, %shift_right_logical3A_251 : i32
            %and3A_253 = arith.constant 16383 : i32
            %and3A_254 = arith.andi %shift_right_logical3A_252, %and3A_253 : i32
            %broadcast_in_dim3A_255 = vector.broadcast %and3A_254 : i32 to vector<16xi32>
            %gather3A_256 = tpu.vector_load_idx %arg8[%broadcast_in_dim3A_255] : memref<16384xi32, #tpu.memory_space<vmem>>[vector<16xi32>], vector<16xi32>,
            %slice3A_257 = vector.extract_strided_slice %gather3A_256 {offsets = [0], sizes = [1], strides = [1]} : vector<16xi32> to vector<1xi32>
            %squeeze3A_258 = vector.extract %slice3A_257[0] : i32 from vector<1xi32>
            %slice3A_259 = vector.extract_strided_slice %broadcast_in_dim3A_176 {offsets = [0], sizes = [1], strides = [1]} : vector<16xi32> to vector<1xi32>
            %squeeze3A_260 = vector.extract %slice3A_259[0] : i32 from vector<1xi32>
            %eq3A_261 = arith.cmpi eq, %squeeze3A_258, %squeeze3A_260 : i32
            %and3A_262 = arith.andi %eq3A_250, %eq3A_261 : i1
            %convert_element_type3A_263 = arith.extui %and3A_262 : i1 to i32
            %cond3A_264 = arith.constant 0 : i32
            %cond3A_265 = arith.cmpi ne, %convert_element_type3A_263, %cond3A_264 : i32
            scf.if %cond3A_265 {
              %broadcast_in_dim3A_267 = vector.broadcast %squeeze3A : i32 to vector<16xi32>
              %mul3A_268 = arith.constant 4 : i32
              %mul3A_269 = arith.muli %mul3A_268, %scan3A_172 : i32
              %add3A_270 = arith.constant 0 : i32
              %add3A_271 = arith.addi %mul3A_269, %add3A_270 : i32
              %add3A_272 = arith.addi %mul3A_36, %add3A_235 : i32
              %broadcast_in_dim3A_273 = vector.broadcast %add3A_271 : i32 to vector<16xi32>
              %broadcast_in_dim3A_274 = vector.broadcast %add3A_272 : i32 to vector<16xi32>
              %gather3A_275 = tpu.vector_load_idx %arg11[%broadcast_in_dim3A_273, %broadcast_in_dim3A_274] : memref<10x128xi32, #tpu.memory_space<vmem>>[vector<16xi32>, vector<16xi32>], vector<16xi32>,
              %slice3A_276 = vector.extract_strided_slice %gather3A_275 {offsets = [0], sizes = [1], strides = [1]} : vector<16xi32> to vector<1xi32>
              %squeeze3A_277 = vector.extract %slice3A_276[0] : i32 from vector<1xi32>
              %broadcast_in_dim3A_278 = vector.broadcast %squeeze3A_277 : i32 to vector<16xi32>
              %mul3A_279 = arith.constant 4 : i32
              %mul3A_280 = arith.muli %mul3A_279, %scan3A_172 : i32
              %add3A_281 = arith.constant 1 : i32
              %add3A_282 = arith.addi %mul3A_280, %add3A_281 : i32
              %add3A_283 = arith.addi %mul3A_36, %add3A_235 : i32
              %broadcast_in_dim3A_284 = vector.broadcast %add3A_282 : i32 to vector<16xi32>
              %broadcast_in_dim3A_285 = vector.broadcast %add3A_283 : i32 to vector<16xi32>
              %gather3A_286 = tpu.vector_load_idx %arg11[%broadcast_in_dim3A_284, %broadcast_in_dim3A_285] : memref<10x128xi32, #tpu.memory_space<vmem>>[vector<16xi32>, vector<16xi32>], vector<16xi32>,
              %slice3A_287 = vector.extract_strided_slice %gather3A_286 {offsets = [0], sizes = [1], strides = [1]} : vector<16xi32> to vector<1xi32>
              %squeeze3A_288 = vector.extract %slice3A_287[0] : i32 from vector<1xi32>
              %broadcast_in_dim3A_289 = vector.broadcast %squeeze3A_288 : i32 to vector<16xi32>
              %mul3A_290 = arith.constant 4 : i32
              %mul3A_291 = arith.muli %mul3A_290, %scan3A_172 : i32
              %add3A_292 = arith.constant 2 : i32
              %add3A_293 = arith.addi %mul3A_291, %add3A_292 : i32
              %add3A_294 = arith.addi %mul3A_36, %add3A_235 : i32
              %broadcast_in_dim3A_295 = vector.broadcast %add3A_293 : i32 to vector<16xi32>
              %broadcast_in_dim3A_296 = vector.broadcast %add3A_294 : i32 to vector<16xi32>
              %gather3A_297 = tpu.vector_load_idx %arg11[%broadcast_in_dim3A_295, %broadcast_in_dim3A_296] : memref<10x128xi32, #tpu.memory_space<vmem>>[vector<16xi32>, vector<16xi32>], vector<16xi32>,
              %slice3A_298 = vector.extract_strided_slice %gather3A_297 {offsets = [0], sizes = [1], strides = [1]} : vector<16xi32> to vector<1xi32>
              %squeeze3A_299 = vector.extract %slice3A_298[0] : i32 from vector<1xi32>
              %broadcast_in_dim3A_300 = vector.broadcast %squeeze3A_299 : i32 to vector<16xi32>
              %mul3A_301 = arith.constant 4 : i32
              %mul3A_302 = arith.muli %mul3A_301, %scan3A_172 : i32
              %add3A_303 = arith.constant 3 : i32
              %add3A_304 = arith.addi %mul3A_302, %add3A_303 : i32
              %add3A_305 = arith.addi %mul3A_36, %add3A_235 : i32
              %broadcast_in_dim3A_306 = vector.broadcast %add3A_304 : i32 to vector<16xi32>
              %broadcast_in_dim3A_307 = vector.broadcast %add3A_305 : i32 to vector<16xi32>
              %gather3A_308 = tpu.vector_load_idx %arg11[%broadcast_in_dim3A_306, %broadcast_in_dim3A_307] : memref<10x128xi32, #tpu.memory_space<vmem>>[vector<16xi32>, vector<16xi32>], vector<16xi32>,
              %slice3A_309 = vector.extract_strided_slice %gather3A_308 {offsets = [0], sizes = [1], strides = [1]} : vector<16xi32> to vector<1xi32>
              %squeeze3A_310 = vector.extract %slice3A_309[0] : i32 from vector<1xi32>
              %broadcast_in_dim3A_311 = vector.broadcast %squeeze3A_310 : i32 to vector<16xi32>
              %while3A = arith.constant 0 : i32
              %while3A_312 = scf.while (%while3A_313 = %while3A) : (i32) -> i32 {
                %lt3A_314 = arith.constant 128 : i32
                %lt3A_315 = arith.cmpi slt, %while3A_313, %lt3A_314 : i32
                scf.condition(%lt3A_315) %while3A_313 : i32
              } do {
              ^bb0(%while3A_313: i32):
                %parallel_loop3A_314 = arith.constant 128 : i32
                %parallel_loop3A_315 = arith.constant 1 : i32
                %parallel_loop3A_316 = arith.constant 128 : i32
                %parallel_loop3A_317 = scf.for %parallel_loop3A_329 = %while3A_313 to %parallel_loop3A_314 step %parallel_loop3A_315 iter_args(%parallel_loop3A_330 = %parallel_loop3A_316) -> (i32)  : i32 {
                  %parallel_loop3A_331 = arith.constant 16 : i32
                  %parallel_loop3A_332 = arith.muli %parallel_loop3A_329, %parallel_loop3A_331 : i32
                  %parallel_loop3A_333 = arith.index_cast %scan3A_172 : i32 to index
                  %parallel_loop3A_334 = arith.index_cast %parallel_loop3A_332 : i32 to index
                  %parallel_loop3A_335 = tpu.vector_load %arg9[%parallel_loop3A_333, %parallel_loop3A_334] {strides = array<i32>} : memref<2x2048xi32, #tpu.memory_space<vmem>>, vector<16xi32>,
                  %parallel_loop3A_336 = arith.cmpi eq, %parallel_loop3A_335, %broadcast_in_dim3A_267 : vector<16xi32>
                  %parallel_loop3A_337 = arith.constant 1 : i32
                  %parallel_loop3A_338 = arith.constant 0 : i32
                  %parallel_loop3A_339 = vector.broadcast %parallel_loop3A_337 : i32 to vector<16xi32>
                  %parallel_loop3A_340 = vector.broadcast %parallel_loop3A_338 : i32 to vector<16xi32>
                  %parallel_loop3A_341 = arith.select %parallel_loop3A_336, %parallel_loop3A_339, %parallel_loop3A_340 : vector<16xi1>, vector<16xi32>
                  %parallel_loop3A_342 = arith.constant true
                  %parallel_loop3A_343 = vector.broadcast %parallel_loop3A_342 : i1 to vector<16xi1>
                  %parallel_loop3A_344 = arith.constant -2147483648 : i32
                  %parallel_loop3A_345 = vector.broadcast %parallel_loop3A_344 : i32 to vector<16xi32>
                  %parallel_loop3A_346 = arith.xori %parallel_loop3A_341, %parallel_loop3A_345 : vector<16xi32>
                  %parallel_loop3A_347 = tpu.scan <max>, %parallel_loop3A_346 masked %parallel_loop3A_343 : vector<16xi32>, vector<16xi1> -> vector<16xi32>
                  %parallel_loop3A_348 = arith.xori %parallel_loop3A_347, %parallel_loop3A_345 : vector<16xi32>
                  %parallel_loop3A_349 = vector.extract %parallel_loop3A_348[15] : i32 from vector<16xi32>
                  %parallel_loop3A_350 = arith.constant 0 : i32
                  %parallel_loop3A_351 = arith.cmpi sgt, %parallel_loop3A_349, %parallel_loop3A_350 : i32
                  %parallel_loop3A_352 = arith.constant 128 : i32
                  %parallel_loop3A_353 = arith.select %parallel_loop3A_351, %parallel_loop3A_329, %parallel_loop3A_352 : i32
                  %parallel_loop3A_354 = arith.minsi %parallel_loop3A_330, %parallel_loop3A_353 : i32
                  scf.yield %parallel_loop3A_354 : i32
                } {sc.loop_unroll_factor = 4 : i64, sc.parallel_access}
                %lt3A_318 = arith.constant 128 : i32
                %lt3A_319 = arith.cmpi slt, %parallel_loop3A_317, %lt3A_318 : i32
                %convert_element_type3A_320 = arith.extui %lt3A_319 : i1 to i32
                %cond3A_321 = arith.constant 0 : i32
                %cond3A_322 = arith.cmpi ne, %convert_element_type3A_320, %cond3A_321 : i32
                scf.if %cond3A_322 {
                  %mul3A_329 = arith.constant 16 : i32
                  %mul3A_330 = arith.muli %parallel_loop3A_317, %mul3A_329 : i32
                  %jit3A_331 = arith.constant 8 : i32
                  %div3A_332 = arith.divsi %parallel_loop3A_317, %jit3A_331 : i32
                  %sign3A_333 = arith.constant 0 : i32
                  %sign3A_334 = arith.cmpi sgt, %parallel_loop3A_317, %sign3A_333 : i32
                  %sign3A_335 = arith.extui %sign3A_334 : i1 to i32
                  %sign3A_336 = arith.constant 0 : i32
                  %sign3A_337 = arith.cmpi slt, %parallel_loop3A_317, %sign3A_336 : i32
                  %sign3A_338 = arith.extui %sign3A_337 : i1 to i32
                  %sign3A_339 = arith.subi %sign3A_335, %sign3A_338 : i32
                  %sign3A_340 = arith.constant 0 : i32
                  %sign3A_341 = arith.cmpi sgt, %jit3A_331, %sign3A_340 : i32
                  %sign3A_342 = arith.extui %sign3A_341 : i1 to i32
                  %sign3A_343 = arith.constant 0 : i32
                  %sign3A_344 = arith.cmpi slt, %jit3A_331, %sign3A_343 : i32
                  %sign3A_345 = arith.extui %sign3A_344 : i1 to i32
                  %sign3A_346 = arith.subi %sign3A_342, %sign3A_345 : i32
                  %ne3A_347 = arith.cmpi ne, %sign3A_339, %sign3A_346 : i32
                  %rem3A_348 = arith.remsi %parallel_loop3A_317, %jit3A_331 : i32
                  %ne3A_349 = arith.constant 0 : i32
                  %ne3A_350 = arith.cmpi ne, %rem3A_348, %ne3A_349 : i32
                  %and3A_351 = arith.andi %ne3A_347, %ne3A_350 : i1
                  %sub3A_352 = arith.constant 1 : i32
                  %sub3A_353 = arith.subi %div3A_332, %sub3A_352 : i32
                  %select_n3A_354 = arith.select %and3A_351, %sub3A_353, %div3A_332 : i32
                  %mul3A_355 = arith.constant 128 : i32
                  %mul3A_356 = arith.muli %select_n3A_354, %mul3A_355 : i32
                  %multiple_of3A = tpu.assume_multiple %mul3A_356, 128 : i32
                  %jit3A_357 = arith.constant 8 : i32
                  %eq3A_358 = arith.constant 0 : i32
                  %eq3A_359 = arith.cmpi eq, %jit3A_357, %eq3A_358 : i32
                  %jit3A_360 = arith.constant 1 : i32
                  %select_n3A_361 = arith.select %eq3A_359, %jit3A_360, %jit3A_357 : i32
                  %rem3A_362 = arith.remsi %parallel_loop3A_317, %select_n3A_361 : i32
                  %ne3A_363 = arith.constant 0 : i32
                  %ne3A_364 = arith.cmpi ne, %rem3A_362, %ne3A_363 : i32
                  %lt3A_365 = arith.constant 0 : i32
                  %lt3A_366 = arith.cmpi slt, %rem3A_362, %lt3A_365 : i32
                  %lt3A_367 = arith.constant 0 : i32
                  %lt3A_368 = arith.cmpi slt, %select_n3A_361, %lt3A_367 : i32
                  %ne3A_369 = arith.xori %lt3A_366, %lt3A_368 : i1
                  %and3A_370 = arith.andi %ne3A_369, %ne3A_364 : i1
                  %add3A_371 = arith.addi %rem3A_362, %select_n3A_361 : i32
                  %select_n3A_372 = arith.select %and3A_370, %add3A_371, %rem3A_362 : i32
                  %mul3A_373 = arith.constant 16 : i32
                  %mul3A_374 = arith.muli %select_n3A_372, %mul3A_373 : i32
                  %run_scoped3A = arith.constant 1 : i32
                  "tpu.region"() ({
                    %run_scoped3A_430 = tpu.sem_alloc : memref<!tpu.dma_semaphore, #tpu.memory_space<semaphore_mem>>
                    %dma_start3A_431 = arith.constant 0 : i32
                    %dma_start3A_432 = tpu.memref_slice %arg3[%run_scoped3A, %dma_start3A_431, %multiple_of3A] : memref<2x10x2048xi32, #tpu.memory_space<hbm>> -> memref<1x8x128xi32, #tpu.memory_space<hbm>>
                    %dma_start3A_433 = tpu.memref_squeeze %dma_start3A_432 : memref<1x8x128xi32, #tpu.memory_space<hbm>> -> memref<8x128xi32, #tpu.memory_space<hbm>>
                    %dma_start3A_434 = arith.constant 0 : i32
                    %dma_start3A_435 = tpu.memref_slice %arg3[%run_scoped3A, %dma_start3A_434, %multiple_of3A] : memref<2x10x2048xi32, #tpu.memory_space<hbm>> -> memref<1x8x128xi32, #tpu.memory_space<hbm>>
                    %dma_start3A_436 = tpu.memref_squeeze %dma_start3A_435 : memref<1x8x128xi32, #tpu.memory_space<hbm>> -> memref<8x128xi32, #tpu.memory_space<hbm>>
                    tpu.enqueue_dma source(%dma_start3A_436 : memref<8x128xi32, #tpu.memory_space<hbm>>) target(%arg12 : memref<8x128xi32, #tpu.memory_space<vmem>>) target_semaphore(%run_scoped3A_430 : memref<!tpu.dma_semaphore, #tpu.memory_space<semaphore_mem>>)
                    %dma_wait3A_437 = arith.constant 0 : i32
                    %dma_wait3A_438 = tpu.memref_slice %arg3[%run_scoped3A, %dma_wait3A_437, %multiple_of3A] : memref<2x10x2048xi32, #tpu.memory_space<hbm>> -> memref<1x8x128xi32, #tpu.memory_space<hbm>>
                    %dma_wait3A_439 = tpu.memref_squeeze %dma_wait3A_438 : memref<1x8x128xi32, #tpu.memory_space<hbm>> -> memref<8x128xi32, #tpu.memory_space<hbm>>
                    %dma_wait3A_440 = arith.constant 0 : i32
                    %dma_wait3A_441 = tpu.memref_slice %arg3[%run_scoped3A, %dma_wait3A_440, %multiple_of3A] : memref<2x10x2048xi32, #tpu.memory_space<hbm>> -> memref<1x8x128xi32, #tpu.memory_space<hbm>>
                    %dma_wait3A_442 = tpu.memref_squeeze %dma_wait3A_441 : memref<1x8x128xi32, #tpu.memory_space<hbm>> -> memref<8x128xi32, #tpu.memory_space<hbm>>
                    tpu.wait_dma2 semaphore(%run_scoped3A_430 : memref<!tpu.dma_semaphore, #tpu.memory_space<semaphore_mem>>) src(%dma_wait3A_442 : memref<8x128xi32, #tpu.memory_space<hbm>>) dst(%arg12 : memref<8x128xi32, #tpu.memory_space<vmem>>)
                    tpu.yield
                  }) : () -> ()
                  %get3A_375 = arith.index_cast %scan3A_172 : i32 to index
                  %get3A_376 = arith.index_cast %mul3A_330 : i32 to index
                  %get3A_377 = tpu.vector_load %arg9[%get3A_375, %get3A_376] {strides = array<i32>} : memref<2x2048xi32, #tpu.memory_space<vmem>>, vector<16xi32>,
                  %eq3A_378 = arith.cmpi eq, %get3A_377, %broadcast_in_dim3A_267 : vector<16xi32>
                  %mul3A_379 = arith.constant 4 : i32
                  %mul3A_380 = arith.muli %mul3A_379, %scan3A_172 : i32
                  %get3A_381 = arith.index_cast %mul3A_380 : i32 to index
                  %get3A_382 = arith.index_cast %mul3A_374 : i32 to index
                  %get3A_383 = tpu.vector_load %arg12[%get3A_381, %get3A_382] {strides = array<i32>} : memref<8x128xi32, #tpu.memory_space<vmem>>, vector<16xi32>,
                  %eq3A_384 = arith.cmpi eq, %get3A_383, %broadcast_in_dim3A_278 : vector<16xi32>
                  %mul3A_385 = arith.constant 4 : i32
                  %mul3A_386 = arith.muli %mul3A_385, %scan3A_172 : i32
                  %add3A_387 = arith.constant 1 : i32
                  %add3A_388 = arith.addi %mul3A_386, %add3A_387 : i32
                  %get3A_389 = arith.index_cast %add3A_388 : i32 to index
                  %get3A_390 = arith.index_cast %mul3A_374 : i32 to index
                  %get3A_391 = tpu.vector_load %arg12[%get3A_389, %get3A_390] {strides = array<i32>} : memref<8x128xi32, #tpu.memory_space<vmem>>, vector<16xi32>,
                  %eq3A_392 = arith.cmpi eq, %get3A_391, %broadcast_in_dim3A_289 : vector<16xi32>
                  %or3A = arith.ori %eq3A_384, %eq3A_392 : vector<16xi1>
                  %mul3A_393 = arith.constant 4 : i32
                  %mul3A_394 = arith.muli %mul3A_393, %scan3A_172 : i32
                  %add3A_395 = arith.constant 2 : i32
                  %add3A_396 = arith.addi %mul3A_394, %add3A_395 : i32
                  %get3A_397 = arith.index_cast %add3A_396 : i32 to index
                  %get3A_398 = arith.index_cast %mul3A_374 : i32 to index
                  %get3A_399 = tpu.vector_load %arg12[%get3A_397, %get3A_398] {strides = array<i32>} : memref<8x128xi32, #tpu.memory_space<vmem>>, vector<16xi32>,
                  %eq3A_400 = arith.cmpi eq, %get3A_399, %broadcast_in_dim3A_300 : vector<16xi32>
                  %or3A_401 = arith.ori %or3A, %eq3A_400 : vector<16xi1>
                  %mul3A_402 = arith.constant 4 : i32
                  %mul3A_403 = arith.muli %mul3A_402, %scan3A_172 : i32
                  %add3A_404 = arith.constant 3 : i32
                  %add3A_405 = arith.addi %mul3A_403, %add3A_404 : i32
                  %get3A_406 = arith.index_cast %add3A_405 : i32 to index
                  %get3A_407 = arith.index_cast %mul3A_374 : i32 to index
                  %get3A_408 = tpu.vector_load %arg12[%get3A_406, %get3A_407] {strides = array<i32>} : memref<8x128xi32, #tpu.memory_space<vmem>>, vector<16xi32>,
                  %eq3A_409 = arith.cmpi eq, %get3A_408, %broadcast_in_dim3A_311 : vector<16xi32>
                  %or3A_410 = arith.ori %or3A_401, %eq3A_409 : vector<16xi1>
                  %and3A_411 = arith.andi %eq3A_378, %or3A_410 : vector<16xi1>
                  %jit3A_412 = arith.constant 1 : i32
                  %jit3A_413 = arith.constant 0 : i32
                  %broadcast_in_dim3A_414 = vector.broadcast %jit3A_412 : i32 to vector<16xi32>
                  %broadcast_in_dim3A_415 = vector.broadcast %jit3A_413 : i32 to vector<16xi32>
                  %select_n3A_416 = arith.select %and3A_411, %broadcast_in_dim3A_414, %broadcast_in_dim3A_415 : vector<16xi1>, vector<16xi32>
                  %reduce_max3A_417 = arith.constant true
                  %reduce_max3A_418 = vector.broadcast %reduce_max3A_417 : i1 to vector<16xi1>
                  %reduce_max3A_419 = arith.constant -2147483648 : i32
                  %reduce_max3A_420 = vector.broadcast %reduce_max3A_419 : i32 to vector<16xi32>
                  %reduce_max3A_421 = arith.xori %select_n3A_416, %reduce_max3A_420 : vector<16xi32>
                  %reduce_max3A_422 = tpu.scan <max>, %reduce_max3A_421 masked %reduce_max3A_418 : vector<16xi32>, vector<16xi1> -> vector<16xi32>
                  %reduce_max3A_423 = arith.xori %reduce_max3A_422, %reduce_max3A_420 : vector<16xi32>
                  %reduce_max3A_424 = vector.extract %reduce_max3A_423[15] : i32 from vector<16xi32>
                  %gt3A_425 = arith.constant 0 : i32
                  %gt3A_426 = arith.cmpi sgt, %reduce_max3A_424, %gt3A_425 : i32
                  %convert_element_type3A_427 = arith.extui %gt3A_426 : i1 to i32
                  %cond3A_428 = arith.constant 0 : i32
                  %cond3A_429 = arith.cmpi ne, %convert_element_type3A_427, %cond3A_428 : i32
                  scf.if %cond3A_429 {
                    %scan3A_430 = arith.constant 0 : i32
                    %scan3A_431 = arith.constant 0 : i32
                    %scan3A_432 = arith.constant 16 : i32
                    %scan3A_433 = arith.addi %scan3A_431, %scan3A_432 : i32
                    %scan3A_434 = arith.constant 1 : i32
                    %scan3A_435 = scf.for %scan3A_437 = %scan3A_431 to %scan3A_433 step %scan3A_434 iter_args(%scan3A_438 = %scan3A_430) -> (i32)  : i32 {
                      %add3A_439 = arith.addi %mul3A_330, %scan3A_437 : i32
                      %broadcast_in_dim3A_440 = vector.broadcast %scan3A_172 : i32 to vector<16xi32>
                      %broadcast_in_dim3A_441 = vector.broadcast %add3A_439 : i32 to vector<16xi32>
                      %gather3A_442 = tpu.vector_load_idx %arg9[%broadcast_in_dim3A_440, %broadcast_in_dim3A_441] : memref<2x2048xi32, #tpu.memory_space<vmem>>[vector<16xi32>, vector<16xi32>], vector<16xi32>,
                      %slice3A_443 = vector.extract_strided_slice %gather3A_442 {offsets = [0], sizes = [1], strides = [1]} : vector<16xi32> to vector<1xi32>
                      %squeeze3A_444 = vector.extract %slice3A_443[0] : i32 from vector<1xi32>
                      %eq3A_445 = arith.cmpi eq, %squeeze3A_444, %squeeze3A : i32
                      %mul3A_446 = arith.constant 4 : i32
                      %mul3A_447 = arith.muli %mul3A_446, %scan3A_172 : i32
                      %add3A_448 = arith.addi %mul3A_374, %scan3A_437 : i32
                      %broadcast_in_dim3A_449 = vector.broadcast %mul3A_447 : i32 to vector<16xi32>
                      %broadcast_in_dim3A_450 = vector.broadcast %add3A_448 : i32 to vector<16xi32>
                      %gather3A_451 = tpu.vector_load_idx %arg12[%broadcast_in_dim3A_449, %broadcast_in_dim3A_450] : memref<8x128xi32, #tpu.memory_space<vmem>>[vector<16xi32>, vector<16xi32>], vector<16xi32>,
                      %slice3A_452 = vector.extract_strided_slice %gather3A_451 {offsets = [0], sizes = [1], strides = [1]} : vector<16xi32> to vector<1xi32>
                      %squeeze3A_453 = vector.extract %slice3A_452[0] : i32 from vector<1xi32>
                      %slice3A_454 = vector.extract_strided_slice %broadcast_in_dim3A_278 {offsets = [0], sizes = [1], strides = [1]} : vector<16xi32> to vector<1xi32>
                      %squeeze3A_455 = vector.extract %slice3A_454[0] : i32 from vector<1xi32>
                      %eq3A_456 = arith.cmpi eq, %squeeze3A_453, %squeeze3A_455 : i32
                      %mul3A_457 = arith.constant 4 : i32
                      %mul3A_458 = arith.muli %mul3A_457, %scan3A_172 : i32
                      %add3A_459 = arith.constant 1 : i32
                      %add3A_460 = arith.addi %mul3A_458, %add3A_459 : i32
                      %add3A_461 = arith.addi %mul3A_374, %scan3A_437 : i32
                      %broadcast_in_dim3A_462 = vector.broadcast %add3A_460 : i32 to vector<16xi32>
                      %broadcast_in_dim3A_463 = vector.broadcast %add3A_461 : i32 to vector<16xi32>
                      %gather3A_464 = tpu.vector_load_idx %arg12[%broadcast_in_dim3A_462, %broadcast_in_dim3A_463] : memref<8x128xi32, #tpu.memory_space<vmem>>[vector<16xi32>, vector<16xi32>], vector<16xi32>,
                      %slice3A_465 = vector.extract_strided_slice %gather3A_464 {offsets = [0], sizes = [1], strides = [1]} : vector<16xi32> to vector<1xi32>
                      %squeeze3A_466 = vector.extract %slice3A_465[0] : i32 from vector<1xi32>
                      %slice3A_467 = vector.extract_strided_slice %broadcast_in_dim3A_289 {offsets = [0], sizes = [1], strides = [1]} : vector<16xi32> to vector<1xi32>
                      %squeeze3A_468 = vector.extract %slice3A_467[0] : i32 from vector<1xi32>
                      %eq3A_469 = arith.cmpi eq, %squeeze3A_466, %squeeze3A_468 : i32
                      %or3A_470 = arith.ori %eq3A_456, %eq3A_469 : i1
                      %mul3A_471 = arith.constant 4 : i32
                      %mul3A_472 = arith.muli %mul3A_471, %scan3A_172 : i32
                      %add3A_473 = arith.constant 2 : i32
                      %add3A_474 = arith.addi %mul3A_472, %add3A_473 : i32
                      %add3A_475 = arith.addi %mul3A_374, %scan3A_437 : i32
                      %broadcast_in_dim3A_476 = vector.broadcast %add3A_474 : i32 to vector<16xi32>
                      %broadcast_in_dim3A_477 = vector.broadcast %add3A_475 : i32 to vector<16xi32>
                      %gather3A_478 = tpu.vector_load_idx %arg12[%broadcast_in_dim3A_476, %broadcast_in_dim3A_477] : memref<8x128xi32, #tpu.memory_space<vmem>>[vector<16xi32>, vector<16xi32>], vector<16xi32>,
                      %slice3A_479 = vector.extract_strided_slice %gather3A_478 {offsets = [0], sizes = [1], strides = [1]} : vector<16xi32> to vector<1xi32>
                      %squeeze3A_480 = vector.extract %slice3A_479[0] : i32 from vector<1xi32>
                      %slice3A_481 = vector.extract_strided_slice %broadcast_in_dim3A_300 {offsets = [0], sizes = [1], strides = [1]} : vector<16xi32> to vector<1xi32>
                      %squeeze3A_482 = vector.extract %slice3A_481[0] : i32 from vector<1xi32>
                      %eq3A_483 = arith.cmpi eq, %squeeze3A_480, %squeeze3A_482 : i32
                      %or3A_484 = arith.ori %or3A_470, %eq3A_483 : i1
                      %mul3A_485 = arith.constant 4 : i32
                      %mul3A_486 = arith.muli %mul3A_485, %scan3A_172 : i32
                      %add3A_487 = arith.constant 3 : i32
                      %add3A_488 = arith.addi %mul3A_486, %add3A_487 : i32
                      %add3A_489 = arith.addi %mul3A_374, %scan3A_437 : i32
                      %broadcast_in_dim3A_490 = vector.broadcast %add3A_488 : i32 to vector<16xi32>
                      %broadcast_in_dim3A_491 = vector.broadcast %add3A_489 : i32 to vector<16xi32>
                      %gather3A_492 = tpu.vector_load_idx %arg12[%broadcast_in_dim3A_490, %broadcast_in_dim3A_491] : memref<8x128xi32, #tpu.memory_space<vmem>>[vector<16xi32>, vector<16xi32>], vector<16xi32>,
                      %slice3A_493 = vector.extract_strided_slice %gather3A_492 {offsets = [0], sizes = [1], strides = [1]} : vector<16xi32> to vector<1xi32>
                      %squeeze3A_494 = vector.extract %slice3A_493[0] : i32 from vector<1xi32>
                      %slice3A_495 = vector.extract_strided_slice %broadcast_in_dim3A_311 {offsets = [0], sizes = [1], strides = [1]} : vector<16xi32> to vector<1xi32>
                      %squeeze3A_496 = vector.extract %slice3A_495[0] : i32 from vector<1xi32>
                      %eq3A_497 = arith.cmpi eq, %squeeze3A_494, %squeeze3A_496 : i32
                      %or3A_498 = arith.ori %or3A_484, %eq3A_497 : i1
                      %and3A_499 = arith.andi %eq3A_445, %or3A_498 : i1
                      %convert_element_type3A_500 = arith.extui %and3A_499 : i1 to i32
                      %cond3A_501 = arith.constant 0 : i32
                      %cond3A_502 = arith.cmpi ne, %convert_element_type3A_500, %cond3A_501 : i32
                      scf.if %cond3A_502 {
                        %broadcast_in_dim3A_504 = vector.broadcast %add3A_235 : i32 to vector<16xi32>
                        %gather3A_505 = tpu.vector_load_idx %arg19[%broadcast_in_dim3A_504] : memref<64xi32, #tpu.memory_space<vmem>>[vector<16xi32>], vector<16xi32>,
                        %slice3A_506 = vector.extract_strided_slice %gather3A_505 {offsets = [0], sizes = [1], strides = [1]} : vector<16xi32> to vector<1xi32>
                        %squeeze3A_507 = vector.extract %slice3A_506[0] : i32 from vector<1xi32>
                        %iota3A_508 = tpu.iota {dimensions = array<i32: 0>} : vector<16xi32>
                        %get3A_509 = arith.index_cast %add3A_235 : i32 to index
                        %get3A_510 = arith.constant 0 : index
                        %get3A_511 = tpu.vector_load %arg18[%get3A_509, %get3A_510] {strides = array<i32>} : memref<64x64xi32, #tpu.memory_space<vmem>>, vector<16xi32>,
                        %add3A_512 = arith.constant 0 : i32
                        %add3A_513 = vector.broadcast %add3A_512 : i32 to vector<16xi32>
                        %add3A_514 = arith.addi %add3A_513, %iota3A_508 : vector<16xi32>
                        %broadcast_in_dim3A_515 = vector.broadcast %squeeze3A_507 : i32 to vector<16xi32>
                        %lt3A_516 = arith.cmpi slt, %add3A_514, %broadcast_in_dim3A_515 : vector<16xi32>
                        %eq3A_517 = vector.broadcast %add3A_439 : i32 to vector<16xi32>
                        %eq3A_518 = arith.cmpi eq, %get3A_511, %eq3A_517 : vector<16xi32>
                        %and3A_519 = arith.andi %eq3A_518, %lt3A_516 : vector<16xi1>
                        %jit3A_520 = arith.constant 1 : i32
                        %jit3A_521 = arith.constant 0 : i32
                        %broadcast_in_dim3A_522 = vector.broadcast %jit3A_520 : i32 to vector<16xi32>
                        %broadcast_in_dim3A_523 = vector.broadcast %jit3A_521 : i32 to vector<16xi32>
                        %select_n3A_524 = arith.select %and3A_519, %broadcast_in_dim3A_522, %broadcast_in_dim3A_523 : vector<16xi1>, vector<16xi32>
                        %reduce_max3A_525 = arith.constant true
                        %reduce_max3A_526 = vector.broadcast %reduce_max3A_525 : i1 to vector<16xi1>
                        %reduce_max3A_527 = arith.constant -2147483648 : i32
                        %reduce_max3A_528 = vector.broadcast %reduce_max3A_527 : i32 to vector<16xi32>
                        %reduce_max3A_529 = arith.xori %select_n3A_524, %reduce_max3A_528 : vector<16xi32>
                        %reduce_max3A_530 = tpu.scan <max>, %reduce_max3A_529 masked %reduce_max3A_526 : vector<16xi32>, vector<16xi1> -> vector<16xi32>
                        %reduce_max3A_531 = arith.xori %reduce_max3A_530, %reduce_max3A_528 : vector<16xi32>
                        %reduce_max3A_532 = vector.extract %reduce_max3A_531[15] : i32 from vector<16xi32>
                        %or3A_533 = arith.constant 0 : i32
                        %or3A_534 = arith.ori %or3A_533, %reduce_max3A_532 : i32
                        %get3A_535 = arith.index_cast %add3A_235 : i32 to index
                        %get3A_536 = arith.constant 16 : index
                        %get3A_537 = tpu.vector_load %arg18[%get3A_535, %get3A_536] {strides = array<i32>} : memref<64x64xi32, #tpu.memory_space<vmem>>, vector<16xi32>,
                        %add3A_538 = arith.constant 16 : i32
                        %add3A_539 = vector.broadcast %add3A_538 : i32 to vector<16xi32>
                        %add3A_540 = arith.addi %add3A_539, %iota3A_508 : vector<16xi32>
                        %broadcast_in_dim3A_541 = vector.broadcast %squeeze3A_507 : i32 to vector<16xi32>
                        %lt3A_542 = arith.cmpi slt, %add3A_540, %broadcast_in_dim3A_541 : vector<16xi32>
                        %eq3A_543 = vector.broadcast %add3A_439 : i32 to vector<16xi32>
                        %eq3A_544 = arith.cmpi eq, %get3A_537, %eq3A_543 : vector<16xi32>
                        %and3A_545 = arith.andi %eq3A_544, %lt3A_542 : vector<16xi1>
                        %jit3A_546 = arith.constant 1 : i32
                        %jit3A_547 = arith.constant 0 : i32
                        %broadcast_in_dim3A_548 = vector.broadcast %jit3A_546 : i32 to vector<16xi32>
                        %broadcast_in_dim3A_549 = vector.broadcast %jit3A_547 : i32 to vector<16xi32>
                        %select_n3A_550 = arith.select %and3A_545, %broadcast_in_dim3A_548, %broadcast_in_dim3A_549 : vector<16xi1>, vector<16xi32>
                        %reduce_max3A_551 = arith.constant true
                        %reduce_max3A_552 = vector.broadcast %reduce_max3A_551 : i1 to vector<16xi1>
                        %reduce_max3A_553 = arith.constant -2147483648 : i32
                        %reduce_max3A_554 = vector.broadcast %reduce_max3A_553 : i32 to vector<16xi32>
                        %reduce_max3A_555 = arith.xori %select_n3A_550, %reduce_max3A_554 : vector<16xi32>
                        %reduce_max3A_556 = tpu.scan <max>, %reduce_max3A_555 masked %reduce_max3A_552 : vector<16xi32>, vector<16xi1> -> vector<16xi32>
                        %reduce_max3A_557 = arith.xori %reduce_max3A_556, %reduce_max3A_554 : vector<16xi32>
                        %reduce_max3A_558 = vector.extract %reduce_max3A_557[15] : i32 from vector<16xi32>
                        %or3A_559 = arith.ori %or3A_534, %reduce_max3A_558 : i32
                        %get3A_560 = arith.index_cast %add3A_235 : i32 to index
                        %get3A_561 = arith.constant 32 : index
                        %get3A_562 = tpu.vector_load %arg18[%get3A_560, %get3A_561] {strides = array<i32>} : memref<64x64xi32, #tpu.memory_space<vmem>>, vector<16xi32>,
                        %add3A_563 = arith.constant 32 : i32
                        %add3A_564 = vector.broadcast %add3A_563 : i32 to vector<16xi32>
                        %add3A_565 = arith.addi %add3A_564, %iota3A_508 : vector<16xi32>
                        %broadcast_in_dim3A_566 = vector.broadcast %squeeze3A_507 : i32 to vector<16xi32>
                        %lt3A_567 = arith.cmpi slt, %add3A_565, %broadcast_in_dim3A_566 : vector<16xi32>
                        %eq3A_568 = vector.broadcast %add3A_439 : i32 to vector<16xi32>
                        %eq3A_569 = arith.cmpi eq, %get3A_562, %eq3A_568 : vector<16xi32>
                        %and3A_570 = arith.andi %eq3A_569, %lt3A_567 : vector<16xi1>
                        %jit3A_571 = arith.constant 1 : i32
                        %jit3A_572 = arith.constant 0 : i32
                        %broadcast_in_dim3A_573 = vector.broadcast %jit3A_571 : i32 to vector<16xi32>
                        %broadcast_in_dim3A_574 = vector.broadcast %jit3A_572 : i32 to vector<16xi32>
                        %select_n3A_575 = arith.select %and3A_570, %broadcast_in_dim3A_573, %broadcast_in_dim3A_574 : vector<16xi1>, vector<16xi32>
                        %reduce_max3A_576 = arith.constant true
                        %reduce_max3A_577 = vector.broadcast %reduce_max3A_576 : i1 to vector<16xi1>
                        %reduce_max3A_578 = arith.constant -2147483648 : i32
                        %reduce_max3A_579 = vector.broadcast %reduce_max3A_578 : i32 to vector<16xi32>
                        %reduce_max3A_580 = arith.xori %select_n3A_575, %reduce_max3A_579 : vector<16xi32>
                        %reduce_max3A_581 = tpu.scan <max>, %reduce_max3A_580 masked %reduce_max3A_577 : vector<16xi32>, vector<16xi1> -> vector<16xi32>
                        %reduce_max3A_582 = arith.xori %reduce_max3A_581, %reduce_max3A_579 : vector<16xi32>
                        %reduce_max3A_583 = vector.extract %reduce_max3A_582[15] : i32 from vector<16xi32>
                        %or3A_584 = arith.ori %or3A_559, %reduce_max3A_583 : i32
                        %get3A_585 = arith.index_cast %add3A_235 : i32 to index
                        %get3A_586 = arith.constant 48 : index
                        %get3A_587 = tpu.vector_load %arg18[%get3A_585, %get3A_586] {strides = array<i32>} : memref<64x64xi32, #tpu.memory_space<vmem>>, vector<16xi32>,
                        %add3A_588 = arith.constant 48 : i32
                        %add3A_589 = vector.broadcast %add3A_588 : i32 to vector<16xi32>
                        %add3A_590 = arith.addi %add3A_589, %iota3A_508 : vector<16xi32>
                        %broadcast_in_dim3A_591 = vector.broadcast %squeeze3A_507 : i32 to vector<16xi32>
                        %lt3A_592 = arith.cmpi slt, %add3A_590, %broadcast_in_dim3A_591 : vector<16xi32>
                        %eq3A_593 = vector.broadcast %add3A_439 : i32 to vector<16xi32>
                        %eq3A_594 = arith.cmpi eq, %get3A_587, %eq3A_593 : vector<16xi32>
                        %and3A_595 = arith.andi %eq3A_594, %lt3A_592 : vector<16xi1>
                        %jit3A_596 = arith.constant 1 : i32
                        %jit3A_597 = arith.constant 0 : i32
                        %broadcast_in_dim3A_598 = vector.broadcast %jit3A_596 : i32 to vector<16xi32>
                        %broadcast_in_dim3A_599 = vector.broadcast %jit3A_597 : i32 to vector<16xi32>
                        %select_n3A_600 = arith.select %and3A_595, %broadcast_in_dim3A_598, %broadcast_in_dim3A_599 : vector<16xi1>, vector<16xi32>
                        %reduce_max3A_601 = arith.constant true
                        %reduce_max3A_602 = vector.broadcast %reduce_max3A_601 : i1 to vector<16xi1>
                        %reduce_max3A_603 = arith.constant -2147483648 : i32
                        %reduce_max3A_604 = vector.broadcast %reduce_max3A_603 : i32 to vector<16xi32>
                        %reduce_max3A_605 = arith.xori %select_n3A_600, %reduce_max3A_604 : vector<16xi32>
                        %reduce_max3A_606 = tpu.scan <max>, %reduce_max3A_605 masked %reduce_max3A_602 : vector<16xi32>, vector<16xi1> -> vector<16xi32>
                        %reduce_max3A_607 = arith.xori %reduce_max3A_606, %reduce_max3A_604 : vector<16xi32>
                        %reduce_max3A_608 = vector.extract %reduce_max3A_607[15] : i32 from vector<16xi32>
                        %or3A_609 = arith.ori %or3A_584, %reduce_max3A_608 : i32
                        %eq3A_610 = arith.constant 0 : i32
                        %eq3A_611 = arith.cmpi eq, %or3A_609, %eq3A_610 : i32
                        %convert_element_type3A_612 = arith.extui %eq3A_611 : i1 to i32
                        %cond3A_613 = arith.constant 0 : i32
                        %cond3A_614 = arith.cmpi ne, %convert_element_type3A_612, %cond3A_613 : i32
                        scf.if %cond3A_614 {
                          %run_scoped3A_615 = arith.constant 1 : i32
                          "tpu.region"() ({
                            %run_scoped3A_681 = tpu.sem_alloc : memref<!tpu.dma_semaphore, #tpu.memory_space<semaphore_mem>>
                            %dma_start3A_682 = arith.constant 0 : i32
                            %dma_start3A_683 = tpu.memref_slice %arg5[%run_scoped3A_615, %add3A_439, %dma_start3A_682] : memref<2x2048x64xf32, #tpu.memory_space<hbm>> -> memref<1x1x64xf32, #tpu.memory_space<hbm>>
                            %dma_start3A_684 = tpu.memref_squeeze %dma_start3A_683 : memref<1x1x64xf32, #tpu.memory_space<hbm>> -> memref<1x64xf32, #tpu.memory_space<hbm>>
                            %dma_start3A_685 = arith.constant 0 : i32
                            %dma_start3A_686 = tpu.memref_slice %arg5[%run_scoped3A_615, %add3A_439, %dma_start3A_685] : memref<2x2048x64xf32, #tpu.memory_space<hbm>> -> memref<1x1x64xf32, #tpu.memory_space<hbm>>
                            %dma_start3A_687 = tpu.memref_squeeze %dma_start3A_686 : memref<1x1x64xf32, #tpu.memory_space<hbm>> -> memref<1x64xf32, #tpu.memory_space<hbm>>
                            tpu.enqueue_dma source(%dma_start3A_687 : memref<1x64xf32, #tpu.memory_space<hbm>>) target(%arg14 : memref<1x64xf32, #tpu.memory_space<vmem>>) target_semaphore(%run_scoped3A_681 : memref<!tpu.dma_semaphore, #tpu.memory_space<semaphore_mem>>)
                            %dma_wait3A_688 = arith.constant 0 : i32
                            %dma_wait3A_689 = tpu.memref_slice %arg5[%run_scoped3A_615, %add3A_439, %dma_wait3A_688] : memref<2x2048x64xf32, #tpu.memory_space<hbm>> -> memref<1x1x64xf32, #tpu.memory_space<hbm>>
                            %dma_wait3A_690 = tpu.memref_squeeze %dma_wait3A_689 : memref<1x1x64xf32, #tpu.memory_space<hbm>> -> memref<1x64xf32, #tpu.memory_space<hbm>>
                            %dma_wait3A_691 = arith.constant 0 : i32
                            %dma_wait3A_692 = tpu.memref_slice %arg5[%run_scoped3A_615, %add3A_439, %dma_wait3A_691] : memref<2x2048x64xf32, #tpu.memory_space<hbm>> -> memref<1x1x64xf32, #tpu.memory_space<hbm>>
                            %dma_wait3A_693 = tpu.memref_squeeze %dma_wait3A_692 : memref<1x1x64xf32, #tpu.memory_space<hbm>> -> memref<1x64xf32, #tpu.memory_space<hbm>>
                            tpu.wait_dma2 semaphore(%run_scoped3A_681 : memref<!tpu.dma_semaphore, #tpu.memory_space<semaphore_mem>>) src(%dma_wait3A_693 : memref<1x64xf32, #tpu.memory_space<hbm>>) dst(%arg14 : memref<1x64xf32, #tpu.memory_space<vmem>>)
                            tpu.yield
                          }) : () -> ()
                          %add3A_616 = arith.addi %mul3A_2, %add3A_235 : i32
                          %run_scoped3A_617 = arith.constant 1 : i32
                          "tpu.region"() ({
                            %run_scoped3A_681 = tpu.sem_alloc : memref<!tpu.dma_semaphore, #tpu.memory_space<semaphore_mem>>
                            %dma_start3A_682 = arith.constant 0 : i32
                            %dma_start3A_683 = tpu.memref_slice %arg4[%run_scoped3A_617, %add3A_616, %dma_start3A_682] : memref<2x2048x64xf32, #tpu.memory_space<hbm>> -> memref<1x1x64xf32, #tpu.memory_space<hbm>>
                            %dma_start3A_684 = tpu.memref_squeeze %dma_start3A_683 : memref<1x1x64xf32, #tpu.memory_space<hbm>> -> memref<1x64xf32, #tpu.memory_space<hbm>>
                            %dma_start3A_685 = arith.constant 0 : i32
                            %dma_start3A_686 = tpu.memref_slice %arg4[%run_scoped3A_617, %add3A_616, %dma_start3A_685] : memref<2x2048x64xf32, #tpu.memory_space<hbm>> -> memref<1x1x64xf32, #tpu.memory_space<hbm>>
                            %dma_start3A_687 = tpu.memref_squeeze %dma_start3A_686 : memref<1x1x64xf32, #tpu.memory_space<hbm>> -> memref<1x64xf32, #tpu.memory_space<hbm>>
                            tpu.enqueue_dma source(%dma_start3A_687 : memref<1x64xf32, #tpu.memory_space<hbm>>) target(%arg13 : memref<1x64xf32, #tpu.memory_space<vmem>>) target_semaphore(%run_scoped3A_681 : memref<!tpu.dma_semaphore, #tpu.memory_space<semaphore_mem>>)
                            %dma_wait3A_688 = arith.constant 0 : i32
                            %dma_wait3A_689 = tpu.memref_slice %arg4[%run_scoped3A_617, %add3A_616, %dma_wait3A_688] : memref<2x2048x64xf32, #tpu.memory_space<hbm>> -> memref<1x1x64xf32, #tpu.memory_space<hbm>>
                            %dma_wait3A_690 = tpu.memref_squeeze %dma_wait3A_689 : memref<1x1x64xf32, #tpu.memory_space<hbm>> -> memref<1x64xf32, #tpu.memory_space<hbm>>
                            %dma_wait3A_691 = arith.constant 0 : i32
                            %dma_wait3A_692 = tpu.memref_slice %arg4[%run_scoped3A_617, %add3A_616, %dma_wait3A_691] : memref<2x2048x64xf32, #tpu.memory_space<hbm>> -> memref<1x1x64xf32, #tpu.memory_space<hbm>>
                            %dma_wait3A_693 = tpu.memref_squeeze %dma_wait3A_692 : memref<1x1x64xf32, #tpu.memory_space<hbm>> -> memref<1x64xf32, #tpu.memory_space<hbm>>
                            tpu.wait_dma2 semaphore(%run_scoped3A_681 : memref<!tpu.dma_semaphore, #tpu.memory_space<semaphore_mem>>) src(%dma_wait3A_693 : memref<1x64xf32, #tpu.memory_space<hbm>>) dst(%arg13 : memref<1x64xf32, #tpu.memory_space<vmem>>)
                            tpu.yield
                          }) : () -> ()
                          %get3A_618 = arith.constant 0 : i32
                          %get3A_619 = arith.index_cast %get3A_618 : i32 to index
                          %get3A_620 = arith.constant 0 : index
                          %get3A_621 = tpu.vector_load %arg13[%get3A_619, %get3A_620] {strides = array<i32>} : memref<1x64xf32, #tpu.memory_space<vmem>>, vector<16xf32>,
                          %get3A_622 = arith.constant 0 : i32
                          %get3A_623 = arith.index_cast %get3A_622 : i32 to index
                          %get3A_624 = arith.constant 0 : index
                          %get3A_625 = tpu.vector_load %arg14[%get3A_623, %get3A_624] {strides = array<i32>} : memref<1x64xf32, #tpu.memory_space<vmem>>, vector<16xf32>,
                          %mul3A_626 = arith.mulf %get3A_621, %get3A_625 : vector<16xf32>
                          %reduce_sum3A = arith.constant true
                          %reduce_sum3A_627 = vector.broadcast %reduce_sum3A : i1 to vector<16xi1>
                          %reduce_sum3A_628 = tpu.scan <sum>, %mul3A_626 masked %reduce_sum3A_627 : vector<16xf32>, vector<16xi1> -> vector<16xf32>
                          %reduce_sum3A_629 = vector.extract %reduce_sum3A_628[15] : f32 from vector<16xf32>
                          %add3A_630 = arith.constant 0.000000e+00 : f32
                          %add3A_631 = arith.addf %add3A_630, %reduce_sum3A_629 : f32
                          %get3A_632 = arith.constant 0 : i32
                          %get3A_633 = arith.index_cast %get3A_632 : i32 to index
                          %get3A_634 = arith.constant 16 : index
                          %get3A_635 = tpu.vector_load %arg13[%get3A_633, %get3A_634] {strides = array<i32>} : memref<1x64xf32, #tpu.memory_space<vmem>>, vector<16xf32>,
                          %get3A_636 = arith.constant 0 : i32
                          %get3A_637 = arith.index_cast %get3A_636 : i32 to index
                          %get3A_638 = arith.constant 16 : index
                          %get3A_639 = tpu.vector_load %arg14[%get3A_637, %get3A_638] {strides = array<i32>} : memref<1x64xf32, #tpu.memory_space<vmem>>, vector<16xf32>,
                          %mul3A_640 = arith.mulf %get3A_635, %get3A_639 : vector<16xf32>
                          %reduce_sum3A_641 = arith.constant true
                          %reduce_sum3A_642 = vector.broadcast %reduce_sum3A_641 : i1 to vector<16xi1>
                          %reduce_sum3A_643 = tpu.scan <sum>, %mul3A_640 masked %reduce_sum3A_642 : vector<16xf32>, vector<16xi1> -> vector<16xf32>
                          %reduce_sum3A_644 = vector.extract %reduce_sum3A_643[15] : f32 from vector<16xf32>
                          %add3A_645 = arith.addf %add3A_631, %reduce_sum3A_644 : f32
                          %get3A_646 = arith.constant 0 : i32
                          %get3A_647 = arith.index_cast %get3A_646 : i32 to index
                          %get3A_648 = arith.constant 32 : index
                          %get3A_649 = tpu.vector_load %arg13[%get3A_647, %get3A_648] {strides = array<i32>} : memref<1x64xf32, #tpu.memory_space<vmem>>, vector<16xf32>,
                          %get3A_650 = arith.constant 0 : i32
                          %get3A_651 = arith.index_cast %get3A_650 : i32 to index
                          %get3A_652 = arith.constant 32 : index
                          %get3A_653 = tpu.vector_load %arg14[%get3A_651, %get3A_652] {strides = array<i32>} : memref<1x64xf32, #tpu.memory_space<vmem>>, vector<16xf32>,
                          %mul3A_654 = arith.mulf %get3A_649, %get3A_653 : vector<16xf32>
                          %reduce_sum3A_655 = arith.constant true
                          %reduce_sum3A_656 = vector.broadcast %reduce_sum3A_655 : i1 to vector<16xi1>
                          %reduce_sum3A_657 = tpu.scan <sum>, %mul3A_654 masked %reduce_sum3A_656 : vector<16xf32>, vector<16xi1> -> vector<16xf32>
                          %reduce_sum3A_658 = vector.extract %reduce_sum3A_657[15] : f32 from vector<16xf32>
                          %add3A_659 = arith.addf %add3A_645, %reduce_sum3A_658 : f32
                          %get3A_660 = arith.constant 0 : i32
                          %get3A_661 = arith.index_cast %get3A_660 : i32 to index
                          %get3A_662 = arith.constant 48 : index
                          %get3A_663 = tpu.vector_load %arg13[%get3A_661, %get3A_662] {strides = array<i32>} : memref<1x64xf32, #tpu.memory_space<vmem>>, vector<16xf32>,
                          %get3A_664 = arith.constant 0 : i32
                          %get3A_665 = arith.index_cast %get3A_664 : i32 to index
                          %get3A_666 = arith.constant 48 : index
                          %get3A_667 = tpu.vector_load %arg14[%get3A_665, %get3A_666] {strides = array<i32>} : memref<1x64xf32, #tpu.memory_space<vmem>>, vector<16xf32>,
                          %mul3A_668 = arith.mulf %get3A_663, %get3A_667 : vector<16xf32>
                          %reduce_sum3A_669 = arith.constant true
                          %reduce_sum3A_670 = vector.broadcast %reduce_sum3A_669 : i1 to vector<16xi1>
                          %reduce_sum3A_671 = tpu.scan <sum>, %mul3A_668 masked %reduce_sum3A_670 : vector<16xf32>, vector<16xi1> -> vector<16xf32>
                          %reduce_sum3A_672 = vector.extract %reduce_sum3A_671[15] : f32 from vector<16xf32>
                          %add3A_673 = arith.addf %add3A_659, %reduce_sum3A_672 : f32
                          %while3A_674 = arith.constant 0 : i32
                          %while3A_675 = scf.while (%while3A_681 = %while3A_674) : (i32) -> i32 {
                            %min3A = arith.constant 63 : i32
                            %min3A_682 = arith.minsi %while3A_681, %min3A : i32
                            %broadcast_in_dim3A_683 = vector.broadcast %add3A_235 : i32 to vector<16xi32>
                            %broadcast_in_dim3A_684 = vector.broadcast %min3A_682 : i32 to vector<16xi32>
                            %gather3A_685 = tpu.vector_load_idx %arg16[%broadcast_in_dim3A_683, %broadcast_in_dim3A_684] : memref<64x64xf32, #tpu.memory_space<vmem>>[vector<16xi32>, vector<16xi32>], vector<16xf32>,
                            %slice3A_686 = vector.extract_strided_slice %gather3A_685 {offsets = [0], sizes = [1], strides = [1]} : vector<16xf32> to vector<1xf32>
                            %squeeze3A_687 = vector.extract %slice3A_686[0] : f32 from vector<1xf32>
                            %broadcast_in_dim3A_688 = vector.broadcast %add3A_235 : i32 to vector<16xi32>
                            %broadcast_in_dim3A_689 = vector.broadcast %min3A_682 : i32 to vector<16xi32>
                            %gather3A_690 = tpu.vector_load_idx %arg18[%broadcast_in_dim3A_688, %broadcast_in_dim3A_689] : memref<64x64xi32, #tpu.memory_space<vmem>>[vector<16xi32>, vector<16xi32>], vector<16xi32>,
                            %slice3A_691 = vector.extract_strided_slice %gather3A_690 {offsets = [0], sizes = [1], strides = [1]} : vector<16xi32> to vector<1xi32>
                            %squeeze3A_692 = vector.extract %slice3A_691[0] : i32 from vector<1xi32>
                            %lt3A_693 = arith.cmpi slt, %while3A_681, %squeeze3A_507 : i32
                            %gt3A_694 = arith.cmpf ogt, %squeeze3A_687, %add3A_673 : f32
                            %eq3A_695 = arith.cmpf oeq, %squeeze3A_687, %add3A_673 : f32
                            %lt3A_696 = arith.cmpi slt, %squeeze3A_692, %add3A_439 : i32
                            %and3A_697 = arith.andi %eq3A_695, %lt3A_696 : i1
                            %or3A_698 = arith.ori %gt3A_694, %and3A_697 : i1
                            %and3A_699 = arith.andi %lt3A_693, %or3A_698 : i1
                            scf.condition(%and3A_699) %while3A_681 : i32
                          } do {
                          ^bb0(%while3A_681: i32):
                            %add3A_682 = arith.constant 1 : i32
                            %add3A_683 = arith.addi %while3A_681, %add3A_682 : i32
                            scf.yield %add3A_683 : i32
                          }
                          %lt3A_676 = arith.constant 64 : i32
                          %lt3A_677 = arith.cmpi slt, %while3A_675, %lt3A_676 : i32
                          %convert_element_type3A_678 = arith.extui %lt3A_677 : i1 to i32
                          %cond3A_679 = arith.constant 0 : i32
                          %cond3A_680 = arith.cmpi ne, %convert_element_type3A_678, %cond3A_679 : i32
                          scf.if %cond3A_680 {
                            %min3A = arith.constant 63 : i32
                            %min3A_681 = arith.minsi %squeeze3A_507, %min3A : i32
                            %while3A_682 = scf.while (%while3A_695 = %min3A_681) : (i32) -> i32 {
                              %gt3A_696 = arith.cmpi sgt, %while3A_695, %while3A_675 : i32
                              scf.condition(%gt3A_696) %while3A_695 : i32
                            } do {
                            ^bb0(%while3A_695: i32):
                              %sub3A_696 = arith.constant 1 : i32
                              %sub3A_697 = arith.subi %while3A_695, %sub3A_696 : i32
                              %broadcast_in_dim3A_698 = vector.broadcast %add3A_235 : i32 to vector<16xi32>
                              %broadcast_in_dim3A_699 = vector.broadcast %sub3A_697 : i32 to vector<16xi32>
                              %gather3A_700 = tpu.vector_load_idx %arg16[%broadcast_in_dim3A_698, %broadcast_in_dim3A_699] : memref<64x64xf32, #tpu.memory_space<vmem>>[vector<16xi32>, vector<16xi32>], vector<16xf32>,
                              %slice3A_701 = vector.extract_strided_slice %gather3A_700 {offsets = [0], sizes = [1], strides = [1]} : vector<16xf32> to vector<1xf32>
                              %squeeze3A_702 = vector.extract %slice3A_701[0] : f32 from vector<1xf32>
                              %broadcast_in_dim3A_703 = vector.broadcast %add3A_235 : i32 to vector<16xi32>
                              %broadcast_in_dim3A_704 = vector.broadcast %while3A_695 : i32 to vector<16xi32>
                              %broadcast_in_dim3A_705 = vector.broadcast %squeeze3A_702 : f32 to vector<16xf32>
                              tpu.vector_store_idx %arg16[%broadcast_in_dim3A_703, %broadcast_in_dim3A_704], %broadcast_in_dim3A_705 masked %eq3A_40 : memref<64x64xf32, #tpu.memory_space<vmem>>[vector<16xi32>, vector<16xi32>], vector<16xf32>, vector<16xi1>
                              %sub3A_706 = arith.constant 1 : i32
                              %sub3A_707 = arith.subi %while3A_695, %sub3A_706 : i32
                              %broadcast_in_dim3A_708 = vector.broadcast %add3A_235 : i32 to vector<16xi32>
                              %broadcast_in_dim3A_709 = vector.broadcast %sub3A_707 : i32 to vector<16xi32>
                              %gather3A_710 = tpu.vector_load_idx %arg18[%broadcast_in_dim3A_708, %broadcast_in_dim3A_709] : memref<64x64xi32, #tpu.memory_space<vmem>>[vector<16xi32>, vector<16xi32>], vector<16xi32>,
                              %slice3A_711 = vector.extract_strided_slice %gather3A_710 {offsets = [0], sizes = [1], strides = [1]} : vector<16xi32> to vector<1xi32>
                              %squeeze3A_712 = vector.extract %slice3A_711[0] : i32 from vector<1xi32>
                              %broadcast_in_dim3A_713 = vector.broadcast %add3A_235 : i32 to vector<16xi32>
                              %broadcast_in_dim3A_714 = vector.broadcast %while3A_695 : i32 to vector<16xi32>
                              %broadcast_in_dim3A_715 = vector.broadcast %squeeze3A_712 : i32 to vector<16xi32>
                              tpu.vector_store_idx %arg18[%broadcast_in_dim3A_713, %broadcast_in_dim3A_714], %broadcast_in_dim3A_715 masked %eq3A_40 : memref<64x64xi32, #tpu.memory_space<vmem>>[vector<16xi32>, vector<16xi32>], vector<16xi32>, vector<16xi1>
                              %sub3A_716 = arith.constant 1 : i32
                              %sub3A_717 = arith.subi %while3A_695, %sub3A_716 : i32
                              scf.yield %sub3A_717 : i32
                            }
                            %broadcast_in_dim3A_683 = vector.broadcast %add3A_235 : i32 to vector<16xi32>
                            %broadcast_in_dim3A_684 = vector.broadcast %while3A_675 : i32 to vector<16xi32>
                            %broadcast_in_dim3A_685 = vector.broadcast %add3A_673 : f32 to vector<16xf32>
                            tpu.vector_store_idx %arg16[%broadcast_in_dim3A_683, %broadcast_in_dim3A_684], %broadcast_in_dim3A_685 masked %eq3A_40 : memref<64x64xf32, #tpu.memory_space<vmem>>[vector<16xi32>, vector<16xi32>], vector<16xf32>, vector<16xi1>
                            %broadcast_in_dim3A_686 = vector.broadcast %add3A_235 : i32 to vector<16xi32>
                            %broadcast_in_dim3A_687 = vector.broadcast %while3A_675 : i32 to vector<16xi32>
                            %broadcast_in_dim3A_688 = vector.broadcast %add3A_439 : i32 to vector<16xi32>
                            tpu.vector_store_idx %arg18[%broadcast_in_dim3A_686, %broadcast_in_dim3A_687], %broadcast_in_dim3A_688 masked %eq3A_40 : memref<64x64xi32, #tpu.memory_space<vmem>>[vector<16xi32>, vector<16xi32>], vector<16xi32>, vector<16xi1>
                            %add3A_689 = arith.constant 1 : i32
                            %add3A_690 = arith.addi %squeeze3A_507, %add3A_689 : i32
                            %min3A_691 = arith.constant 64 : i32
                            %min3A_692 = arith.minsi %add3A_690, %min3A_691 : i32
                            %broadcast_in_dim3A_693 = vector.broadcast %add3A_235 : i32 to vector<16xi32>
                            %broadcast_in_dim3A_694 = vector.broadcast %min3A_692 : i32 to vector<16xi32>
                            tpu.vector_store_idx %arg19[%broadcast_in_dim3A_693], %broadcast_in_dim3A_694 masked %eq3A_40 : memref<64xi32, #tpu.memory_space<vmem>>[vector<16xi32>], vector<16xi32>, vector<16xi1>
                          } else {
                          }
                        } else {
                        }
                      } else {
                      }
                      %scan3A_503 = arith.constant 0 : i32
                      scf.yield %scan3A_503 : i32
                    }
                    %scan3A_436 = arith.constant 16 : i32
                  } else {
                  }
                } else {
                }
                %lt3A_323 = arith.constant 128 : i32
                %lt3A_324 = arith.cmpi slt, %parallel_loop3A_317, %lt3A_323 : i32
                %add3A_325 = arith.constant 1 : i32
                %add3A_326 = arith.addi %parallel_loop3A_317, %add3A_325 : i32
                %jit3A_327 = arith.constant 128 : i32
                %select_n3A_328 = arith.select %lt3A_324, %add3A_326, %jit3A_327 : i32
                scf.yield %select_n3A_328 : i32
              }
            } else {
            }
            %scan3A_266 = arith.constant 0 : i32
            scf.yield %scan3A_266 : i32
          }
          %scan3A_230 = arith.constant 16 : i32
        } else {
        }
        %scan3A_223 = arith.constant 0 : i32
        scf.yield %scan3A_223 : i32
      }
      %scan3A_186 = arith.constant 4 : i32
      %scan3A_187 = arith.constant 0 : i32
      scf.yield %scan3A_187 : i32
    }
    %scan3A_146 = arith.constant 2 : i32
    %iota3A_147 = tpu.iota {dimensions = array<i32: 0>} : vector<16xi32>
    %parallel_loop3A_148 = arith.constant 0 : i32
    %parallel_loop3A_149 = arith.constant 64 : i32
    %parallel_loop3A_150 = arith.constant 1 : i32
    scf.for %parallel_loop3A_172 = %parallel_loop3A_148 to %parallel_loop3A_149 step %parallel_loop3A_150  : i32 {
      %parallel_loop3A_173 = vector.broadcast %parallel_loop3A_172 : i32 to vector<16xi32>
      %parallel_loop3A_174 = tpu.vector_load_idx %arg19[%parallel_loop3A_173] : memref<64xi32, #tpu.memory_space<vmem>>[vector<16xi32>], vector<16xi32>,
      %parallel_loop3A_175 = vector.extract_strided_slice %parallel_loop3A_174 {offsets = [0], sizes = [1], strides = [1]} : vector<16xi32> to vector<1xi32>
      %parallel_loop3A_176 = vector.extract %parallel_loop3A_175[0] : i32 from vector<1xi32>
      %parallel_loop3A_177 = vector.broadcast %parallel_loop3A_176 : i32 to vector<16xi32>
      %parallel_loop3A_178 = arith.index_cast %parallel_loop3A_172 : i32 to index
      %parallel_loop3A_179 = arith.constant 0 : index
      %parallel_loop3A_180 = tpu.vector_load %arg16[%parallel_loop3A_178, %parallel_loop3A_179] {strides = array<i32>} : memref<64x64xf32, #tpu.memory_space<vmem>>, vector<16xf32>,
      %parallel_loop3A_181 = arith.index_cast %parallel_loop3A_172 : i32 to index
      %parallel_loop3A_182 = arith.constant 0 : index
      %parallel_loop3A_183 = tpu.vector_load %arg18[%parallel_loop3A_181, %parallel_loop3A_182] {strides = array<i32>} : memref<64x64xi32, #tpu.memory_space<vmem>>, vector<16xi32>,
      %parallel_loop3A_184 = arith.constant 0 : i32
      %parallel_loop3A_185 = vector.broadcast %parallel_loop3A_184 : i32 to vector<16xi32>
      %parallel_loop3A_186 = arith.addi %parallel_loop3A_185, %iota3A_147 : vector<16xi32>
      %parallel_loop3A_187 = arith.cmpi slt, %parallel_loop3A_186, %parallel_loop3A_177 : vector<16xi32>
      %parallel_loop3A_188 = arith.constant -1.000000e+08 : f32
      %parallel_loop3A_189 = vector.broadcast %parallel_loop3A_188 : f32 to vector<16xf32>
      %parallel_loop3A_190 = arith.cmpf ogt, %parallel_loop3A_180, %parallel_loop3A_189 : vector<16xf32>
      %parallel_loop3A_191 = arith.andi %parallel_loop3A_187, %parallel_loop3A_190 : vector<16xi1>
      %parallel_loop3A_192 = arith.constant -1 : i32
      %parallel_loop3A_193 = vector.broadcast %parallel_loop3A_192 : i32 to vector<16xi32>
      %parallel_loop3A_194 = arith.select %parallel_loop3A_191, %parallel_loop3A_183, %parallel_loop3A_193 : vector<16xi1>, vector<16xi32>
      %parallel_loop3A_195 = arith.index_cast %parallel_loop3A_172 : i32 to index
      %parallel_loop3A_196 = arith.constant 0 : index
      %parallel_loop3A_197 = tpu.vector_load %arg18[%parallel_loop3A_195, %parallel_loop3A_196] {strides = array<i32>} : memref<64x64xi32, #tpu.memory_space<vmem>>, vector<16xi32>,
      tpu.vector_store %arg18[%parallel_loop3A_195, %parallel_loop3A_196], %parallel_loop3A_194 {strides = array<i32>} : memref<64x64xi32, #tpu.memory_space<vmem>>, vector<16xi32>,
      %parallel_loop3A_198 = arith.index_cast %parallel_loop3A_172 : i32 to index
      %parallel_loop3A_199 = arith.constant 16 : index
      %parallel_loop3A_200 = tpu.vector_load %arg16[%parallel_loop3A_198, %parallel_loop3A_199] {strides = array<i32>} : memref<64x64xf32, #tpu.memory_space<vmem>>, vector<16xf32>,
      %parallel_loop3A_201 = arith.index_cast %parallel_loop3A_172 : i32 to index
      %parallel_loop3A_202 = arith.constant 16 : index
      %parallel_loop3A_203 = tpu.vector_load %arg18[%parallel_loop3A_201, %parallel_loop3A_202] {strides = array<i32>} : memref<64x64xi32, #tpu.memory_space<vmem>>, vector<16xi32>,
      %parallel_loop3A_204 = arith.constant 16 : i32
      %parallel_loop3A_205 = vector.broadcast %parallel_loop3A_204 : i32 to vector<16xi32>
      %parallel_loop3A_206 = arith.addi %parallel_loop3A_205, %iota3A_147 : vector<16xi32>
      %parallel_loop3A_207 = arith.cmpi slt, %parallel_loop3A_206, %parallel_loop3A_177 : vector<16xi32>
      %parallel_loop3A_208 = arith.constant -1.000000e+08 : f32
      %parallel_loop3A_209 = vector.broadcast %parallel_loop3A_208 : f32 to vector<16xf32>
      %parallel_loop3A_210 = arith.cmpf ogt, %parallel_loop3A_200, %parallel_loop3A_209 : vector<16xf32>
      %parallel_loop3A_211 = arith.andi %parallel_loop3A_207, %parallel_loop3A_210 : vector<16xi1>
      %parallel_loop3A_212 = arith.constant -1 : i32
      %parallel_loop3A_213 = vector.broadcast %parallel_loop3A_212 : i32 to vector<16xi32>
      %parallel_loop3A_214 = arith.select %parallel_loop3A_211, %parallel_loop3A_203, %parallel_loop3A_213 : vector<16xi1>, vector<16xi32>
      %parallel_loop3A_215 = arith.index_cast %parallel_loop3A_172 : i32 to index
      %parallel_loop3A_216 = arith.constant 16 : index
      %parallel_loop3A_217 = tpu.vector_load %arg18[%parallel_loop3A_215, %parallel_loop3A_216] {strides = array<i32>} : memref<64x64xi32, #tpu.memory_space<vmem>>, vector<16xi32>,
      tpu.vector_store %arg18[%parallel_loop3A_215, %parallel_loop3A_216], %parallel_loop3A_214 {strides = array<i32>} : memref<64x64xi32, #tpu.memory_space<vmem>>, vector<16xi32>,
      %parallel_loop3A_218 = arith.index_cast %parallel_loop3A_172 : i32 to index
      %parallel_loop3A_219 = arith.constant 32 : index
      %parallel_loop3A_220 = tpu.vector_load %arg16[%parallel_loop3A_218, %parallel_loop3A_219] {strides = array<i32>} : memref<64x64xf32, #tpu.memory_space<vmem>>, vector<16xf32>,
      %parallel_loop3A_221 = arith.index_cast %parallel_loop3A_172 : i32 to index
      %parallel_loop3A_222 = arith.constant 32 : index
      %parallel_loop3A_223 = tpu.vector_load %arg18[%parallel_loop3A_221, %parallel_loop3A_222] {strides = array<i32>} : memref<64x64xi32, #tpu.memory_space<vmem>>, vector<16xi32>,
      %parallel_loop3A_224 = arith.constant 32 : i32
      %parallel_loop3A_225 = vector.broadcast %parallel_loop3A_224 : i32 to vector<16xi32>
      %parallel_loop3A_226 = arith.addi %parallel_loop3A_225, %iota3A_147 : vector<16xi32>
      %parallel_loop3A_227 = arith.cmpi slt, %parallel_loop3A_226, %parallel_loop3A_177 : vector<16xi32>
      %parallel_loop3A_228 = arith.constant -1.000000e+08 : f32
      %parallel_loop3A_229 = vector.broadcast %parallel_loop3A_228 : f32 to vector<16xf32>
      %parallel_loop3A_230 = arith.cmpf ogt, %parallel_loop3A_220, %parallel_loop3A_229 : vector<16xf32>
      %parallel_loop3A_231 = arith.andi %parallel_loop3A_227, %parallel_loop3A_230 : vector<16xi1>
      %parallel_loop3A_232 = arith.constant -1 : i32
      %parallel_loop3A_233 = vector.broadcast %parallel_loop3A_232 : i32 to vector<16xi32>
      %parallel_loop3A_234 = arith.select %parallel_loop3A_231, %parallel_loop3A_223, %parallel_loop3A_233 : vector<16xi1>, vector<16xi32>
      %parallel_loop3A_235 = arith.index_cast %parallel_loop3A_172 : i32 to index
      %parallel_loop3A_236 = arith.constant 32 : index
      %parallel_loop3A_237 = tpu.vector_load %arg18[%parallel_loop3A_235, %parallel_loop3A_236] {strides = array<i32>} : memref<64x64xi32, #tpu.memory_space<vmem>>, vector<16xi32>,
      tpu.vector_store %arg18[%parallel_loop3A_235, %parallel_loop3A_236], %parallel_loop3A_234 {strides = array<i32>} : memref<64x64xi32, #tpu.memory_space<vmem>>, vector<16xi32>,
      %parallel_loop3A_238 = arith.index_cast %parallel_loop3A_172 : i32 to index
      %parallel_loop3A_239 = arith.constant 48 : index
      %parallel_loop3A_240 = tpu.vector_load %arg16[%parallel_loop3A_238, %parallel_loop3A_239] {strides = array<i32>} : memref<64x64xf32, #tpu.memory_space<vmem>>, vector<16xf32>,
      %parallel_loop3A_241 = arith.index_cast %parallel_loop3A_172 : i32 to index
      %parallel_loop3A_242 = arith.constant 48 : index
      %parallel_loop3A_243 = tpu.vector_load %arg18[%parallel_loop3A_241, %parallel_loop3A_242] {strides = array<i32>} : memref<64x64xi32, #tpu.memory_space<vmem>>, vector<16xi32>,
      %parallel_loop3A_244 = arith.constant 48 : i32
      %parallel_loop3A_245 = vector.broadcast %parallel_loop3A_244 : i32 to vector<16xi32>
      %parallel_loop3A_246 = arith.addi %parallel_loop3A_245, %iota3A_147 : vector<16xi32>
      %parallel_loop3A_247 = arith.cmpi slt, %parallel_loop3A_246, %parallel_loop3A_177 : vector<16xi32>
      %parallel_loop3A_248 = arith.constant -1.000000e+08 : f32
      %parallel_loop3A_249 = vector.broadcast %parallel_loop3A_248 : f32 to vector<16xf32>
      %parallel_loop3A_250 = arith.cmpf ogt, %parallel_loop3A_240, %parallel_loop3A_249 : vector<16xf32>
      %parallel_loop3A_251 = arith.andi %parallel_loop3A_247, %parallel_loop3A_250 : vector<16xi1>
      %parallel_loop3A_252 = arith.constant -1 : i32
      %parallel_loop3A_253 = vector.broadcast %parallel_loop3A_252 : i32 to vector<16xi32>
      %parallel_loop3A_254 = arith.select %parallel_loop3A_251, %parallel_loop3A_243, %parallel_loop3A_253 : vector<16xi1>, vector<16xi32>
      %parallel_loop3A_255 = arith.index_cast %parallel_loop3A_172 : i32 to index
      %parallel_loop3A_256 = arith.constant 48 : index
      %parallel_loop3A_257 = tpu.vector_load %arg18[%parallel_loop3A_255, %parallel_loop3A_256] {strides = array<i32>} : memref<64x64xi32, #tpu.memory_space<vmem>>, vector<16xi32>,
      tpu.vector_store %arg18[%parallel_loop3A_255, %parallel_loop3A_256], %parallel_loop3A_254 {strides = array<i32>} : memref<64x64xi32, #tpu.memory_space<vmem>>, vector<16xi32>,
    } {sc.loop_unroll_factor = 2 : i64, sc.parallel_access}
    %dma_start3A_151 = arith.constant 1 : i32
    %dma_start3A_152 = arith.constant 0 : i32
    %dma_start3A_153 = tpu.memref_slice %arg6[%dma_start3A_151, %mul3A_2, %dma_start3A_152] : memref<2x2048x64xi32, #tpu.memory_space<hbm>> -> memref<1x64x64xi32, #tpu.memory_space<hbm>>
    %dma_start3A_154 = tpu.memref_squeeze %dma_start3A_153 : memref<1x64x64xi32, #tpu.memory_space<hbm>> -> memref<64x64xi32, #tpu.memory_space<hbm>>
    %dma_start3A_155 = arith.constant 0 : i32
    %dma_start3A_156 = tpu.memref_slice %arg6[%dma_start3A_151, %mul3A_2, %dma_start3A_155] : memref<2x2048x64xi32, #tpu.memory_space<hbm>> -> memref<1x64x64xi32, #tpu.memory_space<hbm>>
    %dma_start3A_157 = tpu.memref_squeeze %dma_start3A_156 : memref<1x64x64xi32, #tpu.memory_space<hbm>> -> memref<64x64xi32, #tpu.memory_space<hbm>>
    tpu.enqueue_dma source(%arg18 : memref<64x64xi32, #tpu.memory_space<vmem>>) target(%dma_start3A_157 : memref<64x64xi32, #tpu.memory_space<hbm>>) target_semaphore(%arg22 : memref<!tpu.dma_semaphore, #tpu.memory_space<semaphore_mem>>)
    %dma_wait3A_158 = arith.constant 0 : i32
    %dma_wait3A_159 = arith.constant 0 : i32
    %dma_wait3A_160 = tpu.memref_slice %arg6[%dma_wait3A_158, %mul3A_2, %dma_wait3A_159] : memref<2x2048x64xi32, #tpu.memory_space<hbm>> -> memref<1x64x64xi32, #tpu.memory_space<hbm>>
    %dma_wait3A_161 = tpu.memref_squeeze %dma_wait3A_160 : memref<1x64x64xi32, #tpu.memory_space<hbm>> -> memref<64x64xi32, #tpu.memory_space<hbm>>
    %dma_wait3A_162 = arith.constant 0 : i32
    %dma_wait3A_163 = tpu.memref_slice %arg6[%dma_wait3A_158, %mul3A_2, %dma_wait3A_162] : memref<2x2048x64xi32, #tpu.memory_space<hbm>> -> memref<1x64x64xi32, #tpu.memory_space<hbm>>
    %dma_wait3A_164 = tpu.memref_squeeze %dma_wait3A_163 : memref<1x64x64xi32, #tpu.memory_space<hbm>> -> memref<64x64xi32, #tpu.memory_space<hbm>>
    tpu.wait_dma2 semaphore(%arg22 : memref<!tpu.dma_semaphore, #tpu.memory_space<semaphore_mem>>) src(%arg17 : memref<64x64xi32, #tpu.memory_space<vmem>>) dst(%dma_wait3A_164 : memref<64x64xi32, #tpu.memory_space<hbm>>)
    %dma_wait3A_165 = arith.constant 1 : i32
    %dma_wait3A_166 = arith.constant 0 : i32
    %dma_wait3A_167 = tpu.memref_slice %arg6[%dma_wait3A_165, %mul3A_2, %dma_wait3A_166] : memref<2x2048x64xi32, #tpu.memory_space<hbm>> -> memref<1x64x64xi32, #tpu.memory_space<hbm>>
    %dma_wait3A_168 = tpu.memref_squeeze %dma_wait3A_167 : memref<1x64x64xi32, #tpu.memory_space<hbm>> -> memref<64x64xi32, #tpu.memory_space<hbm>>
    %dma_wait3A_169 = arith.constant 0 : i32
    %dma_wait3A_170 = tpu.memref_slice %arg6[%dma_wait3A_165, %mul3A_2, %dma_wait3A_169] : memref<2x2048x64xi32, #tpu.memory_space<hbm>> -> memref<1x64x64xi32, #tpu.memory_space<hbm>>
    %dma_wait3A_171 = tpu.memref_squeeze %dma_wait3A_170 : memref<1x64x64xi32, #tpu.memory_space<hbm>> -> memref<64x64xi32, #tpu.memory_space<hbm>>
    tpu.wait_dma2 semaphore(%arg22 : memref<!tpu.dma_semaphore, #tpu.memory_space<semaphore_mem>>) src(%arg18 : memref<64x64xi32, #tpu.memory_space<vmem>>) dst(%dma_wait3A_171 : memref<64x64xi32, #tpu.memory_space<hbm>>)
    return
  }
}

module attributes {stable_mosaic.version = 14 : i64} {
  func.func @_sig_block(%arg0: memref<2x2048x64xf32, #tpu.memory_space<vmem>>, %arg1: memref<2x2048x64xf32, #tpu.memory_space<vmem>>, %arg2: memref<32x4xf32, #tpu.memory_space<vmem>>, %arg3: memref<32x4xf32, #tpu.memory_space<vmem>>, %arg4: memref<2x10x2048xi32, #tpu.memory_space<vmem>>, %arg5: memref<2x10x2048xi32, #tpu.memory_space<vmem>>) attributes {dimension_semantics = [], scalar_prefetch = 0 : i64, scratch_operands = 0 : i64, tpu.core_type = #tpu.core_type<tc>} {
    %get3A = arith.constant 0 : index
    %get3A_0 = arith.constant 0 : index
    %get3A_1 = vector.load %arg2[%get3A, %get3A_0] : memref<32x4xf32, #tpu.memory_space<vmem>>, vector<32x4xf32>
    %get3A_2 = arith.constant 0 : index
    %get3A_3 = arith.constant 0 : index
    %get3A_4 = vector.load %arg3[%get3A_2, %get3A_3] : memref<32x4xf32, #tpu.memory_space<vmem>>, vector<32x4xf32>
    %iota3A = tpu.iota {dimensions = array<i32: 0>} : vector<64x4xi32>
    %iota3A_5 = tpu.iota {dimensions = array<i32: 1>} : vector<64x4xi32>
    %jit3A = arith.constant 16 : i32
    %div3A = vector.broadcast %jit3A : i32 to vector<64x4xi32>
    %div3A_6 = arith.divsi %iota3A, %div3A : vector<64x4xi32>
    %sign3A = arith.constant 0 : i32
    %sign3A_7 = vector.broadcast %sign3A : i32 to vector<64x4xi32>
    %sign3A_8 = arith.cmpi sgt, %iota3A, %sign3A_7 : vector<64x4xi32>
    %sign3A_9 = arith.extui %sign3A_8 : vector<64x4xi1> to vector<64x4xi32>
    %sign3A_10 = arith.constant 0 : i32
    %sign3A_11 = vector.broadcast %sign3A_10 : i32 to vector<64x4xi32>
    %sign3A_12 = arith.cmpi slt, %iota3A, %sign3A_11 : vector<64x4xi32>
    %sign3A_13 = arith.extui %sign3A_12 : vector<64x4xi1> to vector<64x4xi32>
    %sign3A_14 = arith.subi %sign3A_9, %sign3A_13 : vector<64x4xi32>
    %sign3A_15 = arith.constant 0 : i32
    %sign3A_16 = arith.cmpi sgt, %jit3A, %sign3A_15 : i32
    %sign3A_17 = arith.extui %sign3A_16 : i1 to i32
    %sign3A_18 = arith.constant 0 : i32
    %sign3A_19 = arith.cmpi slt, %jit3A, %sign3A_18 : i32
    %sign3A_20 = arith.extui %sign3A_19 : i1 to i32
    %sign3A_21 = arith.subi %sign3A_17, %sign3A_20 : i32
    %ne3A = vector.broadcast %sign3A_21 : i32 to vector<64x4xi32>
    %ne3A_22 = arith.cmpi ne, %sign3A_14, %ne3A : vector<64x4xi32>
    %rem3A = vector.broadcast %jit3A : i32 to vector<64x4xi32>
    %rem3A_23 = arith.remsi %iota3A, %rem3A : vector<64x4xi32>
    %ne3A_24 = arith.constant 0 : i32
    %ne3A_25 = vector.broadcast %ne3A_24 : i32 to vector<64x4xi32>
    %ne3A_26 = arith.cmpi ne, %rem3A_23, %ne3A_25 : vector<64x4xi32>
    %and3A = arith.andi %ne3A_22, %ne3A_26 : vector<64x4xi1>
    %sub3A = arith.constant 1 : i32
    %sub3A_27 = vector.broadcast %sub3A : i32 to vector<64x4xi32>
    %sub3A_28 = arith.subi %div3A_6, %sub3A_27 : vector<64x4xi32>
    %select_n3A = arith.select %and3A, %sub3A_28, %div3A_6 : vector<64x4xi1>, vector<64x4xi32>
    %eq3A = arith.cmpi eq, %select_n3A, %iota3A_5 : vector<64x4xi32>
    %jit3A_29 = arith.constant 16 : i32
    %eq3A_30 = arith.constant 0 : i32
    %eq3A_31 = arith.cmpi eq, %jit3A_29, %eq3A_30 : i32
    %jit3A_32 = arith.constant 1 : i32
    %select_n3A_33 = arith.select %eq3A_31, %jit3A_32, %jit3A_29 : i32
    %rem3A_34 = vector.broadcast %select_n3A_33 : i32 to vector<64x4xi32>
    %rem3A_35 = arith.remsi %iota3A, %rem3A_34 : vector<64x4xi32>
    %ne3A_36 = arith.constant 0 : i32
    %ne3A_37 = vector.broadcast %ne3A_36 : i32 to vector<64x4xi32>
    %ne3A_38 = arith.cmpi ne, %rem3A_35, %ne3A_37 : vector<64x4xi32>
    %lt3A = arith.constant 0 : i32
    %lt3A_39 = vector.broadcast %lt3A : i32 to vector<64x4xi32>
    %lt3A_40 = arith.cmpi slt, %rem3A_35, %lt3A_39 : vector<64x4xi32>
    %lt3A_41 = arith.constant 0 : i32
    %lt3A_42 = arith.cmpi slt, %select_n3A_33, %lt3A_41 : i32
    %ne3A_43 = vector.broadcast %lt3A_42 : i1 to vector<64x4xi1>
    %ne3A_44 = vector.broadcast %ne3A_43 : vector<64x4xi1> to vector<64x4xi1>
    %ne3A_45 = arith.xori %lt3A_40, %ne3A_44 : vector<64x4xi1>
    %and3A_46 = arith.andi %ne3A_45, %ne3A_38 : vector<64x4xi1>
    %add3A = vector.broadcast %select_n3A_33 : i32 to vector<64x4xi32>
    %add3A_47 = arith.addi %rem3A_35, %add3A : vector<64x4xi32>
    %select_n3A_48 = arith.select %and3A_46, %add3A_47, %rem3A_35 : vector<64x4xi1>, vector<64x4xi32>
    %shift_left3A = arith.constant 1 : i32
    %shift_left3A_49 = vector.broadcast %shift_left3A : i32 to vector<64x4xi32>
    %shift_left3A_50 = arith.shli %shift_left3A_49, %select_n3A_48 : vector<64x4xi32>
    %convert_element_type3A = arith.sitofp %shift_left3A_50 : vector<64x4xi32> to vector<64x4xf32>
    %jit3A_51 = arith.constant 0.000000e+00 : f32
    %broadcast_in_dim3A = vector.broadcast %jit3A_51 : f32 to vector<64x4xf32>
    %select_n3A_52 = arith.select %eq3A, %convert_element_type3A, %broadcast_in_dim3A : vector<64x4xi1>, vector<64x4xf32>
    %get3A_53 = arith.constant 0 : index
    %get3A_54 = arith.constant 0 : index
    %get3A_55 = arith.constant 0 : index
    %get3A_56 = vector.load %arg0[%get3A_53, %get3A_54, %get3A_55] : memref<2x2048x64xf32, #tpu.memory_space<vmem>>, vector<1x2048x64xf32>
    %get3A_57 = vector.shape_cast %get3A_56 : vector<1x2048x64xf32> to vector<2048x64xf32>
    %slice3A = vector.extract_strided_slice %get3A_57 {offsets = [0, 0], sizes = [2048, 32], strides = [1, 1]} : vector<2048x64xf32> to vector<2048x32xf32>
    %dot_general3A = arith.constant dense<0.000000e+00> : vector<2048x4xf32>
    %dot_general3A_58 = tpu.matmul %slice3A, %get3A_1, %dot_general3A {dimension_numbers = #tpu.dot_dimension_numbers<[1], [0], [0], [1], [0, 0, 1, 1], [], []>, transpose_lhs_hint = false} : vector<2048x32xf32>, vector<32x4xf32>, vector<2048x4xf32> -> vector<2048x4xf32>
    %slice3A_59 = vector.extract_strided_slice %get3A_57 {offsets = [0, 32], sizes = [2048, 32], strides = [1, 1]} : vector<2048x64xf32> to vector<2048x32xf32>
    %dot_general3A_60 = arith.constant dense<0.000000e+00> : vector<2048x4xf32>
    %dot_general3A_61 = tpu.matmul %slice3A_59, %get3A_4, %dot_general3A_60 {dimension_numbers = #tpu.dot_dimension_numbers<[1], [0], [0], [1], [0, 0, 1, 1], [], []>, transpose_lhs_hint = false} : vector<2048x32xf32>, vector<32x4xf32>, vector<2048x4xf32> -> vector<2048x4xf32>
    %gt3A = arith.constant 0.000000e+00 : f32
    %gt3A_62 = vector.broadcast %gt3A : f32 to vector<2048x64xf32>
    %gt3A_63 = arith.cmpf ogt, %get3A_57, %gt3A_62 : vector<2048x64xf32>
    %convert_element_type3A_64 = arith.extui %gt3A_63 : vector<2048x64xi1> to vector<2048x64xi32>
    %convert_element_type3A_65 = arith.sitofp %convert_element_type3A_64 : vector<2048x64xi32> to vector<2048x64xf32>
    %dot_general3A_66 = arith.constant dense<0.000000e+00> : vector<2048x4xf32>
    %dot_general3A_67 = tpu.matmul %convert_element_type3A_65, %select_n3A_52, %dot_general3A_66 {dimension_numbers = #tpu.dot_dimension_numbers<[1], [0], [0], [1], [0, 0, 1, 1], [], []>, transpose_lhs_hint = false} : vector<2048x64xf32>, vector<64x4xf32>, vector<2048x4xf32> -> vector<2048x4xf32>
    %concatenate3A = tpu.concatenate %dot_general3A_58, %dot_general3A_61, %dot_general3A_67 in 1 : vector<2048x4xf32>, vector<2048x4xf32>, vector<2048x4xf32> -> vector<2048x12xf32>
    %transpose3A = tpu.transpose %concatenate3A, [1, 0] : vector<2048x12xf32> -> vector<12x2048xf32>
    %slice3A_68 = vector.extract_strided_slice %transpose3A {offsets = [0, 0], sizes = [8, 2048], strides = [1, 1]} : vector<12x2048xf32> to vector<8x2048xf32>
    %div3A_69 = arith.constant 4.000000e+00 : f32
    %div3A_70 = vector.broadcast %div3A_69 : f32 to vector<8x2048xf32>
    %div3A_71 = arith.divf %slice3A_68, %div3A_70 : vector<8x2048xf32>
    %floor3A = math.floor %div3A_71 : vector<8x2048xf32>
    %jit3A_72 = arith.constant 3.200000e+01 : f32
    %rem3A_73 = vector.broadcast %jit3A_72 : f32 to vector<8x2048xf32>
    %rem3A_74 = arith.remf %floor3A, %rem3A_73 : vector<8x2048xf32>
    %ne3A_75 = arith.constant 0.000000e+00 : f32
    %ne3A_76 = vector.broadcast %ne3A_75 : f32 to vector<8x2048xf32>
    %ne3A_77 = arith.cmpf one, %rem3A_74, %ne3A_76 : vector<8x2048xf32>
    %lt3A_78 = arith.constant 0.000000e+00 : f32
    %lt3A_79 = vector.broadcast %lt3A_78 : f32 to vector<8x2048xf32>
    %lt3A_80 = arith.cmpf olt, %rem3A_74, %lt3A_79 : vector<8x2048xf32>
    %lt3A_81 = arith.constant 0.000000e+00 : f32
    %lt3A_82 = arith.cmpf olt, %jit3A_72, %lt3A_81 : f32
    %ne3A_83 = vector.broadcast %lt3A_82 : i1 to vector<8x2048xi1>
    %ne3A_84 = vector.broadcast %ne3A_83 : vector<8x2048xi1> to vector<8x2048xi1>
    %ne3A_85 = arith.xori %lt3A_80, %ne3A_84 : vector<8x2048xi1>
    %and3A_86 = arith.andi %ne3A_85, %ne3A_77 : vector<8x2048xi1>
    %add3A_87 = vector.broadcast %jit3A_72 : f32 to vector<8x2048xf32>
    %add3A_88 = arith.addf %rem3A_74, %add3A_87 : vector<8x2048xf32>
    %select_n3A_89 = arith.select %and3A_86, %add3A_88, %rem3A_74 : vector<8x2048xi1>, vector<8x2048xf32>
    %convert_element_type3A_90 = arith.fptosi %select_n3A_89 : vector<8x2048xf32> to vector<8x2048xi32>
    %slice3A_91 = vector.extract_strided_slice %transpose3A {offsets = [8, 0], sizes = [4, 2048], strides = [1, 1]} : vector<12x2048xf32> to vector<4x2048xf32>
    %convert_element_type3A_92 = arith.fptosi %slice3A_91 : vector<4x2048xf32> to vector<4x2048xi32>
    %slice3A_93 = vector.extract_strided_slice %convert_element_type3A_92 {offsets = [0, 0], sizes = [1, 2048], strides = [1, 1]} : vector<4x2048xi32> to vector<1x2048xi32>
    %slice3A_94 = vector.extract_strided_slice %convert_element_type3A_92 {offsets = [1, 0], sizes = [1, 2048], strides = [1, 1]} : vector<4x2048xi32> to vector<1x2048xi32>
    %shift_left3A_95 = arith.constant 16 : i32
    %shift_left3A_96 = vector.broadcast %shift_left3A_95 : i32 to vector<1x2048xi32>
    %shift_left3A_97 = arith.shli %slice3A_94, %shift_left3A_96 : vector<1x2048xi32>
    %or3A = arith.ori %slice3A_93, %shift_left3A_97 : vector<1x2048xi32>
    %slice3A_98 = vector.extract_strided_slice %convert_element_type3A_92 {offsets = [2, 0], sizes = [1, 2048], strides = [1, 1]} : vector<4x2048xi32> to vector<1x2048xi32>
    %slice3A_99 = vector.extract_strided_slice %convert_element_type3A_92 {offsets = [3, 0], sizes = [1, 2048], strides = [1, 1]} : vector<4x2048xi32> to vector<1x2048xi32>
    %shift_left3A_100 = arith.constant 16 : i32
    %shift_left3A_101 = vector.broadcast %shift_left3A_100 : i32 to vector<1x2048xi32>
    %shift_left3A_102 = arith.shli %slice3A_99, %shift_left3A_101 : vector<1x2048xi32>
    %or3A_103 = arith.ori %slice3A_98, %shift_left3A_102 : vector<1x2048xi32>
    %concatenate3A_104 = tpu.concatenate %convert_element_type3A_90, %or3A, %or3A_103 in 0 : vector<8x2048xi32>, vector<1x2048xi32>, vector<1x2048xi32> -> vector<10x2048xi32>
    %swap3A = arith.constant 0 : index
    %swap3A_105 = arith.constant 0 : index
    %swap3A_106 = arith.constant 0 : index
    %swap3A_107 = vector.load %arg4[%swap3A, %swap3A_105, %swap3A_106] : memref<2x10x2048xi32, #tpu.memory_space<vmem>>, vector<1x10x2048xi32>
    %swap3A_108 = vector.shape_cast %swap3A_107 : vector<1x10x2048xi32> to vector<10x2048xi32>
    %swap3A_109 = vector.shape_cast %concatenate3A_104 : vector<10x2048xi32> to vector<1x10x2048xi32>
    tpu.vector_store %arg4[%swap3A, %swap3A_105, %swap3A_106], %swap3A_109 {strides = array<i32>} : memref<2x10x2048xi32, #tpu.memory_space<vmem>>, vector<1x10x2048xi32>,
    %get3A_110 = arith.constant 0 : index
    %get3A_111 = arith.constant 0 : index
    %get3A_112 = arith.constant 0 : index
    %get3A_113 = vector.load %arg1[%get3A_110, %get3A_111, %get3A_112] : memref<2x2048x64xf32, #tpu.memory_space<vmem>>, vector<1x2048x64xf32>
    %get3A_114 = vector.shape_cast %get3A_113 : vector<1x2048x64xf32> to vector<2048x64xf32>
    %slice3A_115 = vector.extract_strided_slice %get3A_114 {offsets = [0, 0], sizes = [2048, 32], strides = [1, 1]} : vector<2048x64xf32> to vector<2048x32xf32>
    %dot_general3A_116 = arith.constant dense<0.000000e+00> : vector<2048x4xf32>
    %dot_general3A_117 = tpu.matmul %slice3A_115, %get3A_1, %dot_general3A_116 {dimension_numbers = #tpu.dot_dimension_numbers<[1], [0], [0], [1], [0, 0, 1, 1], [], []>, transpose_lhs_hint = false} : vector<2048x32xf32>, vector<32x4xf32>, vector<2048x4xf32> -> vector<2048x4xf32>
    %slice3A_118 = vector.extract_strided_slice %get3A_114 {offsets = [0, 32], sizes = [2048, 32], strides = [1, 1]} : vector<2048x64xf32> to vector<2048x32xf32>
    %dot_general3A_119 = arith.constant dense<0.000000e+00> : vector<2048x4xf32>
    %dot_general3A_120 = tpu.matmul %slice3A_118, %get3A_4, %dot_general3A_119 {dimension_numbers = #tpu.dot_dimension_numbers<[1], [0], [0], [1], [0, 0, 1, 1], [], []>, transpose_lhs_hint = false} : vector<2048x32xf32>, vector<32x4xf32>, vector<2048x4xf32> -> vector<2048x4xf32>
    %gt3A_121 = arith.constant 0.000000e+00 : f32
    %gt3A_122 = vector.broadcast %gt3A_121 : f32 to vector<2048x64xf32>
    %gt3A_123 = arith.cmpf ogt, %get3A_114, %gt3A_122 : vector<2048x64xf32>
    %convert_element_type3A_124 = arith.extui %gt3A_123 : vector<2048x64xi1> to vector<2048x64xi32>
    %convert_element_type3A_125 = arith.sitofp %convert_element_type3A_124 : vector<2048x64xi32> to vector<2048x64xf32>
    %dot_general3A_126 = arith.constant dense<0.000000e+00> : vector<2048x4xf32>
    %dot_general3A_127 = tpu.matmul %convert_element_type3A_125, %select_n3A_52, %dot_general3A_126 {dimension_numbers = #tpu.dot_dimension_numbers<[1], [0], [0], [1], [0, 0, 1, 1], [], []>, transpose_lhs_hint = false} : vector<2048x64xf32>, vector<64x4xf32>, vector<2048x4xf32> -> vector<2048x4xf32>
    %concatenate3A_128 = tpu.concatenate %dot_general3A_117, %dot_general3A_120, %dot_general3A_127 in 1 : vector<2048x4xf32>, vector<2048x4xf32>, vector<2048x4xf32> -> vector<2048x12xf32>
    %transpose3A_129 = tpu.transpose %concatenate3A_128, [1, 0] : vector<2048x12xf32> -> vector<12x2048xf32>
    %slice3A_130 = vector.extract_strided_slice %transpose3A_129 {offsets = [0, 0], sizes = [8, 2048], strides = [1, 1]} : vector<12x2048xf32> to vector<8x2048xf32>
    %div3A_131 = arith.constant 4.000000e+00 : f32
    %div3A_132 = vector.broadcast %div3A_131 : f32 to vector<8x2048xf32>
    %div3A_133 = arith.divf %slice3A_130, %div3A_132 : vector<8x2048xf32>
    %floor3A_134 = math.floor %div3A_133 : vector<8x2048xf32>
    %jit3A_135 = arith.constant 3.200000e+01 : f32
    %rem3A_136 = vector.broadcast %jit3A_135 : f32 to vector<8x2048xf32>
    %rem3A_137 = arith.remf %floor3A_134, %rem3A_136 : vector<8x2048xf32>
    %ne3A_138 = arith.constant 0.000000e+00 : f32
    %ne3A_139 = vector.broadcast %ne3A_138 : f32 to vector<8x2048xf32>
    %ne3A_140 = arith.cmpf one, %rem3A_137, %ne3A_139 : vector<8x2048xf32>
    %lt3A_141 = arith.constant 0.000000e+00 : f32
    %lt3A_142 = vector.broadcast %lt3A_141 : f32 to vector<8x2048xf32>
    %lt3A_143 = arith.cmpf olt, %rem3A_137, %lt3A_142 : vector<8x2048xf32>
    %lt3A_144 = arith.constant 0.000000e+00 : f32
    %lt3A_145 = arith.cmpf olt, %jit3A_135, %lt3A_144 : f32
    %ne3A_146 = vector.broadcast %lt3A_145 : i1 to vector<8x2048xi1>
    %ne3A_147 = vector.broadcast %ne3A_146 : vector<8x2048xi1> to vector<8x2048xi1>
    %ne3A_148 = arith.xori %lt3A_143, %ne3A_147 : vector<8x2048xi1>
    %and3A_149 = arith.andi %ne3A_148, %ne3A_140 : vector<8x2048xi1>
    %add3A_150 = vector.broadcast %jit3A_135 : f32 to vector<8x2048xf32>
    %add3A_151 = arith.addf %rem3A_137, %add3A_150 : vector<8x2048xf32>
    %select_n3A_152 = arith.select %and3A_149, %add3A_151, %rem3A_137 : vector<8x2048xi1>, vector<8x2048xf32>
    %convert_element_type3A_153 = arith.fptosi %select_n3A_152 : vector<8x2048xf32> to vector<8x2048xi32>
    %slice3A_154 = vector.extract_strided_slice %transpose3A_129 {offsets = [8, 0], sizes = [4, 2048], strides = [1, 1]} : vector<12x2048xf32> to vector<4x2048xf32>
    %convert_element_type3A_155 = arith.fptosi %slice3A_154 : vector<4x2048xf32> to vector<4x2048xi32>
    %slice3A_156 = vector.extract_strided_slice %convert_element_type3A_155 {offsets = [0, 0], sizes = [1, 2048], strides = [1, 1]} : vector<4x2048xi32> to vector<1x2048xi32>
    %slice3A_157 = vector.extract_strided_slice %convert_element_type3A_155 {offsets = [1, 0], sizes = [1, 2048], strides = [1, 1]} : vector<4x2048xi32> to vector<1x2048xi32>
    %shift_left3A_158 = arith.constant 16 : i32
    %shift_left3A_159 = vector.broadcast %shift_left3A_158 : i32 to vector<1x2048xi32>
    %shift_left3A_160 = arith.shli %slice3A_157, %shift_left3A_159 : vector<1x2048xi32>
    %or3A_161 = arith.ori %slice3A_156, %shift_left3A_160 : vector<1x2048xi32>
    %slice3A_162 = vector.extract_strided_slice %convert_element_type3A_155 {offsets = [2, 0], sizes = [1, 2048], strides = [1, 1]} : vector<4x2048xi32> to vector<1x2048xi32>
    %slice3A_163 = vector.extract_strided_slice %convert_element_type3A_155 {offsets = [3, 0], sizes = [1, 2048], strides = [1, 1]} : vector<4x2048xi32> to vector<1x2048xi32>
    %shift_left3A_164 = arith.constant 16 : i32
    %shift_left3A_165 = vector.broadcast %shift_left3A_164 : i32 to vector<1x2048xi32>
    %shift_left3A_166 = arith.shli %slice3A_163, %shift_left3A_165 : vector<1x2048xi32>
    %or3A_167 = arith.ori %slice3A_162, %shift_left3A_166 : vector<1x2048xi32>
    %concatenate3A_168 = tpu.concatenate %convert_element_type3A_153, %or3A_161, %or3A_167 in 0 : vector<8x2048xi32>, vector<1x2048xi32>, vector<1x2048xi32> -> vector<10x2048xi32>
    %swap3A_169 = arith.constant 0 : index
    %swap3A_170 = arith.constant 0 : index
    %swap3A_171 = arith.constant 0 : index
    %swap3A_172 = vector.load %arg5[%swap3A_169, %swap3A_170, %swap3A_171] : memref<2x10x2048xi32, #tpu.memory_space<vmem>>, vector<1x10x2048xi32>
    %swap3A_173 = vector.shape_cast %swap3A_172 : vector<1x10x2048xi32> to vector<10x2048xi32>
    %swap3A_174 = vector.shape_cast %concatenate3A_168 : vector<10x2048xi32> to vector<1x10x2048xi32>
    tpu.vector_store %arg5[%swap3A_169, %swap3A_170, %swap3A_171], %swap3A_174 {strides = array<i32>} : memref<2x10x2048xi32, #tpu.memory_space<vmem>>, vector<1x10x2048xi32>,
    %get3A_175 = arith.constant 1 : index
    %get3A_176 = arith.constant 0 : index
    %get3A_177 = arith.constant 0 : index
    %get3A_178 = vector.load %arg0[%get3A_175, %get3A_176, %get3A_177] : memref<2x2048x64xf32, #tpu.memory_space<vmem>>, vector<1x2048x64xf32>
    %get3A_179 = vector.shape_cast %get3A_178 : vector<1x2048x64xf32> to vector<2048x64xf32>
    %slice3A_180 = vector.extract_strided_slice %get3A_179 {offsets = [0, 0], sizes = [2048, 32], strides = [1, 1]} : vector<2048x64xf32> to vector<2048x32xf32>
    %dot_general3A_181 = arith.constant dense<0.000000e+00> : vector<2048x4xf32>
    %dot_general3A_182 = tpu.matmul %slice3A_180, %get3A_1, %dot_general3A_181 {dimension_numbers = #tpu.dot_dimension_numbers<[1], [0], [0], [1], [0, 0, 1, 1], [], []>, transpose_lhs_hint = false} : vector<2048x32xf32>, vector<32x4xf32>, vector<2048x4xf32> -> vector<2048x4xf32>
    %slice3A_183 = vector.extract_strided_slice %get3A_179 {offsets = [0, 32], sizes = [2048, 32], strides = [1, 1]} : vector<2048x64xf32> to vector<2048x32xf32>
    %dot_general3A_184 = arith.constant dense<0.000000e+00> : vector<2048x4xf32>
    %dot_general3A_185 = tpu.matmul %slice3A_183, %get3A_4, %dot_general3A_184 {dimension_numbers = #tpu.dot_dimension_numbers<[1], [0], [0], [1], [0, 0, 1, 1], [], []>, transpose_lhs_hint = false} : vector<2048x32xf32>, vector<32x4xf32>, vector<2048x4xf32> -> vector<2048x4xf32>
    %gt3A_186 = arith.constant 0.000000e+00 : f32
    %gt3A_187 = vector.broadcast %gt3A_186 : f32 to vector<2048x64xf32>
    %gt3A_188 = arith.cmpf ogt, %get3A_179, %gt3A_187 : vector<2048x64xf32>
    %convert_element_type3A_189 = arith.extui %gt3A_188 : vector<2048x64xi1> to vector<2048x64xi32>
    %convert_element_type3A_190 = arith.sitofp %convert_element_type3A_189 : vector<2048x64xi32> to vector<2048x64xf32>
    %dot_general3A_191 = arith.constant dense<0.000000e+00> : vector<2048x4xf32>
    %dot_general3A_192 = tpu.matmul %convert_element_type3A_190, %select_n3A_52, %dot_general3A_191 {dimension_numbers = #tpu.dot_dimension_numbers<[1], [0], [0], [1], [0, 0, 1, 1], [], []>, transpose_lhs_hint = false} : vector<2048x64xf32>, vector<64x4xf32>, vector<2048x4xf32> -> vector<2048x4xf32>
    %concatenate3A_193 = tpu.concatenate %dot_general3A_182, %dot_general3A_185, %dot_general3A_192 in 1 : vector<2048x4xf32>, vector<2048x4xf32>, vector<2048x4xf32> -> vector<2048x12xf32>
    %transpose3A_194 = tpu.transpose %concatenate3A_193, [1, 0] : vector<2048x12xf32> -> vector<12x2048xf32>
    %slice3A_195 = vector.extract_strided_slice %transpose3A_194 {offsets = [0, 0], sizes = [8, 2048], strides = [1, 1]} : vector<12x2048xf32> to vector<8x2048xf32>
    %div3A_196 = arith.constant 4.000000e+00 : f32
    %div3A_197 = vector.broadcast %div3A_196 : f32 to vector<8x2048xf32>
    %div3A_198 = arith.divf %slice3A_195, %div3A_197 : vector<8x2048xf32>
    %floor3A_199 = math.floor %div3A_198 : vector<8x2048xf32>
    %jit3A_200 = arith.constant 3.200000e+01 : f32
    %rem3A_201 = vector.broadcast %jit3A_200 : f32 to vector<8x2048xf32>
    %rem3A_202 = arith.remf %floor3A_199, %rem3A_201 : vector<8x2048xf32>
    %ne3A_203 = arith.constant 0.000000e+00 : f32
    %ne3A_204 = vector.broadcast %ne3A_203 : f32 to vector<8x2048xf32>
    %ne3A_205 = arith.cmpf one, %rem3A_202, %ne3A_204 : vector<8x2048xf32>
    %lt3A_206 = arith.constant 0.000000e+00 : f32
    %lt3A_207 = vector.broadcast %lt3A_206 : f32 to vector<8x2048xf32>
    %lt3A_208 = arith.cmpf olt, %rem3A_202, %lt3A_207 : vector<8x2048xf32>
    %lt3A_209 = arith.constant 0.000000e+00 : f32
    %lt3A_210 = arith.cmpf olt, %jit3A_200, %lt3A_209 : f32
    %ne3A_211 = vector.broadcast %lt3A_210 : i1 to vector<8x2048xi1>
    %ne3A_212 = vector.broadcast %ne3A_211 : vector<8x2048xi1> to vector<8x2048xi1>
    %ne3A_213 = arith.xori %lt3A_208, %ne3A_212 : vector<8x2048xi1>
    %and3A_214 = arith.andi %ne3A_213, %ne3A_205 : vector<8x2048xi1>
    %add3A_215 = vector.broadcast %jit3A_200 : f32 to vector<8x2048xf32>
    %add3A_216 = arith.addf %rem3A_202, %add3A_215 : vector<8x2048xf32>
    %select_n3A_217 = arith.select %and3A_214, %add3A_216, %rem3A_202 : vector<8x2048xi1>, vector<8x2048xf32>
    %convert_element_type3A_218 = arith.fptosi %select_n3A_217 : vector<8x2048xf32> to vector<8x2048xi32>
    %slice3A_219 = vector.extract_strided_slice %transpose3A_194 {offsets = [8, 0], sizes = [4, 2048], strides = [1, 1]} : vector<12x2048xf32> to vector<4x2048xf32>
    %convert_element_type3A_220 = arith.fptosi %slice3A_219 : vector<4x2048xf32> to vector<4x2048xi32>
    %slice3A_221 = vector.extract_strided_slice %convert_element_type3A_220 {offsets = [0, 0], sizes = [1, 2048], strides = [1, 1]} : vector<4x2048xi32> to vector<1x2048xi32>
    %slice3A_222 = vector.extract_strided_slice %convert_element_type3A_220 {offsets = [1, 0], sizes = [1, 2048], strides = [1, 1]} : vector<4x2048xi32> to vector<1x2048xi32>
    %shift_left3A_223 = arith.constant 16 : i32
    %shift_left3A_224 = vector.broadcast %shift_left3A_223 : i32 to vector<1x2048xi32>
    %shift_left3A_225 = arith.shli %slice3A_222, %shift_left3A_224 : vector<1x2048xi32>
    %or3A_226 = arith.ori %slice3A_221, %shift_left3A_225 : vector<1x2048xi32>
    %slice3A_227 = vector.extract_strided_slice %convert_element_type3A_220 {offsets = [2, 0], sizes = [1, 2048], strides = [1, 1]} : vector<4x2048xi32> to vector<1x2048xi32>
    %slice3A_228 = vector.extract_strided_slice %convert_element_type3A_220 {offsets = [3, 0], sizes = [1, 2048], strides = [1, 1]} : vector<4x2048xi32> to vector<1x2048xi32>
    %shift_left3A_229 = arith.constant 16 : i32
    %shift_left3A_230 = vector.broadcast %shift_left3A_229 : i32 to vector<1x2048xi32>
    %shift_left3A_231 = arith.shli %slice3A_228, %shift_left3A_230 : vector<1x2048xi32>
    %or3A_232 = arith.ori %slice3A_227, %shift_left3A_231 : vector<1x2048xi32>
    %concatenate3A_233 = tpu.concatenate %convert_element_type3A_218, %or3A_226, %or3A_232 in 0 : vector<8x2048xi32>, vector<1x2048xi32>, vector<1x2048xi32> -> vector<10x2048xi32>
    %swap3A_234 = arith.constant 1 : index
    %swap3A_235 = arith.constant 0 : index
    %swap3A_236 = arith.constant 0 : index
    %swap3A_237 = vector.load %arg4[%swap3A_234, %swap3A_235, %swap3A_236] : memref<2x10x2048xi32, #tpu.memory_space<vmem>>, vector<1x10x2048xi32>
    %swap3A_238 = vector.shape_cast %swap3A_237 : vector<1x10x2048xi32> to vector<10x2048xi32>
    %swap3A_239 = vector.shape_cast %concatenate3A_233 : vector<10x2048xi32> to vector<1x10x2048xi32>
    tpu.vector_store %arg4[%swap3A_234, %swap3A_235, %swap3A_236], %swap3A_239 {strides = array<i32>} : memref<2x10x2048xi32, #tpu.memory_space<vmem>>, vector<1x10x2048xi32>,
    %get3A_240 = arith.constant 1 : index
    %get3A_241 = arith.constant 0 : index
    %get3A_242 = arith.constant 0 : index
    %get3A_243 = vector.load %arg1[%get3A_240, %get3A_241, %get3A_242] : memref<2x2048x64xf32, #tpu.memory_space<vmem>>, vector<1x2048x64xf32>
    %get3A_244 = vector.shape_cast %get3A_243 : vector<1x2048x64xf32> to vector<2048x64xf32>
    %slice3A_245 = vector.extract_strided_slice %get3A_244 {offsets = [0, 0], sizes = [2048, 32], strides = [1, 1]} : vector<2048x64xf32> to vector<2048x32xf32>
    %dot_general3A_246 = arith.constant dense<0.000000e+00> : vector<2048x4xf32>
    %dot_general3A_247 = tpu.matmul %slice3A_245, %get3A_1, %dot_general3A_246 {dimension_numbers = #tpu.dot_dimension_numbers<[1], [0], [0], [1], [0, 0, 1, 1], [], []>, transpose_lhs_hint = false} : vector<2048x32xf32>, vector<32x4xf32>, vector<2048x4xf32> -> vector<2048x4xf32>
    %slice3A_248 = vector.extract_strided_slice %get3A_244 {offsets = [0, 32], sizes = [2048, 32], strides = [1, 1]} : vector<2048x64xf32> to vector<2048x32xf32>
    %dot_general3A_249 = arith.constant dense<0.000000e+00> : vector<2048x4xf32>
    %dot_general3A_250 = tpu.matmul %slice3A_248, %get3A_4, %dot_general3A_249 {dimension_numbers = #tpu.dot_dimension_numbers<[1], [0], [0], [1], [0, 0, 1, 1], [], []>, transpose_lhs_hint = false} : vector<2048x32xf32>, vector<32x4xf32>, vector<2048x4xf32> -> vector<2048x4xf32>
    %gt3A_251 = arith.constant 0.000000e+00 : f32
    %gt3A_252 = vector.broadcast %gt3A_251 : f32 to vector<2048x64xf32>
    %gt3A_253 = arith.cmpf ogt, %get3A_244, %gt3A_252 : vector<2048x64xf32>
    %convert_element_type3A_254 = arith.extui %gt3A_253 : vector<2048x64xi1> to vector<2048x64xi32>
    %convert_element_type3A_255 = arith.sitofp %convert_element_type3A_254 : vector<2048x64xi32> to vector<2048x64xf32>
    %dot_general3A_256 = arith.constant dense<0.000000e+00> : vector<2048x4xf32>
    %dot_general3A_257 = tpu.matmul %convert_element_type3A_255, %select_n3A_52, %dot_general3A_256 {dimension_numbers = #tpu.dot_dimension_numbers<[1], [0], [0], [1], [0, 0, 1, 1], [], []>, transpose_lhs_hint = false} : vector<2048x64xf32>, vector<64x4xf32>, vector<2048x4xf32> -> vector<2048x4xf32>
    %concatenate3A_258 = tpu.concatenate %dot_general3A_247, %dot_general3A_250, %dot_general3A_257 in 1 : vector<2048x4xf32>, vector<2048x4xf32>, vector<2048x4xf32> -> vector<2048x12xf32>
    %transpose3A_259 = tpu.transpose %concatenate3A_258, [1, 0] : vector<2048x12xf32> -> vector<12x2048xf32>
    %slice3A_260 = vector.extract_strided_slice %transpose3A_259 {offsets = [0, 0], sizes = [8, 2048], strides = [1, 1]} : vector<12x2048xf32> to vector<8x2048xf32>
    %div3A_261 = arith.constant 4.000000e+00 : f32
    %div3A_262 = vector.broadcast %div3A_261 : f32 to vector<8x2048xf32>
    %div3A_263 = arith.divf %slice3A_260, %div3A_262 : vector<8x2048xf32>
    %floor3A_264 = math.floor %div3A_263 : vector<8x2048xf32>
    %jit3A_265 = arith.constant 3.200000e+01 : f32
    %rem3A_266 = vector.broadcast %jit3A_265 : f32 to vector<8x2048xf32>
    %rem3A_267 = arith.remf %floor3A_264, %rem3A_266 : vector<8x2048xf32>
    %ne3A_268 = arith.constant 0.000000e+00 : f32
    %ne3A_269 = vector.broadcast %ne3A_268 : f32 to vector<8x2048xf32>
    %ne3A_270 = arith.cmpf one, %rem3A_267, %ne3A_269 : vector<8x2048xf32>
    %lt3A_271 = arith.constant 0.000000e+00 : f32
    %lt3A_272 = vector.broadcast %lt3A_271 : f32 to vector<8x2048xf32>
    %lt3A_273 = arith.cmpf olt, %rem3A_267, %lt3A_272 : vector<8x2048xf32>
    %lt3A_274 = arith.constant 0.000000e+00 : f32
    %lt3A_275 = arith.cmpf olt, %jit3A_265, %lt3A_274 : f32
    %ne3A_276 = vector.broadcast %lt3A_275 : i1 to vector<8x2048xi1>
    %ne3A_277 = vector.broadcast %ne3A_276 : vector<8x2048xi1> to vector<8x2048xi1>
    %ne3A_278 = arith.xori %lt3A_273, %ne3A_277 : vector<8x2048xi1>
    %and3A_279 = arith.andi %ne3A_278, %ne3A_270 : vector<8x2048xi1>
    %add3A_280 = vector.broadcast %jit3A_265 : f32 to vector<8x2048xf32>
    %add3A_281 = arith.addf %rem3A_267, %add3A_280 : vector<8x2048xf32>
    %select_n3A_282 = arith.select %and3A_279, %add3A_281, %rem3A_267 : vector<8x2048xi1>, vector<8x2048xf32>
    %convert_element_type3A_283 = arith.fptosi %select_n3A_282 : vector<8x2048xf32> to vector<8x2048xi32>
    %slice3A_284 = vector.extract_strided_slice %transpose3A_259 {offsets = [8, 0], sizes = [4, 2048], strides = [1, 1]} : vector<12x2048xf32> to vector<4x2048xf32>
    %convert_element_type3A_285 = arith.fptosi %slice3A_284 : vector<4x2048xf32> to vector<4x2048xi32>
    %slice3A_286 = vector.extract_strided_slice %convert_element_type3A_285 {offsets = [0, 0], sizes = [1, 2048], strides = [1, 1]} : vector<4x2048xi32> to vector<1x2048xi32>
    %slice3A_287 = vector.extract_strided_slice %convert_element_type3A_285 {offsets = [1, 0], sizes = [1, 2048], strides = [1, 1]} : vector<4x2048xi32> to vector<1x2048xi32>
    %shift_left3A_288 = arith.constant 16 : i32
    %shift_left3A_289 = vector.broadcast %shift_left3A_288 : i32 to vector<1x2048xi32>
    %shift_left3A_290 = arith.shli %slice3A_287, %shift_left3A_289 : vector<1x2048xi32>
    %or3A_291 = arith.ori %slice3A_286, %shift_left3A_290 : vector<1x2048xi32>
    %slice3A_292 = vector.extract_strided_slice %convert_element_type3A_285 {offsets = [2, 0], sizes = [1, 2048], strides = [1, 1]} : vector<4x2048xi32> to vector<1x2048xi32>
    %slice3A_293 = vector.extract_strided_slice %convert_element_type3A_285 {offsets = [3, 0], sizes = [1, 2048], strides = [1, 1]} : vector<4x2048xi32> to vector<1x2048xi32>
    %shift_left3A_294 = arith.constant 16 : i32
    %shift_left3A_295 = vector.broadcast %shift_left3A_294 : i32 to vector<1x2048xi32>
    %shift_left3A_296 = arith.shli %slice3A_293, %shift_left3A_295 : vector<1x2048xi32>
    %or3A_297 = arith.ori %slice3A_292, %shift_left3A_296 : vector<1x2048xi32>
    %concatenate3A_298 = tpu.concatenate %convert_element_type3A_283, %or3A_291, %or3A_297 in 0 : vector<8x2048xi32>, vector<1x2048xi32>, vector<1x2048xi32> -> vector<10x2048xi32>
    %swap3A_299 = arith.constant 1 : index
    %swap3A_300 = arith.constant 0 : index
    %swap3A_301 = arith.constant 0 : index
    %swap3A_302 = vector.load %arg5[%swap3A_299, %swap3A_300, %swap3A_301] : memref<2x10x2048xi32, #tpu.memory_space<vmem>>, vector<1x10x2048xi32>
    %swap3A_303 = vector.shape_cast %swap3A_302 : vector<1x10x2048xi32> to vector<10x2048xi32>
    %swap3A_304 = vector.shape_cast %concatenate3A_298 : vector<10x2048xi32> to vector<1x10x2048xi32>
    tpu.vector_store %arg5[%swap3A_299, %swap3A_300, %swap3A_301], %swap3A_304 {strides = array<i32>} : memref<2x10x2048xi32, #tpu.memory_space<vmem>>, vector<1x10x2048xi32>,
    return
  }
}

</mosaic_0001>

<sc_bundles>
// kernel: kernel.4.cloned.1.call-start
scs
__scs_entry_jumppad:
0x0: {  	(pc) =	sbr.rel $0x88, $3  }
0x1: {  	(tag) =	ssettag $0x0;
	lr =	simm.s32 $0x1  }
0x2: {  	[smem:$0x3F9D] =	sst lr;
	_ =	strace $0xD0000000  }
0x3: {  	_ = 	snop  }
0x4: {  	_ = 	snop  }
0x5: {  	_ = 	snop  }
0x6: {  	_ = 	snop  }
0x7: {  	_ = 	snop  }
__scs_overlays_trampoline_lowered:
0x8: {  	[smem:$0x3FAC] =	sst s0  }
0x9: {  	[smem:$0x3FAD] =	sst s1  }
0xa: {  	[smem:$0x3FAE] =	sst s2  }
0xb: {  	[smem:$0x3FAF] =	sst s3  }
0xc: {  	[smem:$0x3FB0] =	sst s4  }
0xd: {  	[smem:$0x3FB1] =	sst s5  }
0xe: {  	[smem:$0x3FB2] =	sst s6  }
0xf: {  	[smem:$0x3FB3] =	sst s7  }
0x10: {  	[smem:$0x3FB4] =	sst s8  }
0x11: {  	[smem:$0x3FB5] =	sst s9;
	s0 =	simm.s32 @!p0 $0x0  }
0x12: {  	s1 =	sld [smem:$0x3F9B];
	s0 =	simm.s32 @p0 $0x1  }
0x13: {  	[smem:$0x3FB6] =	sst s0;
	s0 =	simm.s32 @!p1 $0x0  }
0x14: {  	s2 =	sld [smem:$0x3F9A];
	s0 =	simm.s32 @p1 $0x1  }
0x15: {  	[smem:$0x3FB7] =	sst s0;
	s0 =	simm.s32 @!p2 $0x0  }
0x16: {  	s3 =	sld [smem:$0x3FDB];
	s0 =	simm.s32 @p2 $0x1  }
0x17: {  	s4 =	simm.s32 $0x1BF5;
	[smem:$0x3FB9] =	sst s0  }
0x18: {  	s0 =	sld [smem:$0x3F9C];
	_ =	swait.ge [sflag:s4], $0x0  }
0x19: {  	s7 =	sld [smem:$0x3F9D]  }
0x1a: {  	s8 =	sadd.s32 $0xFFFFE003, lr  }
0x1b: {  	s9 =	sadd.s32 $0xFFFFFEF7, lr;
	s5 =	simm.s32 $0xFFFFFFFF;
	p2 =	slt.u32 s8, $0xFFFFF086  }
0x1c: {  	p1 =	slt.u32 s9, $0xF7A;
	s5 =	simm.s32 @!p2 $0x0  }
0x1d: {  	s5 =	simm.s32 @p1 $0x1;
	p0 =	seq.s32 s7, s2  }
0x1e: {  	s7 =	smul.u32 @!p0 $0xF7A, s2;
	p2 =	seq.s32 @!p0 s5, $0x0  }
0x1f: {  	s9 =	smul.u32 $0xF7A, s1;
	s8 =	simm.s32 @!p0 $0x1BF5;
	p2 =	por !p2, p0  }
0x20: {  	[sflag:s8] =	ssyncset.s32 @!p0 $0xFFFFF086;
	s6 =	sadd.s32 @!p0 s3, s7;
	s7 =	simm.s32 @!p0 $0x108  }
0x21: {  	s3 =	sadd.s32 s3, s9;
	s6 =	sadd.s32 @!p0 $0x88, s6;
	s7 =	simm.s32 @p2 $0x1082  }
0x22: {  	[simem:s7], [sflag:s8] =	dma.local @!p0 [hbm:s6], $0xF7A  }
0x23: {  	s9 =	sor.u32 $0xD0000000, s2;
	s6 =	simm.s32 $0x108;
	_ =	swait.ge @!p0 [sflag:s8], $0x0  }
0x24: {  	s3 =	sadd.s32 $0x88, s3;
	s6 =	simm.s32 @!p1 $0x1082;
	[sflag:s4] =	ssyncset.s32 $0xFFFFF086  }
0x25: {  	[simem:s6], [sflag:s4] =	dma.local [hbm:s3], $0xF7A  }
0x26: {  	[smem:$0x3F9D] =	sst s1;
	(tag) =	ssettag s2;
	_ =	strace s9  }
0x27: {  	s1 =	sld [smem:$0x3FAD]  }
0x28: {  	s2 =	sld [smem:$0x3FAE]  }
0x29: {  	s4 =	sld [smem:$0x3FB0]  }
0x2a: {  	p0 =	seq.s32 s5, $0x0;
	s5 =	sld [smem:$0x3FB1]  }
0x2b: {  	s6 =	sld [smem:$0x3FB2]  }
0x2c: {  	s7 =	sld [smem:$0x3FB3]  }
0x2d: {  	s3 =	simm.s32 $0x108;
	s8 =	sld [smem:$0x3FB4]  }
0x2e: {  	s3 =	simm.s32 @!p0 $0x1082;
	s9 =	sld [smem:$0x3FB5]  }
0x2f: {  	lr =	sadd.s32 s0, s3;
	s0 =	sld [smem:$0x3FAC]  }
0x30: {  	s3 =	sld [smem:$0x3FAF]  }
0x31: {  	[smem:$0x3FB8] =	sst s10  }
0x32: {  	s10 =	sld [smem:$0x3FB6];
	_ =	sdelay $0x3  }
0x33: {  	p0 =	seq.s32 s10, $0x1;
	s10 =	sld [smem:$0x3FB8];
	_ =	sdelay $0x3  }
0x34: {  	[smem:$0x3FB8] =	sst s10  }
0x35: {  	s10 =	sld [smem:$0x3FB7];
	_ =	sdelay $0x3  }
0x36: {  	p1 =	seq.s32 s10, $0x1;
	s10 =	sld [smem:$0x3FB8];
	_ =	sdelay $0x3  }
0x37: {  	[smem:$0x3FB8] =	sst s10  }
0x38: {  	s10 =	sld [smem:$0x3FB9]  }
0x39: {  	_ = 	snop;
	(pc) =	sbr.ind lr, $3  }
0x3a: {  	_ = 	snop  }
0x3b: {  	_ = 	snop  }
0x3c: {  	p2 =	seq.s32 s10, $0x1;
	s10 =	sld [smem:$0x3FB8]  }
0x3d: {  	_ =	shalt  }
0x3e: {  	_ =	shalt  }
0x3f: {  	_ =	shalt  }
0x40: {  	_ =	shalt  }
0x41: {  	_ =	shalt  }
0x42: {  	_ =	shalt  }
0x43: {  	_ =	shalt  }
0x44: {  	_ =	shalt  }
0x45: {  	_ =	shalt  }
0x46: {  	_ =	shalt  }
0x47: {  	_ =	shalt  }
0x48: {  	_ =	shalt  }
0x49: {  	_ =	shalt  }
0x4a: {  	_ =	shalt  }
0x4b: {  	_ =	shalt  }
0x4c: {  	_ =	shalt  }
0x4d: {  	_ =	shalt  }
0x4e: {  	_ =	shalt  }
0x4f: {  	_ =	shalt  }
0x50: {  	_ =	shalt  }
0x51: {  	_ =	shalt  }
0x52: {  	_ =	shalt  }
0x53: {  	_ =	shalt  }
0x54: {  	_ =	shalt  }
0x55: {  	_ =	shalt  }
0x56: {  	_ =	shalt  }
0x57: {  	_ =	shalt  }
0x58: {  	_ =	shalt  }
0x59: {  	_ =	shalt  }
0x5a: {  	_ =	shalt  }
0x5b: {  	_ =	shalt  }
0x5c: {  	_ =	shalt  }
0x5d: {  	_ =	shalt  }
0x5e: {  	_ =	shalt  }
0x5f: {  	_ =	shalt  }
0x60: {  	_ =	shalt  }
0x61: {  	_ =	shalt  }
0x62: {  	_ =	shalt  }
0x63: {  	_ =	shalt  }
0x64: {  	_ =	shalt  }
0x65: {  	_ =	shalt  }
0x66: {  	_ =	shalt  }
0x67: {  	_ =	shalt  }
0x68: {  	_ =	shalt  }
0x69: {  	_ =	shalt  }
0x6a: {  	_ =	shalt  }
0x6b: {  	_ =	shalt  }
0x6c: {  	_ =	shalt  }
0x6d: {  	_ =	shalt  }
0x6e: {  	_ =	shalt  }
0x6f: {  	_ =	shalt  }
0x70: {  	_ =	shalt  }
0x71: {  	_ =	shalt  }
0x72: {  	_ =	shalt  }
0x73: {  	_ =	shalt  }
0x74: {  	_ =	shalt  }
0x75: {  	_ =	shalt  }
0x76: {  	_ =	shalt  }
0x77: {  	_ =	shalt  }
0x78: {  	_ =	shalt  }
0x79: {  	_ =	shalt  }
0x7a: {  	_ =	shalt  }
0x7b: {  	_ =	shalt  }
0x7c: {  	_ =	shalt  }
0x7d: {  	_ =	shalt  }
0x7e: {  	_ =	shalt  }
0x7f: {  	_ =	shalt  }
0x80: {  	_ =	shalt  }
0x81: {  	_ =	shalt  }
0x82: {  	_ =	shalt  }
0x83: {  	_ =	shalt  }
0x84: {  	_ =	shalt  }
0x85: {  	_ =	shalt  }
0x86: {  	_ =	shalt  }
0x87: {  	_ =	shalt  }
.Lfunc_end0:
.L_simem_size_0:
called_computation_lowered:
.L_overlay_start_0:
0x88: {  	s2 =	sld [smem:$0x3FD9]  }
0x89: {  	s3 =	sld [smem:$0x3FFE];
	_ =	sdelay $0x1  }
0x8a: {  	s1 =	srdreg.scid  }
0x8b: {  	s0 =	sand.u32 $0x1, s1  }
0x8c: {  	s17 =	sshll.u32 s0, $0xA;
	s2 =	sadd.s32 s3, s2  }
0x8d: {  	s2 =	sadd.s32 s2, s17  }
0x8e: {  	[smem:$0x3FC4] =	sst s2  }
0x8f: {  	_ = 	snop  }
0x90: {  	s2 =	sld [smem:$0x3FD0];
	(tm) =	ssettm $0x1  }
0x91: {  	s18 =	sld [smem:$0x3FFB];
	_ =	sdelay $0x3  }
0x92: {  	_ =	strace s18  }
0x93: {  	s3 =	sld [smem:$0x3FFC];
	_ =	sdelay $0x3  }
0x94: {  	_ =	strace s3  }
0x95: {  	s3 =	sld [smem:$0x3FFD];
	_ =	sdelay $0x3  }
0x96: {  	_ =	strace s3  }
0x97: {  	_ =	strace $0x8FFFFFFF  }
0x98: {  	s19 =	sld [smem:$0x3FDB];
	_ =	sdelay $0x1  }
0x99: {  	s4 =	simm.s32 $_scs_section_size  }
0x9a: {  	s5 =	simm.s32 $_size__tile_overlayer_lowered;
	s6 =	simm.s32 $_tile_overlayer_lowered  }
0x9b: {  	s22 =	simm.s32 $0x1BFF;
	s21 =	sshll.u32 s6, $0x1;
	s3 =	sadd.s32 s4, s19  }
0x9c: {  	s7 =	simm.s32 $0x0;
	s20 =	sshll.u32 s5, $0x1;
	s5 =	sadd.s32 s21, s3  }
0x9d: {  	[timem:s7], [sflag:s22] =	dma.local [hbm:s5], s20  }
0x9e: {  	_ =	swait.ge [sflag:s22], s20  }
0x9f: {  	s4 =	ssub.s32 $0x0, s20;
	[sflag:s22] =	ssyncset.done $0x0  }
0xa0: {  	[sflag:s22] =	ssyncadd.s32 s4;
	_ =	sdelay $0x1  }
0xa1: {  	s23 =	simm.s32 $0x1B8B  }
0xa2: {  	_ =	swait.ge [sflag:s23], $0x1  }
0xa3: {  	[sflag:s23] =	ssyncset.done $0x0  }
0xa4: {  	s25 =	simm.s32 $0x1B8E;
	s24 =	sld [smem:$0x3FFE];
	[sflag:s23] =	ssyncadd.s32 $0xFFFFFFFF  }
0xa5: {  	s26 =	simm.s32 $execute0_lowered;
	[smem:$0x3FD2] =	sst s25  }
0xa6: {  	s5 =	sshll.u32 s26, $0x1;
	_ =	strace $0x80000046;
	[dreg:$0x1] =	wrdreg $0xFFFFFFFF  }
0xa7: {  	s28 =	simm.s32 $_size_execute0_lowered;
	s3 =	sadd.s32 s3, s5;
	[dreg:$0x0] =	wrdreg $0x0  }
0xa8: {  	s5 =	sshll.u32 s28, $0x1;
	[dreg:$0x2] =	wrdreg s3  }
0xa9: {  	[dreg:$0x3] =	wrdreg s5  }
0xaa: {  	[dreg:$0x4] =	wrdreg $0xC0  }
0xab: {  	_ =	task [dreg:s7], $0x5FFFF  }
0xac: {  	[dreg:$0x1] =	wrdreg $0xFFFFFFFF  }
0xad: {  	[dreg:$0x0] =	wrdreg $0x60  }
0xae: {  	[dreg:$0x2] =	wrdreg s2  }
0xaf: {  	[dreg:$0x3] =	wrdreg s24  }
0xb0: {  	[dreg:$0x4] =	wrdreg $0x9  }
0xb1: {  	_ =	task.clear_ibuf [dreg:s7], $0x5FFFF;
	_ =	strace $0x90000046  }
0xb2: {  	s29 =	simm.s32 $0x9;
	_ =	strace $0x80000048  }
0xb3: {  	_ =	swait.ge [sflag:s29], $0x1  }
0xb4: {  	[sflag:s29] =	ssyncadd.s32 $0xFFFFFFFF  }
0xb5: {  	_ =	strace $0x90000048  }
0xb6: {  	_ =	sfence  }
0xb7: {  	s30 =	sld [smem:$0x0];
	_ =	sdelay $0x2  }
0xb8: {  	s31 =	sshll.u32 s1, $0xD;
	s1 =	sshrl.u32 s1, $0x2  }
0xb9: {  	s3 =	sand.u32 $0x4000, s31;
	s1 =	sadd.s32 s1, s30  }
0xba: {  	s0 =	sor.u32 s3, s0;
	s1 =	sshll.u32 s1, $0x11  }
0xbb: {  	s0 =	sor.u32 s1, s0  }
0xbc: {  	s0 =	sadd.s32 $0x8F2B, s0  }
0xbd: {  	[sflag:s0] =	ssyncadd.remote.s32 $0x1  }
0xbe: {  	_ =	sfence.sel $0xFFFF  }
0xbf: {  	[dreg:$0x0] =	wrdreg $0xFFFFFFFF;
	(pc) =	sbr.abs _section_cstart, $3  }
0xc0: {  	[dreg:$0x1] =	wrdreg $0xFFFFFFFF  }
0xc1: {  	_ =	task.clear_ibuf [dreg:s7], $0x2FFFF;
	_ =	strace $0x9FFFFFFF  }
0xc2: {  	(tm) =	ssettm $0x7FFFFFFF  }
0xc3: {  	_ =	shalt  }
tec
execute0_lowered:
.L_overlay_start_1:
0x0: {  	(tag) =	ssettag $0x1  }
0x1: {  	s0 =	rddreg [dreg:$0x0]  }
0x2: {  	s1 =	srdreg.scid;
	s5 =	stileid.u32  }
0x3: {  	s3 =	rddreg [dreg:$0x1];
	s2 =	simm.s32 $0x0;
	s13 =	simm.s32 $0x8000  }
0x4: {  	s31 =	simm.s32 $0xE000;
	s28 =	simm.s32 $0xE500;
	s11 =	simm.s32 $0x10500  }
0x5: {  	s12 =	simm.s32 $0x14500;
	s1 =	sand.u32 $0x1, s1;
	s4 =	sshll.u32 s5, $0x1  }
0x6: {  	[smem:$0x7FF] =	sst s2;
	s6 =	sadd.s32 $0x21000, s3;
	s7 =	sadd.s32 $0x1000, s3  }
0x7: {  	s25 =	sadd.s32 $0x11000, s3;
	_ =	strace $0x80000047;
	[dreg:$0x3] =	wrdreg s6  }
0x8: {  	s19 =	sadd.s32 $0x21800, s3;
	s22 =	sadd.s32 $0x22800, s3;
	[dreg:$0x4] =	wrdreg s7  }
0x9: {  	s26 =	sadd.s32 $0x9000, s3;
	s4 =	sor.u32 s1, s4;
	[dreg:$0xa] =	wrdreg s19  }
0xa: {  	p1 =	seq.s32 s1, $0x1;
	s6 =	simm.s32 $0x1;
	[dreg:$0xe] =	wrdreg s22  }
0xb: {  	s8 =	ssub.s32 $0x2, s1;
	s1 =	sshll.u32 s1, $0x6;
	[dreg:$0x11] =	wrdreg s26  }
0xc: {  	s26 =	simm.s32 $0xE480;
	s22 =	simm.s32 $0x16500;
	[dreg:$0x5] =	wrdreg s25  }
0xd: {  	p0 =	seq.s32 s4, $0x0;
	s16 =	sshll.u32 s4, $0xA;
	s9 =	sshrl.u32 s8, $0x1  }
0xe: {  	s4 =	sshll.u32 s4, $0x6;
	s21 =	sor.u32 $0xD000, s1;
	[dreg:$0x7] =	wrdreg s1  }
0xf: {  	s24 =	sor.u32 $0xD800, s1;
	p0 =	por !p0, !p1;
	[dreg:$0x6] =	wrdreg s4  }
0x10: {  	s7 =	sadd.s32 s16, s3;
	[dreg:$0xd] =	wrdreg s21;
	p0 =	por !p0, !p0  }
0x11: {  	s8 =	ssub.s32 s8, s9;
	[dreg:$0x10] =	wrdreg s24;
	s6 =	simm.s32 @!p0 $0x0  }
0x12: {  	s23 =	sadd.s32 $0x23000, s7;
	s29 =	sadd.s32 $0x2B000, s7;
	s6 =	ssub.s32 s5, s6  }
0x13: {  	s30 =	smax.u32 s8, $0x1;
	[dreg:$0xf] =	wrdreg s23;
	s6 =	sshll.u32 s6, $0xA  }
0x14: {  	[dreg:$0x12] =	wrdreg s29;
	s17 =	sadd.s32 $0x8000, s6;
	s6 =	sshrl.u32 s6, $0x3  }
0x15: {  	s1 =	simm.s32 $0x4;
	[dreg:$0x13] =	wrdreg s30;
	s18 =	sadd.s32 s0, s6  }
0x16: {  	s4 =	sshrl.u32 s17, $0x3;
	[dreg:$0x8] =	wrdreg s18;
	s20 =	sadd.s32 $0x800, s18  }
0x17: {  	s16 =	simm.s32 $0xE400;
	s0 =	sadd.s32 s0, s4;
	[dreg:$0xb] =	wrdreg s20  }
0x18: {  	v0 =	vimm.s32 $0x0;
	v1 =	vlaneseq.u32;
	s21 =	simm.s32 $0x12500;
	[dreg:$0x9] =	wrdreg s0;
	s0 =	sadd.s32 $0x800, s0  }
0x19: {  	v2 =	vor.u32 $0x10, v1;
	v3 =	vor.u32 $0x20, v1;
	v4 =	vor.u32 $0x30, v1;
	s23 =	simm.s32 $0xC000;
	s4 =	simm.s32 $0x0;
	[dreg:$0xc] =	wrdreg s0  }
.LBB2_1:
0x1a: {  	[dreg:$0x14] =	wrdreg s4  }
0x1b: {  	s0 =	rddreg [dreg:$0xa];
	s3 =	simm.s32 $0x100;
	s14 =	simm.s32 $0x400  }
0x1c: {  	[tilespmem:s23], [sflag:$0x1] =	stream.strided.gather [hbm4b:s0+s3], $0x1000, s14, s3, $0x38;
	[tilespmem:$0x16580] =	vst v63  }
0x1d: {  	s15 =	rddreg [dreg:$0x8];
	s17 =	simm.s32 $0xD000  }
0x1e: {  	[tilespmem:s17], [sflag:$0x2] =	stream.linear.gather [hbm4b:s15+s2], $0x400, $0x38;
	[tilespmem:$0x16580] =	vst v63  }
0x1f: {  	s18 =	rddreg [dreg:$0xb];
	s19 =	simm.s32 $0xD400  }
0x20: {  	[tilespmem:s19], [sflag:$0x2] =	stream.linear.gather [hbm4b:s18+s2], $0x100, $0x38;
	[tilespmem:$0x16580] =	vst v63  }
0x21: {  	s20 =	rddreg [dreg:$0x9];
	s24 =	simm.s32 $0xD800  }
0x22: {  	[tilespmem:s24], [sflag:$0x2] =	stream.linear.gather [hbm4b:s20+s2], $0x400, $0x38;
	[tilespmem:$0x16580] =	vst v63  }
0x23: {  	s29 =	rddreg [dreg:$0xc];
	s30 =	simm.s32 $0xDC00;
	s3 =	simm.s32 $0x40  }
0x24: {  	[tilespmem:s30], [sflag:$0x2] =	stream.linear.gather [hbm4b:s29+s2], $0x100, $0x38;
	[tilespmem:$0x16580] =	vst v63  }
0x25: {  	[tilespmem:s3+$0xFFFFFFC0] =	vst v0  }
0x26: {  	[tilespmem:s3+$0x30] =	vst v0  }
0x27: {  	[tilespmem:s3+$0x20] =	vst v0  }
0x28: {  	[tilespmem:s3+$0x10] =	vst v0  }
0x29: {  	[tilespmem:s3+$0x0] =	vst v0  }
0x2a: {  	[tilespmem:s3+$0xFFFFFFF0] =	vst v0  }
0x2b: {  	s4 =	simm.s32 $0x0;
	[tilespmem:s3+$0xFFFFFFE0] =	vst v0  }
.LBB2_2:
0x2c: {  	s4 =	sadd.s32 $0x80, s4;
	[tilespmem:s3+$0xFFFFFFD0] =	vst v0;
	s3 =	sadd.s32 $0x80, s3;
	s0 =	simm.s32 $0x8040  }
0x2d: {  	[tilespmem:s3+$0xFFFFFFC0] =	vst v0;
	p0 =	slt.u32 s4, $0x7F80  }
0x2e: {  	[tilespmem:s3+$0x30] =	vst v0  }
.Ltmp0:
0x2f: {  	[tilespmem:s3+$0x20] =	vst v0;
	(pc) =	sbr.rel @p0 .LBB2_2-.Ltmp0, $4  }
0x30: {  	[tilespmem:s3+$0x10] =	vst v0  }
0x31: {  	[tilespmem:s3+$0x0] =	vst v0  }
0x32: {  	[tilespmem:s3+$0xFFFFFFF0] =	vst v0  }
0x33: {  	[tilespmem:s3+$0xFFFFFFE0] =	vst v0  }
0x34: {  	[tilespmem:s3+$0xFFFFFFD0] =	vst v0  }
0x35: {  	[tilespmem:s0+$0xFFFFFFC0] =	vst v0  }
0x36: {  	[tilespmem:s0+$0x30] =	vst v0  }
0x37: {  	[tilespmem:s0+$0x20] =	vst v0  }
0x38: {  	[tilespmem:s0+$0x10] =	vst v0  }
0x39: {  	[tilespmem:s0+$0x0] =	vst v0  }
0x3a: {  	[tilespmem:s0+$0xFFFFFFF0] =	vst v0  }
0x3b: {  	s3 =	simm.s32 $0x0;
	[tilespmem:s0+$0xFFFFFFE0] =	vst v0  }
.LBB2_4:
0x3c: {  	s3 =	sadd.s32 $0x80, s3;
	[tilespmem:s0+$0xFFFFFFD0] =	vst v0;
	s0 =	sadd.s32 $0x80, s0  }
0x3d: {  	[tilespmem:s0+$0xFFFFFFC0] =	vst v0;
	p0 =	slt.u32 s3, $0x3F80  }
0x3e: {  	[tilespmem:s0+$0x30] =	vst v0  }
.Ltmp1:
0x3f: {  	[tilespmem:s0+$0x20] =	vst v0;
	(pc) =	sbr.rel @p0 .LBB2_4-.Ltmp1, $4  }
0x40: {  	[tilespmem:s0+$0x10] =	vst v0  }
0x41: {  	[tilespmem:s0+$0x0] =	vst v0  }
0x42: {  	[tilespmem:s0+$0xFFFFFFF0] =	vst v0  }
0x43: {  	[tilespmem:s0+$0xFFFFFFE0] =	vst v0  }
0x44: {  	[tilespmem:s0+$0xFFFFFFD0] =	vst v0;
	s29 =	simm.s32 $0x2  }
0x45: {  	_ =	swait.ge [sflag:s29], $0x500  }
0x46: {  	[sflag:s29] =	ssyncset.done $0x0  }
0x47: {  	[sflag:s29] =	ssyncadd.s32 $0xFFFFFB00  }
0x48: {  	_ =	swait.ge [sflag:s29], $0x500  }
0x49: {  	[sflag:s29] =	ssyncset.done $0x0  }
0x4a: {  	[sflag:s29] =	ssyncadd.s32 $0xFFFFFB00  }
0x4b: {  	[tilespmem:$0x16500] =	vst v0  }
0x4c: {  	[tilespmem:$0x16510] =	vst v0  }
.Ltmp2:
0x4d: {  	[tilespmem:$0x16520] =	vst v0;
	(pc) =	sbr.rel .LBB2_7-.Ltmp2, $4  }
0x4e: {  	s30 =	simm.s32 $0x1;
	[tilespmem:$0x16530] =	vst v0  }
0x4f: {  	_ =	swait.ge [sflag:s30], $0x1000  }
0x50: {  	[sflag:s30] =	ssyncset.done $0x0  }
0x51: {  	s3 =	simm.s32 $0x0;
	p1 =	por $0x1, $0x1;
	[sflag:s30] =	ssyncadd.s32 $0xFFFFF000  }
.LBB2_6:
.Ltmp3:
0x52: {  	(pc) =	sbr.rel @!p0 .LBB2_41-.Ltmp3, $2  }
0x53: {  	_ =	sdelay $0x2  }
0x54: {  	s3 =	simm.s32 $0x1;
	p1 =	por $0x0, $0x0  }
.LBB2_7:
0x55: {  	s4 =	sshll.u32 s3, $0x7  }
0x56: {  	s5 =	sadd.s32 $0x1, s3;
	s0 =	sand.u32 $0x3FFFFF80, s4  }
0x57: {  	[dreg:$0x16] =	wrdreg s5;
	s6 =	sadd.s32 $0xC040, s0  }
0x58: {  	v6 =	vld [tilespmem:s6+$0x30]  }
0x59: {  	v7 =	vld [tilespmem:s6+$0xFFFFFFD0]  }
0x5a: {  	v8 =	vld [tilespmem:s6+$0xFFFFFFE0];
	_ =	sdelay $0x1  }
0x5b: {  	v10 =	vld [tilespmem:s6+$0xFFFFFFF0]  }
0x5c: {  	v14 =	vld [tilespmem:s6+$0x0];
	v9 =	vand.u32 $0x7FFF, v6  }
0x5d: {  	v15 =	vld [tilespmem:s6+$0x10];
	v11 =	vand.u32 $0x7FFF, v7  }
0x5e: {  	v18 =	vld [tilespmem:s6+$0xFFFFFFC0];
	v17 =	vand.u32 $0x7FFF, v8  }
0x5f: {  	v6 =	vshrl.u32 v6, $0x12  }
0x60: {  	v5 =	vmov s5;
	v7 =	vshrl.u32 v7, $0x12  }
0x61: {  	v16 =	vld [tilespmem:s6+$0x20];
	v19 =	vshrl.u32 v8, $0x12;
	[tilespmem:v9+s2+$0x0] =	vst.idx.msk $0xffff, v5  }
0x62: {  	v13 =	vand.u32 $0x7FFF, v10;
	v12 =	vand.u32 $0x7FFF, v14;
	[tilespmem:v11+s2+$0x0] =	vst.idx.msk $0xffff, v5  }
0x63: {  	v8 =	vshrl.u32 v15, $0x12;
	v9 =	vand.u32 $0x7FFF, v15;
	[tilespmem:v17+s2+$0x0] =	vst.idx.msk $0xffff, v5;
	v15 =	vand.u32 $0x7FFF, v18  }
0x64: {  	v11 =	vshrl.u32 v10, $0x12;
	v10 =	vshrl.u32 v14, $0x12;
	v14 =	vshrl.u32 v18, $0x12;
	[tilespmem:v6+s13+$0x0] =	vst.idx.msk $0xffff, v5  }
0x65: {  	p0 =	por p1, p1;
	[tilespmem:v7+s13+$0x0] =	vst.idx.msk $0xffff, v5  }
0x66: {  	s19 =	sadd.s32 $0xC000, s0;
	s0 =	simm.s32 $0x0;
	s6 =	sadd.s32 $0x100, s6;
	v7 =	vand.u32 $0x7FFF, v16;
	v6 =	vshrl.u32 v16, $0x12;
	[tilespmem:v19+s13+$0x0] =	vst.idx.msk $0xffff, v5  }
.LBB2_8:
0x67: {  	v16 =	vld [tilespmem:s6+$0x30];
	[tilespmem:v13+s2+$0x0] =	vst.idx.msk $0xffff, v5  }
0x68: {  	s0 =	sadd.s32 $0x80, s0;
	v13 =	vld [tilespmem:s6+$0xFFFFFFD0];
	[tilespmem:v15+s2+$0x0] =	vst.idx.msk $0xffff, v5  }
0x69: {  	p1 =	slt.u32 s0, $0x780;
	v15 =	vld [tilespmem:s6+$0xFFFFFFE0];
	[tilespmem:v14+s13+$0x0] =	vst.idx.msk $0xffff, v5  }
0x6a: {  	v14 =	vld [tilespmem:s6+$0xFFFFFFF0];
	[tilespmem:v11+s13+$0x0] =	vst.idx.msk $0xffff, v5  }
0x6b: {  	v17 =	vld [tilespmem:s6+$0x0];
	[tilespmem:v12+s2+$0x0] =	vst.idx.msk $0xffff, v5  }
0x6c: {  	v18 =	vld [tilespmem:s6+$0x10];
	v19 =	vand.u32 $0x7FFF, v16;
	[tilespmem:v10+s13+$0x0] =	vst.idx.msk $0xffff, v5  }
0x6d: {  	v16 =	vshrl.u32 v16, $0x12;
	v20 =	vand.u32 $0x7FFF, v13;
	v21 =	vshrl.u32 v13, $0x12;
	v22 =	vld [tilespmem:s6+$0x20];
	[tilespmem:v9+s2+$0x0] =	vst.idx.msk $0xffff, v5  }
0x6e: {  	v23 =	vld [tilespmem:s6+$0xFFFFFFC0];
	v24 =	vand.u32 $0x7FFF, v15;
	v25 =	vshrl.u32 v15, $0x12;
	[tilespmem:v8+s13+$0x0] =	vst.idx.msk $0xffff, v5  }
0x6f: {  	v13 =	vand.u32 $0x7FFF, v14;
	v11 =	vshrl.u32 v14, $0x12;
	[tilespmem:v7+s2+$0x0] =	vst.idx.msk $0xffff, v5  }
0x70: {  	v12 =	vand.u32 $0x7FFF, v17;
	v10 =	vshrl.u32 v17, $0x12;
	[tilespmem:v6+s13+$0x0] =	vst.idx.msk $0xffff, v5  }
0x71: {  	v9 =	vand.u32 $0x7FFF, v18;
	v8 =	vshrl.u32 v18, $0x12;
	[tilespmem:v19+s2+$0x0] =	vst.idx.msk $0xffff, v5  }
.Ltmp4:
0x72: {  	v7 =	vand.u32 $0x7FFF, v22;
	v6 =	vshrl.u32 v22, $0x12;
	[tilespmem:v16+s13+$0x0] =	vst.idx.msk $0xffff, v5;
	(pc) =	sbr.rel @p1 .LBB2_8-.Ltmp4, $4  }
0x73: {  	v15 =	vand.u32 $0x7FFF, v23;
	v14 =	vshrl.u32 v23, $0x12;
	[tilespmem:v20+s2+$0x0] =	vst.idx.msk $0xffff, v5  }
0x74: {  	[tilespmem:v21+s13+$0x0] =	vst.idx.msk $0xffff, v5  }
0x75: {  	[tilespmem:v24+s2+$0x0] =	vst.idx.msk $0xffff, v5  }
0x76: {  	s6 =	sadd.s32 $0x100, s6;
	[tilespmem:v25+s13+$0x0] =	vst.idx.msk $0xffff, v5  }
0x77: {  	_ =	sdelay $0x3  }
0x78: {  	[tilespmem:v13+s2+$0x0] =	vst.idx.msk $0xffff, v5  }
0x79: {  	[tilespmem:v15+s2+$0x0] =	vst.idx.msk $0xffff, v5  }
0x7a: {  	[tilespmem:v12+s2+$0x0] =	vst.idx.msk $0xffff, v5  }
0x7b: {  	[tilespmem:v9+s2+$0x0] =	vst.idx.msk $0xffff, v5  }
0x7c: {  	[tilespmem:v7+s2+$0x0] =	vst.idx.msk $0xffff, v5  }
0x7d: {  	[tilespmem:v14+s13+$0x0] =	vst.idx.msk $0xffff, v5  }
0x7e: {  	[tilespmem:v11+s13+$0x0] =	vst.idx.msk $0xffff, v5  }
0x7f: {  	s0 =	sor.u32 $0x400, s4;
	s7 =	sshll.u32 s3, $0x9;
	[tilespmem:v10+s13+$0x0] =	vst.idx.msk $0xffff, v5  }
0x80: {  	v7 =	vmov s3;
	[tilespmem:v8+s13+$0x0] =	vst.idx.msk $0xffff, v5;
	s6 =	sand.u32 $0x3FFFFF80, s0;
	s29 =	sor.u32 $0x80, s7;
	s30 =	sor.u32 $0x100, s7  }
.Ltmp5:
0x81: {  	[tilespmem:v6+s13+$0x0] =	vst.idx.msk $0xffff, v5;
	s8 =	sand.u32 $0x3FFFFE00, s7;
	v9 =	vshll.u32 v7, $0x7;
	v7 =	vmov s7;
	s7 =	sor.u32 $0x180, s7;
	(pc) =	sbr.rel .LBB2_10-.Ltmp5, $4  }
0x82: {  	v13 =	vmov s4;
	v6 =	vmov s0;
	v8 =	vmov s29;
	s8 =	sadd.s32 $0xE000, s8;
	s0 =	sand.u32 $0x3FFFFE80, s29;
	s5 =	rddreg [dreg:$0xd]  }
0x83: {  	v11 =	vand.u32 $0x80, v9;
	v9 =	vmov s30;
	v10 =	vmov s7;
	s3 =	sand.u32 $0x3FFFFF00, s30;
	s7 =	sand.u32 $0x3FFFFF80, s7;
	s6 =	sadd.s32 s6, s5  }
0x84: {  	v11 =	vbroadcast v11, $0x0;
	s0 =	sadd.s32 $0xE000, s0;
	s3 =	sadd.s32 $0xE000, s3;
	s7 =	sadd.s32 $0xE000, s7;
	v14 =	vmov s8;
	v12 =	vmov s6  }
0x85: {  	v15 =	vmov s0;
	v16 =	vmov s3;
	v17 =	vmov s7;
	s0 =	simm.s32 $0x0  }
.LBB2_33:
0x86: {  	s0 =	rddreg [dreg:$0x18]  }
0x87: {  	s0 =	sadd.s32 $0x1, s0  }
0x88: {  	p1 =	seq.s32 s0, $0x4  }
.Ltmp6:
0x89: {  	_ = 	snop;
	(pc) =	sbr.rel @p1 .LBB2_6-.Ltmp6, $1  }
0x8a: {  	_ =	sdelay $0x3  }
.LBB2_10:
0x8b: {  	_ =	sdelay $0x2  }
0x8c: {  	s24 =	sshll.u32 s0, $0x4  }
0x8d: {  	v18 =	vld.idx.msk [tilespmem:v12+s24+$0x0 ss:$0x1], $0xffff;
	_ =	sdelay $0x4  }
0x8e: {  	v19 =	vand.u32 $0x7FFF, v18  }
0x8f: {  	v18 =	vshrl.u32 v18, $0x12;
	_ =	sdelay $0x2  }
0x90: {  	s29 =	simm.s32 $0x0  }
0x91: {  	v19 =	vld.idx.msk [tilespmem:v19+s29+$0x0], $0xffff  }
0x92: {  	v18 =	vld.idx.msk [tilespmem:v18+s13+$0x0], $0xffff;
	_ =	sdelay $0x4  }
0x93: {  	vm0 =	veq.s32 v19, v5;
	vm1 =	veq.s32 v18, v5  }
0x94: {  	vm0 =	vmand vm0, vm1  }
0x95: {  	v18 =	vsel vm0, $0x1, v0  }
0x96: {  	v18 =	vor.u32 $0x80000000, v18  }
0x97: {  	(xrf0) =	vmax.scan.msk.u32 $0xffff, v18;
	_ =	sdelay $0x5  }
0x98: {  	v18, _, _ =	vpop (xrf0)  }
0x99: {  	(v2sf) =	vpush v18, $0xF;
	_ =	sdelay $0xe  }
0x9a: {  	s30 =	spop (v2sf)  }
0x9b: {  	p1 =	slt.u32 s30, $0x80000001  }
.Ltmp7:
0x9c: {  	_ = 	snop;
	(pc) =	sbr.rel @p1 .LBB2_33-.Ltmp7, $4  }
.Ltmp8:
0x9d: {  	_ = 	snop;
	(pc) =	sbr.rel @!p1 .LBB2_11-.Ltmp8, $4  }
0x9e: {  	_ = 	snop  }
0x9f: {  	[dreg:$0x18] =	wrdreg s0  }
0xa0: {  	s3 =	simm.s32 $0x0;
	[dreg:$0x1a] =	wrdreg s24  }
0xa1: {  	_ = 	snop  }
.LBB2_32:
0xa2: {  	s3 =	rddreg [dreg:$0x1c]  }
0xa3: {  	s3 =	sadd.s32 $0x1, s3  }
0xa4: {  	p1 =	sne.s32 s3, $0x10  }
.Ltmp9:
0xa5: {  	_ = 	snop;
	(pc) =	sbr.rel @!p1 .LBB2_33-.Ltmp9, $2  }
0xa6: {  	_ =	sdelay $0x2  }
0xa7: {  	s13 =	simm.s32 $0x8000  }
.LBB2_11:
0xa8: {  	s0 =	rddreg [dreg:$0x1a]  }
0xa9: {  	s18 =	rddreg [dreg:$0x7];
	s0 =	sor.u32 s0, s3  }
0xaa: {  	[dreg:$0x1c] =	wrdreg s3;
	s3 =	sor.u32 s18, s0  }
0xab: {  	v18 =	vmov s3  }
0xac: {  	v19 =	vand.u32 $0x7F, v18  }
0xad: {  	v18 =	vadd.s32 v6, v19  }
0xae: {  	v18 =	vbroadcast v18, $0x0;
	_ =	sdelay $0x4  }
0xaf: {  	s20 =	simm.s32 $0xD000  }
0xb0: {  	v18 =	vld.idx.msk [tilespmem:v18+s20+$0x0], $0xffff;
	_ =	sdelay $0x4  }
0xb1: {  	(v2sf) =	vpush v18, $0x0;
	_ =	sdelay $0xe  }
0xb2: {  	s29 =	spop (v2sf)  }
0xb3: {  	v20 =	vand.u32 $0x7FFF, v18;
	s24 =	sshrl.u32 s29, $0x12  }
0xb4: {  	v20 =	vbroadcast v20, $0x0;
	v21 =	vmov s24  }
0xb5: {  	v21 =	vbroadcast v21, $0x0;
	_ =	sdelay $0x4  }
0xb6: {  	v20 =	vld.idx.msk [tilespmem:v20+s2+$0x0], $0xffff  }
0xb7: {  	v21 =	vld.idx.msk [tilespmem:v21+s13+$0x0], $0xffff;
	_ =	sdelay $0x3  }
0xb8: {  	(v2sf) =	vpush v20, $0x0  }
0xb9: {  	(v2sf) =	vpush v21, $0x0;
	_ =	sdelay $0xd  }
0xba: {  	s4 =	rddreg [dreg:$0x16];
	s30 =	spop (v2sf)  }
0xbb: {  	p1 =	sne.s32 s30, s4;
	s3 =	spop (v2sf)  }
0xbc: {  	p2 =	sne.s32 @!p1 s3, s4  }
0xbd: {  	p1 =	por p1, p2  }
.Ltmp10:
0xbe: {  	_ = 	snop;
	(pc) =	sbr.rel @p1 .LBB2_32-.Ltmp10, $1  }
0xbf: {  	_ =	sdelay $0x3  }
0xc0: {  	v19 =	vbroadcast v19, $0x0;
	_ =	sdelay $0x1  }
0xc1: {  	v20 =	vor.u32 v7, v19  }
0xc2: {  	v21 =	vor.u32 v8, v19  }
0xc3: {  	v22 =	vor.u32 v9, v19  }
0xc4: {  	v19 =	vor.u32 v10, v19  }
0xc5: {  	s3 =	simm.s32 $0xD000  }
0xc6: {  	v20 =	vld.idx.msk [tilespmem:v20+s3+$0x0], $0xffff  }
0xc7: {  	v21 =	vld.idx.msk [tilespmem:v21+s3+$0x0], $0xffff  }
0xc8: {  	v22 =	vld.idx.msk [tilespmem:v22+s3+$0x0], $0xffff  }
0xc9: {  	v23 =	vld.idx.msk [tilespmem:v19+s3+$0x0], $0xffff;
	_ =	sdelay $0x1  }
0xca: {  	(v2sf) =	vpush v20, $0x0  }
0xcb: {  	(v2sf) =	vpush v21, $0x0  }
0xcc: {  	(v2sf) =	vpush v22, $0x0  }
0xcd: {  	(v2sf) =	vpush v23, $0x0;
	_ =	sdelay $0x8  }
0xce: {  	s24 =	rddreg [dreg:$0x6]  }
0xcf: {  	s4 =	rddreg [dreg:$0x1c];
	s30 =	sshll.u32 s0, $0x7  }
.Ltmp11:
0xd0: {  	s5 =	rddreg [dreg:$0x4];
	s10 =	simm.s32 $0x0;
	(pc) =	sbr.rel .LBB2_13-.Ltmp11, $4  }
0xd1: {  	s4 =	sshll.u32 s4, $0x4;
	s3 =	sadd.s32 s24, s0;
	s13 =	spop (v2sf)  }
0xd2: {  	v18 =	vbroadcast v18, $0x0;
	s4 =	sand.u32 $0x70, s4;
	s3 =	sshll.u32 s3, $0x4;
	s14 =	spop (v2sf)  }
0xd3: {  	s6 =	sadd.s32 s5, s4;
	s3 =	sand.u32 $0xFFFFF80, s3;
	v19 =	vbroadcast v20, $0x0;
	v20 =	vbroadcast v21, $0x0;
	v21 =	vmov s0;
	s15 =	spop (v2sf)  }
0xd4: {  	s4 =	sand.u32 $0x3FFFFF80, s30;
	s20 =	sadd.s32 s3, s6;
	v22 =	vbroadcast v22, $0x0;
	v24 =	vshll.u32 v21, $0x7;
	v23 =	vbroadcast v23, $0x0;
	s17 =	spop (v2sf)  }
.LBB2_31:
0xd5: {  	p1 =	sne.s32 s24, $0x7F  }
.Ltmp12:
0xd6: {  	_ = 	snop;
	(pc) =	sbr.rel @!p1 .LBB2_32-.Ltmp12, $2  }
0xd7: {  	_ =	sdelay $0x2  }
0xd8: {  	s10 =	sadd.s32 $0x1, s24  }
.LBB2_13:
0xd9: {  	s6 =	ssub.s32 $0x80, s10  }
0xda: {  	s0 =	sshra.s32 s6, $0x1F  }
0xdb: {  	s0 =	sshrl.u32 s0, $0x1E  }
0xdc: {  	s0 =	sadd.s32 s0, s6  }
0xdd: {  	s0 =	sand.u32 $0xFFFFFFFC, s0  }
0xde: {  	s18 =	sadd.s32 s10, s0  }
0xdf: {  	p1 =	sge.s32 s10, s18  }
.Ltmp13:
0xe0: {  	_ = 	snop;
	(pc) =	sbr.rel @p1 .LBB2_16-.Ltmp13, $2  }
0xe1: {  	_ =	sdelay $0x2  }
0xe2: {  	s24 =	simm.s32 $0x80  }
0xe3: {  	s22 =	sshll.u32 s10, $0x5;
	s3 =	sshll.u32 s10, $0x4  }
0xe4: {  	[dreg:$0x1d] =	wrdreg s0;
	s0 =	sadd.s32 $0x60, s22;
	s3 =	sadd.s32 $0x30, s3  }
0xe5: {  	s7 =	sadd.s32 $0xFFFFFFD0, s3;
	s8 =	sadd.s32 $0xFFFFFFA0, s0  }
0xe6: {  	s16 =	sadd.s32 $0xFFFFFFF0, s3;
	s7 =	sand.u32 $0x70, s7;
	s8 =	sand.u32 $0xFFFFFF00, s8  }
0xe7: {  	s24 =	sadd.s32 $0xFFFFFFE0, s3;
	s22 =	sadd.s32 $0xFFFFFFC0, s0;
	s7 =	sor.u32 s7, s8  }
0xe8: {  	s26 =	sadd.s32 $0xFFFFFFE0, s0;
	s30 =	sand.u32 $0x70, s24;
	s5 =	sand.u32 $0xFFFFFF00, s22;
	v25 =	vld.idx.msk [tilespmem:v13+s7+$0xC000 ss:$0x1], $0xffff  }
0xe9: {  	s16 =	sand.u32 $0x70, s16;
	s9 =	sand.u32 $0xFFFFFF00, s26;
	s7 =	sor.u32 s30, s5  }
0xea: {  	s26 =	sadd.s32 $0x4, s10;
	s22 =	sor.u32 s16, s9;
	v26 =	vld.idx.msk [tilespmem:v13+s7+$0xC000 ss:$0x1], $0xffff  }
0xeb: {  	p3 =	slt.s32 s26, s18;
	v27 =	vld.idx.msk [tilespmem:v13+s22+$0xC000 ss:$0x1], $0xffff  }
.Ltmp14:
0xec: {  	_ = 	snop;
	(pc) =	sbr.rel @!p3 .LBB2_15-.Ltmp14, $4  }
0xed: {  	vm0 =	veq.s32 v25, v18  }
0xee: {  	s24 =	sand.u32 $0x70, s3;
	s30 =	sand.u32 $0xFFFFFF00, s0;
	v25 =	vsel vm0, $0x1, v0  }
0xef: {  	p1 =	por $0x0, $0x0;
	s7 =	sor.u32 s24, s30;
	vm0 =	veq.s32 v26, v18;
	v28 =	vor.u32 $0x80000000, v25  }
0xf0: {  	p2 =	por $0x0, $0x0;
	s3 =	sadd.s32 $0x40, s3;
	s0 =	sadd.s32 $0x80, s0;
	v25 =	vld.idx.msk [tilespmem:v13+s7+$0xC000 ss:$0x1], $0xffff;
	v26 =	vsel vm0, $0x1, v0;
	vm0 =	veq.s32 v27, v18;
	(xrf0) =	vmax.scan.msk.u32 $0xffff, v28  }
0xf1: {  	_ =	sdelay $0x2  }
0xf2: {  	s7 =	sadd.s32 $0xFFFFFFD0, s3;
	s8 =	sadd.s32 $0xFFFFFFA0, s0  }
0xf3: {  	v26 =	vor.u32 $0x80000000, v26;
	v27 =	vsel vm0, $0x1, v0;
	s16 =	sadd.s32 $0xFFFFFFF0, s3;
	s7 =	sand.u32 $0x70, s7;
	s8 =	sand.u32 $0xFFFFFF00, s8;
	vm0 =	veq.s32 v25, v18  }
0xf4: {  	s9 =	sadd.s32 $0xFFFFFFE0, s3;
	s22 =	sadd.s32 $0xFFFFFFC0, s0;
	(xrf0) =	vmax.scan.msk.u32 $0xffff, v26;
	s7 =	sor.u32 s7, s8;
	v25 =	vor.u32 $0x80000000, v27;
	v26 =	vsel vm0, $0x1, v0  }
0xf5: {  	s30 =	sadd.s32 $0xFFFFFFE0, s0;
	s24 =	sand.u32 $0x70, s9;
	s5 =	sand.u32 $0xFFFFFF00, s22;
	(xrf0) =	vmax.scan.msk.u32 $0xffff, v25;
	v25 =	vor.u32 $0x80000000, v26;
	v26 =	vld.idx.msk [tilespmem:v13+s7+$0xC000 ss:$0x1], $0xffff  }
0xf6: {  	s16 =	sand.u32 $0x70, s16;
	s9 =	sand.u32 $0xFFFFFF00, s30;
	s7 =	sor.u32 s24, s5;
	(xrf0) =	vmax.scan.msk.u32 $0xffff, v25  }
0xf7: {  	s22 =	sor.u32 s16, s9;
	s8 =	sadd.s32 $0x4, s26;
	v25 =	vld.idx.msk [tilespmem:v13+s7+$0xC000 ss:$0x1], $0xffff  }
0xf8: {  	p3 =	slt.s32 s8, s18;
	v27 =	vld.idx.msk [tilespmem:v13+s22+$0xC000 ss:$0x1], $0xffff  }
.Ltmp15:
0xf9: {  	v28, _, _ =	vpop (xrf0);
	(pc) =	sbr.rel @!p3 .LBB2_35-.Ltmp15, $4  }
0xfa: {  	(v2sf) =	vpush v28, $0xF;
	v62, _, _ =	vpop (xrf0);
	vm0 =	veq.s32 v26, v18  }
0xfb: {  	s30 =	sand.u32 $0xFFFFFF00, s0;
	s24 =	sand.u32 $0x70, s3;
	(v2sf) =	vpush v62, $0xF;
	v26, _, _ =	vpop (xrf0);
	v63 =	vsel vm0, $0x1, v0  }
0xfc: {  	s7 =	sor.u32 s24, s30;
	(v2sf) =	vpush v26, $0xF;
	vm0 =	veq.s32 v25, v18;
	v26, _, _ =	vpop (xrf0);
	v28 =	vor.u32 $0x80000000, v63  }
0xfd: {  	p1 =	por $0x1, $0x1;
	v25 =	vld.idx.msk [tilespmem:v13+s7+$0xC000 ss:$0x1], $0xffff;
	s7 =	sadd.s32 $0x80, s0;
	s0 =	sadd.s32 $0x40, s3;
	(v2sf) =	vpush v26, $0xF;
	v26 =	vsel vm0, $0x1, v0;
	vm0 =	veq.s32 v27, v18;
	(xrf0) =	vmax.scan.msk.u32 $0xffff, v28  }
0xfe: {  	_ =	sdelay $0x4  }
0xff: {  	s30 =	sand.u32 $0x70, s0;
	s22 =	sadd.s32 $0x1, s10  }
0x100: {  	s3 =	sadd.s32 $0xFFFFFFF0, s0;
	s25 =	sadd.s32 $0xFFFFFFE0, s7;
	s23 =	sadd.s32 $0xFFFFFFD0, s0  }
0x101: {  	s9 =	sadd.s32 $0xFFFFFFA0, s7;
	s16 =	sadd.s32 $0x4, s8;
	s5 =	sadd.s32 $0xFFFFFFE0, s0;
	v26 =	vor.u32 $0x80000000, v26  }
0x102: {  	v27 =	vsel vm0, $0x1, v0;
	s24 =	sadd.s32 $0xFFFFFFC0, s7;
	s23 =	sand.u32 $0x70, s23;
	s9 =	sand.u32 $0xFFFFFF00, s9;
	(xrf0) =	vmax.scan.msk.u32 $0xffff, v26;
	vm0 =	veq.s32 v25, v18  }
0x103: {  	s5 =	sand.u32 $0x70, s5;
	s3 =	sand.u32 $0x70, s3;
	s25 =	sand.u32 $0xFFFFFF00, s25;
	v25 =	vor.u32 $0x80000000, v27;
	v26 =	vsel vm0, $0x1, v0  }
0x104: {  	s9 =	sor.u32 s23, s9;
	s23 =	sand.u32 $0xFFFFFF00, s24;
	s3 =	sor.u32 s3, s25;
	(xrf0) =	vmax.scan.msk.u32 $0xffff, v25  }
0x105: {  	p3 =	slt.s32 s16, s18;
	s5 =	sor.u32 s5, s23;
	v28 =	vld.idx.msk [tilespmem:v13+s3+$0xC000 ss:$0x1], $0xffff;
	v25 =	vor.u32 $0x80000000, v26;
	s24 =	spop (v2sf)  }
0x106: {  	s23 =	smov.u32 s10;
	v27 =	vld.idx.msk [tilespmem:v13+s9+$0xC000 ss:$0x1], $0xffff;
	(xrf0) =	vmax.scan.msk.u32 $0xffff, v25;
	v26, _, _ =	vpop (xrf0);
	p2 =	sgt.u32 s24, $0x80000000;
	s25 =	spop (v2sf)  }
0x107: {  	s3 =	simm.s32 $0x80;
	v25 =	vld.idx.msk [tilespmem:v13+s5+$0xC000 ss:$0x1], $0xffff;
	s23 =	simm.s32 @!p2 $0x80;
	s24 =	spop (v2sf);
	(v2sf) =	vpush v26, $0xF  }
0x108: {  	p4 =	sgt.u32 s25, $0x80000000;
	s25 =	sand.u32 $0xFFFFFF00, s7;
	v26, _, _ =	vpop (xrf0);
	s7 =	sadd.s32 $0x80, s7  }
0x109: {  	p2 =	sgt.s32 s23, $0x80;
	s22 =	simm.s32 @!p4 $0x80;
	p4 =	sgt.u32 s24, $0x80000000;
	(v2sf) =	vpush v26, $0xF  }
.Ltmp16:
0x10a: {  	s24 =	sor.u32 s30, s25;
	v26, _, _ =	vpop (xrf0);
	s23 =	smov.u32 @p2 s3;
	(pc) =	sbr.rel @!p3 .LBB2_37-.Ltmp16, $4  }
0x10b: {  	vm0 =	veq.s32 v27, v18;
	s25 =	spop (v2sf);
	s3 =	sadd.s32 $0x2, s10;
	(v2sf) =	vpush v26, $0xF;
	p2 =	slt.s32 s23, s22  }
0x10c: {  	v27 =	vsel vm0, $0x1, v0;
	vm0 =	veq.s32 v25, v18;
	s30 =	sadd.s32 $0x3, s10;
	v26, _, _ =	vpop (xrf0);
	v25 =	vld.idx.msk [tilespmem:v13+s24+$0xC000 ss:$0x1], $0xffff;
	s3 =	simm.s32 @!p4 $0x80;
	s22 =	smov.u32 @p2 s23  }
0x10d: {  	v27 =	vor.u32 $0x80000000, v27;
	s10 =	sadd.s32 $0x40, s0;
	p4 =	sgt.u32 s25, $0x80000000;
	(v2sf) =	vpush v26, $0xF;
	p2 =	slt.s32 s22, s3  }
0x10e: {  	(xrf0) =	vmax.scan.msk.u32 $0xffff, v27;
	v26 =	vsel vm0, $0x1, v0;
	vm0 =	veq.s32 v28, v18;
	s30 =	simm.s32 @!p4 $0x80;
	s3 =	smov.u32 @p2 s22;
	p2 =	por $0x1, $0x1  }
.LBB2_38:
0x10f: {  	s5 =	sand.u32 $0x70, s10;
	s22 =	sadd.s32 $0x1, s26;
	p3 =	slt.s32 s3, s30  }
0x110: {  	v26 =	vor.u32 $0x80000000, v26;
	v27 =	vsel vm0, $0x1, v0;
	s0 =	smov.u32 s26;
	s26 =	smov.u32 s8;
	s8 =	smov.u32 s16  }
0x111: {  	s9 =	sadd.s32 $0xFFFFFFF0, s10;
	s23 =	sadd.s32 $0xFFFFFFE0, s7;
	vm0 =	veq.s32 v25, v18;
	v27 =	vor.u32 $0x80000000, v27;
	(xrf0) =	vmax.scan.msk.u32 $0xffff, v26;
	s30 =	smov.u32 @p3 s3  }
0x112: {  	s24 =	sadd.s32 $0xFFFFFFA0, s7;
	s16 =	sadd.s32 $0x4, s16;
	s3 =	sadd.s32 $0xFFFFFFD0, s10;
	v25 =	vsel vm0, $0x1, v0;
	(xrf0) =	vmax.scan.msk.u32 $0xffff, v27  }
0x113: {  	s24 =	sand.u32 $0xFFFFFF00, s24;
	p3 =	slt.s32 s16, s18;
	s3 =	sand.u32 $0x70, s3;
	v27 =	vor.u32 $0x80000000, v25  }
0x114: {  	s25 =	sadd.s32 $0xFFFFFFC0, s7;
	s3 =	sor.u32 s3, s24;
	s24 =	sadd.s32 $0xFFFFFFE0, s10;
	(xrf0) =	vmax.scan.msk.u32 $0xffff, v27  }
0x115: {  	s9 =	sand.u32 $0x70, s9;
	v26 =	vld.idx.msk [tilespmem:v13+s3+$0xC000 ss:$0x1], $0xffff;
	s3 =	sand.u32 $0x70, s24;
	s24 =	sand.u32 $0xFFFFFF00, s25;
	v25, _, _ =	vpop (xrf0)  }
0x116: {  	s23 =	sand.u32 $0xFFFFFF00, s23;
	s3 =	sor.u32 s3, s24;
	(v2sf) =	vpush v25, $0xF;
	s24 =	spop (v2sf)  }
0x117: {  	v27 =	vld.idx.msk [tilespmem:v13+s3+$0xC000 ss:$0x1], $0xffff;
	s3 =	sor.u32 s9, s23;
	s9 =	sand.u32 $0xFFFFFF00, s7;
	v25, _, _ =	vpop (xrf0);
	p4 =	sgt.u32 s24, $0x80000000  }
0x118: {  	v28 =	vld.idx.msk [tilespmem:v13+s3+$0xC000 ss:$0x1], $0xffff;
	s3 =	sor.u32 s5, s9;
	s5 =	smov.u32 s0;
	s9 =	spop (v2sf)  }
0x119: {  	(v2sf) =	vpush v25, $0xF;
	v25, _, _ =	vpop (xrf0);
	s5 =	simm.s32 @!p4 $0x80;
	p5 =	sgt.u32 s9, $0x80000000  }
0x11a: {  	(v2sf) =	vpush v25, $0xF;
	p4 =	slt.s32 s30, s5;
	s9 =	spop (v2sf);
	s22 =	simm.s32 @!p5 $0x80  }
.Ltmp17:
0x11b: {  	v25 =	vld.idx.msk [tilespmem:v13+s3+$0xC000 ss:$0x1], $0xffff;
	v29, _, _ =	vpop (xrf0);
	s5 =	smov.u32 @p4 s30;
	s3 =	sadd.s32 $0x2, s0;
	(pc) =	sbr.rel @p3 .LBB2_38-.Ltmp17, $4  }
0x11c: {  	vm0 =	veq.s32 v26, v18;
	p5 =	sgt.u32 s9, $0x80000000;
	(v2sf) =	vpush v29, $0xF;
	p4 =	slt.s32 s5, s22;
	s9 =	spop (v2sf)  }
0x11d: {  	s7 =	sadd.s32 $0x80, s7;
	v26 =	vsel vm0, $0x1, v0;
	s3 =	simm.s32 @!p5 $0x80;
	s22 =	smov.u32 @p4 s5  }
0x11e: {  	s30 =	sadd.s32 $0x3, s0;
	v29 =	vor.u32 $0x80000000, v26;
	vm0 =	veq.s32 v27, v18;
	p5 =	sgt.u32 s9, $0x80000000;
	p4 =	slt.s32 s22, s3  }
0x11f: {  	s10 =	sadd.s32 $0x40, s10;
	v26 =	vsel vm0, $0x1, v0;
	vm0 =	veq.s32 v28, v18;
	s30 =	simm.s32 @!p5 $0x80;
	(xrf0) =	vmax.scan.msk.u32 $0xffff, v29;
	s3 =	smov.u32 @p4 s22  }
0x120: {  	s0 =	smov.u32 s26;
	s10 =	smov.u32 s8  }
0x121: {  	s25 =	rddreg [dreg:$0x5];
	s23 =	simm.s32 $0xC000;
	s26 =	simm.s32 $0xE480  }
.LBB2_40:
0x122: {  	v26 =	vor.u32 $0x80000000, v26;
	vm15 =	veq.s32 v25, v18  }
0x123: {  	v27 =	vsel vm0, $0x1, v0;
	(xrf0) =	vmax.scan.msk.u32 $0xffff, v26;
	v25 =	vsel vm15, $0x1, v0  }
0x124: {  	v27 =	vor.u32 $0x80000000, v27;
	v25 =	vor.u32 $0x80000000, v25  }
0x125: {  	(xrf0) =	vmax.scan.msk.u32 $0xffff, v27;
	_ =	sdelay $0x1  }
0x126: {  	(xrf0) =	vmax.scan.msk.u32 $0xffff, v25;
	v25, _, _ =	vpop (xrf0)  }
0x127: {  	s5 =	spop @p1 (v2sf);
	p3 =	slt.s32 @p2 s3, s30;
	s7 =	smov.u32 @p1 s0;
	(v2sf) =	vpush v25, $0xF  }
0x128: {  	s8 =	simm.s32 $0x80;
	p4 =	sgt.u32 @p1 s5, $0x80000000;
	p3 =	por !p3, !p2;
	v25, _, _ =	vpop (xrf0)  }
0x129: {  	s5 =	smov.u32 s7;
	p4 =	por !p4, !p1;
	s3 =	smov.u32 @p3 s30;
	(v2sf) =	vpush v25, $0xF  }
0x12a: {  	s5 =	simm.s32 @p4 $0x80;
	s8 =	smov.u32 @p2 s3;
	s9 =	spop @p1 (v2sf);
	v25, _, _ =	vpop (xrf0)  }
0x12b: {  	p2 =	slt.s32 @p1 s8, s5;
	p3 =	sgt.u32 @p1 s9, $0x80000000;
	(v2sf) =	vpush v25, $0xF  }
0x12c: {  	s0 =	sadd.s32 @p1 $0x1, s0;
	p2 =	por !p2, !p1;
	p3 =	por !p3, !p1;
	v25, _, _ =	vpop (xrf0)  }
0x12d: {  	s8 =	smov.u32 @p2 s5;
	s3 =	spop @p1 (v2sf);
	s0 =	simm.s32 @p3 $0x80;
	(v2sf) =	vpush v25, $0xF  }
0x12e: {  	p3 =	sgt.u32 @p1 s3, $0x80000000;
	p2 =	slt.s32 @p1 s8, s0  }
0x12f: {  	s5 =	sadd.s32 @p1 $0x2, s7;
	p3 =	por !p3, !p1;
	p2 =	por !p2, !p1  }
0x130: {  	s3 =	spop @p1 (v2sf);
	s5 =	simm.s32 @p3 $0x80;
	s8 =	smov.u32 @p2 s0  }
0x131: {  	p3 =	sgt.u32 @p1 s3, $0x80000000;
	p2 =	slt.s32 @p1 s8, s5  }
0x132: {  	s0 =	sadd.s32 @p1 $0x3, s7;
	p3 =	por !p3, !p1;
	p2 =	por !p2, !p1  }
0x133: {  	s0 =	simm.s32 @p3 $0x80;
	s8 =	smov.u32 @p2 s5  }
0x134: {  	s0 =	smov.u32 @p1 s0;
	s3 =	smov.u32 @p1 s8  }
0x135: {  	p2 =	slt.s32 @p1 s3, s0  }
0x136: {  	s5 =	smov.u32 s10;
	p2 =	por !p2, !p1;
	s16 =	spop (v2sf)  }
0x137: {  	s8 =	simm.s32 $0x80;
	s3 =	smov.u32 @p2 s0;
	p3 =	sgt.u32 s16, $0x80000000  }
0x138: {  	s8 =	smov.u32 @p1 s3;
	s5 =	simm.s32 @!p3 $0x80;
	s22 =	spop (v2sf)  }
0x139: {  	s0 =	sadd.s32 $0x1, s10;
	p1 =	slt.s32 s8, s5;
	p2 =	sgt.u32 s22, $0x80000000  }
0x13a: {  	s24 =	spop (v2sf);
	s5 =	smov.u32 @p1 s8;
	s0 =	simm.s32 @!p2 $0x80  }
0x13b: {  	s7 =	sadd.s32 $0x2, s10;
	p2 =	sgt.u32 s24, $0x80000000;
	p1 =	slt.s32 s5, s0  }
0x13c: {  	s30 =	spop (v2sf);
	s7 =	simm.s32 @!p2 $0x80;
	s0 =	smov.u32 @p1 s5  }
0x13d: {  	s24 =	sadd.s32 $0x3, s10;
	p2 =	sgt.u32 s30, $0x80000000;
	p1 =	slt.s32 s0, s7  }
0x13e: {  	s24 =	simm.s32 @!p2 $0x80;
	s7 =	smov.u32 @p1 s0  }
0x13f: {  	s16 =	simm.s32 $0xE400;
	p1 =	slt.s32 s7, s24  }
0x140: {  	s22 =	simm.s32 $0x16500;
	s0 =	rddreg [dreg:$0x1d];
	s24 =	smov.u32 @p1 s7  }
.LBB2_16:
0x141: {  	p1 =	sgt.s32 s18, $0x7F  }
.Ltmp18:
0x142: {  	_ = 	snop;
	(pc) =	sbr.rel @p1 .LBB2_19-.Ltmp18, $1  }
0x143: {  	_ =	sdelay $0x3  }
0x144: {  	s0 =	ssub.s32 s6, s0  }
0x145: {  	s3 =	sshll.u32 s0, $0x5;
	s6 =	sshll.u32 s0, $0x4  }
0x146: {  	s0 =	ssub.s32 $0x1000, s3;
	s3 =	ssub.s32 $0x800, s6  }
.LBB2_18:
0x147: {  	s5 =	sand.u32 $0xFFFFFF00, s0  }
0x148: {  	s6 =	sand.u32 $0x70, s3;
	s5 =	sadd.s32 s5, s19  }
0x149: {  	s5 =	sadd.s32 s6, s5  }
0x14a: {  	v25 =	vld [tilespmem:s5+$0x0];
	_ =	sdelay $0x4  }
0x14b: {  	vm0 =	veq.s32 v25, v18  }
0x14c: {  	v25 =	vsel vm0, $0x1, v0  }
0x14d: {  	v25 =	vor.u32 $0x80000000, v25  }
0x14e: {  	(xrf0) =	vmax.scan.msk.u32 $0xffff, v25;
	_ =	sdelay $0x5  }
0x14f: {  	v25, _, _ =	vpop (xrf0)  }
0x150: {  	(v2sf) =	vpush v25, $0xF;
	_ =	sdelay $0xe  }
0x151: {  	s30 =	spop (v2sf)  }
0x152: {  	s5 =	smov.u32 s24;
	s24 =	smov.u32 s18;
	p1 =	sgt.u32 s30, $0x80000000  }
0x153: {  	s24 =	simm.s32 @!p1 $0x80  }
0x154: {  	p1 =	slt.s32 s5, s24  }
0x155: {  	s24 =	smov.u32 @p1 s5;
	p1 =	sne.s32 s18, $0x7F  }
.Ltmp19:
0x156: {  	_ = 	snop;
	(pc) =	sbr.rel @p1 .LBB2_18-.Ltmp19, $2  }
0x157: {  	_ =	sdelay $0x2  }
0x158: {  	s0 =	sadd.s32 $0x20, s0;
	s3 =	sadd.s32 $0x10, s3;
	s18 =	sadd.s32 $0x1, s18  }
.LBB2_19:
0x159: {  	p1 =	sgt.s32 s24, $0x7F  }
.Ltmp20:
0x15a: {  	_ = 	snop;
	(pc) =	sbr.rel @p1 .LBB2_32-.Ltmp20, $1  }
0x15b: {  	_ =	sdelay $0x3  }
0x15c: {  	s0 =	sshra.s32 s24, $0x1F  }
0x15d: {  	s0 =	sshrl.u32 s0, $0x1D  }
0x15e: {  	s0 =	sadd.s32 s0, s24  }
0x15f: {  	s3 =	sand.u32 $0xFFFFFFF8, s0  }
0x160: {  	p1 =	slt.s32 s24, $0x1;
	p2 =	sne.s32 s24, s3  }
0x161: {  	p1 =	por !p1, !p2  }
0x162: {  	s3 =	simm.s32 $0x1;
	p1 =	por !p1, !p1  }
0x163: {  	s0 =	sshrl.u32 s0, $0x3;
	s3 =	simm.s32 @!p1 $0x0  }
0x164: {  	s0 =	ssub.s32 s0, s3  }
0x165: {  	s0 =	sshll.u32 s0, $0x7  }
0x166: {  	s6 =	rddreg [dreg:$0x3];
	s0 =	sand.u32 $0x1FFFFF80, s0  }
0x167: {  	s0 =	sadd.s32 s6, s0;
	s6 =	simm.s32 $0x0  }
0x168: {  	[tilespmem:s31], [sflag:$0x4] =	stream.linear.gather [hbm4b:s0+s6], $0x400, $0x38;
	[tilespmem:$0x16580] =	vst v63  }
0x169: {  	s9 =	sshll.u32 s24, $0x4;
	_ =	swait.ge [sflag:s1], $0x400  }
0x16a: {  	s7 =	sadd.s32 $0x80, s9;
	[sflag:s1] =	ssyncset.done $0x0  }
0x16b: {  	s18 =	sand.u32 $0x70, s7;
	[sflag:s1] =	ssyncadd.s32 $0xFFFFFC00  }
0x16c: {  	s8 =	sshll.u32 s24, $0x5;
	v25 =	vld.idx.msk [tilespmem:v14+s18+$0x0 ss:$0x1], $0xffff  }
0x16d: {  	s0 =	sand.u32 $0xFFFFFF00, s8;
	v26 =	vld.idx.msk [tilespmem:v15+s18+$0x0 ss:$0x1], $0xffff  }
0x16e: {  	s10 =	sand.u32 $0x70, s9;
	s0 =	sadd.s32 s0, s19;
	v27 =	vld.idx.msk [tilespmem:v16+s18+$0x0 ss:$0x1], $0xffff  }
0x16f: {  	s0 =	sadd.s32 s10, s0;
	v28 =	vld.idx.msk [tilespmem:v17+s18+$0x0 ss:$0x1], $0xffff  }
0x170: {  	v29 =	vld [tilespmem:s0+$0x0];
	_ =	sdelay $0x1  }
0x171: {  	vm0 =	veq.s32 v25, v19;
	vm1 =	veq.s32 v26, v20  }
0x172: {  	vm2 =	veq.s32 v27, v22;
	vm0 =	vmor vm0, vm1  }
0x173: {  	vm14 =	veq.s32 v28, v23;
	vm0 =	vmor vm0, vm2  }
0x174: {  	vm15 =	veq.s32 v29, v18;
	vm0 =	vmor vm0, vm14  }
0x175: {  	vm0 =	vmand vm15, vm0  }
0x176: {  	v25 =	vsel vm0, $0x1, v0  }
0x177: {  	v25 =	vor.u32 $0x80000000, v25  }
0x178: {  	(xrf0) =	vmax.scan.msk.u32 $0xffff, v25;
	_ =	sdelay $0x5  }
0x179: {  	v25, _, _ =	vpop (xrf0)  }
0x17a: {  	(v2sf) =	vpush v25, $0xF;
	_ =	sdelay $0xe  }
0x17b: {  	s30 =	spop (v2sf)  }
0x17c: {  	p1 =	slt.u32 s30, $0x80000001  }
.Ltmp21:
0x17d: {  	_ = 	snop;
	(pc) =	sbr.rel @p1 .LBB2_31-.Ltmp21, $4  }
.Ltmp22:
0x17e: {  	_ = 	snop;
	(pc) =	sbr.rel @!p1 .LBB2_21-.Ltmp22, $4  }
0x17f: {  	_ = 	snop  }
0x180: {  	_ = 	snop  }
0x181: {  	_ = 	snop  }
0x182: {  	_ = 	snop  }
.LBB2_28:
0x183: {  	_ =	sdelay $0x3  }
0x184: {  	v26 =	vld.idx.msk [tilespmem:v26+s21+$0x0], $0xffff;
	_ =	sdelay $0x4  }
0x185: {  	v26 =	vbroadcast v26, $0x0;
	_ =	sdelay $0x1  }
0x186: {  	[tilespmem:v27+s21+$0x0] =	vst.idx.msk $0x1, v26  }
.LBB2_29:
0x187: {  	v26 =	vmov s7  }
0x188: {  	v26 =	vand.u32 $0x7F, v26  }
0x189: {  	v26 =	vbroadcast v26, $0x0;
	_ =	sdelay $0x1  }
0x18a: {  	v26 =	vor.u32 v24, v26;
	_ =	sdelay $0x2  }
0x18b: {  	s0 =	sadd.s32 $0x1, s10  }
0x18c: {  	v27 =	vmov s3;
	p1 =	slt.s32 s0, $0x40  }
0x18d: {  	s0 =	simm.s32 @!p1 $0x40;
	[tilespmem:v26+s28+$0x0] =	vst.idx.msk $0x1, v27  }
0x18e: {  	[tilespmem:v26+s21+$0x0] =	vst.idx.msk $0x1, v25;
	v25 =	vmov s0  }
0x18f: {  	[tilespmem:v21+s22+$0x0] =	vst.idx.msk $0x1, v25  }
.LBB2_30:
0x190: {  	s6 =	sadd.s32 $0x1, s6  }
0x191: {  	p1 =	sne.s32 s6, $0x10  }
.Ltmp23:
0x192: {  	_ = 	snop;
	(pc) =	sbr.rel @!p1 .LBB2_31-.Ltmp23, $1  }
0x193: {  	_ =	sdelay $0x3  }
.LBB2_21:
0x194: {  	s8 =	sor.u32 s9, s6;
	s0 =	sor.u32 s18, s6  }
0x195: {  	v25 =	vmov s8;
	v26 =	vmov s0  }
0x196: {  	v27 =	vand.u32 $0x7F, v25;
	v28 =	vshll.u32 v25, $0x1;
	v26 =	vand.u32 $0x7F, v26  }
0x197: {  	v28 =	vand.u32 $0xFFFFFF00, v28;
	v27 =	vor.u32 v11, v27;
	v26 =	vbroadcast v26, $0x0  }
0x198: {  	v27 =	vor.u32 v28, v27  }
0x199: {  	v63 =	vor.u32 v7, v26  }
0x19a: {  	v29 =	vor.u32 v8, v26  }
0x19b: {  	v30 =	vor.u32 v9, v26  }
0x19c: {  	v26 =	vor.u32 v10, v26  }
0x19d: {  	v27 =	vld.idx.msk [tilespmem:v27+s23+$0x0], $0xffff  }
0x19e: {  	v28 =	vld.idx.msk [tilespmem:v63+s31+$0x0], $0xffff  }
0x19f: {  	v29 =	vld.idx.msk [tilespmem:v29+s31+$0x0], $0xffff  }
0x1a0: {  	v30 =	vld.idx.msk [tilespmem:v30+s31+$0x0], $0xffff  }
0x1a1: {  	v26 =	vld.idx.msk [tilespmem:v26+s31+$0x0], $0xffff  }
0x1a2: {  	(v2sf) =	vpush v27, $0x0  }
0x1a3: {  	(v2sf) =	vpush v28, $0x0  }
0x1a4: {  	(v2sf) =	vpush v29, $0x0  }
0x1a5: {  	(v2sf) =	vpush v30, $0x0  }
0x1a6: {  	(v2sf) =	vpush v26, $0x0;
	_ =	sdelay $0xa  }
0x1a7: {  	s7 =	spop (v2sf)  }
0x1a8: {  	s3 =	spop (v2sf)  }
0x1a9: {  	s5 =	spop (v2sf)  }
0x1aa: {  	p1 =	seq.s32 s3, s13;
	p2 =	seq.s32 s5, s14;
	s10 =	spop (v2sf)  }
0x1ab: {  	p1 =	por p1, p2;
	p5 =	seq.s32 s10, s15;
	s30 =	spop (v2sf)  }
0x1ac: {  	p1 =	por p1, p5;
	p6 =	seq.s32 s30, s17  }
0x1ad: {  	p3 =	sne.s32 s7, s29;
	p1 =	por p1, p6  }
0x1ae: {  	p1 =	por p3, !p1  }
0x1af: {  	s0 =	simm.s32 @!p1 $0x16500  }
0x1b0: {  	v26 =	vld.idx.msk @!p1 [tilespmem:v21+s0+$0x0], $0xffff;
	_ =	sdelay $0x1  }
0x1b1: {  	v27 =	vld @!p1 [tilespmem:s4+$0x12500];
	_ =	sdelay $0x1  }
0x1b2: {  	v28 =	vld @!p1 [tilespmem:s4+$0x12510]  }
0x1b3: {  	v29 =	vbroadcast @!p1 v26, $0x0  }
0x1b4: {  	v30 =	vlaneseq.u32 @!p1;
	v31 =	vld @!p1 [tilespmem:s4+$0x12520]  }
0x1b5: {  	vm1 =	veq.s32 @!p1 v27, v25;
	vm0 =	vgt.s32 @!p1 v29, v30  }
0x1b6: {  	v33 =	vld @!p1 [tilespmem:s4+$0x12530];
	v32 =	vor.u32 @!p1 $0x10, v30;
	v27 =	vimm.s32 @!p1 $0x0;
	vm0 =	vmand @!p1 vm1, vm0  }
0x1b7: {  	vm1 =	vgt.s32 @!p1 v29, v32;
	v32 =	vsel @!p1 vm0, $0x1, v27;
	vm0 =	veq.s32 @!p1 v28, v25  }
0x1b8: {  	v28 =	vor.u32 @!p1 $0x80000000, v32;
	vm0 =	vmand @!p1 vm1, vm0;
	v32 =	vor.u32 @!p1 $0x20, v30  }
0x1b9: {  	(xrf0) =	vmax.scan.msk.u32 @!p1 $0xffff, v28;
	vm1 =	vgt.s32 @!p1 v29, v32;
	v28 =	vsel @!p1 vm0, $0x1, v27;
	vm0 =	veq.s32 @!p1 v31, v25  }
0x1ba: {  	v30 =	vor.u32 @!p1 $0x30, v30;
	vm0 =	vmand @!p1 vm1, vm0;
	v28 =	vor.u32 @!p1 $0x80000000, v28  }
0x1bb: {  	vm1 =	vgt.s32 @!p1 v29, v30;
	(xrf0) =	vmax.scan.msk.u32 @!p1 $0xffff, v28;
	v28 =	vsel @!p1 vm0, $0x1, v27;
	vm0 =	veq.s32 @!p1 v33, v25  }
0x1bc: {  	v28 =	vor.u32 @!p1 $0x80000000, v28;
	vm0 =	vmand @!p1 vm1, vm0  }
0x1bd: {  	(xrf0) =	vmax.scan.msk.u32 @!p1 $0xffff, v28;
	v27 =	vsel @!p1 vm0, $0x1, v27  }
0x1be: {  	v27 =	vor.u32 @!p1 $0x80000000, v27  }
0x1bf: {  	(v2sf) =	vpush @!p1 v26, $0x0;
	v26, _, _ =	vpop @!p1 (xrf0);
	(xrf0) =	vmax.scan.msk.u32 @!p1 $0xffff, v27  }
0x1c0: {  	(v2sf) =	vpush @!p1 v26, $0xF  }
0x1c1: {  	v26, _, _ =	vpop @!p1 (xrf0)  }
0x1c2: {  	(v2sf) =	vpush @!p1 v26, $0xF  }
0x1c3: {  	v26, _, _ =	vpop @!p1 (xrf0)  }
0x1c4: {  	(v2sf) =	vpush @!p1 v26, $0xF  }
0x1c5: {  	v26, _, _ =	vpop @!p1 (xrf0)  }
0x1c6: {  	(v2sf) =	vpush @!p1 v26, $0xF;
	_ =	sdelay $0x7  }
0x1c7: {  	s10 =	spop @!p1 (v2sf)  }
0x1c8: {  	s0 =	spop @!p1 (v2sf)  }
0x1c9: {  	p2 =	sne.s32 @!p1 s0, $0x80000000  }
0x1ca: {  	s0 =	spop @!p1 (v2sf);
	p2 =	por p1, p2  }
0x1cb: {  	p3 =	sne.s32 @!p2 s0, $0x80000000  }
0x1cc: {  	s0 =	spop @!p1 (v2sf);
	p2 =	por p2, p3  }
0x1cd: {  	p3 =	sne.s32 @!p2 s0, $0x80000000  }
0x1ce: {  	s0 =	spop @!p1 (v2sf);
	p1 =	por p2, p3  }
0x1cf: {  	p2 =	sne.s32 @!p1 s0, $0x80000000  }
0x1d0: {  	p1 =	por p1, p2  }
.Ltmp24:
0x1d1: {  	_ = 	snop;
	(pc) =	sbr.rel @p1 .LBB2_30-.Ltmp24, $1  }
0x1d2: {  	_ =	sdelay $0x3  }
0x1d3: {  	s0 =	sshll.u32 s8, $0x7;
	s3 =	sshll.u32 s6, $0x7  }
0x1d4: {  	s0 =	sand.u32 $0xFFFFFC00, s0;
	s3 =	sand.u32 $0x380, s3  }
0x1d5: {  	s0 =	sor.u32 s3, s0  }
0x1d6: {  	s0 =	sshrl.u32 s0, $0x3  }
0x1d7: {  	s0 =	sadd.s32 s25, s0  }
0x1d8: {  	[tilespmem:s26], [sflag:$0x4] =	stream.linear.gather [hbm4b:s0+s2], $0x80, $0x38;
	[tilespmem:$0x16580] =	vst v63  }
0x1d9: {  	_ =	swait.ge [sflag:s1], $0x80  }
0x1da: {  	[sflag:s1] =	ssyncset.done $0x0  }
0x1db: {  	[sflag:s1] =	ssyncadd.s32 $0xFFFFFF80  }
0x1dc: {  	[tilespmem:s16], [sflag:$0x4] =	stream.linear.gather [hbm4b:s20+s2], $0x80, $0x38;
	[tilespmem:$0x16580] =	vst v63  }
0x1dd: {  	_ =	swait.ge [sflag:s1], $0x80  }
0x1de: {  	[sflag:s1] =	ssyncset.done $0x0  }
0x1df: {  	[sflag:s1] =	ssyncadd.s32 $0xFFFFFF80  }
0x1e0: {  	v26 =	vld [tilespmem:$0xE400]  }
0x1e1: {  	v27 =	vld [tilespmem:$0xE480]  }
0x1e2: {  	v28 =	vld [tilespmem:$0xE410]  }
0x1e3: {  	v29 =	vld [tilespmem:$0xE490]  }
0x1e4: {  	v30 =	vld [tilespmem:$0xE420]  }
0x1e5: {  	v31 =	vld [tilespmem:$0xE4A0]  }
0x1e6: {  	v32 =	vld [tilespmem:$0xE4B0];
	v26 =	vmul.f32 v27, v26  }
0x1e7: {  	v27 =	vld [tilespmem:$0xE430]  }
0x1e8: {  	(xrf2) =	vadd.scan.msk.f32 $0xffff, v26;
	v26 =	vmul.f32 v29, v28;
	_ =	sdelay $0x1  }
0x1e9: {  	(xrf2) =	vadd.scan.msk.f32 $0xffff, v26;
	v26 =	vmul.f32 v31, v30;
	_ =	sdelay $0x1  }
0x1ea: {  	(xrf2) =	vadd.scan.msk.f32 $0xffff, v26;
	v26 =	vmul.f32 v32, v27;
	_ =	sdelay $0x1  }
0x1eb: {  	(xrf2) =	vadd.scan.msk.f32 $0xffff, v26;
	_ =	sdelay $0x3  }
0x1ec: {  	v26, _, _ =	vpop (xrf2)  }
0x1ed: {  	(v2sf) =	vpush v26, $0xF  }
0x1ee: {  	v26, _, _ =	vpop (xrf2)  }
0x1ef: {  	(v2sf) =	vpush v26, $0xF  }
0x1f0: {  	v26, _, _ =	vpop (xrf2)  }
0x1f1: {  	(v2sf) =	vpush v26, $0xF  }
0x1f2: {  	v26, _, _ =	vpop (xrf2)  }
0x1f3: {  	(v2sf) =	vpush v26, $0xF;
	_ =	sdelay $0x8  }
0x1f4: {  	s3 =	spop (v2sf)  }
0x1f5: {  	s0 =	sadd.f32 $0.0e+00, s3  }
0x1f6: {  	s5 =	spop (v2sf)  }
0x1f7: {  	s0 =	sadd.f32 s5, s0  }
0x1f8: {  	s7 =	spop (v2sf)  }
0x1f9: {  	s0 =	sadd.f32 s7, s0  }
0x1fa: {  	s30 =	spop (v2sf)  }
0x1fb: {  	s7 =	simm.s32 $0xFFFFFFFF;
	s3 =	sadd.f32 s30, s0  }
.LBB2_23:
0x1fc: {  	s7 =	sadd.s32 $0x1, s7  }
0x1fd: {  	p1 =	slt.s32 s7, $0x3F;
	s0 =	smov.u32 s7  }
0x1fe: {  	s0 =	simm.s32 @!p1 $0x3F  }
0x1ff: {  	v26 =	vmov s0  }
0x200: {  	v26 =	vand.u32 $0x7F, v26  }
0x201: {  	v26 =	vbroadcast v26, $0x0;
	_ =	sdelay $0x1  }
0x202: {  	v26 =	vor.u32 v24, v26;
	_ =	sdelay $0x4  }
0x203: {  	v27 =	vld.idx.msk [tilespmem:v26+s28+$0x0], $0xffff  }
0x204: {  	v26 =	vld.idx.msk [tilespmem:v26+s21+$0x0], $0xffff;
	_ =	sdelay $0x3  }
0x205: {  	(v2sf) =	vpush v27, $0x0  }
0x206: {  	(v2sf) =	vpush v26, $0x0;
	_ =	sdelay $0xd  }
0x207: {  	s30 =	spop (v2sf)  }
0x208: {  	s5 =	spop (v2sf);
	p5 =	seq.f32 s30, s3  }
0x209: {  	p2 =	slt.s32 s5, s8  }
0x20a: {  	p3 =	sgt.f32 s30, s3;
	p1 =	por !p5, !p2  }
0x20b: {  	p1 =	por !p1, !p1  }
0x20c: {  	p6 =	sge.s32 s7, s10;
	p1 =	por p3, p1  }
0x20d: {  	p1 =	por p6, !p1  }
.Ltmp25:
0x20e: {  	_ = 	snop;
	(pc) =	sbr.rel @!p1 .LBB2_23-.Ltmp25, $1  }
0x20f: {  	_ =	sdelay $0x3  }
0x210: {  	p1 =	sgt.u32 s7, $0x3F  }
.Ltmp26:
0x211: {  	_ = 	snop;
	(pc) =	sbr.rel @p1 .LBB2_30-.Ltmp26, $1  }
0x212: {  	_ =	sdelay $0x3  }
0x213: {  	p1 =	slt.s32 s10, $0x3F;
	s8 =	smov.u32 s10  }
0x214: {  	s8 =	simm.s32 @!p1 $0x3F  }
0x215: {  	p1 =	sle.s32 s8, s7  }
.Ltmp27:
0x216: {  	_ = 	snop;
	(pc) =	sbr.rel @p1 .LBB2_29-.Ltmp27, $1  }
0x217: {  	_ =	sdelay $0x3  }
0x218: {  	s0 =	sadd.s32 $0xFFFFFFFF, s8  }
0x219: {  	v26 =	vmov s0  }
0x21a: {  	v27 =	vand.u32 $0xFFFFFF80, v26  }
0x21b: {  	v26 =	vand.u32 $0x7F, v26;
	v27 =	vadd.s32 v24, v27  }
0x21c: {  	v26 =	vor.u32 v26, v27;
	_ =	sdelay $0x3  }
0x21d: {  	v27 =	vmov s8  }
0x21e: {  	v29 =	vand.u32 $0xFFFFFF80, v27;
	v28 =	vld.idx.msk [tilespmem:v26+s28+$0x0], $0xffff  }
0x21f: {  	v27 =	vand.u32 $0x7F, v27;
	v29 =	vadd.s32 v24, v29  }
0x220: {  	p1 =	sgt.u32 s0, s7;
	v27 =	vor.u32 v27, v29  }
.Ltmp28:
0x221: {  	_ = 	snop;
	(pc) =	sbr.rel @!p1 .LBB2_28-.Ltmp28, $3  }
0x222: {  	_ = 	snop  }
0x223: {  	v28 =	vbroadcast v28, $0x0;
	_ =	sdelay $0x1  }
0x224: {  	[tilespmem:v27+s28+$0x0] =	vst.idx.msk $0x1, v28  }
.LBB2_27:
0x225: {  	v28 =	vld.idx.msk [tilespmem:v26+s21+$0x0], $0xffff;
	s5 =	smov.u32 s0;
	s0 =	sadd.s32 $0xFFFFFFFF, s0  }
0x226: {  	v26 =	vmov s0;
	p1 =	sgt.u32 s0, s7  }
0x227: {  	v29 =	vand.u32 $0xFFFFFF80, v26  }
0x228: {  	v26 =	vand.u32 $0x7F, v26;
	v29 =	vadd.s32 v24, v29  }
0x229: {  	v26 =	vor.u32 v26, v29;
	_ =	sdelay $0x1  }
0x22a: {  	v28 =	vbroadcast v28, $0x0;
	_ =	sdelay $0x1  }
0x22b: {  	[tilespmem:v27+s21+$0x0] =	vst.idx.msk $0x1, v28  }
0x22c: {  	v27 =	vmov s5;
	v28 =	vld.idx.msk [tilespmem:v26+s28+$0x0], $0xffff  }
0x22d: {  	v29 =	vand.u32 $0xFFFFFF80, v27  }
0x22e: {  	v27 =	vand.u32 $0x7F, v27;
	v29 =	vadd.s32 v24, v29  }
0x22f: {  	v27 =	vor.u32 v27, v29  }
.Ltmp29:
0x230: {  	(pc) =	sbr.rel @p1 .LBB2_27-.Ltmp29, $3  }
0x231: {  	_ = 	snop  }
0x232: {  	v28 =	vbroadcast v28, $0x0;
	_ =	sdelay $0x1  }
0x233: {  	[tilespmem:v27+s28+$0x0] =	vst.idx.msk $0x1, v28  }
.Ltmp30:
0x234: {  	_ = 	snop;
	(pc) =	sbr.rel .LBB2_28-.Ltmp30, $1  }
0x235: {  	_ =	sdelay $0x3  }
.LBB2_15:
.Ltmp31:
0x236: {  	(pc) =	sbr.rel .LBB2_40-.Ltmp31, $2  }
0x237: {  	_ =	sdelay $0x2  }
0x238: {  	s26 =	simm.s32 $0xE480  }
.LBB2_35:
.Ltmp32:
0x239: {  	(pc) =	sbr.rel .LBB2_40-.Ltmp32, $2  }
0x23a: {  	_ =	sdelay $0x2  }
0x23b: {  	s0 =	smov.u32 s10;
	s10 =	smov.u32 s26;
	s26 =	simm.s32 $0xE480  }
.LBB2_37:
.Ltmp33:
0x23c: {  	(pc) =	sbr.rel .LBB2_40-.Ltmp33, $3  }
0x23d: {  	_ =	sdelay $0x1  }
0x23e: {  	s0 =	smov.u32 s26;
	s10 =	smov.u32 s8  }
0x23f: {  	s25 =	rddreg [dreg:$0x5];
	s23 =	simm.s32 $0xC000;
	s26 =	simm.s32 $0xE480  }
.LBB2_41:
0x240: {  	s0 =	simm.s32 $0x0  }
0x241: {  	v5 =	vmov s0  }
0x242: {  	v5 =	vand.u32 $0xFFFFFFFE, v5  }
0x243: {  	v5 =	vbroadcast v5, $0x0;
	_ =	sdelay $0x2  }
0x244: {  	s18 =	simm.s32 $0x1  }
0x245: {  	s19 =	rddreg [dreg:$0xe];
	s3 =	simm.s32 $0x100;
	s4 =	simm.s32 $0x400  }
0x246: {  	v6 =	vmov s18;
	[tilespmem:s23], [sflag:$0x1] =	stream.strided.gather [hbm4b:s19+s3], $0x1000, s4, s3, $0x38;
	[tilespmem:$0x16580] =	vst v63  }
0x247: {  	v5 =	vld.idx.msk [tilespmem:v5+s22+$0x0], $0xffff  }
0x248: {  	s6 =	simm.s32 $0xE580  }
0x249: {  	s4 =	simm.s32 $0x12580;
	v7 =	vld [tilespmem:s6+$0xFFFFFF80]  }
0x24a: {  	v9 =	vld [tilespmem:s4+$0xFFFFFF80]  }
0x24b: {  	v8 =	vld.idx.msk [tilespmem:v6+s22+$0x0], $0xffff  }
0x24c: {  	v6 =	vbroadcast v5, $0x0;
	_ =	sdelay $0x1  }
0x24d: {  	v10 =	vld [tilespmem:s6+$0x0];
	vm1 =	vgt.f32 v7, $-1.000000000e+08;
	vm0 =	vgt.s32 v6, v1  }
0x24e: {  	s24 =	simm.s32 $0x2;
	vm0 =	vmand vm0, vm1  }
0x24f: {  	v11 =	vld [tilespmem:s4+$0x0];
	v5 =	vbroadcast v8, $0x0;
	v8 =	vmov s24;
	v9 =	vnsel vm0, $0xFFFFFFFF, v9  }
0x250: {  	v12 =	vld [tilespmem:s4+$0x10];
	v8 =	vand.u32 $0xFFFFFFFE, v8;
	[tilespmem:s4+$0xFFFFFF80] =	vst v9  }
0x251: {  	s9 =	simm.s32 $0x12680;
	v9 =	vbroadcast v8, $0x0;
	v13 =	vld [tilespmem:s6+$0xFFFFFF90]  }
0x252: {  	s29 =	simm.s32 $0x5;
	v18 =	vld [tilespmem:s9+$0xFFFFFF80];
	vm7 =	vgt.f32 v10, $-1.000000000e+08;
	vm6 =	vgt.s32 v5, v1  }
0x253: {  	v14 =	vmov s29;
	v10 =	vld [tilespmem:s4+$0xFFFFFF90];
	vm0 =	vmand vm6, vm7  }
0x254: {  	s8 =	simm.s32 $0xE680;
	v19 =	vld [tilespmem:s4+$0xFFFFFFA0];
	v11 =	vnsel vm0, $0xFFFFFFFF, v11  }
0x255: {  	s20 =	simm.s32 $0x3;
	v16 =	vld [tilespmem:s8+$0x0];
	[tilespmem:s4+$0x0] =	vst v11  }
0x256: {  	v7 =	vmov s20;
	vm8 =	vgt.s32 v6, v2;
	v15 =	vld [tilespmem:s6+$0x10];
	vm9 =	vgt.f32 v13, $-1.000000000e+08  }
0x257: {  	v9 =	vld.idx.msk [tilespmem:v9+s22+$0x0], $0xffff;
	vm0 =	vmand vm8, vm9  }
0x258: {  	v11 =	vld.idx.msk [tilespmem:v14+s22+$0x0], $0xffff;
	v10 =	vnsel vm0, $0xFFFFFFFF, v10  }
0x259: {  	v13 =	vld [tilespmem:s8+$0xFFFFFF80];
	[tilespmem:s4+$0xFFFFFF90] =	vst v10  }
0x25a: {  	v14 =	vld [tilespmem:s6+$0xFFFFFFA0]  }
0x25b: {  	v17 =	vld.idx.msk [tilespmem:v7+s22+$0x0], $0xffff  }
0x25c: {  	v7 =	vld [tilespmem:s4+$0x30];
	vm10 =	vgt.s32 v5, v2;
	vm11 =	vgt.f32 v15, $-1.000000000e+08;
	v10 =	vbroadcast v9, $0x0  }
0x25d: {  	vm14 =	vgt.s32 v6, v3;
	v8 =	vld [tilespmem:s4+$0x20];
	vm0 =	vmand vm10, vm11  }
0x25e: {  	s30 =	simm.s32 $0x4;
	v15 =	vld [tilespmem:s9+$0x0];
	v9 =	vnsel vm0, $0xFFFFFFFF, v12;
	vm13 =	vgt.f32 v13, $-1.000000000e+08;
	vm12 =	vgt.s32 v10, v1  }
0x25f: {  	v12 =	vld [tilespmem:s9+$0x10];
	v13 =	vmov s30;
	[tilespmem:s4+$0x10] =	vst v9;
	vm0 =	vmand vm12, vm13;
	vm2 =	vgt.f32 v14, $-1.000000000e+08  }
0x260: {  	v9 =	vbroadcast v17, $0x0;
	v20 =	vnsel vm0, $0xFFFFFFFF, v18;
	v14 =	vld [tilespmem:s6+$0x20];
	vm15 =	vmand vm14, vm2  }
0x261: {  	s7 =	simm.s32 $0x12680;
	s3 =	simm.s32 $0x6;
	v18 =	vand.u32 $0xFFFFFFFE, v13;
	v13 =	vld [tilespmem:s9+$0x20];
	[tilespmem:s9+$0xFFFFFF80] =	vst v20;
	v17 =	vnsel vm15, $0xFFFFFFFF, v19  }
.LBB2_42:
0x262: {  	p0 =	slt.u32 s3, $0x3E;
	v18 =	vbroadcast v18, $0x0;
	v19 =	vld [tilespmem:s8+$0xFFFFFF90];
	vm0 =	vgt.s32 v9, v1;
	vm1 =	vgt.f32 v16, $-1.000000000e+08;
	[tilespmem:s4+$0xFFFFFFA0] =	vst v17  }
0x263: {  	vm0 =	vmand vm0, vm1;
	v16 =	vld [tilespmem:s6+$0xFFFFFFB0]  }
0x264: {  	s0 =	sadd.s32 $0x1, s3;
	v17 =	vld [tilespmem:s9+$0xFFFFFF90];
	v15 =	vnsel vm0, $0xFFFFFFFF, v15  }
0x265: {  	v20 =	vmov s0;
	vm0 =	vgt.s32 v5, v3;
	[tilespmem:s9+$0x0] =	vst v15;
	v15 =	vld [tilespmem:s4+$0xFFFFFFB0];
	vm1 =	vgt.f32 v14, $-1.000000000e+08  }
0x266: {  	v14 =	vld [tilespmem:s8+$0x10];
	vm0 =	vmand vm0, vm1  }
0x267: {  	vm1 =	vgt.s32 v10, v2;
	vm2 =	vgt.f32 v19, $-1.000000000e+08;
	v19 =	vld [tilespmem:s9+$0x30];
	v21 =	vnsel vm0, $0xFFFFFFFF, v8;
	v8 =	vmovc v13  }
0x268: {  	v13 =	vld.idx.msk [tilespmem:v18+s22+$0x0], $0xffff;
	vm0 =	vmand vm1, vm2;
	vm1 =	vgt.s32 v6, v4;
	vm2 =	vgt.f32 v16, $-1.000000000e+08;
	[tilespmem:s4+$0x20] =	vst v21;
	v6 =	vmovc v10  }
0x269: {  	v10 =	vnsel vm0, $0xFFFFFFFF, v17;
	vm0 =	vmand vm1, vm2;
	v16 =	vld [tilespmem:s6+$0x30];
	s6 =	smov.u32 s8  }
0x26a: {  	s8 =	sadd.s32 $0x100, s8;
	v17 =	vld.idx.msk [tilespmem:v20+s22+$0x0], $0xffff;
	[tilespmem:s9+$0xFFFFFF90] =	vst v10;
	v10 =	vnsel vm0, $0xFFFFFFFF, v15  }
0x26b: {  	vm0 =	vgt.s32 v9, v2;
	v15 =	vld [tilespmem:s8+$0xFFFFFF80];
	vm1 =	vgt.f32 v14, $-1.000000000e+08;
	[tilespmem:s4+$0xFFFFFFB0] =	vst v10  }
0x26c: {  	s9 =	sadd.s32 $0x100, s9;
	v14 =	vld [tilespmem:s6+$0xFFFFFFA0];
	vm0 =	vmand vm0, vm1  }
0x26d: {  	v18 =	vld [tilespmem:s9+$0xFFFFFF80];
	v12 =	vnsel vm0, $0xFFFFFFFF, v12  }
0x26e: {  	v10 =	vbroadcast v13, $0x0;
	vm0 =	vgt.s32 v5, v4;
	v5 =	vmovc v9;
	v20 =	vld [tilespmem:s7+$0xFFFFFFA0];
	[tilespmem:s7+$0x10] =	vst v12;
	vm1 =	vgt.f32 v16, $-1.000000000e+08  }
.Ltmp34:
0x26f: {  	v9 =	vbroadcast v11, $0x0;
	v16 =	vld [tilespmem:s8+$0x0];
	vm0 =	vmand vm0, vm1;
	(pc) =	sbr.rel @p0 .LBB2_42-.Ltmp34, $4  }
0x270: {  	vm1 =	vgt.s32 v10, v1;
	v11 =	vmovc v17;
	vm2 =	vgt.f32 v15, $-1.000000000e+08;
	v15 =	vld [tilespmem:s9+$0x0];
	v13 =	vnsel vm0, $0xFFFFFFFF, v7;
	v7 =	vmovc v19  }
0x271: {  	vm0 =	vmand vm1, vm2;
	v12 =	vld [tilespmem:s9+$0x10];
	vm1 =	vgt.s32 v6, v3;
	vm2 =	vgt.f32 v14, $-1.000000000e+08;
	[tilespmem:s4+$0x30] =	vst v13;
	s4 =	smov.u32 s7;
	s7 =	smov.u32 s9  }
0x272: {  	v13 =	vmov s3;
	v17 =	vnsel vm0, $0xFFFFFFFF, v18;
	vm0 =	vmand vm1, vm2;
	v14 =	vld [tilespmem:s6+$0x20]  }
0x273: {  	s3 =	sadd.s32 $0x2, s3;
	v18 =	vand.u32 $0xFFFFFFFE, v13;
	[tilespmem:s9+$0xFFFFFF80] =	vst v17;
	v13 =	vld [tilespmem:s9+$0x20];
	v17 =	vnsel vm0, $0xFFFFFFFF, v20  }
0x274: {  	v18 =	vbroadcast v18, $0x0;
	_ =	sdelay $0x5  }
0x275: {  	v18 =	vld.idx.msk [tilespmem:v18+s22+$0x0], $0xffff  }
0x276: {  	s10 =	sadd.s32 $0x100, s8  }
0x277: {  	v19 =	vld [tilespmem:s10+$0xFFFFFF80]  }
0x278: {  	s3 =	sadd.s32 $0x100, s9;
	vm0 =	vgt.s32 v9, v1;
	vm1 =	vgt.f32 v16, $-1.000000000e+08;
	v20 =	vld [tilespmem:s10+$0x0]  }
0x279: {  	v21 =	vld [tilespmem:s3+$0xFFFFFF80];
	vm0 =	vmand vm0, vm1  }
0x27a: {  	v42 =	vld [tilespmem:s3+$0x0];
	v15 =	vnsel vm0, $0xFFFFFFFF, v15;
	v41 =	vbroadcast v18, $0x0  }
0x27b: {  	v11 =	vbroadcast v11, $0x0;
	[tilespmem:s9+$0x0] =	vst v15  }
0x27c: {  	v15 =	vld [tilespmem:s8+$0x10];
	vm13 =	vgt.f32 v19, $-1.000000000e+08;
	vm12 =	vgt.s32 v41, v1  }
0x27d: {  	vm14 =	vgt.s32 v11, v1;
	vm2 =	vgt.f32 v20, $-1.000000000e+08;
	vm0 =	vmand vm12, vm13  }
0x27e: {  	v43 =	vld [tilespmem:s8+$0xFFFFFF90];
	vm15 =	vmand vm14, vm2;
	v44 =	vnsel vm0, $0xFFFFFFFF, v21  }
0x27f: {  	v45 =	vld [tilespmem:s9+$0xFFFFFF90];
	v18 =	vnsel vm15, $0xFFFFFFFF, v42;
	[tilespmem:s3+$0xFFFFFF80] =	vst v44  }
0x280: {  	[tilespmem:s3+$0x0] =	vst v18;
	v20 =	vld [tilespmem:s10+$0xFFFFFF90]  }
0x281: {  	vm6 =	vgt.s32 v9, v2;
	vm7 =	vgt.f32 v15, $-1.000000000e+08;
	v18 =	vld [tilespmem:s10+$0x10]  }
0x282: {  	v46 =	vld [tilespmem:s3+$0xFFFFFF90];
	vm8 =	vmand vm6, vm7  }
0x283: {  	vm4 =	vgt.s32 v10, v2;
	v47 =	vld [tilespmem:s3+$0x10];
	vm5 =	vgt.f32 v43, $-1.000000000e+08;
	v12 =	vnsel vm8, $0xFFFFFFFF, v12  }
0x284: {  	v49 =	vld [tilespmem:s9+$0x30];
	[tilespmem:s7+$0x10] =	vst v12;
	vm0 =	vmand vm4, vm5  }
0x285: {  	[tilespmem:s4+$0xFFFFFFA0] =	vst v17;
	vm10 =	vgt.s32 v41, v2;
	v52 =	vld [tilespmem:s8+$0x20];
	v48 =	vnsel vm0, $0xFFFFFFFF, v45;
	vm9 =	vgt.f32 v20, $-1.000000000e+08  }
0x286: {  	v50 =	vld [tilespmem:s6+$0xFFFFFFB0];
	vm11 =	vgt.s32 v11, v2;
	[tilespmem:s9+$0xFFFFFF90] =	vst v48;
	vm12 =	vgt.f32 v18, $-1.000000000e+08;
	vm0 =	vmand vm10, vm9  }
0x287: {  	v51 =	vld [tilespmem:s8+$0xFFFFFFA0];
	vm13 =	vmand vm11, vm12;
	v19 =	vnsel vm0, $0xFFFFFFFF, v46  }
0x288: {  	v53 =	vld [tilespmem:s7+$0xFFFFFFA0];
	v15 =	vnsel vm13, $0xFFFFFFFF, v47;
	[tilespmem:s3+$0xFFFFFF90] =	vst v19  }
0x289: {  	[tilespmem:s3+$0x10] =	vst v15;
	v54 =	vld [tilespmem:s10+$0xFFFFFFA0]  }
0x28a: {  	vm14 =	vgt.s32 v5, v3;
	vm6 =	vgt.s32 v9, v3;
	vm7 =	vgt.f32 v52, $-1.000000000e+08;
	v15 =	vld [tilespmem:s10+$0x20]  }
0x28b: {  	v55 =	vld [tilespmem:s3+$0xFFFFFFA0];
	vm15 =	vgt.f32 v14, $-1.000000000e+08;
	vm4 =	vgt.s32 v10, v3;
	vm8 =	vmand vm6, vm7  }
0x28c: {  	v56 =	vld [tilespmem:s3+$0x20];
	v13 =	vnsel vm8, $0xFFFFFFFF, v13;
	vm5 =	vgt.f32 v51, $-1.000000000e+08;
	vm0 =	vmand vm14, vm15  }
0x28d: {  	v58 =	vld [tilespmem:s4+$0xFFFFFFB0];
	[tilespmem:s7+$0x20] =	vst v13;
	v8 =	vnsel vm0, $0xFFFFFFFF, v8;
	vm0 =	vmand vm4, vm5  }
0x28e: {  	v60 =	vld [tilespmem:s8+$0x30];
	vm10 =	vgt.s32 v41, v3;
	[tilespmem:s4+$0x20] =	vst v8;
	v19 =	vnsel vm0, $0xFFFFFFFF, v53;
	vm9 =	vgt.f32 v54, $-1.000000000e+08  }
0x28f: {  	vm11 =	vgt.s32 v11, v3;
	v57 =	vld [tilespmem:s6+$0x30];
	[tilespmem:s7+$0xFFFFFFA0] =	vst v19;
	vm12 =	vgt.f32 v15, $-1.000000000e+08;
	vm0 =	vmand vm10, vm9  }
0x290: {  	v59 =	vld [tilespmem:s8+$0xFFFFFFB0];
	vm13 =	vmand vm11, vm12;
	v12 =	vnsel vm0, $0xFFFFFFFF, v55  }
0x291: {  	vm14 =	vgt.s32 v6, v4;
	vm15 =	vgt.f32 v50, $-1.000000000e+08;
	v6 =	vld [tilespmem:s7+$0xFFFFFFB0];
	v8 =	vnsel vm13, $0xFFFFFFFF, v56;
	[tilespmem:s3+$0xFFFFFFA0] =	vst v12  }
0x292: {  	vm4 =	vmand vm14, vm15;
	[tilespmem:s3+$0x20] =	vst v8;
	v12 =	vld [tilespmem:s10+$0xFFFFFFB0]  }
0x293: {  	vm7 =	vgt.s32 v10, v4;
	vm5 =	vgt.s32 v5, v4;
	v61 =	vnsel vm4, $0xFFFFFFFF, v58;
	v5 =	vld [tilespmem:s10+$0x30]  }
0x294: {  	v62 =	vld [tilespmem:s3+$0xFFFFFFB0];
	vm3 =	vgt.f32 v60, $-1.000000000e+08;
	vm11 =	vgt.s32 v41, v4;
	vm6 =	vgt.f32 v57, $-1.000000000e+08  }
0x295: {  	v63 =	vld [tilespmem:s3+$0x30];
	vm13 =	vgt.s32 v11, v4;
	vm0 =	vmand vm5, vm6;
	vm8 =	vgt.f32 v59, $-1.000000000e+08  }
0x296: {  	[tilespmem:s4+$0xFFFFFFB0] =	vst v61;
	vm9 =	vgt.s32 v9, v4;
	vm1 =	vmand vm7, vm8;
	v7 =	vnsel vm0, $0xFFFFFFFF, v7  }
0x297: {  	vm10 =	vmand vm9, vm3;
	v6 =	vnsel vm1, $0xFFFFFFFF, v6;
	[tilespmem:s4+$0x30] =	vst v7;
	vm12 =	vgt.f32 v12, $-1.000000000e+08  }
0x298: {  	v7 =	vnsel vm10, $0xFFFFFFFF, v49;
	[tilespmem:s7+$0xFFFFFFB0] =	vst v6;
	vm14 =	vgt.f32 v5, $-1.000000000e+08;
	vm0 =	vmand vm11, vm12  }
0x299: {  	[tilespmem:s7+$0x30] =	vst v7;
	vm15 =	vmand vm13, vm14;
	v5 =	vnsel vm0, $0xFFFFFFFF, v62  }
0x29a: {  	[tilespmem:s3+$0xFFFFFFB0] =	vst v5;
	v5 =	vnsel vm15, $0xFFFFFFFF, v63  }
0x29b: {  	[tilespmem:s3+$0x30] =	vst v5  }
0x29c: {  	s7 =	simm.s32 $0x0;
	s0 =	rddreg [dreg:$0xf]  }
0x29d: {  	[hbm4b:s0+s7] =	stream.linear.scatter [tilespmem:s21], [sflag:$0x3], $0x2000, $0x38;
	[tilespmem:$0x16580] =	vst v63  }
0x29e: {  	[tilespmem:$0x16500] =	vst v0  }
0x29f: {  	[tilespmem:$0x16510] =	vst v0  }
.Ltmp35:
0x2a0: {  	[tilespmem:$0x16520] =	vst v0;
	(pc) =	sbr.rel .LBB2_44-.Ltmp35, $4  }
0x2a1: {  	s30 =	simm.s32 $0x1;
	[tilespmem:$0x16530] =	vst v0  }
0x2a2: {  	_ =	swait.ge [sflag:s30], $0x1000  }
0x2a3: {  	[sflag:s30] =	ssyncset.done $0x0  }
0x2a4: {  	p1 =	por $0x1, $0x1;
	[sflag:s30] =	ssyncadd.s32 $0xFFFFF000  }
.LBB2_71:
.Ltmp36:
0x2a5: {  	(pc) =	sbr.rel @!p0 .LBB2_72-.Ltmp36, $3  }
0x2a6: {  	_ =	sdelay $0x1  }
0x2a7: {  	s0 =	simm.s32 $0x0;
	s4 =	simm.s32 $0x14580  }
0x2a8: {  	s6 =	simm.s32 $0x10580;
	s7 =	simm.s32 $0x1;
	p1 =	por $0x0, $0x0  }
.LBB2_44:
0x2a9: {  	s4 =	sshll.u32 s7, $0x7  }
0x2aa: {  	s3 =	sadd.s32 $0x3, s7;
	s0 =	sand.u32 $0x3FFFFF80, s4  }
0x2ab: {  	[dreg:$0x15] =	wrdreg s3;
	s30 =	sadd.s32 $0xC040, s0  }
0x2ac: {  	v6 =	vld [tilespmem:s30+$0x30]  }
0x2ad: {  	v7 =	vld [tilespmem:s30+$0xFFFFFFD0]  }
0x2ae: {  	v8 =	vld [tilespmem:s30+$0xFFFFFFE0];
	_ =	sdelay $0x1  }
0x2af: {  	v10 =	vld [tilespmem:s30+$0xFFFFFFF0]  }
0x2b0: {  	v14 =	vld [tilespmem:s30+$0x0];
	v9 =	vand.u32 $0x7FFF, v6  }
0x2b1: {  	v15 =	vld [tilespmem:s30+$0x10];
	v11 =	vand.u32 $0x7FFF, v7  }
0x2b2: {  	v18 =	vld [tilespmem:s30+$0xFFFFFFC0];
	v17 =	vand.u32 $0x7FFF, v8  }
0x2b3: {  	v6 =	vshrl.u32 v6, $0x12  }
0x2b4: {  	v5 =	vmov s3;
	v7 =	vshrl.u32 v7, $0x12  }
0x2b5: {  	v16 =	vld [tilespmem:s30+$0x20];
	v19 =	vshrl.u32 v8, $0x12;
	[tilespmem:v9+s2+$0x0] =	vst.idx.msk $0xffff, v5  }
0x2b6: {  	v13 =	vand.u32 $0x7FFF, v10;
	v12 =	vand.u32 $0x7FFF, v14;
	[tilespmem:v11+s2+$0x0] =	vst.idx.msk $0xffff, v5  }
0x2b7: {  	v8 =	vshrl.u32 v15, $0x12;
	v9 =	vand.u32 $0x7FFF, v15;
	[tilespmem:v17+s2+$0x0] =	vst.idx.msk $0xffff, v5;
	v15 =	vand.u32 $0x7FFF, v18  }
0x2b8: {  	v11 =	vshrl.u32 v10, $0x12;
	v10 =	vshrl.u32 v14, $0x12;
	v14 =	vshrl.u32 v18, $0x12;
	[tilespmem:v6+s13+$0x0] =	vst.idx.msk $0xffff, v5  }
0x2b9: {  	p0 =	por p1, p1;
	[tilespmem:v7+s13+$0x0] =	vst.idx.msk $0xffff, v5  }
0x2ba: {  	s19 =	sadd.s32 $0xC000, s0;
	s0 =	simm.s32 $0x0;
	s3 =	sadd.s32 $0x100, s30;
	v7 =	vand.u32 $0x7FFF, v16;
	v6 =	vshrl.u32 v16, $0x12;
	[tilespmem:v19+s13+$0x0] =	vst.idx.msk $0xffff, v5  }
.LBB2_45:
0x2bb: {  	v16 =	vld [tilespmem:s3+$0x30];
	[tilespmem:v13+s2+$0x0] =	vst.idx.msk $0xffff, v5  }
0x2bc: {  	s0 =	sadd.s32 $0x80, s0;
	v13 =	vld [tilespmem:s3+$0xFFFFFFD0];
	[tilespmem:v15+s2+$0x0] =	vst.idx.msk $0xffff, v5  }
0x2bd: {  	p1 =	slt.u32 s0, $0x780;
	v15 =	vld [tilespmem:s3+$0xFFFFFFE0];
	[tilespmem:v14+s13+$0x0] =	vst.idx.msk $0xffff, v5  }
0x2be: {  	v14 =	vld [tilespmem:s3+$0xFFFFFFF0];
	[tilespmem:v11+s13+$0x0] =	vst.idx.msk $0xffff, v5  }
0x2bf: {  	v17 =	vld [tilespmem:s3+$0x0];
	[tilespmem:v12+s2+$0x0] =	vst.idx.msk $0xffff, v5  }
0x2c0: {  	v18 =	vld [tilespmem:s3+$0x10];
	v19 =	vand.u32 $0x7FFF, v16;
	[tilespmem:v10+s13+$0x0] =	vst.idx.msk $0xffff, v5  }
0x2c1: {  	v16 =	vshrl.u32 v16, $0x12;
	v20 =	vand.u32 $0x7FFF, v13;
	v21 =	vshrl.u32 v13, $0x12;
	v22 =	vld [tilespmem:s3+$0x20];
	[tilespmem:v9+s2+$0x0] =	vst.idx.msk $0xffff, v5  }
0x2c2: {  	v23 =	vld [tilespmem:s3+$0xFFFFFFC0];
	v24 =	vand.u32 $0x7FFF, v15;
	v25 =	vshrl.u32 v15, $0x12;
	[tilespmem:v8+s13+$0x0] =	vst.idx.msk $0xffff, v5  }
0x2c3: {  	v13 =	vand.u32 $0x7FFF, v14;
	v11 =	vshrl.u32 v14, $0x12;
	[tilespmem:v7+s2+$0x0] =	vst.idx.msk $0xffff, v5  }
0x2c4: {  	v12 =	vand.u32 $0x7FFF, v17;
	v10 =	vshrl.u32 v17, $0x12;
	[tilespmem:v6+s13+$0x0] =	vst.idx.msk $0xffff, v5  }
0x2c5: {  	v9 =	vand.u32 $0x7FFF, v18;
	v8 =	vshrl.u32 v18, $0x12;
	[tilespmem:v19+s2+$0x0] =	vst.idx.msk $0xffff, v5  }
.Ltmp37:
0x2c6: {  	v7 =	vand.u32 $0x7FFF, v22;
	v6 =	vshrl.u32 v22, $0x12;
	[tilespmem:v16+s13+$0x0] =	vst.idx.msk $0xffff, v5;
	(pc) =	sbr.rel @p1 .LBB2_45-.Ltmp37, $4  }
0x2c7: {  	v15 =	vand.u32 $0x7FFF, v23;
	v14 =	vshrl.u32 v23, $0x12;
	[tilespmem:v20+s2+$0x0] =	vst.idx.msk $0xffff, v5  }
0x2c8: {  	[tilespmem:v21+s13+$0x0] =	vst.idx.msk $0xffff, v5  }
0x2c9: {  	[tilespmem:v24+s2+$0x0] =	vst.idx.msk $0xffff, v5  }
0x2ca: {  	s3 =	sadd.s32 $0x100, s3;
	[tilespmem:v25+s13+$0x0] =	vst.idx.msk $0xffff, v5  }
0x2cb: {  	_ =	sdelay $0x3  }
0x2cc: {  	[tilespmem:v13+s2+$0x0] =	vst.idx.msk $0xffff, v5  }
0x2cd: {  	[tilespmem:v15+s2+$0x0] =	vst.idx.msk $0xffff, v5  }
0x2ce: {  	[tilespmem:v12+s2+$0x0] =	vst.idx.msk $0xffff, v5  }
0x2cf: {  	[tilespmem:v9+s2+$0x0] =	vst.idx.msk $0xffff, v5  }
0x2d0: {  	[tilespmem:v7+s2+$0x0] =	vst.idx.msk $0xffff, v5  }
0x2d1: {  	[tilespmem:v14+s13+$0x0] =	vst.idx.msk $0xffff, v5  }
0x2d2: {  	[tilespmem:v11+s13+$0x0] =	vst.idx.msk $0xffff, v5  }
0x2d3: {  	s0 =	sor.u32 $0x400, s4;
	s5 =	sshll.u32 s7, $0x9;
	[tilespmem:v10+s13+$0x0] =	vst.idx.msk $0xffff, v5  }
0x2d4: {  	v7 =	vmov s7;
	[tilespmem:v8+s13+$0x0] =	vst.idx.msk $0xffff, v5;
	s3 =	sand.u32 $0x3FFFFF80, s0;
	s29 =	sor.u32 $0x80, s5;
	s6 =	sor.u32 $0x100, s5  }
.Ltmp38:
0x2d5: {  	[tilespmem:v6+s13+$0x0] =	vst.idx.msk $0xffff, v5;
	s30 =	sand.u32 $0x3FFFFE00, s5;
	v9 =	vshll.u32 v7, $0x7;
	v7 =	vmov s5;
	s5 =	sor.u32 $0x180, s5;
	(pc) =	sbr.rel .LBB2_47-.Ltmp38, $4  }
0x2d6: {  	v13 =	vmov s4;
	v6 =	vmov s0;
	v8 =	vmov s29;
	s7 =	sadd.s32 $0xE000, s30;
	s0 =	sand.u32 $0x3FFFFE80, s29;
	s8 =	rddreg [dreg:$0x10]  }
0x2d7: {  	v11 =	vand.u32 $0x80, v9;
	v9 =	vmov s6;
	v10 =	vmov s5;
	s6 =	sand.u32 $0x3FFFFF00, s6;
	s5 =	sand.u32 $0x3FFFFF80, s5;
	s3 =	sadd.s32 s3, s8  }
0x2d8: {  	v11 =	vbroadcast v11, $0x0;
	s0 =	sadd.s32 $0xE000, s0;
	s6 =	sadd.s32 $0xE000, s6;
	s5 =	sadd.s32 $0xE000, s5;
	v14 =	vmov s7;
	v12 =	vmov s3  }
0x2d9: {  	v15 =	vmov s0;
	v16 =	vmov s6;
	v17 =	vmov s5;
	s0 =	simm.s32 $0x0  }
.LBB2_70:
0x2da: {  	s0 =	rddreg [dreg:$0x17]  }
0x2db: {  	s0 =	sadd.s32 $0x1, s0  }
0x2dc: {  	p1 =	sne.s32 s0, $0x4  }
.Ltmp39:
0x2dd: {  	_ = 	snop;
	(pc) =	sbr.rel @!p1 .LBB2_71-.Ltmp39, $1  }
0x2de: {  	_ =	sdelay $0x3  }
.LBB2_47:
0x2df: {  	_ =	sdelay $0x2  }
0x2e0: {  	s24 =	sshll.u32 s0, $0x4  }
0x2e1: {  	v18 =	vld.idx.msk [tilespmem:v12+s24+$0x0 ss:$0x1], $0xffff;
	_ =	sdelay $0x4  }
0x2e2: {  	v19 =	vand.u32 $0x7FFF, v18  }
0x2e3: {  	v18 =	vshrl.u32 v18, $0x12;
	_ =	sdelay $0x2  }
0x2e4: {  	s29 =	simm.s32 $0x0  }
0x2e5: {  	v19 =	vld.idx.msk [tilespmem:v19+s29+$0x0], $0xffff  }
0x2e6: {  	v18 =	vld.idx.msk [tilespmem:v18+s13+$0x0], $0xffff;
	_ =	sdelay $0x4  }
0x2e7: {  	vm0 =	veq.s32 v19, v5;
	vm1 =	veq.s32 v18, v5  }
0x2e8: {  	vm0 =	vmand vm0, vm1  }
0x2e9: {  	v18 =	vsel vm0, $0x1, v0  }
0x2ea: {  	v18 =	vor.u32 $0x80000000, v18  }
0x2eb: {  	(xrf0) =	vmax.scan.msk.u32 $0xffff, v18;
	_ =	sdelay $0x5  }
0x2ec: {  	v18, _, _ =	vpop (xrf0)  }
0x2ed: {  	(v2sf) =	vpush v18, $0xF;
	_ =	sdelay $0xe  }
0x2ee: {  	s30 =	spop (v2sf)  }
0x2ef: {  	p1 =	slt.u32 s30, $0x80000001  }
.Ltmp40:
0x2f0: {  	_ = 	snop;
	(pc) =	sbr.rel @p1 .LBB2_70-.Ltmp40, $4  }
.Ltmp41:
0x2f1: {  	_ = 	snop;
	(pc) =	sbr.rel @!p1 .LBB2_48-.Ltmp41, $4  }
0x2f2: {  	_ = 	snop  }
0x2f3: {  	[dreg:$0x17] =	wrdreg s0  }
0x2f4: {  	s3 =	simm.s32 $0x0;
	[dreg:$0x19] =	wrdreg s24  }
0x2f5: {  	_ = 	snop  }
.LBB2_69:
0x2f6: {  	s3 =	rddreg [dreg:$0x1b]  }
0x2f7: {  	s3 =	sadd.s32 $0x1, s3  }
0x2f8: {  	p1 =	sne.s32 s3, $0x10  }
.Ltmp42:
0x2f9: {  	_ = 	snop;
	(pc) =	sbr.rel @!p1 .LBB2_70-.Ltmp42, $2  }
0x2fa: {  	_ =	sdelay $0x2  }
0x2fb: {  	s13 =	simm.s32 $0x8000  }
.LBB2_48:
0x2fc: {  	s0 =	rddreg [dreg:$0x19]  }
0x2fd: {  	s18 =	rddreg [dreg:$0x7];
	s0 =	sor.u32 s0, s3  }
0x2fe: {  	[dreg:$0x1b] =	wrdreg s3;
	s3 =	sor.u32 s18, s0  }
0x2ff: {  	v18 =	vmov s3  }
0x300: {  	v19 =	vand.u32 $0x7F, v18  }
0x301: {  	v18 =	vadd.s32 v6, v19  }
0x302: {  	v18 =	vbroadcast v18, $0x0;
	_ =	sdelay $0x4  }
0x303: {  	s20 =	simm.s32 $0xD800  }
0x304: {  	v18 =	vld.idx.msk [tilespmem:v18+s20+$0x0], $0xffff;
	_ =	sdelay $0x4  }
0x305: {  	(v2sf) =	vpush v18, $0x0;
	_ =	sdelay $0xe  }
0x306: {  	s29 =	spop (v2sf)  }
0x307: {  	v20 =	vand.u32 $0x7FFF, v18;
	s24 =	sshrl.u32 s29, $0x12  }
0x308: {  	v20 =	vbroadcast v20, $0x0;
	v21 =	vmov s24  }
0x309: {  	v21 =	vbroadcast v21, $0x0;
	_ =	sdelay $0x4  }
0x30a: {  	v20 =	vld.idx.msk [tilespmem:v20+s2+$0x0], $0xffff  }
0x30b: {  	v21 =	vld.idx.msk [tilespmem:v21+s13+$0x0], $0xffff;
	_ =	sdelay $0x3  }
0x30c: {  	(v2sf) =	vpush v20, $0x0  }
0x30d: {  	(v2sf) =	vpush v21, $0x0;
	_ =	sdelay $0xd  }
0x30e: {  	s4 =	rddreg [dreg:$0x15];
	s30 =	spop (v2sf)  }
0x30f: {  	p1 =	sne.s32 s30, s4;
	s3 =	spop (v2sf)  }
0x310: {  	p2 =	sne.s32 @!p1 s3, s4  }
0x311: {  	p1 =	por p1, p2  }
.Ltmp43:
0x312: {  	_ = 	snop;
	(pc) =	sbr.rel @p1 .LBB2_69-.Ltmp43, $1  }
0x313: {  	_ =	sdelay $0x3  }
0x314: {  	v19 =	vbroadcast v19, $0x0;
	_ =	sdelay $0x1  }
0x315: {  	v20 =	vor.u32 v7, v19  }
0x316: {  	v21 =	vor.u32 v8, v19  }
0x317: {  	v22 =	vor.u32 v9, v19  }
0x318: {  	v19 =	vor.u32 v10, v19  }
0x319: {  	s3 =	simm.s32 $0xD800  }
0x31a: {  	v20 =	vld.idx.msk [tilespmem:v20+s3+$0x0], $0xffff  }
0x31b: {  	v21 =	vld.idx.msk [tilespmem:v21+s3+$0x0], $0xffff  }
0x31c: {  	v22 =	vld.idx.msk [tilespmem:v22+s3+$0x0], $0xffff  }
0x31d: {  	v23 =	vld.idx.msk [tilespmem:v19+s3+$0x0], $0xffff;
	_ =	sdelay $0x1  }
0x31e: {  	(v2sf) =	vpush v20, $0x0  }
0x31f: {  	(v2sf) =	vpush v21, $0x0  }
0x320: {  	(v2sf) =	vpush v22, $0x0  }
0x321: {  	(v2sf) =	vpush v23, $0x0;
	_ =	sdelay $0x8  }
0x322: {  	s24 =	rddreg [dreg:$0x6]  }
0x323: {  	s4 =	rddreg [dreg:$0x1b];
	s30 =	sshll.u32 s0, $0x7  }
.Ltmp44:
0x324: {  	s5 =	rddreg [dreg:$0x11];
	s10 =	simm.s32 $0x0;
	(pc) =	sbr.rel .LBB2_50-.Ltmp44, $4  }
0x325: {  	s4 =	sshll.u32 s4, $0x4;
	s3 =	sadd.s32 s24, s0;
	s13 =	spop (v2sf)  }
0x326: {  	v18 =	vbroadcast v18, $0x0;
	s4 =	sand.u32 $0x70, s4;
	s3 =	sshll.u32 s3, $0x4;
	s15 =	spop (v2sf)  }
0x327: {  	s4 =	sadd.s32 s4, s5;
	s3 =	sand.u32 $0xFFFFF80, s3;
	v19 =	vbroadcast v20, $0x0;
	v20 =	vbroadcast v21, $0x0;
	v21 =	vmov s0;
	s14 =	spop (v2sf)  }
0x328: {  	s20 =	sand.u32 $0x3FFFFF80, s30;
	s4 =	sadd.s32 s3, s4;
	v22 =	vbroadcast v22, $0x0;
	v24 =	vshll.u32 v21, $0x7;
	v23 =	vbroadcast v23, $0x0;
	s17 =	spop (v2sf)  }
.LBB2_68:
0x329: {  	p1 =	sne.s32 s24, $0x7F  }
.Ltmp45:
0x32a: {  	_ = 	snop;
	(pc) =	sbr.rel @!p1 .LBB2_69-.Ltmp45, $2  }
0x32b: {  	_ =	sdelay $0x2  }
0x32c: {  	s10 =	sadd.s32 $0x1, s24  }
.LBB2_50:
0x32d: {  	s6 =	ssub.s32 $0x80, s10  }
0x32e: {  	s0 =	sshra.s32 s6, $0x1F  }
0x32f: {  	s0 =	sshrl.u32 s0, $0x1E  }
0x330: {  	s0 =	sadd.s32 s0, s6  }
0x331: {  	s0 =	sand.u32 $0xFFFFFFFC, s0  }
0x332: {  	s18 =	sadd.s32 s10, s0  }
0x333: {  	p1 =	sge.s32 s10, s18  }
.Ltmp46:
0x334: {  	_ = 	snop;
	(pc) =	sbr.rel @p1 .LBB2_53-.Ltmp46, $2  }
0x335: {  	_ =	sdelay $0x2  }
0x336: {  	s24 =	simm.s32 $0x80  }
0x337: {  	s24 =	sshll.u32 s10, $0x5;
	s3 =	sshll.u32 s10, $0x4  }
0x338: {  	[dreg:$0x1e] =	wrdreg s0;
	s0 =	sadd.s32 $0x60, s24;
	s3 =	sadd.s32 $0x30, s3  }
0x339: {  	s5 =	sadd.s32 $0xFFFFFFD0, s3;
	s7 =	sadd.s32 $0xFFFFFFA0, s0  }
0x33a: {  	s8 =	sadd.s32 $0xFFFFFFF0, s3;
	s5 =	sand.u32 $0x70, s5;
	s7 =	sand.u32 $0xFFFFFF00, s7  }
0x33b: {  	s30 =	sadd.s32 $0xFFFFFFE0, s3;
	s16 =	sadd.s32 $0xFFFFFFC0, s0;
	s5 =	sor.u32 s5, s7  }
0x33c: {  	s22 =	sadd.s32 $0xFFFFFFE0, s0;
	s9 =	sand.u32 $0xFFFFFF00, s16;
	s7 =	sand.u32 $0x70, s30;
	v25 =	vld.idx.msk [tilespmem:v13+s5+$0xC000 ss:$0x1], $0xffff  }
0x33d: {  	s8 =	sand.u32 $0x70, s8;
	s16 =	sand.u32 $0xFFFFFF00, s22;
	s5 =	sor.u32 s7, s9  }
0x33e: {  	s22 =	sor.u32 s8, s16;
	s8 =	sadd.s32 $0x4, s10;
	v26 =	vld.idx.msk [tilespmem:v13+s5+$0xC000 ss:$0x1], $0xffff  }
0x33f: {  	v27 =	vld.idx.msk [tilespmem:v13+s22+$0xC000 ss:$0x1], $0xffff;
	p3 =	slt.s32 s8, s18  }
.Ltmp47:
0x340: {  	_ = 	snop;
	(pc) =	sbr.rel @!p3 .LBB2_52-.Ltmp47, $4  }
0x341: {  	vm0 =	veq.s32 v25, v18  }
0x342: {  	s24 =	sand.u32 $0x70, s3;
	s30 =	sand.u32 $0xFFFFFF00, s0;
	v25 =	vsel vm0, $0x1, v0  }
0x343: {  	p1 =	por $0x0, $0x0;
	s5 =	sor.u32 s24, s30;
	vm0 =	veq.s32 v26, v18;
	v28 =	vor.u32 $0x80000000, v25  }
0x344: {  	p2 =	por $0x0, $0x0;
	s3 =	sadd.s32 $0x40, s3;
	s0 =	sadd.s32 $0x80, s0;
	v25 =	vld.idx.msk [tilespmem:v13+s5+$0xC000 ss:$0x1], $0xffff;
	v26 =	vsel vm0, $0x1, v0;
	vm0 =	veq.s32 v27, v18;
	(xrf0) =	vmax.scan.msk.u32 $0xffff, v28  }
0x345: {  	_ =	sdelay $0x2  }
0x346: {  	s5 =	sadd.s32 $0xFFFFFFD0, s3;
	s7 =	sadd.s32 $0xFFFFFFA0, s0  }
0x347: {  	v26 =	vor.u32 $0x80000000, v26;
	v27 =	vsel vm0, $0x1, v0;
	s16 =	sadd.s32 $0xFFFFFFF0, s3;
	s5 =	sand.u32 $0x70, s5;
	s7 =	sand.u32 $0xFFFFFF00, s7;
	vm0 =	veq.s32 v25, v18  }
0x348: {  	s30 =	sadd.s32 $0xFFFFFFE0, s3;
	s22 =	sadd.s32 $0xFFFFFFC0, s0;
	(xrf0) =	vmax.scan.msk.u32 $0xffff, v26;
	s5 =	sor.u32 s5, s7;
	v25 =	vor.u32 $0x80000000, v27;
	v26 =	vsel vm0, $0x1, v0  }
0x349: {  	s23 =	sadd.s32 $0xFFFFFFE0, s0;
	s9 =	sand.u32 $0xFFFFFF00, s22;
	s7 =	sand.u32 $0x70, s30;
	(xrf0) =	vmax.scan.msk.u32 $0xffff, v25;
	v25 =	vor.u32 $0x80000000, v26;
	v26 =	vld.idx.msk [tilespmem:v13+s5+$0xC000 ss:$0x1], $0xffff  }
0x34a: {  	s16 =	sand.u32 $0x70, s16;
	s22 =	sand.u32 $0xFFFFFF00, s23;
	s5 =	sor.u32 s7, s9;
	(xrf0) =	vmax.scan.msk.u32 $0xffff, v25  }
0x34b: {  	s26 =	sadd.s32 $0x4, s8;
	s23 =	sor.u32 s16, s22;
	v25 =	vld.idx.msk [tilespmem:v13+s5+$0xC000 ss:$0x1], $0xffff  }
0x34c: {  	p3 =	slt.s32 s26, s18;
	v27 =	vld.idx.msk [tilespmem:v13+s23+$0xC000 ss:$0x1], $0xffff  }
.Ltmp48:
0x34d: {  	v28, _, _ =	vpop (xrf0);
	(pc) =	sbr.rel @!p3 .LBB2_77-.Ltmp48, $4  }
0x34e: {  	(v2sf) =	vpush v28, $0xF;
	v62, _, _ =	vpop (xrf0);
	vm0 =	veq.s32 v26, v18  }
0x34f: {  	s24 =	sand.u32 $0x70, s3;
	s30 =	sand.u32 $0xFFFFFF00, s0;
	(v2sf) =	vpush v62, $0xF;
	v26, _, _ =	vpop (xrf0);
	v63 =	vsel vm0, $0x1, v0  }
0x350: {  	s5 =	sor.u32 s24, s30;
	(v2sf) =	vpush v26, $0xF;
	vm0 =	veq.s32 v25, v18;
	v26, _, _ =	vpop (xrf0);
	v28 =	vor.u32 $0x80000000, v63  }
0x351: {  	p1 =	por $0x1, $0x1;
	s7 =	sadd.s32 $0x80, s0;
	s0 =	sadd.s32 $0x40, s3;
	v25 =	vld.idx.msk [tilespmem:v13+s5+$0xC000 ss:$0x1], $0xffff;
	(v2sf) =	vpush v26, $0xF;
	v26 =	vsel vm0, $0x1, v0;
	vm0 =	veq.s32 v27, v18;
	(xrf0) =	vmax.scan.msk.u32 $0xffff, v28  }
0x352: {  	_ =	sdelay $0x4  }
0x353: {  	s5 =	sand.u32 $0x70, s0;
	s22 =	sadd.s32 $0x1, s10  }
0x354: {  	s3 =	sadd.s32 $0xFFFFFFF0, s0;
	s23 =	sadd.s32 $0xFFFFFFE0, s7;
	s25 =	sadd.s32 $0xFFFFFFD0, s0  }
0x355: {  	s30 =	sadd.s32 $0xFFFFFFA0, s7;
	s16 =	sadd.s32 $0x4, s26;
	s9 =	sadd.s32 $0xFFFFFFE0, s0;
	v26 =	vor.u32 $0x80000000, v26  }
0x356: {  	v27 =	vsel vm0, $0x1, v0;
	s25 =	sand.u32 $0x70, s25;
	s30 =	sand.u32 $0xFFFFFF00, s30;
	p3 =	slt.s32 s16, s18;
	(xrf0) =	vmax.scan.msk.u32 $0xffff, v26;
	vm0 =	veq.s32 v25, v18  }
0x357: {  	s9 =	sand.u32 $0x70, s9;
	s3 =	sand.u32 $0x70, s3;
	s23 =	sand.u32 $0xFFFFFF00, s23;
	v25 =	vor.u32 $0x80000000, v27;
	v26 =	vsel vm0, $0x1, v0  }
0x358: {  	s25 =	sor.u32 s25, s30;
	s30 =	sadd.s32 $0xFFFFFFC0, s7;
	s3 =	sor.u32 s3, s23;
	(xrf0) =	vmax.scan.msk.u32 $0xffff, v25  }
0x359: {  	s30 =	sand.u32 $0xFFFFFF00, s30;
	v28 =	vld.idx.msk [tilespmem:v13+s3+$0xC000 ss:$0x1], $0xffff;
	s3 =	simm.s32 $0x80;
	v25 =	vor.u32 $0x80000000, v26;
	s24 =	spop (v2sf)  }
0x35a: {  	v27 =	vld.idx.msk [tilespmem:v13+s25+$0xC000 ss:$0x1], $0xffff;
	s9 =	sor.u32 s9, s30;
	s30 =	sadd.s32 $0x3, s10;
	(xrf0) =	vmax.scan.msk.u32 $0xffff, v25;
	v26, _, _ =	vpop (xrf0);
	s25 =	spop (v2sf)  }
0x35b: {  	v25 =	vld.idx.msk [tilespmem:v13+s9+$0xC000 ss:$0x1], $0xffff;
	p2 =	sgt.u32 s24, $0x80000000;
	s24 =	smov.u32 s10;
	s23 =	spop (v2sf);
	(v2sf) =	vpush v26, $0xF  }
0x35c: {  	s24 =	simm.s32 @!p2 $0x80;
	p4 =	sgt.u32 s25, $0x80000000;
	s25 =	sand.u32 $0xFFFFFF00, s7;
	v26, _, _ =	vpop (xrf0)  }
0x35d: {  	p2 =	sgt.s32 s24, $0x80;
	s22 =	simm.s32 @!p4 $0x80;
	p4 =	sgt.u32 s23, $0x80000000;
	(v2sf) =	vpush v26, $0xF  }
.Ltmp49:
0x35e: {  	s5 =	sor.u32 s5, s25;
	v26, _, _ =	vpop (xrf0);
	s24 =	smov.u32 @p2 s3;
	(pc) =	sbr.rel @!p3 .LBB2_79-.Ltmp49, $4  }
0x35f: {  	vm0 =	veq.s32 v27, v18;
	s25 =	spop (v2sf);
	s3 =	sadd.s32 $0x2, s10;
	(v2sf) =	vpush v26, $0xF;
	p2 =	slt.s32 s24, s22  }
0x360: {  	v27 =	vsel vm0, $0x1, v0;
	vm0 =	veq.s32 v25, v18;
	s7 =	sadd.s32 $0x80, s7;
	v26, _, _ =	vpop (xrf0);
	v25 =	vld.idx.msk [tilespmem:v13+s5+$0xC000 ss:$0x1], $0xffff;
	s3 =	simm.s32 @!p4 $0x80;
	s22 =	smov.u32 @p2 s24  }
0x361: {  	v27 =	vor.u32 $0x80000000, v27;
	s10 =	sadd.s32 $0x40, s0;
	p4 =	sgt.u32 s25, $0x80000000;
	(v2sf) =	vpush v26, $0xF;
	p2 =	slt.s32 s22, s3  }
0x362: {  	(xrf0) =	vmax.scan.msk.u32 $0xffff, v27;
	v26 =	vsel vm0, $0x1, v0;
	vm0 =	veq.s32 v28, v18;
	s30 =	simm.s32 @!p4 $0x80;
	s3 =	smov.u32 @p2 s22;
	p2 =	por $0x1, $0x1  }
.LBB2_80:
0x363: {  	s5 =	sand.u32 $0x70, s10;
	s22 =	sadd.s32 $0x1, s8;
	p3 =	slt.s32 s3, s30  }
0x364: {  	v26 =	vor.u32 $0x80000000, v26;
	v27 =	vsel vm0, $0x1, v0;
	s0 =	smov.u32 s8;
	s8 =	smov.u32 s26;
	s26 =	smov.u32 s16  }
0x365: {  	s9 =	sadd.s32 $0xFFFFFFF0, s10;
	s23 =	sadd.s32 $0xFFFFFFE0, s7;
	vm0 =	veq.s32 v25, v18;
	v27 =	vor.u32 $0x80000000, v27;
	(xrf0) =	vmax.scan.msk.u32 $0xffff, v26;
	s30 =	smov.u32 @p3 s3  }
0x366: {  	s24 =	sadd.s32 $0xFFFFFFA0, s7;
	s16 =	sadd.s32 $0x4, s16;
	s3 =	sadd.s32 $0xFFFFFFD0, s10;
	v25 =	vsel vm0, $0x1, v0;
	(xrf0) =	vmax.scan.msk.u32 $0xffff, v27  }
0x367: {  	s24 =	sand.u32 $0xFFFFFF00, s24;
	p3 =	slt.s32 s16, s18;
	s3 =	sand.u32 $0x70, s3;
	v27 =	vor.u32 $0x80000000, v25  }
0x368: {  	s25 =	sadd.s32 $0xFFFFFFC0, s7;
	s3 =	sor.u32 s3, s24;
	s24 =	sadd.s32 $0xFFFFFFE0, s10;
	(xrf0) =	vmax.scan.msk.u32 $0xffff, v27  }
0x369: {  	s9 =	sand.u32 $0x70, s9;
	v26 =	vld.idx.msk [tilespmem:v13+s3+$0xC000 ss:$0x1], $0xffff;
	s3 =	sand.u32 $0x70, s24;
	s24 =	sand.u32 $0xFFFFFF00, s25;
	v25, _, _ =	vpop (xrf0)  }
0x36a: {  	s23 =	sand.u32 $0xFFFFFF00, s23;
	s3 =	sor.u32 s3, s24;
	(v2sf) =	vpush v25, $0xF;
	s24 =	spop (v2sf)  }
0x36b: {  	v27 =	vld.idx.msk [tilespmem:v13+s3+$0xC000 ss:$0x1], $0xffff;
	s3 =	sor.u32 s9, s23;
	s9 =	sand.u32 $0xFFFFFF00, s7;
	v25, _, _ =	vpop (xrf0);
	p4 =	sgt.u32 s24, $0x80000000  }
0x36c: {  	v28 =	vld.idx.msk [tilespmem:v13+s3+$0xC000 ss:$0x1], $0xffff;
	s3 =	sor.u32 s5, s9;
	s5 =	smov.u32 s0;
	s9 =	spop (v2sf)  }
0x36d: {  	(v2sf) =	vpush v25, $0xF;
	v25, _, _ =	vpop (xrf0);
	s5 =	simm.s32 @!p4 $0x80;
	p5 =	sgt.u32 s9, $0x80000000  }
0x36e: {  	(v2sf) =	vpush v25, $0xF;
	p4 =	slt.s32 s30, s5;
	s9 =	spop (v2sf);
	s22 =	simm.s32 @!p5 $0x80  }
.Ltmp50:
0x36f: {  	v25 =	vld.idx.msk [tilespmem:v13+s3+$0xC000 ss:$0x1], $0xffff;
	v29, _, _ =	vpop (xrf0);
	s5 =	smov.u32 @p4 s30;
	s3 =	sadd.s32 $0x2, s0;
	(pc) =	sbr.rel @p3 .LBB2_80-.Ltmp50, $4  }
0x370: {  	vm0 =	veq.s32 v26, v18;
	p5 =	sgt.u32 s9, $0x80000000;
	(v2sf) =	vpush v29, $0xF;
	p4 =	slt.s32 s5, s22;
	s9 =	spop (v2sf)  }
0x371: {  	s7 =	sadd.s32 $0x80, s7;
	v26 =	vsel vm0, $0x1, v0;
	s3 =	simm.s32 @!p5 $0x80;
	s22 =	smov.u32 @p4 s5  }
0x372: {  	s30 =	sadd.s32 $0x3, s0;
	v29 =	vor.u32 $0x80000000, v26;
	vm0 =	veq.s32 v27, v18;
	p5 =	sgt.u32 s9, $0x80000000;
	p4 =	slt.s32 s22, s3  }
0x373: {  	s10 =	sadd.s32 $0x40, s10;
	v26 =	vsel vm0, $0x1, v0;
	vm0 =	veq.s32 v28, v18;
	s30 =	simm.s32 @!p5 $0x80;
	(xrf0) =	vmax.scan.msk.u32 $0xffff, v29;
	s3 =	smov.u32 @p4 s22  }
0x374: {  	s0 =	smov.u32 s8;
	s10 =	smov.u32 s26  }
0x375: {  	s25 =	rddreg [dreg:$0x5];
	s23 =	simm.s32 $0xC000;
	s26 =	simm.s32 $0xE480  }
.LBB2_82:
0x376: {  	v26 =	vor.u32 $0x80000000, v26;
	vm15 =	veq.s32 v25, v18  }
0x377: {  	v27 =	vsel vm0, $0x1, v0;
	(xrf0) =	vmax.scan.msk.u32 $0xffff, v26;
	v25 =	vsel vm15, $0x1, v0  }
0x378: {  	v27 =	vor.u32 $0x80000000, v27;
	v25 =	vor.u32 $0x80000000, v25  }
0x379: {  	(xrf0) =	vmax.scan.msk.u32 $0xffff, v27;
	_ =	sdelay $0x1  }
0x37a: {  	(xrf0) =	vmax.scan.msk.u32 $0xffff, v25;
	v25, _, _ =	vpop (xrf0)  }
0x37b: {  	s5 =	spop @p1 (v2sf);
	p3 =	slt.s32 @p2 s3, s30;
	s7 =	smov.u32 @p1 s0;
	(v2sf) =	vpush v25, $0xF  }
0x37c: {  	s8 =	simm.s32 $0x80;
	p4 =	sgt.u32 @p1 s5, $0x80000000;
	p3 =	por !p3, !p2;
	v25, _, _ =	vpop (xrf0)  }
0x37d: {  	s5 =	smov.u32 s7;
	p4 =	por !p4, !p1;
	s3 =	smov.u32 @p3 s30;
	(v2sf) =	vpush v25, $0xF  }
0x37e: {  	s5 =	simm.s32 @p4 $0x80;
	s8 =	smov.u32 @p2 s3;
	s9 =	spop @p1 (v2sf);
	v25, _, _ =	vpop (xrf0)  }
0x37f: {  	p2 =	slt.s32 @p1 s8, s5;
	p3 =	sgt.u32 @p1 s9, $0x80000000;
	(v2sf) =	vpush v25, $0xF  }
0x380: {  	s0 =	sadd.s32 @p1 $0x1, s0;
	p2 =	por !p2, !p1;
	p3 =	por !p3, !p1;
	v25, _, _ =	vpop (xrf0)  }
0x381: {  	s8 =	smov.u32 @p2 s5;
	s3 =	spop @p1 (v2sf);
	s0 =	simm.s32 @p3 $0x80;
	(v2sf) =	vpush v25, $0xF  }
0x382: {  	p3 =	sgt.u32 @p1 s3, $0x80000000;
	p2 =	slt.s32 @p1 s8, s0  }
0x383: {  	s5 =	sadd.s32 @p1 $0x2, s7;
	p3 =	por !p3, !p1;
	p2 =	por !p2, !p1  }
0x384: {  	s3 =	spop @p1 (v2sf);
	s5 =	simm.s32 @p3 $0x80;
	s8 =	smov.u32 @p2 s0  }
0x385: {  	p3 =	sgt.u32 @p1 s3, $0x80000000;
	p2 =	slt.s32 @p1 s8, s5  }
0x386: {  	s0 =	sadd.s32 @p1 $0x3, s7;
	p3 =	por !p3, !p1;
	p2 =	por !p2, !p1  }
0x387: {  	s0 =	simm.s32 @p3 $0x80;
	s8 =	smov.u32 @p2 s5  }
0x388: {  	s0 =	smov.u32 @p1 s0;
	s3 =	smov.u32 @p1 s8  }
0x389: {  	p2 =	slt.s32 @p1 s3, s0  }
0x38a: {  	s5 =	smov.u32 s10;
	p2 =	por !p2, !p1;
	s16 =	spop (v2sf)  }
0x38b: {  	s8 =	simm.s32 $0x80;
	s3 =	smov.u32 @p2 s0;
	p3 =	sgt.u32 s16, $0x80000000  }
0x38c: {  	s8 =	smov.u32 @p1 s3;
	s5 =	simm.s32 @!p3 $0x80;
	s22 =	spop (v2sf)  }
0x38d: {  	s0 =	sadd.s32 $0x1, s10;
	p1 =	slt.s32 s8, s5;
	p2 =	sgt.u32 s22, $0x80000000  }
0x38e: {  	s24 =	spop (v2sf);
	s5 =	smov.u32 @p1 s8;
	s0 =	simm.s32 @!p2 $0x80  }
0x38f: {  	s7 =	sadd.s32 $0x2, s10;
	p2 =	sgt.u32 s24, $0x80000000;
	p1 =	slt.s32 s5, s0  }
0x390: {  	s30 =	spop (v2sf);
	s7 =	simm.s32 @!p2 $0x80;
	s0 =	smov.u32 @p1 s5  }
0x391: {  	s24 =	sadd.s32 $0x3, s10;
	p2 =	sgt.u32 s30, $0x80000000;
	p1 =	slt.s32 s0, s7  }
0x392: {  	s24 =	simm.s32 @!p2 $0x80;
	s7 =	smov.u32 @p1 s0  }
0x393: {  	s16 =	simm.s32 $0xE400;
	p1 =	slt.s32 s7, s24  }
0x394: {  	s22 =	simm.s32 $0x16500;
	s0 =	rddreg [dreg:$0x1e];
	s24 =	smov.u32 @p1 s7  }
.LBB2_53:
0x395: {  	p1 =	sgt.s32 s18, $0x7F  }
.Ltmp51:
0x396: {  	_ = 	snop;
	(pc) =	sbr.rel @p1 .LBB2_56-.Ltmp51, $1  }
0x397: {  	_ =	sdelay $0x3  }
0x398: {  	s0 =	ssub.s32 s6, s0  }
0x399: {  	s3 =	sshll.u32 s0, $0x5;
	s5 =	sshll.u32 s0, $0x4  }
0x39a: {  	s0 =	ssub.s32 $0x1000, s3;
	s3 =	ssub.s32 $0x800, s5  }
.LBB2_55:
0x39b: {  	s5 =	sand.u32 $0xFFFFFF00, s0  }
0x39c: {  	s6 =	sand.u32 $0x70, s3;
	s5 =	sadd.s32 s5, s19  }
0x39d: {  	s5 =	sadd.s32 s6, s5  }
0x39e: {  	v25 =	vld [tilespmem:s5+$0x0];
	_ =	sdelay $0x4  }
0x39f: {  	vm0 =	veq.s32 v25, v18  }
0x3a0: {  	v25 =	vsel vm0, $0x1, v0  }
0x3a1: {  	v25 =	vor.u32 $0x80000000, v25  }
0x3a2: {  	(xrf0) =	vmax.scan.msk.u32 $0xffff, v25;
	_ =	sdelay $0x5  }
0x3a3: {  	v25, _, _ =	vpop (xrf0)  }
0x3a4: {  	(v2sf) =	vpush v25, $0xF;
	_ =	sdelay $0xe  }
0x3a5: {  	s30 =	spop (v2sf)  }
0x3a6: {  	s5 =	smov.u32 s24;
	s24 =	smov.u32 s18;
	p1 =	sgt.u32 s30, $0x80000000  }
0x3a7: {  	s24 =	simm.s32 @!p1 $0x80  }
0x3a8: {  	p1 =	slt.s32 s5, s24  }
0x3a9: {  	s24 =	smov.u32 @p1 s5;
	p1 =	sne.s32 s18, $0x7F  }
.Ltmp52:
0x3aa: {  	_ = 	snop;
	(pc) =	sbr.rel @p1 .LBB2_55-.Ltmp52, $2  }
0x3ab: {  	_ =	sdelay $0x2  }
0x3ac: {  	s0 =	sadd.s32 $0x20, s0;
	s3 =	sadd.s32 $0x10, s3;
	s18 =	sadd.s32 $0x1, s18  }
.LBB2_56:
0x3ad: {  	p1 =	sgt.s32 s24, $0x7F  }
.Ltmp53:
0x3ae: {  	_ = 	snop;
	(pc) =	sbr.rel @p1 .LBB2_69-.Ltmp53, $1  }
0x3af: {  	_ =	sdelay $0x3  }
0x3b0: {  	s0 =	sshra.s32 s24, $0x1F  }
0x3b1: {  	s0 =	sshrl.u32 s0, $0x1D  }
0x3b2: {  	s0 =	sadd.s32 s0, s24  }
0x3b3: {  	s3 =	sand.u32 $0xFFFFFFF8, s0  }
0x3b4: {  	p1 =	slt.s32 s24, $0x1;
	p2 =	sne.s32 s24, s3  }
0x3b5: {  	p1 =	por !p1, !p2  }
0x3b6: {  	s3 =	simm.s32 $0x1;
	p1 =	por !p1, !p1  }
0x3b7: {  	s0 =	sshrl.u32 s0, $0x3;
	s3 =	simm.s32 @!p1 $0x0  }
0x3b8: {  	s0 =	ssub.s32 s0, s3  }
0x3b9: {  	s0 =	sshll.u32 s0, $0xA  }
0x3ba: {  	s0 =	sadd.s32 $0x8000, s0  }
0x3bb: {  	s6 =	rddreg [dreg:$0x3];
	s0 =	sshrl.u32 s0, $0x3  }
0x3bc: {  	s0 =	sadd.s32 s6, s0;
	s6 =	simm.s32 $0x0  }
0x3bd: {  	[tilespmem:s31], [sflag:$0x4] =	stream.linear.gather [hbm4b:s0+s6], $0x400, $0x38;
	[tilespmem:$0x16580] =	vst v63  }
0x3be: {  	s9 =	sshll.u32 s24, $0x4;
	_ =	swait.ge [sflag:s1], $0x400  }
0x3bf: {  	s7 =	sadd.s32 $0x80, s9;
	[sflag:s1] =	ssyncset.done $0x0  }
0x3c0: {  	s18 =	sand.u32 $0x70, s7;
	[sflag:s1] =	ssyncadd.s32 $0xFFFFFC00  }
0x3c1: {  	s8 =	sshll.u32 s24, $0x5;
	v25 =	vld.idx.msk [tilespmem:v14+s18+$0x0 ss:$0x1], $0xffff  }
0x3c2: {  	s0 =	sand.u32 $0xFFFFFF00, s8;
	v26 =	vld.idx.msk [tilespmem:v15+s18+$0x0 ss:$0x1], $0xffff  }
0x3c3: {  	s10 =	sand.u32 $0x70, s9;
	s0 =	sadd.s32 s0, s19;
	v27 =	vld.idx.msk [tilespmem:v16+s18+$0x0 ss:$0x1], $0xffff  }
0x3c4: {  	s0 =	sadd.s32 s10, s0;
	v28 =	vld.idx.msk [tilespmem:v17+s18+$0x0 ss:$0x1], $0xffff  }
0x3c5: {  	v29 =	vld [tilespmem:s0+$0x0];
	_ =	sdelay $0x1  }
0x3c6: {  	vm0 =	veq.s32 v25, v19;
	vm1 =	veq.s32 v26, v20  }
0x3c7: {  	vm2 =	veq.s32 v27, v22;
	vm0 =	vmor vm0, vm1  }
0x3c8: {  	vm14 =	veq.s32 v28, v23;
	vm0 =	vmor vm0, vm2  }
0x3c9: {  	vm15 =	veq.s32 v29, v18;
	vm0 =	vmor vm0, vm14  }
0x3ca: {  	vm0 =	vmand vm15, vm0  }
0x3cb: {  	v25 =	vsel vm0, $0x1, v0  }
0x3cc: {  	v25 =	vor.u32 $0x80000000, v25  }
0x3cd: {  	(xrf0) =	vmax.scan.msk.u32 $0xffff, v25;
	_ =	sdelay $0x5  }
0x3ce: {  	v25, _, _ =	vpop (xrf0)  }
0x3cf: {  	(v2sf) =	vpush v25, $0xF;
	_ =	sdelay $0xe  }
0x3d0: {  	s30 =	spop (v2sf)  }
0x3d1: {  	p1 =	slt.u32 s30, $0x80000001  }
.Ltmp54:
0x3d2: {  	_ = 	snop;
	(pc) =	sbr.rel @p1 .LBB2_68-.Ltmp54, $4  }
.Ltmp55:
0x3d3: {  	_ = 	snop;
	(pc) =	sbr.rel @!p1 .LBB2_58-.Ltmp55, $4  }
0x3d4: {  	_ = 	snop  }
0x3d5: {  	_ = 	snop  }
0x3d6: {  	_ = 	snop  }
0x3d7: {  	_ = 	snop  }
.LBB2_65:
0x3d8: {  	_ =	sdelay $0x3  }
0x3d9: {  	v26 =	vld.idx.msk [tilespmem:v26+s12+$0x0], $0xffff;
	_ =	sdelay $0x4  }
0x3da: {  	v26 =	vbroadcast v26, $0x0;
	_ =	sdelay $0x1  }
0x3db: {  	[tilespmem:v27+s12+$0x0] =	vst.idx.msk $0x1, v26  }
.LBB2_66:
0x3dc: {  	v26 =	vmov s7  }
0x3dd: {  	v26 =	vand.u32 $0x7F, v26  }
0x3de: {  	v26 =	vbroadcast v26, $0x0;
	_ =	sdelay $0x1  }
0x3df: {  	v26 =	vor.u32 v24, v26;
	_ =	sdelay $0x2  }
0x3e0: {  	s0 =	sadd.s32 $0x1, s10  }
0x3e1: {  	v27 =	vmov s3;
	p1 =	slt.s32 s0, $0x40  }
0x3e2: {  	s0 =	simm.s32 @!p1 $0x40;
	[tilespmem:v26+s11+$0x0] =	vst.idx.msk $0x1, v27  }
0x3e3: {  	[tilespmem:v26+s12+$0x0] =	vst.idx.msk $0x1, v25;
	v25 =	vmov s0  }
0x3e4: {  	[tilespmem:v21+s22+$0x0] =	vst.idx.msk $0x1, v25  }
.LBB2_67:
0x3e5: {  	s6 =	sadd.s32 $0x1, s6  }
0x3e6: {  	p1 =	sne.s32 s6, $0x10  }
.Ltmp56:
0x3e7: {  	_ = 	snop;
	(pc) =	sbr.rel @!p1 .LBB2_68-.Ltmp56, $1  }
0x3e8: {  	_ =	sdelay $0x3  }
.LBB2_58:
0x3e9: {  	s8 =	sor.u32 s9, s6;
	s0 =	sor.u32 s18, s6  }
0x3ea: {  	v25 =	vmov s8;
	v26 =	vmov s0  }
0x3eb: {  	v27 =	vand.u32 $0x7F, v25;
	v28 =	vshll.u32 v25, $0x1;
	v26 =	vand.u32 $0x7F, v26  }
0x3ec: {  	v28 =	vand.u32 $0xFFFFFF00, v28;
	v27 =	vor.u32 v11, v27;
	v26 =	vbroadcast v26, $0x0  }
0x3ed: {  	v27 =	vor.u32 v28, v27  }
0x3ee: {  	v63 =	vor.u32 v7, v26  }
0x3ef: {  	v29 =	vor.u32 v8, v26  }
0x3f0: {  	v30 =	vor.u32 v9, v26  }
0x3f1: {  	v26 =	vor.u32 v10, v26  }
0x3f2: {  	v27 =	vld.idx.msk [tilespmem:v27+s23+$0x0], $0xffff  }
0x3f3: {  	v28 =	vld.idx.msk [tilespmem:v63+s31+$0x0], $0xffff  }
0x3f4: {  	v29 =	vld.idx.msk [tilespmem:v29+s31+$0x0], $0xffff  }
0x3f5: {  	v30 =	vld.idx.msk [tilespmem:v30+s31+$0x0], $0xffff  }
0x3f6: {  	v26 =	vld.idx.msk [tilespmem:v26+s31+$0x0], $0xffff  }
0x3f7: {  	(v2sf) =	vpush v27, $0x0  }
0x3f8: {  	(v2sf) =	vpush v28, $0x0  }
0x3f9: {  	(v2sf) =	vpush v29, $0x0  }
0x3fa: {  	(v2sf) =	vpush v30, $0x0  }
0x3fb: {  	(v2sf) =	vpush v26, $0x0;
	_ =	sdelay $0xa  }
0x3fc: {  	s7 =	spop (v2sf)  }
0x3fd: {  	s3 =	spop (v2sf)  }
0x3fe: {  	s5 =	spop (v2sf)  }
0x3ff: {  	p1 =	seq.s32 s3, s13;
	p2 =	seq.s32 s5, s15;
	s10 =	spop (v2sf)  }
0x400: {  	p1 =	por p1, p2;
	p5 =	seq.s32 s10, s14;
	s30 =	spop (v2sf)  }
0x401: {  	p1 =	por p1, p5;
	p6 =	seq.s32 s30, s17  }
0x402: {  	p3 =	sne.s32 s7, s29;
	p1 =	por p1, p6  }
0x403: {  	p1 =	por p3, !p1  }
0x404: {  	s0 =	simm.s32 @!p1 $0x16500  }
0x405: {  	v26 =	vld.idx.msk @!p1 [tilespmem:v21+s0+$0x0], $0xffff;
	_ =	sdelay $0x1  }
0x406: {  	v27 =	vld @!p1 [tilespmem:s20+$0x14500];
	_ =	sdelay $0x1  }
0x407: {  	v28 =	vld @!p1 [tilespmem:s20+$0x14510]  }
0x408: {  	v29 =	vbroadcast @!p1 v26, $0x0  }
0x409: {  	v30 =	vlaneseq.u32 @!p1;
	v31 =	vld @!p1 [tilespmem:s20+$0x14520]  }
0x40a: {  	vm1 =	veq.s32 @!p1 v27, v25;
	vm0 =	vgt.s32 @!p1 v29, v30  }
0x40b: {  	v33 =	vld @!p1 [tilespmem:s20+$0x14530];
	v32 =	vor.u32 @!p1 $0x10, v30;
	v27 =	vimm.s32 @!p1 $0x0;
	vm0 =	vmand @!p1 vm1, vm0  }
0x40c: {  	vm1 =	vgt.s32 @!p1 v29, v32;
	v32 =	vsel @!p1 vm0, $0x1, v27;
	vm0 =	veq.s32 @!p1 v28, v25  }
0x40d: {  	v28 =	vor.u32 @!p1 $0x80000000, v32;
	vm0 =	vmand @!p1 vm1, vm0;
	v32 =	vor.u32 @!p1 $0x20, v30  }
0x40e: {  	(xrf0) =	vmax.scan.msk.u32 @!p1 $0xffff, v28;
	vm1 =	vgt.s32 @!p1 v29, v32;
	v28 =	vsel @!p1 vm0, $0x1, v27;
	vm0 =	veq.s32 @!p1 v31, v25  }
0x40f: {  	v30 =	vor.u32 @!p1 $0x30, v30;
	vm0 =	vmand @!p1 vm1, vm0;
	v28 =	vor.u32 @!p1 $0x80000000, v28  }
0x410: {  	vm1 =	vgt.s32 @!p1 v29, v30;
	(xrf0) =	vmax.scan.msk.u32 @!p1 $0xffff, v28;
	v28 =	vsel @!p1 vm0, $0x1, v27;
	vm0 =	veq.s32 @!p1 v33, v25  }
0x411: {  	v28 =	vor.u32 @!p1 $0x80000000, v28;
	vm0 =	vmand @!p1 vm1, vm0  }
0x412: {  	(xrf0) =	vmax.scan.msk.u32 @!p1 $0xffff, v28;
	v27 =	vsel @!p1 vm0, $0x1, v27  }
0x413: {  	v27 =	vor.u32 @!p1 $0x80000000, v27  }
0x414: {  	(v2sf) =	vpush @!p1 v26, $0x0;
	v26, _, _ =	vpop @!p1 (xrf0);
	(xrf0) =	vmax.scan.msk.u32 @!p1 $0xffff, v27  }
0x415: {  	(v2sf) =	vpush @!p1 v26, $0xF  }
0x416: {  	v26, _, _ =	vpop @!p1 (xrf0)  }
0x417: {  	(v2sf) =	vpush @!p1 v26, $0xF  }
0x418: {  	v26, _, _ =	vpop @!p1 (xrf0)  }
0x419: {  	(v2sf) =	vpush @!p1 v26, $0xF  }
0x41a: {  	v26, _, _ =	vpop @!p1 (xrf0)  }
0x41b: {  	(v2sf) =	vpush @!p1 v26, $0xF;
	_ =	sdelay $0x7  }
0x41c: {  	s10 =	spop @!p1 (v2sf)  }
0x41d: {  	s0 =	spop @!p1 (v2sf)  }
0x41e: {  	p2 =	sne.s32 @!p1 s0, $0x80000000  }
0x41f: {  	s0 =	spop @!p1 (v2sf);
	p2 =	por p1, p2  }
0x420: {  	p3 =	sne.s32 @!p2 s0, $0x80000000  }
0x421: {  	s0 =	spop @!p1 (v2sf);
	p2 =	por p2, p3  }
0x422: {  	p3 =	sne.s32 @!p2 s0, $0x80000000  }
0x423: {  	s0 =	spop @!p1 (v2sf);
	p1 =	por p2, p3  }
0x424: {  	p2 =	sne.s32 @!p1 s0, $0x80000000  }
0x425: {  	p1 =	por p1, p2  }
.Ltmp57:
0x426: {  	_ = 	snop;
	(pc) =	sbr.rel @p1 .LBB2_67-.Ltmp57, $1  }
0x427: {  	_ =	sdelay $0x3  }
0x428: {  	s0 =	sshll.u32 s8, $0x7;
	s3 =	sshll.u32 s6, $0x7  }
0x429: {  	s0 =	sand.u32 $0xFFFFFC00, s0;
	s3 =	sand.u32 $0x380, s3  }
0x42a: {  	s0 =	sor.u32 s3, s0  }
0x42b: {  	s0 =	sadd.s32 $0x40000, s0  }
0x42c: {  	s0 =	sshrl.u32 s0, $0x3  }
0x42d: {  	s0 =	sadd.s32 s25, s0  }
0x42e: {  	[tilespmem:s26], [sflag:$0x4] =	stream.linear.gather [hbm4b:s0+s2], $0x80, $0x38;
	[tilespmem:$0x16580] =	vst v63  }
0x42f: {  	_ =	swait.ge [sflag:s1], $0x80  }
0x430: {  	[sflag:s1] =	ssyncset.done $0x0  }
0x431: {  	[sflag:s1] =	ssyncadd.s32 $0xFFFFFF80  }
0x432: {  	[tilespmem:s16], [sflag:$0x4] =	stream.linear.gather [hbm4b:s4+s2], $0x80, $0x38;
	[tilespmem:$0x16580] =	vst v63  }
0x433: {  	_ =	swait.ge [sflag:s1], $0x80  }
0x434: {  	[sflag:s1] =	ssyncset.done $0x0  }
0x435: {  	[sflag:s1] =	ssyncadd.s32 $0xFFFFFF80  }
0x436: {  	v26 =	vld [tilespmem:$0xE400]  }
0x437: {  	v27 =	vld [tilespmem:$0xE480]  }
0x438: {  	v28 =	vld [tilespmem:$0xE410]  }
0x439: {  	v29 =	vld [tilespmem:$0xE490]  }
0x43a: {  	v30 =	vld [tilespmem:$0xE420]  }
0x43b: {  	v31 =	vld [tilespmem:$0xE4A0]  }
0x43c: {  	v32 =	vld [tilespmem:$0xE4B0];
	v26 =	vmul.f32 v27, v26  }
0x43d: {  	v27 =	vld [tilespmem:$0xE430]  }
0x43e: {  	(xrf2) =	vadd.scan.msk.f32 $0xffff, v26;
	v26 =	vmul.f32 v29, v28;
	_ =	sdelay $0x1  }
0x43f: {  	(xrf2) =	vadd.scan.msk.f32 $0xffff, v26;
	v26 =	vmul.f32 v31, v30;
	_ =	sdelay $0x1  }
0x440: {  	(xrf2) =	vadd.scan.msk.f32 $0xffff, v26;
	v26 =	vmul.f32 v32, v27;
	_ =	sdelay $0x1  }
0x441: {  	(xrf2) =	vadd.scan.msk.f32 $0xffff, v26;
	_ =	sdelay $0x3  }
0x442: {  	v26, _, _ =	vpop (xrf2)  }
0x443: {  	(v2sf) =	vpush v26, $0xF  }
0x444: {  	v26, _, _ =	vpop (xrf2)  }
0x445: {  	(v2sf) =	vpush v26, $0xF  }
0x446: {  	v26, _, _ =	vpop (xrf2)  }
0x447: {  	(v2sf) =	vpush v26, $0xF  }
0x448: {  	v26, _, _ =	vpop (xrf2)  }
0x449: {  	(v2sf) =	vpush v26, $0xF;
	_ =	sdelay $0x8  }
0x44a: {  	s3 =	spop (v2sf)  }
0x44b: {  	s0 =	sadd.f32 $0.0e+00, s3  }
0x44c: {  	s5 =	spop (v2sf)  }
0x44d: {  	s0 =	sadd.f32 s5, s0  }
0x44e: {  	s7 =	spop (v2sf)  }
0x44f: {  	s0 =	sadd.f32 s7, s0  }
0x450: {  	s30 =	spop (v2sf)  }
0x451: {  	s7 =	simm.s32 $0xFFFFFFFF;
	s3 =	sadd.f32 s30, s0  }
.LBB2_60:
0x452: {  	s7 =	sadd.s32 $0x1, s7  }
0x453: {  	p1 =	slt.s32 s7, $0x3F;
	s0 =	smov.u32 s7  }
0x454: {  	s0 =	simm.s32 @!p1 $0x3F  }
0x455: {  	v26 =	vmov s0  }
0x456: {  	v26 =	vand.u32 $0x7F, v26  }
0x457: {  	v26 =	vbroadcast v26, $0x0;
	_ =	sdelay $0x1  }
0x458: {  	v26 =	vor.u32 v24, v26;
	_ =	sdelay $0x4  }
0x459: {  	v27 =	vld.idx.msk [tilespmem:v26+s11+$0x0], $0xffff  }
0x45a: {  	v26 =	vld.idx.msk [tilespmem:v26+s12+$0x0], $0xffff;
	_ =	sdelay $0x3  }
0x45b: {  	(v2sf) =	vpush v27, $0x0  }
0x45c: {  	(v2sf) =	vpush v26, $0x0;
	_ =	sdelay $0xd  }
0x45d: {  	s30 =	spop (v2sf)  }
0x45e: {  	s5 =	spop (v2sf);
	p5 =	seq.f32 s30, s3  }
0x45f: {  	p2 =	slt.s32 s5, s8  }
0x460: {  	p3 =	sgt.f32 s30, s3;
	p1 =	por !p5, !p2  }
0x461: {  	p1 =	por !p1, !p1  }
0x462: {  	p6 =	sge.s32 s7, s10;
	p1 =	por p3, p1  }
0x463: {  	p1 =	por p6, !p1  }
.Ltmp58:
0x464: {  	_ = 	snop;
	(pc) =	sbr.rel @!p1 .LBB2_60-.Ltmp58, $1  }
0x465: {  	_ =	sdelay $0x3  }
0x466: {  	p1 =	sgt.u32 s7, $0x3F  }
.Ltmp59:
0x467: {  	_ = 	snop;
	(pc) =	sbr.rel @p1 .LBB2_67-.Ltmp59, $1  }
0x468: {  	_ =	sdelay $0x3  }
0x469: {  	p1 =	slt.s32 s10, $0x3F;
	s8 =	smov.u32 s10  }
0x46a: {  	s8 =	simm.s32 @!p1 $0x3F  }
0x46b: {  	p1 =	sle.s32 s8, s7  }
.Ltmp60:
0x46c: {  	_ = 	snop;
	(pc) =	sbr.rel @p1 .LBB2_66-.Ltmp60, $1  }
0x46d: {  	_ =	sdelay $0x3  }
0x46e: {  	s0 =	sadd.s32 $0xFFFFFFFF, s8  }
0x46f: {  	v26 =	vmov s0  }
0x470: {  	v27 =	vand.u32 $0xFFFFFF80, v26  }
0x471: {  	v26 =	vand.u32 $0x7F, v26;
	v27 =	vadd.s32 v24, v27  }
0x472: {  	v26 =	vor.u32 v26, v27;
	_ =	sdelay $0x3  }
0x473: {  	v27 =	vmov s8  }
0x474: {  	v29 =	vand.u32 $0xFFFFFF80, v27;
	v28 =	vld.idx.msk [tilespmem:v26+s11+$0x0], $0xffff  }
0x475: {  	v27 =	vand.u32 $0x7F, v27;
	v29 =	vadd.s32 v24, v29  }
0x476: {  	p1 =	sgt.u32 s0, s7;
	v27 =	vor.u32 v27, v29  }
.Ltmp61:
0x477: {  	_ = 	snop;
	(pc) =	sbr.rel @!p1 .LBB2_65-.Ltmp61, $3  }
0x478: {  	_ = 	snop  }
0x479: {  	v28 =	vbroadcast v28, $0x0;
	_ =	sdelay $0x1  }
0x47a: {  	[tilespmem:v27+s11+$0x0] =	vst.idx.msk $0x1, v28  }
.LBB2_64:
0x47b: {  	v28 =	vld.idx.msk [tilespmem:v26+s12+$0x0], $0xffff;
	s5 =	smov.u32 s0;
	s0 =	sadd.s32 $0xFFFFFFFF, s0  }
0x47c: {  	v26 =	vmov s0;
	p1 =	sgt.u32 s0, s7  }
0x47d: {  	v29 =	vand.u32 $0xFFFFFF80, v26  }
0x47e: {  	v26 =	vand.u32 $0x7F, v26;
	v29 =	vadd.s32 v24, v29  }
0x47f: {  	v26 =	vor.u32 v26, v29;
	_ =	sdelay $0x1  }
0x480: {  	v28 =	vbroadcast v28, $0x0;
	_ =	sdelay $0x1  }
0x481: {  	[tilespmem:v27+s12+$0x0] =	vst.idx.msk $0x1, v28  }
0x482: {  	v27 =	vmov s5;
	v28 =	vld.idx.msk [tilespmem:v26+s11+$0x0], $0xffff  }
0x483: {  	v29 =	vand.u32 $0xFFFFFF80, v27  }
0x484: {  	v27 =	vand.u32 $0x7F, v27;
	v29 =	vadd.s32 v24, v29  }
0x485: {  	v27 =	vor.u32 v27, v29  }
.Ltmp62:
0x486: {  	(pc) =	sbr.rel @p1 .LBB2_64-.Ltmp62, $3  }
0x487: {  	_ = 	snop  }
0x488: {  	v28 =	vbroadcast v28, $0x0;
	_ =	sdelay $0x1  }
0x489: {  	[tilespmem:v27+s11+$0x0] =	vst.idx.msk $0x1, v28  }
.Ltmp63:
0x48a: {  	_ = 	snop;
	(pc) =	sbr.rel .LBB2_65-.Ltmp63, $1  }
0x48b: {  	_ =	sdelay $0x3  }
.LBB2_52:
.Ltmp64:
0x48c: {  	(pc) =	sbr.rel .LBB2_82-.Ltmp64, $2  }
0x48d: {  	_ =	sdelay $0x2  }
0x48e: {  	_ = 	snop  }
.LBB2_77:
.Ltmp65:
0x48f: {  	(pc) =	sbr.rel .LBB2_82-.Ltmp65, $3  }
0x490: {  	_ =	sdelay $0x1  }
0x491: {  	s0 =	smov.u32 s10  }
0x492: {  	s10 =	smov.u32 s8;
	s23 =	simm.s32 $0xC000;
	s26 =	simm.s32 $0xE480  }
.LBB2_79:
.Ltmp66:
0x493: {  	(pc) =	sbr.rel .LBB2_82-.Ltmp66, $3  }
0x494: {  	_ =	sdelay $0x1  }
0x495: {  	s0 =	smov.u32 s8;
	s10 =	smov.u32 s26  }
0x496: {  	s25 =	rddreg [dreg:$0x5];
	s23 =	simm.s32 $0xC000;
	s26 =	simm.s32 $0xE480  }
.LBB2_72:
0x497: {  	v5 =	vmov s0  }
0x498: {  	v5 =	vand.u32 $0xFFFFFFFE, v5  }
0x499: {  	v5 =	vbroadcast v5, $0x0;
	_ =	sdelay $0x3  }
0x49a: {  	s20 =	simm.s32 $0x1  }
0x49b: {  	v6 =	vmov s20  }
0x49c: {  	v5 =	vld.idx.msk [tilespmem:v5+s22+$0x0], $0xffff;
	_ =	sdelay $0x1  }
0x49d: {  	v7 =	vld [tilespmem:s6+$0xFFFFFF80]  }
0x49e: {  	v9 =	vld [tilespmem:s4+$0xFFFFFF80]  }
0x49f: {  	v8 =	vld.idx.msk [tilespmem:v6+s22+$0x0], $0xffff  }
0x4a0: {  	v6 =	vbroadcast v5, $0x0;
	_ =	sdelay $0x1  }
0x4a1: {  	v10 =	vld [tilespmem:s6+$0x0];
	vm1 =	vgt.f32 v7, $-1.000000000e+08;
	vm0 =	vgt.s32 v6, v1  }
0x4a2: {  	s3 =	simm.s32 $0x2;
	vm0 =	vmand vm0, vm1  }
0x4a3: {  	v11 =	vld [tilespmem:s4+$0x0];
	v5 =	vbroadcast v8, $0x0;
	v8 =	vmov s3;
	v9 =	vnsel vm0, $0xFFFFFFFF, v9  }
0x4a4: {  	v12 =	vld [tilespmem:s4+$0x10];
	v8 =	vand.u32 $0xFFFFFFFE, v8;
	[tilespmem:s4+$0xFFFFFF80] =	vst v9  }
0x4a5: {  	v9 =	vbroadcast v8, $0x0;
	v13 =	vld [tilespmem:s6+$0xFFFFFF90]  }
0x4a6: {  	s29 =	simm.s32 $0x5;
	v19 =	vld [tilespmem:s4+$0xFFFFFFA0];
	vm7 =	vgt.f32 v10, $-1.000000000e+08;
	vm6 =	vgt.s32 v5, v1  }
0x4a7: {  	s9 =	simm.s32 $0x14680;
	v14 =	vmov s29;
	v10 =	vld [tilespmem:s4+$0xFFFFFF90];
	vm0 =	vmand vm6, vm7  }
0x4a8: {  	s8 =	simm.s32 $0x10680;
	v18 =	vld [tilespmem:s9+$0xFFFFFF80];
	v11 =	vnsel vm0, $0xFFFFFFFF, v11  }
0x4a9: {  	s24 =	simm.s32 $0x3;
	v16 =	vld [tilespmem:s8+$0x0];
	[tilespmem:s4+$0x0] =	vst v11  }
0x4aa: {  	v7 =	vmov s24;
	vm8 =	vgt.s32 v6, v2;
	v15 =	vld [tilespmem:s6+$0x10];
	vm9 =	vgt.f32 v13, $-1.000000000e+08  }
0x4ab: {  	v9 =	vld.idx.msk [tilespmem:v9+s22+$0x0], $0xffff;
	vm0 =	vmand vm8, vm9  }
0x4ac: {  	v11 =	vld.idx.msk [tilespmem:v14+s22+$0x0], $0xffff;
	v10 =	vnsel vm0, $0xFFFFFFFF, v10  }
0x4ad: {  	v13 =	vld [tilespmem:s8+$0xFFFFFF80];
	[tilespmem:s4+$0xFFFFFF90] =	vst v10  }
0x4ae: {  	v14 =	vld [tilespmem:s6+$0xFFFFFFA0]  }
0x4af: {  	v17 =	vld.idx.msk [tilespmem:v7+s22+$0x0], $0xffff  }
0x4b0: {  	v7 =	vld [tilespmem:s4+$0x30];
	vm10 =	vgt.s32 v5, v2;
	vm11 =	vgt.f32 v15, $-1.000000000e+08;
	v10 =	vbroadcast v9, $0x0  }
0x4b1: {  	vm14 =	vgt.s32 v6, v3;
	v8 =	vld [tilespmem:s4+$0x20];
	vm0 =	vmand vm10, vm11  }
0x4b2: {  	s30 =	simm.s32 $0x4;
	v15 =	vld [tilespmem:s9+$0x0];
	v9 =	vnsel vm0, $0xFFFFFFFF, v12;
	vm13 =	vgt.f32 v13, $-1.000000000e+08;
	vm12 =	vgt.s32 v10, v1  }
0x4b3: {  	v12 =	vld [tilespmem:s9+$0x10];
	v13 =	vmov s30;
	[tilespmem:s4+$0x10] =	vst v9;
	vm0 =	vmand vm12, vm13;
	vm2 =	vgt.f32 v14, $-1.000000000e+08  }
0x4b4: {  	v9 =	vbroadcast v17, $0x0;
	v20 =	vnsel vm0, $0xFFFFFFFF, v18;
	v14 =	vld [tilespmem:s6+$0x20];
	vm15 =	vmand vm14, vm2  }
0x4b5: {  	s7 =	simm.s32 $0x14680;
	s3 =	simm.s32 $0x6;
	v18 =	vand.u32 $0xFFFFFFFE, v13;
	v13 =	vld [tilespmem:s9+$0x20];
	[tilespmem:s9+$0xFFFFFF80] =	vst v20;
	v17 =	vnsel vm15, $0xFFFFFFFF, v19  }
.LBB2_73:
0x4b6: {  	p0 =	slt.u32 s3, $0x3E;
	v18 =	vbroadcast v18, $0x0;
	v19 =	vld [tilespmem:s8+$0xFFFFFF90];
	vm0 =	vgt.s32 v9, v1;
	vm1 =	vgt.f32 v16, $-1.000000000e+08;
	[tilespmem:s4+$0xFFFFFFA0] =	vst v17  }
0x4b7: {  	vm0 =	vmand vm0, vm1;
	v16 =	vld [tilespmem:s6+$0xFFFFFFB0]  }
0x4b8: {  	s0 =	sadd.s32 $0x1, s3;
	v17 =	vld [tilespmem:s9+$0xFFFFFF90];
	v15 =	vnsel vm0, $0xFFFFFFFF, v15  }
0x4b9: {  	v20 =	vmov s0;
	vm0 =	vgt.s32 v5, v3;
	[tilespmem:s9+$0x0] =	vst v15;
	v15 =	vld [tilespmem:s4+$0xFFFFFFB0];
	vm1 =	vgt.f32 v14, $-1.000000000e+08  }
0x4ba: {  	v14 =	vld [tilespmem:s8+$0x10];
	vm0 =	vmand vm0, vm1  }
0x4bb: {  	vm1 =	vgt.s32 v10, v2;
	vm2 =	vgt.f32 v19, $-1.000000000e+08;
	v19 =	vld [tilespmem:s9+$0x30];
	v21 =	vnsel vm0, $0xFFFFFFFF, v8;
	v8 =	vmovc v13  }
0x4bc: {  	v13 =	vld.idx.msk [tilespmem:v18+s22+$0x0], $0xffff;
	vm0 =	vmand vm1, vm2;
	vm1 =	vgt.s32 v6, v4;
	vm2 =	vgt.f32 v16, $-1.000000000e+08;
	[tilespmem:s4+$0x20] =	vst v21;
	v6 =	vmovc v10  }
0x4bd: {  	v10 =	vnsel vm0, $0xFFFFFFFF, v17;
	vm0 =	vmand vm1, vm2;
	v16 =	vld [tilespmem:s6+$0x30];
	s6 =	smov.u32 s8  }
0x4be: {  	s8 =	sadd.s32 $0x100, s8;
	v17 =	vld.idx.msk [tilespmem:v20+s22+$0x0], $0xffff;
	[tilespmem:s9+$0xFFFFFF90] =	vst v10;
	v10 =	vnsel vm0, $0xFFFFFFFF, v15  }
0x4bf: {  	vm0 =	vgt.s32 v9, v2;
	v15 =	vld [tilespmem:s8+$0xFFFFFF80];
	vm1 =	vgt.f32 v14, $-1.000000000e+08;
	[tilespmem:s4+$0xFFFFFFB0] =	vst v10  }
0x4c0: {  	s9 =	sadd.s32 $0x100, s9;
	v14 =	vld [tilespmem:s6+$0xFFFFFFA0];
	vm0 =	vmand vm0, vm1  }
0x4c1: {  	v18 =	vld [tilespmem:s9+$0xFFFFFF80];
	v12 =	vnsel vm0, $0xFFFFFFFF, v12  }
0x4c2: {  	v10 =	vbroadcast v13, $0x0;
	vm0 =	vgt.s32 v5, v4;
	v5 =	vmovc v9;
	v20 =	vld [tilespmem:s7+$0xFFFFFFA0];
	[tilespmem:s7+$0x10] =	vst v12;
	vm1 =	vgt.f32 v16, $-1.000000000e+08  }
.Ltmp67:
0x4c3: {  	v9 =	vbroadcast v11, $0x0;
	v16 =	vld [tilespmem:s8+$0x0];
	vm0 =	vmand vm0, vm1;
	(pc) =	sbr.rel @p0 .LBB2_73-.Ltmp67, $4  }
0x4c4: {  	vm1 =	vgt.s32 v10, v1;
	v11 =	vmovc v17;
	vm2 =	vgt.f32 v15, $-1.000000000e+08;
	v15 =	vld [tilespmem:s9+$0x0];
	v13 =	vnsel vm0, $0xFFFFFFFF, v7;
	v7 =	vmovc v19  }
0x4c5: {  	vm0 =	vmand vm1, vm2;
	v12 =	vld [tilespmem:s9+$0x10];
	vm1 =	vgt.s32 v6, v3;
	vm2 =	vgt.f32 v14, $-1.000000000e+08;
	[tilespmem:s4+$0x30] =	vst v13;
	s4 =	smov.u32 s7;
	s7 =	smov.u32 s9  }
0x4c6: {  	v13 =	vmov s3;
	v17 =	vnsel vm0, $0xFFFFFFFF, v18;
	vm0 =	vmand vm1, vm2;
	v14 =	vld [tilespmem:s6+$0x20]  }
0x4c7: {  	s3 =	sadd.s32 $0x2, s3;
	v18 =	vand.u32 $0xFFFFFFFE, v13;
	[tilespmem:s9+$0xFFFFFF80] =	vst v17;
	v13 =	vld [tilespmem:s9+$0x20];
	v17 =	vnsel vm0, $0xFFFFFFFF, v20  }
0x4c8: {  	v18 =	vbroadcast v18, $0x0;
	_ =	sdelay $0x5  }
0x4c9: {  	v18 =	vld.idx.msk [tilespmem:v18+s22+$0x0], $0xffff  }
0x4ca: {  	s10 =	sadd.s32 $0x100, s8  }
0x4cb: {  	v19 =	vld [tilespmem:s10+$0xFFFFFF80]  }
0x4cc: {  	s3 =	sadd.s32 $0x100, s9;
	vm0 =	vgt.s32 v9, v1;
	vm1 =	vgt.f32 v16, $-1.000000000e+08;
	v20 =	vld [tilespmem:s10+$0x0]  }
0x4cd: {  	v21 =	vld [tilespmem:s3+$0xFFFFFF80];
	vm0 =	vmand vm0, vm1  }
0x4ce: {  	v42 =	vld [tilespmem:s3+$0x0];
	v15 =	vnsel vm0, $0xFFFFFFFF, v15;
	v41 =	vbroadcast v18, $0x0  }
0x4cf: {  	v11 =	vbroadcast v11, $0x0;
	[tilespmem:s9+$0x0] =	vst v15  }
0x4d0: {  	v15 =	vld [tilespmem:s8+$0x10];
	vm13 =	vgt.f32 v19, $-1.000000000e+08;
	vm12 =	vgt.s32 v41, v1  }
0x4d1: {  	vm14 =	vgt.s32 v11, v1;
	vm2 =	vgt.f32 v20, $-1.000000000e+08;
	vm0 =	vmand vm12, vm13  }
0x4d2: {  	v43 =	vld [tilespmem:s8+$0xFFFFFF90];
	vm15 =	vmand vm14, vm2;
	v44 =	vnsel vm0, $0xFFFFFFFF, v21  }
0x4d3: {  	v45 =	vld [tilespmem:s9+$0xFFFFFF90];
	v18 =	vnsel vm15, $0xFFFFFFFF, v42;
	[tilespmem:s3+$0xFFFFFF80] =	vst v44  }
0x4d4: {  	[tilespmem:s3+$0x0] =	vst v18;
	v20 =	vld [tilespmem:s10+$0xFFFFFF90]  }
0x4d5: {  	vm6 =	vgt.s32 v9, v2;
	vm7 =	vgt.f32 v15, $-1.000000000e+08;
	v18 =	vld [tilespmem:s10+$0x10]  }
0x4d6: {  	v46 =	vld [tilespmem:s3+$0xFFFFFF90];
	vm8 =	vmand vm6, vm7  }
0x4d7: {  	vm4 =	vgt.s32 v10, v2;
	v47 =	vld [tilespmem:s3+$0x10];
	vm5 =	vgt.f32 v43, $-1.000000000e+08;
	v12 =	vnsel vm8, $0xFFFFFFFF, v12  }
0x4d8: {  	v49 =	vld [tilespmem:s9+$0x30];
	[tilespmem:s7+$0x10] =	vst v12;
	vm0 =	vmand vm4, vm5  }
0x4d9: {  	[tilespmem:s4+$0xFFFFFFA0] =	vst v17;
	vm10 =	vgt.s32 v41, v2;
	v52 =	vld [tilespmem:s8+$0x20];
	v48 =	vnsel vm0, $0xFFFFFFFF, v45;
	vm9 =	vgt.f32 v20, $-1.000000000e+08  }
0x4da: {  	v50 =	vld [tilespmem:s6+$0xFFFFFFB0];
	vm11 =	vgt.s32 v11, v2;
	[tilespmem:s9+$0xFFFFFF90] =	vst v48;
	vm12 =	vgt.f32 v18, $-1.000000000e+08;
	vm0 =	vmand vm10, vm9  }
0x4db: {  	v51 =	vld [tilespmem:s8+$0xFFFFFFA0];
	vm13 =	vmand vm11, vm12;
	v19 =	vnsel vm0, $0xFFFFFFFF, v46  }
0x4dc: {  	v53 =	vld [tilespmem:s7+$0xFFFFFFA0];
	v15 =	vnsel vm13, $0xFFFFFFFF, v47;
	[tilespmem:s3+$0xFFFFFF90] =	vst v19  }
0x4dd: {  	[tilespmem:s3+$0x10] =	vst v15;
	v54 =	vld [tilespmem:s10+$0xFFFFFFA0]  }
0x4de: {  	vm14 =	vgt.s32 v5, v3;
	vm6 =	vgt.s32 v9, v3;
	vm7 =	vgt.f32 v52, $-1.000000000e+08;
	v15 =	vld [tilespmem:s10+$0x20]  }
0x4df: {  	v55 =	vld [tilespmem:s3+$0xFFFFFFA0];
	vm15 =	vgt.f32 v14, $-1.000000000e+08;
	vm4 =	vgt.s32 v10, v3;
	vm8 =	vmand vm6, vm7  }
0x4e0: {  	v56 =	vld [tilespmem:s3+$0x20];
	v13 =	vnsel vm8, $0xFFFFFFFF, v13;
	vm5 =	vgt.f32 v51, $-1.000000000e+08;
	vm0 =	vmand vm14, vm15  }
0x4e1: {  	v58 =	vld [tilespmem:s4+$0xFFFFFFB0];
	[tilespmem:s7+$0x20] =	vst v13;
	v8 =	vnsel vm0, $0xFFFFFFFF, v8;
	vm0 =	vmand vm4, vm5  }
0x4e2: {  	v60 =	vld [tilespmem:s8+$0x30];
	vm10 =	vgt.s32 v41, v3;
	[tilespmem:s4+$0x20] =	vst v8;
	v19 =	vnsel vm0, $0xFFFFFFFF, v53;
	vm9 =	vgt.f32 v54, $-1.000000000e+08  }
0x4e3: {  	vm11 =	vgt.s32 v11, v3;
	v57 =	vld [tilespmem:s6+$0x30];
	[tilespmem:s7+$0xFFFFFFA0] =	vst v19;
	vm12 =	vgt.f32 v15, $-1.000000000e+08;
	vm0 =	vmand vm10, vm9  }
0x4e4: {  	v59 =	vld [tilespmem:s8+$0xFFFFFFB0];
	vm13 =	vmand vm11, vm12;
	v12 =	vnsel vm0, $0xFFFFFFFF, v55  }
0x4e5: {  	vm14 =	vgt.s32 v6, v4;
	vm15 =	vgt.f32 v50, $-1.000000000e+08;
	v6 =	vld [tilespmem:s7+$0xFFFFFFB0];
	v8 =	vnsel vm13, $0xFFFFFFFF, v56;
	[tilespmem:s3+$0xFFFFFFA0] =	vst v12  }
0x4e6: {  	vm4 =	vmand vm14, vm15;
	[tilespmem:s3+$0x20] =	vst v8;
	v12 =	vld [tilespmem:s10+$0xFFFFFFB0]  }
0x4e7: {  	vm7 =	vgt.s32 v10, v4;
	vm5 =	vgt.s32 v5, v4;
	v61 =	vnsel vm4, $0xFFFFFFFF, v58;
	v5 =	vld [tilespmem:s10+$0x30]  }
0x4e8: {  	v62 =	vld [tilespmem:s3+$0xFFFFFFB0];
	vm3 =	vgt.f32 v60, $-1.000000000e+08;
	vm11 =	vgt.s32 v41, v4;
	vm6 =	vgt.f32 v57, $-1.000000000e+08  }
0x4e9: {  	v63 =	vld [tilespmem:s3+$0x30];
	vm13 =	vgt.s32 v11, v4;
	vm0 =	vmand vm5, vm6;
	vm8 =	vgt.f32 v59, $-1.000000000e+08  }
0x4ea: {  	[tilespmem:s4+$0xFFFFFFB0] =	vst v61;
	vm9 =	vgt.s32 v9, v4;
	vm1 =	vmand vm7, vm8;
	v7 =	vnsel vm0, $0xFFFFFFFF, v7  }
0x4eb: {  	vm10 =	vmand vm9, vm3;
	v6 =	vnsel vm1, $0xFFFFFFFF, v6;
	[tilespmem:s4+$0x30] =	vst v7;
	vm12 =	vgt.f32 v12, $-1.000000000e+08  }
0x4ec: {  	v7 =	vnsel vm10, $0xFFFFFFFF, v49;
	[tilespmem:s7+$0xFFFFFFB0] =	vst v6;
	vm14 =	vgt.f32 v5, $-1.000000000e+08;
	vm0 =	vmand vm11, vm12  }
0x4ed: {  	[tilespmem:s7+$0x30] =	vst v7;
	vm15 =	vmand vm13, vm14;
	v5 =	vnsel vm0, $0xFFFFFFFF, v62  }
0x4ee: {  	[tilespmem:s3+$0xFFFFFFB0] =	vst v5;
	v5 =	vnsel vm15, $0xFFFFFFFF, v63  }
0x4ef: {  	[tilespmem:s3+$0x30] =	vst v5  }
0x4f0: {  	s24 =	simm.s32 $0x3;
	s0 =	rddreg [dreg:$0x12]  }
0x4f1: {  	[hbm4b:s0+s2] =	stream.linear.scatter [tilespmem:s12], [sflag:$0x3], $0x2000, $0x38;
	[tilespmem:$0x16580] =	vst v63  }
0x4f2: {  	_ =	swait.ge [sflag:s24], $0x2000  }
0x4f3: {  	[sflag:s24] =	ssyncset.done $0x0  }
0x4f4: {  	[sflag:s24] =	ssyncadd.s32 $0xFFFFE000  }
0x4f5: {  	_ =	swait.ge [sflag:s24], $0x2000  }
0x4f6: {  	s29 =	rddreg [dreg:$0x14]  }
0x4f7: {  	s30 =	rddreg [dreg:$0x13];
	s4 =	sadd.s32 $0x1, s29  }
0x4f8: {  	p0 =	sne.s32 s4, s30  }
.Ltmp68:
0x4f9: {  	_ = 	snop;
	(pc) =	sbr.rel @p0 .LBB2_1-.Ltmp68, $3  }
0x4fa: {  	_ =	sdelay $0x1  }
0x4fb: {  	[sflag:s24] =	ssyncset.done $0x0  }
0x4fc: {  	[sflag:s24] =	ssyncadd.s32 $0xFFFFE000  }
0x4fd: {  	_ =	sfence.sel $0x180000  }
0x4fe: {  	[bflag:$0x0] =	sbarrier.arrive $0xFFFF  }
0x4ff: {  	_ =	strace $0x90000047  }
0x500: {  	s0 =	stileid.u32;
	[bflag:$0x2] =	sbarrier.arrive $0xFFFF  }
0x501: {  	p0 =	sne.s32 s0, $0x0;
	s0 =	rddreg [dreg:$0x2]  }
0x502: {  	s0 =	sadd.s32 @!p0 $0x100000, s0  }
0x503: {  	[sflag:s0] =	ssyncadd.tile.s32 @!p0 $0x1;
	_ =	shalt  }
.Lfunc_end2:
_tile_overlayer_lowered:
.L_overlay_start_2:
0x504: {  	(tag) =	ssettag $0x2  }
0x505: {  	s0 =	rddreg [dreg:$0x0];
	s2 =	stileid.u32  }
0x506: {  	s1 =	rddreg [dreg:$0x1];
	p0 =	sne.s32 s2, $0x0  }
0x507: {  	s3 =	rddreg [dreg:$0x2];
	[bflag:$0x3] =	sbarrier.arrive $0xFFFF;
	s2 =	simm.s32 @!p0 $0x1C04  }
0x508: {  	[timem:s3], [sflag:s2] =	dma.local @!p0 [hbm:s0], s1  }
0x509: {  	s0 =	simm.s32 @!p0 $0x4  }
0x50a: {  	_ =	swait.ge @!p0 [sflag:s0], s1  }
0x50b: {  	s1 =	ssub.s32 @!p0 $0x0, s1;
	[sflag:s0] =	ssyncset.done @!p0 $0x0  }
0x50c: {  	[sflag:s0] =	ssyncadd.s32 @!p0 s1  }
0x50d: {  	[bflag:$0x3] =	sbarrier.arrive $0xFFFF  }
0x50e: {  	_ =	shalt  }

</sc_bundles>
